<compile_context>
chip_gen: v7x
topology: tpu7x:2x2x1
jax: 0.10.2.dev20260603
libtpu: 0.0.44.dev20260713+nightly
codegen_flags: <defaults>
</compile_context>

<pallas_src>
import functools

import jax
import jax.numpy as jnp
from jax import lax
from jax.experimental import pallas as pl
from jax.experimental.pallas import tpu as pltpu
from jax.experimental.pallas import tpu_sc as plsc

N = 100000
E = 3200000
NP = 102400
ZCH = 4000
C = 6400
CHUNKS = E // C
NC, NS = 2, 16
NW = NC * NS
WCH0 = CHUNKS // NW
REMW = CHUNKS - WCH0 * NW
WCH_MAX = WCH0 + 1
D = 32
TMASK = 15
WMASK = -16
SROWS = 10
STOT = SROWS * NP
SZ = STOT // NS
PZ = NP // NS

_mesh = plsc.VectorSubcoreMesh(
    core_axis_name="c", subcore_axis_name="s", num_cores=NC, num_subcores=NS)
_sc_params = pltpu.CompilerParams(needs_layout_passes=False)


def _fill(ref, n, val, dtype):
    @plsc.parallel_loop(0, n, step=16, unroll=4)
    def _(i):
        ref[pl.ds(i, 16)] = jnp.full((16,), val, dtype)


def _worker_ids():
    c = lax.axis_index("c")
    s = lax.axis_index("s")
    w = s * NC + c
    base = w * WCH0 + jnp.minimum(w, REMW)
    has_extra = w < REMW
    return c, s, base, has_extra


@functools.partial(
    pl.kernel,
    out_type=jax.ShapeDtypeStruct((NC, NP), jnp.float32),
    mesh=_mesh,
    compiler_params=_sc_params,
    scratch_types=[
        pltpu.VMEM_SHARED((NP,), jnp.float32),
        pltpu.VMEM((C,), jnp.int32),
        pltpu.VMEM((C,), jnp.int32),
        pltpu.VMEM((C,), jnp.int32),
        pltpu.VMEM((C,), jnp.float32),
        pltpu.VMEM((PZ,), jnp.float32),
        pltpu.SemaphoreType.DMA,
        pltpu.SemaphoreType.DMA,
        pltpu.SemaphoreType.DMA,
        pltpu.SemaphoreType.DMA,
        pltpu.SemaphoreType.DMA,
        pltpu.SemaphoreType.DMA,
    ],
)
def _deg_kernel(e_hbm, out_hbm, deg_sp, d0, d1, d2, ones_v, zbuf,
                si0, si1, si2, ss0, ss1, ss2):
    c, s, base, has_extra = _worker_ids()
    dst = [d0, d1, d2]
    sin = [si0, si1, si2]
    ssc = [ss0, ss1, ss2]
    _fill(ones_v, C, 1.0, jnp.float32)
    _fill(zbuf, PZ, 0.0, jnp.float32)
    pltpu.sync_copy(zbuf, deg_sp.at[pl.ds(s * PZ, PZ)])
    plsc.subcore_barrier()

    def start_in(i):
        pltpu.async_copy(
            e_hbm.at[1, pl.ds((base + i) * C, C)], dst[i % 3], sin[i % 3])

    def wait_in(b):
        pltpu.make_async_copy(
            e_hbm.at[1, pl.ds(0, C)], dst[b], sin[b]).wait()

    def start_sc(b):
        pltpu.async_copy(ones_v, deg_sp.at[dst[b]], ssc[b], add=True)

    def wait_sc(b):
        pltpu.make_async_copy(ones_v, deg_sp.at[dst[b]], ssc[b]).wait()

    start_in(0)
    start_in(1)
    for i in range(WCH_MAX):
        b = i % 3
        k = i + 2
        if k < WCH_MAX:
            def prefetch(kk=k):
                if kk >= 3:
                    wait_sc(kk % 3)
                start_in(kk)
            if k == WCH_MAX - 1:
                pl.when(has_extra)(prefetch)
            else:
                prefetch()

        def body(bb=b):
            wait_in(bb)
            start_sc(bb)
        if i == WCH_MAX - 1:
            pl.when(has_extra)(body)
        else:
            body()
    for b in range(3):
        wait_sc(b)
    plsc.subcore_barrier()
    pltpu.sync_copy(deg_sp.at[pl.ds(s * PZ, PZ)], out_hbm.at[c, pl.ds(s * PZ, PZ)])


def _pack_body(deg2_ref, types_ref, out_ref):
    deg = deg2_ref[0:1, :] + deg2_ref[1:2, :]
    isd = lax.rsqrt(jnp.maximum(deg, 1.0))
    bits = lax.bitcast_convert_type(isd, jnp.int32)
    out_ref[...] = lax.bitcast_convert_type(
        (bits & WMASK) | types_ref[...], jnp.float32)


@functools.partial(
    pl.kernel,
    out_type=jax.ShapeDtypeStruct((NC, STOT), jnp.float32),
    mesh=_mesh,
    compiler_params=_sc_params,
    scratch_types=[
        pltpu.VMEM_SHARED((STOT,), jnp.float32),
        pltpu.VMEM_SHARED((NP,), jnp.float32),
        pltpu.VMEM((C,), jnp.int32),
        pltpu.VMEM((C,), jnp.int32),
        pltpu.VMEM((C,), jnp.int32),
        pltpu.VMEM((C,), jnp.int32),
        pltpu.VMEM((C,), jnp.int32),
        pltpu.VMEM((C,), jnp.int32),
        pltpu.VMEM((C,), jnp.float32),
        pltpu.VMEM((C,), jnp.float32),
        pltpu.VMEM((ZCH,), jnp.float32),
        pltpu.SemaphoreType.DMA,
        pltpu.SemaphoreType.DMA,
        pltpu.SemaphoreType.DMA,
        pltpu.SemaphoreType.DMA,
        pltpu.SemaphoreType.DMA,
        pltpu.SemaphoreType.DMA,
    ],
)
def _scatter_kernel(e_hbm, packed_hbm, out_hbm, s_sp, packed_sp,
                    sb0, sb1, db0, db1, bb0, bb1, pb0, pb1, zbuf,
                    qs0, qs1, qd0, qd1, qc0, qc1):
    c, s, base, has_extra = _worker_ids()
    src = [sb0, sb1]
    dst = [db0, db1]
    binb = [bb0, bb1]
    pb = [pb0, pb1]
    qsrc = [qs0, qs1]
    qdst = [qd0, qd1]
    qsc = [qc0, qc1]
    pltpu.sync_copy(packed_hbm.at[pl.ds(s * PZ, PZ)],
                    packed_sp.at[pl.ds(s * PZ, PZ)])
    _fill(zbuf, ZCH, 0.0, jnp.float32)
    for k in range(SZ // ZCH):
        pltpu.sync_copy(zbuf, s_sp.at[pl.ds(s * SZ + k * ZCH, ZCH)])
    plsc.subcore_barrier()

    def start_in(i):
        b = i % 2
        e0 = (base + i) * C
        pltpu.async_copy(e_hbm.at[0, pl.ds(e0, C)], src[b], qsrc[b])
        pltpu.async_copy(e_hbm.at[1, pl.ds(e0, C)], dst[b], qdst[b])

    def wait_in(b):
        pltpu.make_async_copy(e_hbm.at[0, pl.ds(0, C)], src[b], qsrc[b]).wait()
        pltpu.make_async_copy(e_hbm.at[1, pl.ds(0, C)], dst[b], qdst[b]).wait()

    def start_sc(b):
        pltpu.async_copy(pb[b], s_sp.at[binb[b]], qsc[b], add=True)

    def wait_sc(b):
        pltpu.make_async_copy(pb[b], s_sp.at[binb[b]], qsc[b]).wait()

    start_in(0)
    start_in(1)
    for i in range(WCH_MAX):
        b = i % 2

        def body(bb=b, ii=i):
            wait_in(bb)
            if ii >= 2:
                wait_sc(bb)
            pltpu.sync_copy(packed_sp.at[src[bb]], pb[bb])

            @plsc.parallel_loop(0, C, step=16, unroll=8)
            def _(j):
                sl = pl.ds(j, 16)
                pi = plsc.bitcast(pb[bb][sl], jnp.int32)
                dv = dst[bb][sl]
                binb[bb][sl] = (pi & TMASK) * NP + dv
                pb[bb][sl] = plsc.bitcast(pi & WMASK, jnp.float32)

            kk = ii + 2
            if kk < WCH_MAX:
                def prefetch():
                    start_in(kk)
                if kk == WCH_MAX - 1:
                    pl.when(has_extra)(prefetch)
                else:
                    prefetch()
            start_sc(bb)
        if i == WCH_MAX - 1:
            pl.when(has_extra)(body)
        else:
            body()
    for b in range(2):
        wait_sc(b)
    plsc.subcore_barrier()
    pltpu.sync_copy(s_sp.at[pl.ds(s * SZ, SZ)],
                    out_hbm.at[c, pl.ds(s * SZ, SZ)])


BLK = 12800


def _final_body(s2_ref, deg2_ref, embT_ref, WT_ref, bT_ref, out_ref):
    i = pl.program_id(0)

    @pl.when(i == 0)
    def _():
        out_ref[...] = jnp.zeros_like(out_ref)

    sblk = s2_ref[0] + s2_ref[1]
    emb_hT = jnp.dot(WT_ref[...], embT_ref[...],
                     preferred_element_type=jnp.float32,
                     precision=lax.Precision.HIGHEST) + bT_ref[...]
    rt = jnp.dot(emb_hT, sblk, preferred_element_type=jnp.float32,
                 precision=lax.Precision.HIGHEST)
    deg = deg2_ref[0:1, :] + deg2_ref[1:2, :]
    isd = lax.rsqrt(jnp.maximum(deg, 1.0))
    contrib = jnp.maximum(rt, 0.0) * isd
    out_ref[...] += jnp.sum(contrib, axis=1).reshape(1, D)

    @pl.when(i == NP // BLK - 1)
    def _():
        out_ref[...] = out_ref[...] * (1.0 / N)


def kernel(node_types, edge_index, emb_table, W, b):
    ei = edge_index.astype(jnp.int32)
    nt = node_types.astype(jnp.int32)
    nt_pad = jnp.concatenate(
        [nt, jnp.zeros((NP - N,), jnp.int32)]).reshape(1, NP)

    deg2 = _deg_kernel(ei)

    packed = pl.pallas_call(
        _pack_body,
        out_shape=jax.ShapeDtypeStruct((1, NP), jnp.float32),
    )(deg2, nt_pad)

    s2 = _scatter_kernel(ei, packed.reshape(NP))
    s2 = s2.reshape(NC, SROWS, NP)

    embT = emb_table.astype(jnp.float32).T
    WT = W.astype(jnp.float32).T
    bT = b.astype(jnp.float32).reshape(D, 1)

    out = pl.pallas_call(
        _final_body,
        grid=(NP // BLK,),
        in_specs=[
            pl.BlockSpec((NC, SROWS, BLK), lambda i: (0, 0, i)),
            pl.BlockSpec((NC, BLK), lambda i: (0, i)),
            pl.BlockSpec((16, SROWS), lambda i: (0, 0)),
            pl.BlockSpec((D, 16), lambda i: (0, 0)),
            pl.BlockSpec((D, 1), lambda i: (0, 0)),
        ],
        out_specs=pl.BlockSpec((1, D), lambda i: (0, 0)),
        out_shape=jax.ShapeDtypeStruct((1, D), jnp.float32),
    )(s2, deg2, embT, WT, bT)
    return out

# --- scband reference (transcript-rebuilt; emitter-appended) ---
"""Pipeline reference for scband-gnnencoder-56573309223083 (READ-ONLY COPY).

The authoritative reference and input builder live on the scoring server;
editing this copy changes nothing except your own understanding.
"""

import jax, jax.numpy as jnp
import numpy as np

N_NODES = 100000
N_EDGES = 3200000
NUM_NODE_FEATURES = 16
EMBEDDING_DIM = 32
TYPE_VOCAB = 10


def setup_inputs(seed: int = 0) -> dict:
    key = jax.random.key(seed)
    k1, k2, k3, k4, k5 = jax.random.split(key, 5)
    node_types = jax.random.randint(k1, (N_NODES,), 0, TYPE_VOCAB)
    edge_index = jax.random.randint(k2, (2, N_EDGES), 0, N_NODES)
    # learned params: node-type embedding table, GCNConv dense kernel + bias
    emb_table = jax.random.normal(k3, (TYPE_VOCAB, NUM_NODE_FEATURES), dtype=jnp.float32) * 0.05
    W = jax.random.normal(k4, (NUM_NODE_FEATURES, EMBEDDING_DIM), dtype=jnp.float32) * 0.1
    b = jnp.zeros((EMBEDDING_DIM,), dtype=jnp.float32)
    return {"node_types": node_types, "edge_index": edge_index, "emb_table": emb_table, "W": W, "b": b}


def reference(node_types, edge_index, emb_table, W, b):
    n_nodes = node_types.shape[0]
    # Embedding lookup for node type features
    x = jnp.take(emb_table, node_types, axis=0)  # (N, F)
    # GCNConv: linear transform then degree-normalized aggregation (symmetric norm, no self loops)
    h = x @ W + b  # (N, D)
    src = edge_index[0]
    dst = edge_index[1]
    ones = jnp.ones((edge_index.shape[1],), dtype=jnp.float32)
    deg = jax.ops.segment_sum(ones, dst, num_segments=n_nodes)  # receiver degree
    inv_sqrt_deg = jax.lax.rsqrt(jnp.maximum(deg, 1.0))
    coeff = inv_sqrt_deg[src] * inv_sqrt_deg[dst]  # (E,)
    msg = jnp.take(h, src, axis=0) * coeff[:, None]  # gather + scale
    agg = jax.ops.segment_sum(msg, dst, num_segments=n_nodes)  # scatter-add
    agg = jax.nn.relu(agg)
    # Pool to CONTEXT with 'mean' over all nodes -> single graph embedding
    embedding = jnp.mean(agg, axis=0, keepdims=True)  # (1, D)
    return embedding

if __name__ == "__main__":
    import jax
    _d = setup_inputs()
    print(jax.jit(kernel)(*tuple(_d.values())))

</pallas_src>

<mosaic_0001>
#map = affine_map<(d0, d1) -> (0, 0)>
module attributes {stable_mosaic.version = 14 : i64} {
  func.func @_deg_kernel(%arg0: i32, %arg1: i32, %arg2: memref<2x3200000xi32, #tpu.memory_space<hbm>>, %arg3: memref<2x102400xf32, #tpu.memory_space<hbm>>, %arg4: memref<102400xf32, #tpu.memory_space<vmem_shared>>, %arg5: memref<6400xi32, #tpu.memory_space<vmem>>, %arg6: memref<6400xi32, #tpu.memory_space<vmem>>, %arg7: memref<6400xi32, #tpu.memory_space<vmem>>, %arg8: memref<6400xf32, #tpu.memory_space<vmem>>, %arg9: memref<6400xf32, #tpu.memory_space<vmem>>, %arg10: memref<!tpu.dma_semaphore, #tpu.memory_space<semaphore_mem>>, %arg11: memref<!tpu.dma_semaphore, #tpu.memory_space<semaphore_mem>>, %arg12: memref<!tpu.dma_semaphore, #tpu.memory_space<semaphore_mem>>, %arg13: memref<!tpu.dma_semaphore, #tpu.memory_space<semaphore_mem>>, %arg14: memref<!tpu.dma_semaphore, #tpu.memory_space<semaphore_mem>>, %arg15: memref<!tpu.dma_semaphore, #tpu.memory_space<semaphore_mem>>) attributes {dimension_semantics = [#tpu.dimension_semantics<core_parallel>, #tpu.dimension_semantics<subcore_parallel>], iteration_bounds = array<i64: 2, 16>, scalar_prefetch = 0 : i64, scratch_operands = 12 : i64, tpu.core_type = #tpu.core_type<sc_vector_subcore>, window_params = [{transform_indices = #map}, {transform_indices = #map}]} {
    %mul3A = arith.constant 2 : i32
    %mul3A_0 = arith.muli %arg1, %mul3A : i32
    %add3A = arith.addi %mul3A_0, %arg0 : i32
    %mul3A_1 = arith.constant 15 : i32
    %mul3A_2 = arith.muli %add3A, %mul3A_1 : i32
    %min3A = arith.constant 20 : i32
    %min3A_3 = arith.minsi %add3A, %min3A : i32
    %add3A_4 = arith.addi %mul3A_2, %min3A_3 : i32
    %lt3A = arith.constant 20 : i32
    %lt3A_5 = arith.cmpi slt, %add3A, %lt3A : i32
    %parallel_loop3A = arith.constant 0 : i32
    %parallel_loop3A_6 = arith.constant 6400 : i32
    %parallel_loop3A_7 = arith.constant 16 : i32
    scf.for %parallel_loop3A_320 = %parallel_loop3A to %parallel_loop3A_6 step %parallel_loop3A_7  : i32 {
      %parallel_loop3A_321 = arith.constant 1.000000e+00 : f32
      %parallel_loop3A_322 = vector.broadcast %parallel_loop3A_321 : f32 to vector<16xf32>
      %parallel_loop3A_323 = arith.index_cast %parallel_loop3A_320 : i32 to index
      %parallel_loop3A_324 = tpu.vector_load %arg8[%parallel_loop3A_323] {strides = array<i32>} : memref<6400xf32, #tpu.memory_space<vmem>>, vector<16xf32>,
      tpu.vector_store %arg8[%parallel_loop3A_323], %parallel_loop3A_322 {strides = array<i32>} : memref<6400xf32, #tpu.memory_space<vmem>>, vector<16xf32>,
    } {sc.loop_unroll_factor = 4 : i64, sc.parallel_access}
    %parallel_loop3A_8 = arith.constant 0 : i32
    %parallel_loop3A_9 = arith.constant 6400 : i32
    %parallel_loop3A_10 = arith.constant 16 : i32
    scf.for %parallel_loop3A_320 = %parallel_loop3A_8 to %parallel_loop3A_9 step %parallel_loop3A_10  : i32 {
      %parallel_loop3A_321 = arith.constant 0.000000e+00 : f32
      %parallel_loop3A_322 = vector.broadcast %parallel_loop3A_321 : f32 to vector<16xf32>
      %parallel_loop3A_323 = arith.index_cast %parallel_loop3A_320 : i32 to index
      %parallel_loop3A_324 = tpu.vector_load %arg9[%parallel_loop3A_323] {strides = array<i32>} : memref<6400xf32, #tpu.memory_space<vmem>>, vector<16xf32>,
      tpu.vector_store %arg9[%parallel_loop3A_323], %parallel_loop3A_322 {strides = array<i32>} : memref<6400xf32, #tpu.memory_space<vmem>>, vector<16xf32>,
    } {sc.loop_unroll_factor = 4 : i64, sc.parallel_access}
    %mul3A_11 = arith.constant 6400 : i32
    %mul3A_12 = arith.muli %arg1, %mul3A_11 : i32
    "tpu.region"() ({
      %run_scoped3A = tpu.sem_alloc : memref<!tpu.dma_semaphore, #tpu.memory_space<semaphore_mem>>
      %dma_start3A_320 = tpu.memref_slice %arg4[%mul3A_12] : memref<102400xf32, #tpu.memory_space<vmem_shared>> -> memref<6400xf32, #tpu.memory_space<vmem_shared>>
      %dma_start3A_321 = tpu.memref_slice %arg4[%mul3A_12] : memref<102400xf32, #tpu.memory_space<vmem_shared>> -> memref<6400xf32, #tpu.memory_space<vmem_shared>>
      tpu.enqueue_dma source(%arg9 : memref<6400xf32, #tpu.memory_space<vmem>>) target(%dma_start3A_321 : memref<6400xf32, #tpu.memory_space<vmem_shared>>) target_semaphore(%run_scoped3A : memref<!tpu.dma_semaphore, #tpu.memory_space<semaphore_mem>>)
      %dma_wait3A_322 = tpu.memref_slice %arg4[%mul3A_12] : memref<102400xf32, #tpu.memory_space<vmem_shared>> -> memref<6400xf32, #tpu.memory_space<vmem_shared>>
      %dma_wait3A_323 = tpu.memref_slice %arg4[%mul3A_12] : memref<102400xf32, #tpu.memory_space<vmem_shared>> -> memref<6400xf32, #tpu.memory_space<vmem_shared>>
      tpu.wait_dma2 semaphore(%run_scoped3A : memref<!tpu.dma_semaphore, #tpu.memory_space<semaphore_mem>>) src(%arg9 : memref<6400xf32, #tpu.memory_space<vmem>>) dst(%dma_wait3A_323 : memref<6400xf32, #tpu.memory_space<vmem_shared>>)
      tpu.yield
    }) : () -> ()
    %barrier3A = arith.constant 0 : index
    tpu.barrier barrier_id(%barrier3A)
    %add3A_13 = arith.constant 0 : i32
    %add3A_14 = arith.addi %add3A_4, %add3A_13 : i32
    %mul3A_15 = arith.constant 6400 : i32
    %mul3A_16 = arith.muli %add3A_14, %mul3A_15 : i32
    %dma_start3A = arith.constant 1 : i32
    %dma_start3A_17 = tpu.memref_slice %arg2[%dma_start3A, %mul3A_16] : memref<2x3200000xi32, #tpu.memory_space<hbm>> -> memref<1x6400xi32, #tpu.memory_space<hbm>>
    %dma_start3A_18 = tpu.memref_squeeze %dma_start3A_17 : memref<1x6400xi32, #tpu.memory_space<hbm>> -> memref<6400xi32, #tpu.memory_space<hbm>>
    %dma_start3A_19 = tpu.memref_slice %arg2[%dma_start3A, %mul3A_16] : memref<2x3200000xi32, #tpu.memory_space<hbm>> -> memref<1x6400xi32, #tpu.memory_space<hbm>>
    %dma_start3A_20 = tpu.memref_squeeze %dma_start3A_19 : memref<1x6400xi32, #tpu.memory_space<hbm>> -> memref<6400xi32, #tpu.memory_space<hbm>>
    tpu.enqueue_dma source(%dma_start3A_20 : memref<6400xi32, #tpu.memory_space<hbm>>) target(%arg5 : memref<6400xi32, #tpu.memory_space<vmem>>) target_semaphore(%arg10 : memref<!tpu.dma_semaphore, #tpu.memory_space<semaphore_mem>>)
    %add3A_21 = arith.constant 1 : i32
    %add3A_22 = arith.addi %add3A_4, %add3A_21 : i32
    %mul3A_23 = arith.constant 6400 : i32
    %mul3A_24 = arith.muli %add3A_22, %mul3A_23 : i32
    %dma_start3A_25 = arith.constant 1 : i32
    %dma_start3A_26 = tpu.memref_slice %arg2[%dma_start3A_25, %mul3A_24] : memref<2x3200000xi32, #tpu.memory_space<hbm>> -> memref<1x6400xi32, #tpu.memory_space<hbm>>
    %dma_start3A_27 = tpu.memref_squeeze %dma_start3A_26 : memref<1x6400xi32, #tpu.memory_space<hbm>> -> memref<6400xi32, #tpu.memory_space<hbm>>
    %dma_start3A_28 = tpu.memref_slice %arg2[%dma_start3A_25, %mul3A_24] : memref<2x3200000xi32, #tpu.memory_space<hbm>> -> memref<1x6400xi32, #tpu.memory_space<hbm>>
    %dma_start3A_29 = tpu.memref_squeeze %dma_start3A_28 : memref<1x6400xi32, #tpu.memory_space<hbm>> -> memref<6400xi32, #tpu.memory_space<hbm>>
    tpu.enqueue_dma source(%dma_start3A_29 : memref<6400xi32, #tpu.memory_space<hbm>>) target(%arg6 : memref<6400xi32, #tpu.memory_space<vmem>>) target_semaphore(%arg11 : memref<!tpu.dma_semaphore, #tpu.memory_space<semaphore_mem>>)
    %add3A_30 = arith.constant 2 : i32
    %add3A_31 = arith.addi %add3A_4, %add3A_30 : i32
    %mul3A_32 = arith.constant 6400 : i32
    %mul3A_33 = arith.muli %add3A_31, %mul3A_32 : i32
    %dma_start3A_34 = arith.constant 1 : i32
    %dma_start3A_35 = tpu.memref_slice %arg2[%dma_start3A_34, %mul3A_33] : memref<2x3200000xi32, #tpu.memory_space<hbm>> -> memref<1x6400xi32, #tpu.memory_space<hbm>>
    %dma_start3A_36 = tpu.memref_squeeze %dma_start3A_35 : memref<1x6400xi32, #tpu.memory_space<hbm>> -> memref<6400xi32, #tpu.memory_space<hbm>>
    %dma_start3A_37 = tpu.memref_slice %arg2[%dma_start3A_34, %mul3A_33] : memref<2x3200000xi32, #tpu.memory_space<hbm>> -> memref<1x6400xi32, #tpu.memory_space<hbm>>
    %dma_start3A_38 = tpu.memref_squeeze %dma_start3A_37 : memref<1x6400xi32, #tpu.memory_space<hbm>> -> memref<6400xi32, #tpu.memory_space<hbm>>
    tpu.enqueue_dma source(%dma_start3A_38 : memref<6400xi32, #tpu.memory_space<hbm>>) target(%arg7 : memref<6400xi32, #tpu.memory_space<vmem>>) target_semaphore(%arg12 : memref<!tpu.dma_semaphore, #tpu.memory_space<semaphore_mem>>)
    %dma_wait3A = arith.constant 1 : i32
    %dma_wait3A_39 = arith.constant 0 : i32
    %dma_wait3A_40 = tpu.memref_slice %arg2[%dma_wait3A, %dma_wait3A_39] : memref<2x3200000xi32, #tpu.memory_space<hbm>> -> memref<1x6400xi32, #tpu.memory_space<hbm>>
    %dma_wait3A_41 = tpu.memref_squeeze %dma_wait3A_40 : memref<1x6400xi32, #tpu.memory_space<hbm>> -> memref<6400xi32, #tpu.memory_space<hbm>>
    %dma_wait3A_42 = arith.constant 0 : i32
    %dma_wait3A_43 = tpu.memref_slice %arg2[%dma_wait3A, %dma_wait3A_42] : memref<2x3200000xi32, #tpu.memory_space<hbm>> -> memref<1x6400xi32, #tpu.memory_space<hbm>>
    %dma_wait3A_44 = tpu.memref_squeeze %dma_wait3A_43 : memref<1x6400xi32, #tpu.memory_space<hbm>> -> memref<6400xi32, #tpu.memory_space<hbm>>
    tpu.wait_dma2 semaphore(%arg10 : memref<!tpu.dma_semaphore, #tpu.memory_space<semaphore_mem>>) src(%dma_wait3A_44 : memref<6400xi32, #tpu.memory_space<hbm>>) dst(%arg5 : memref<6400xi32, #tpu.memory_space<vmem>>)
    %dma_start3A_45 = arith.constant 0 : i32
    %dma_start3A_46 = tpu.memref_slice %arg4[%dma_start3A_45] : memref<102400xf32, #tpu.memory_space<vmem_shared>> -> memref<102400xf32, #tpu.memory_space<vmem_shared>>
    tpu.enqueue_indirect_dma source(%arg8 : memref<6400xf32, #tpu.memory_space<vmem>>) target(%dma_start3A_46 : memref<102400xf32, #tpu.memory_space<vmem_shared>>) offsets(%arg5 : memref<6400xi32, #tpu.memory_space<vmem>>) semaphore(%arg13 : memref<!tpu.dma_semaphore, #tpu.memory_space<semaphore_mem>>) {add = true}
    %dma_wait3A_47 = arith.constant 0 : i32
    %dma_wait3A_48 = tpu.memref_slice %arg4[%dma_wait3A_47] : memref<102400xf32, #tpu.memory_space<vmem_shared>> -> memref<102400xf32, #tpu.memory_space<vmem_shared>>
    tpu.wait_indirect_dma semaphore(%arg13 : memref<!tpu.dma_semaphore, #tpu.memory_space<semaphore_mem>>) src(%arg8 : memref<6400xf32, #tpu.memory_space<vmem>>) dst(%dma_wait3A_48 : memref<102400xf32, #tpu.memory_space<vmem_shared>>)
    %add3A_49 = arith.constant 3 : i32
    %add3A_50 = arith.addi %add3A_4, %add3A_49 : i32
    %mul3A_51 = arith.constant 6400 : i32
    %mul3A_52 = arith.muli %add3A_50, %mul3A_51 : i32
    %dma_start3A_53 = arith.constant 1 : i32
    %dma_start3A_54 = tpu.memref_slice %arg2[%dma_start3A_53, %mul3A_52] : memref<2x3200000xi32, #tpu.memory_space<hbm>> -> memref<1x6400xi32, #tpu.memory_space<hbm>>
    %dma_start3A_55 = tpu.memref_squeeze %dma_start3A_54 : memref<1x6400xi32, #tpu.memory_space<hbm>> -> memref<6400xi32, #tpu.memory_space<hbm>>
    %dma_start3A_56 = tpu.memref_slice %arg2[%dma_start3A_53, %mul3A_52] : memref<2x3200000xi32, #tpu.memory_space<hbm>> -> memref<1x6400xi32, #tpu.memory_space<hbm>>
    %dma_start3A_57 = tpu.memref_squeeze %dma_start3A_56 : memref<1x6400xi32, #tpu.memory_space<hbm>> -> memref<6400xi32, #tpu.memory_space<hbm>>
    tpu.enqueue_dma source(%dma_start3A_57 : memref<6400xi32, #tpu.memory_space<hbm>>) target(%arg5 : memref<6400xi32, #tpu.memory_space<vmem>>) target_semaphore(%arg10 : memref<!tpu.dma_semaphore, #tpu.memory_space<semaphore_mem>>)
    %dma_wait3A_58 = arith.constant 1 : i32
    %dma_wait3A_59 = arith.constant 0 : i32
    %dma_wait3A_60 = tpu.memref_slice %arg2[%dma_wait3A_58, %dma_wait3A_59] : memref<2x3200000xi32, #tpu.memory_space<hbm>> -> memref<1x6400xi32, #tpu.memory_space<hbm>>
    %dma_wait3A_61 = tpu.memref_squeeze %dma_wait3A_60 : memref<1x6400xi32, #tpu.memory_space<hbm>> -> memref<6400xi32, #tpu.memory_space<hbm>>
    %dma_wait3A_62 = arith.constant 0 : i32
    %dma_wait3A_63 = tpu.memref_slice %arg2[%dma_wait3A_58, %dma_wait3A_62] : memref<2x3200000xi32, #tpu.memory_space<hbm>> -> memref<1x6400xi32, #tpu.memory_space<hbm>>
    %dma_wait3A_64 = tpu.memref_squeeze %dma_wait3A_63 : memref<1x6400xi32, #tpu.memory_space<hbm>> -> memref<6400xi32, #tpu.memory_space<hbm>>
    tpu.wait_dma2 semaphore(%arg11 : memref<!tpu.dma_semaphore, #tpu.memory_space<semaphore_mem>>) src(%dma_wait3A_64 : memref<6400xi32, #tpu.memory_space<hbm>>) dst(%arg6 : memref<6400xi32, #tpu.memory_space<vmem>>)
    %dma_start3A_65 = arith.constant 0 : i32
    %dma_start3A_66 = tpu.memref_slice %arg4[%dma_start3A_65] : memref<102400xf32, #tpu.memory_space<vmem_shared>> -> memref<102400xf32, #tpu.memory_space<vmem_shared>>
    tpu.enqueue_indirect_dma source(%arg8 : memref<6400xf32, #tpu.memory_space<vmem>>) target(%dma_start3A_66 : memref<102400xf32, #tpu.memory_space<vmem_shared>>) offsets(%arg6 : memref<6400xi32, #tpu.memory_space<vmem>>) semaphore(%arg14 : memref<!tpu.dma_semaphore, #tpu.memory_space<semaphore_mem>>) {add = true}
    %dma_wait3A_67 = arith.constant 0 : i32
    %dma_wait3A_68 = tpu.memref_slice %arg4[%dma_wait3A_67] : memref<102400xf32, #tpu.memory_space<vmem_shared>> -> memref<102400xf32, #tpu.memory_space<vmem_shared>>
    tpu.wait_indirect_dma semaphore(%arg14 : memref<!tpu.dma_semaphore, #tpu.memory_space<semaphore_mem>>) src(%arg8 : memref<6400xf32, #tpu.memory_space<vmem>>) dst(%dma_wait3A_68 : memref<102400xf32, #tpu.memory_space<vmem_shared>>)
    %add3A_69 = arith.constant 4 : i32
    %add3A_70 = arith.addi %add3A_4, %add3A_69 : i32
    %mul3A_71 = arith.constant 6400 : i32
    %mul3A_72 = arith.muli %add3A_70, %mul3A_71 : i32
    %dma_start3A_73 = arith.constant 1 : i32
    %dma_start3A_74 = tpu.memref_slice %arg2[%dma_start3A_73, %mul3A_72] : memref<2x3200000xi32, #tpu.memory_space<hbm>> -> memref<1x6400xi32, #tpu.memory_space<hbm>>
    %dma_start3A_75 = tpu.memref_squeeze %dma_start3A_74 : memref<1x6400xi32, #tpu.memory_space<hbm>> -> memref<6400xi32, #tpu.memory_space<hbm>>
    %dma_start3A_76 = tpu.memref_slice %arg2[%dma_start3A_73, %mul3A_72] : memref<2x3200000xi32, #tpu.memory_space<hbm>> -> memref<1x6400xi32, #tpu.memory_space<hbm>>
    %dma_start3A_77 = tpu.memref_squeeze %dma_start3A_76 : memref<1x6400xi32, #tpu.memory_space<hbm>> -> memref<6400xi32, #tpu.memory_space<hbm>>
    tpu.enqueue_dma source(%dma_start3A_77 : memref<6400xi32, #tpu.memory_space<hbm>>) target(%arg6 : memref<6400xi32, #tpu.memory_space<vmem>>) target_semaphore(%arg11 : memref<!tpu.dma_semaphore, #tpu.memory_space<semaphore_mem>>)
    %dma_wait3A_78 = arith.constant 1 : i32
    %dma_wait3A_79 = arith.constant 0 : i32
    %dma_wait3A_80 = tpu.memref_slice %arg2[%dma_wait3A_78, %dma_wait3A_79] : memref<2x3200000xi32, #tpu.memory_space<hbm>> -> memref<1x6400xi32, #tpu.memory_space<hbm>>
    %dma_wait3A_81 = tpu.memref_squeeze %dma_wait3A_80 : memref<1x6400xi32, #tpu.memory_space<hbm>> -> memref<6400xi32, #tpu.memory_space<hbm>>
    %dma_wait3A_82 = arith.constant 0 : i32
    %dma_wait3A_83 = tpu.memref_slice %arg2[%dma_wait3A_78, %dma_wait3A_82] : memref<2x3200000xi32, #tpu.memory_space<hbm>> -> memref<1x6400xi32, #tpu.memory_space<hbm>>
    %dma_wait3A_84 = tpu.memref_squeeze %dma_wait3A_83 : memref<1x6400xi32, #tpu.memory_space<hbm>> -> memref<6400xi32, #tpu.memory_space<hbm>>
    tpu.wait_dma2 semaphore(%arg12 : memref<!tpu.dma_semaphore, #tpu.memory_space<semaphore_mem>>) src(%dma_wait3A_84 : memref<6400xi32, #tpu.memory_space<hbm>>) dst(%arg7 : memref<6400xi32, #tpu.memory_space<vmem>>)
    %dma_start3A_85 = arith.constant 0 : i32
    %dma_start3A_86 = tpu.memref_slice %arg4[%dma_start3A_85] : memref<102400xf32, #tpu.memory_space<vmem_shared>> -> memref<102400xf32, #tpu.memory_space<vmem_shared>>
    tpu.enqueue_indirect_dma source(%arg8 : memref<6400xf32, #tpu.memory_space<vmem>>) target(%dma_start3A_86 : memref<102400xf32, #tpu.memory_space<vmem_shared>>) offsets(%arg7 : memref<6400xi32, #tpu.memory_space<vmem>>) semaphore(%arg15 : memref<!tpu.dma_semaphore, #tpu.memory_space<semaphore_mem>>) {add = true}
    %dma_wait3A_87 = arith.constant 0 : i32
    %dma_wait3A_88 = tpu.memref_slice %arg4[%dma_wait3A_87] : memref<102400xf32, #tpu.memory_space<vmem_shared>> -> memref<102400xf32, #tpu.memory_space<vmem_shared>>
    tpu.wait_indirect_dma semaphore(%arg15 : memref<!tpu.dma_semaphore, #tpu.memory_space<semaphore_mem>>) src(%arg8 : memref<6400xf32, #tpu.memory_space<vmem>>) dst(%dma_wait3A_88 : memref<102400xf32, #tpu.memory_space<vmem_shared>>)
    %add3A_89 = arith.constant 5 : i32
    %add3A_90 = arith.addi %add3A_4, %add3A_89 : i32
    %mul3A_91 = arith.constant 6400 : i32
    %mul3A_92 = arith.muli %add3A_90, %mul3A_91 : i32
    %dma_start3A_93 = arith.constant 1 : i32
    %dma_start3A_94 = tpu.memref_slice %arg2[%dma_start3A_93, %mul3A_92] : memref<2x3200000xi32, #tpu.memory_space<hbm>> -> memref<1x6400xi32, #tpu.memory_space<hbm>>
    %dma_start3A_95 = tpu.memref_squeeze %dma_start3A_94 : memref<1x6400xi32, #tpu.memory_space<hbm>> -> memref<6400xi32, #tpu.memory_space<hbm>>
    %dma_start3A_96 = tpu.memref_slice %arg2[%dma_start3A_93, %mul3A_92] : memref<2x3200000xi32, #tpu.memory_space<hbm>> -> memref<1x6400xi32, #tpu.memory_space<hbm>>
    %dma_start3A_97 = tpu.memref_squeeze %dma_start3A_96 : memref<1x6400xi32, #tpu.memory_space<hbm>> -> memref<6400xi32, #tpu.memory_space<hbm>>
    tpu.enqueue_dma source(%dma_start3A_97 : memref<6400xi32, #tpu.memory_space<hbm>>) target(%arg7 : memref<6400xi32, #tpu.memory_space<vmem>>) target_semaphore(%arg12 : memref<!tpu.dma_semaphore, #tpu.memory_space<semaphore_mem>>)
    %dma_wait3A_98 = arith.constant 1 : i32
    %dma_wait3A_99 = arith.constant 0 : i32
    %dma_wait3A_100 = tpu.memref_slice %arg2[%dma_wait3A_98, %dma_wait3A_99] : memref<2x3200000xi32, #tpu.memory_space<hbm>> -> memref<1x6400xi32, #tpu.memory_space<hbm>>
    %dma_wait3A_101 = tpu.memref_squeeze %dma_wait3A_100 : memref<1x6400xi32, #tpu.memory_space<hbm>> -> memref<6400xi32, #tpu.memory_space<hbm>>
    %dma_wait3A_102 = arith.constant 0 : i32
    %dma_wait3A_103 = tpu.memref_slice %arg2[%dma_wait3A_98, %dma_wait3A_102] : memref<2x3200000xi32, #tpu.memory_space<hbm>> -> memref<1x6400xi32, #tpu.memory_space<hbm>>
    %dma_wait3A_104 = tpu.memref_squeeze %dma_wait3A_103 : memref<1x6400xi32, #tpu.memory_space<hbm>> -> memref<6400xi32, #tpu.memory_space<hbm>>
    tpu.wait_dma2 semaphore(%arg10 : memref<!tpu.dma_semaphore, #tpu.memory_space<semaphore_mem>>) src(%dma_wait3A_104 : memref<6400xi32, #tpu.memory_space<hbm>>) dst(%arg5 : memref<6400xi32, #tpu.memory_space<vmem>>)
    %dma_start3A_105 = arith.constant 0 : i32
    %dma_start3A_106 = tpu.memref_slice %arg4[%dma_start3A_105] : memref<102400xf32, #tpu.memory_space<vmem_shared>> -> memref<102400xf32, #tpu.memory_space<vmem_shared>>
    tpu.enqueue_indirect_dma source(%arg8 : memref<6400xf32, #tpu.memory_space<vmem>>) target(%dma_start3A_106 : memref<102400xf32, #tpu.memory_space<vmem_shared>>) offsets(%arg5 : memref<6400xi32, #tpu.memory_space<vmem>>) semaphore(%arg13 : memref<!tpu.dma_semaphore, #tpu.memory_space<semaphore_mem>>) {add = true}
    %dma_wait3A_107 = arith.constant 0 : i32
    %dma_wait3A_108 = tpu.memref_slice %arg4[%dma_wait3A_107] : memref<102400xf32, #tpu.memory_space<vmem_shared>> -> memref<102400xf32, #tpu.memory_space<vmem_shared>>
    tpu.wait_indirect_dma semaphore(%arg13 : memref<!tpu.dma_semaphore, #tpu.memory_space<semaphore_mem>>) src(%arg8 : memref<6400xf32, #tpu.memory_space<vmem>>) dst(%dma_wait3A_108 : memref<102400xf32, #tpu.memory_space<vmem_shared>>)
    %add3A_109 = arith.constant 6 : i32
    %add3A_110 = arith.addi %add3A_4, %add3A_109 : i32
    %mul3A_111 = arith.constant 6400 : i32
    %mul3A_112 = arith.muli %add3A_110, %mul3A_111 : i32
    %dma_start3A_113 = arith.constant 1 : i32
    %dma_start3A_114 = tpu.memref_slice %arg2[%dma_start3A_113, %mul3A_112] : memref<2x3200000xi32, #tpu.memory_space<hbm>> -> memref<1x6400xi32, #tpu.memory_space<hbm>>
    %dma_start3A_115 = tpu.memref_squeeze %dma_start3A_114 : memref<1x6400xi32, #tpu.memory_space<hbm>> -> memref<6400xi32, #tpu.memory_space<hbm>>
    %dma_start3A_116 = tpu.memref_slice %arg2[%dma_start3A_113, %mul3A_112] : memref<2x3200000xi32, #tpu.memory_space<hbm>> -> memref<1x6400xi32, #tpu.memory_space<hbm>>
    %dma_start3A_117 = tpu.memref_squeeze %dma_start3A_116 : memref<1x6400xi32, #tpu.memory_space<hbm>> -> memref<6400xi32, #tpu.memory_space<hbm>>
    tpu.enqueue_dma source(%dma_start3A_117 : memref<6400xi32, #tpu.memory_space<hbm>>) target(%arg5 : memref<6400xi32, #tpu.memory_space<vmem>>) target_semaphore(%arg10 : memref<!tpu.dma_semaphore, #tpu.memory_space<semaphore_mem>>)
    %dma_wait3A_118 = arith.constant 1 : i32
    %dma_wait3A_119 = arith.constant 0 : i32
    %dma_wait3A_120 = tpu.memref_slice %arg2[%dma_wait3A_118, %dma_wait3A_119] : memref<2x3200000xi32, #tpu.memory_space<hbm>> -> memref<1x6400xi32, #tpu.memory_space<hbm>>
    %dma_wait3A_121 = tpu.memref_squeeze %dma_wait3A_120 : memref<1x6400xi32, #tpu.memory_space<hbm>> -> memref<6400xi32, #tpu.memory_space<hbm>>
    %dma_wait3A_122 = arith.constant 0 : i32
    %dma_wait3A_123 = tpu.memref_slice %arg2[%dma_wait3A_118, %dma_wait3A_122] : memref<2x3200000xi32, #tpu.memory_space<hbm>> -> memref<1x6400xi32, #tpu.memory_space<hbm>>
    %dma_wait3A_124 = tpu.memref_squeeze %dma_wait3A_123 : memref<1x6400xi32, #tpu.memory_space<hbm>> -> memref<6400xi32, #tpu.memory_space<hbm>>
    tpu.wait_dma2 semaphore(%arg11 : memref<!tpu.dma_semaphore, #tpu.memory_space<semaphore_mem>>) src(%dma_wait3A_124 : memref<6400xi32, #tpu.memory_space<hbm>>) dst(%arg6 : memref<6400xi32, #tpu.memory_space<vmem>>)
    %dma_start3A_125 = arith.constant 0 : i32
    %dma_start3A_126 = tpu.memref_slice %arg4[%dma_start3A_125] : memref<102400xf32, #tpu.memory_space<vmem_shared>> -> memref<102400xf32, #tpu.memory_space<vmem_shared>>
    tpu.enqueue_indirect_dma source(%arg8 : memref<6400xf32, #tpu.memory_space<vmem>>) target(%dma_start3A_126 : memref<102400xf32, #tpu.memory_space<vmem_shared>>) offsets(%arg6 : memref<6400xi32, #tpu.memory_space<vmem>>) semaphore(%arg14 : memref<!tpu.dma_semaphore, #tpu.memory_space<semaphore_mem>>) {add = true}
    %dma_wait3A_127 = arith.constant 0 : i32
    %dma_wait3A_128 = tpu.memref_slice %arg4[%dma_wait3A_127] : memref<102400xf32, #tpu.memory_space<vmem_shared>> -> memref<102400xf32, #tpu.memory_space<vmem_shared>>
    tpu.wait_indirect_dma semaphore(%arg14 : memref<!tpu.dma_semaphore, #tpu.memory_space<semaphore_mem>>) src(%arg8 : memref<6400xf32, #tpu.memory_space<vmem>>) dst(%dma_wait3A_128 : memref<102400xf32, #tpu.memory_space<vmem_shared>>)
    %add3A_129 = arith.constant 7 : i32
    %add3A_130 = arith.addi %add3A_4, %add3A_129 : i32
    %mul3A_131 = arith.constant 6400 : i32
    %mul3A_132 = arith.muli %add3A_130, %mul3A_131 : i32
    %dma_start3A_133 = arith.constant 1 : i32
    %dma_start3A_134 = tpu.memref_slice %arg2[%dma_start3A_133, %mul3A_132] : memref<2x3200000xi32, #tpu.memory_space<hbm>> -> memref<1x6400xi32, #tpu.memory_space<hbm>>
    %dma_start3A_135 = tpu.memref_squeeze %dma_start3A_134 : memref<1x6400xi32, #tpu.memory_space<hbm>> -> memref<6400xi32, #tpu.memory_space<hbm>>
    %dma_start3A_136 = tpu.memref_slice %arg2[%dma_start3A_133, %mul3A_132] : memref<2x3200000xi32, #tpu.memory_space<hbm>> -> memref<1x6400xi32, #tpu.memory_space<hbm>>
    %dma_start3A_137 = tpu.memref_squeeze %dma_start3A_136 : memref<1x6400xi32, #tpu.memory_space<hbm>> -> memref<6400xi32, #tpu.memory_space<hbm>>
    tpu.enqueue_dma source(%dma_start3A_137 : memref<6400xi32, #tpu.memory_space<hbm>>) target(%arg6 : memref<6400xi32, #tpu.memory_space<vmem>>) target_semaphore(%arg11 : memref<!tpu.dma_semaphore, #tpu.memory_space<semaphore_mem>>)
    %dma_wait3A_138 = arith.constant 1 : i32
    %dma_wait3A_139 = arith.constant 0 : i32
    %dma_wait3A_140 = tpu.memref_slice %arg2[%dma_wait3A_138, %dma_wait3A_139] : memref<2x3200000xi32, #tpu.memory_space<hbm>> -> memref<1x6400xi32, #tpu.memory_space<hbm>>
    %dma_wait3A_141 = tpu.memref_squeeze %dma_wait3A_140 : memref<1x6400xi32, #tpu.memory_space<hbm>> -> memref<6400xi32, #tpu.memory_space<hbm>>
    %dma_wait3A_142 = arith.constant 0 : i32
    %dma_wait3A_143 = tpu.memref_slice %arg2[%dma_wait3A_138, %dma_wait3A_142] : memref<2x3200000xi32, #tpu.memory_space<hbm>> -> memref<1x6400xi32, #tpu.memory_space<hbm>>
    %dma_wait3A_144 = tpu.memref_squeeze %dma_wait3A_143 : memref<1x6400xi32, #tpu.memory_space<hbm>> -> memref<6400xi32, #tpu.memory_space<hbm>>
    tpu.wait_dma2 semaphore(%arg12 : memref<!tpu.dma_semaphore, #tpu.memory_space<semaphore_mem>>) src(%dma_wait3A_144 : memref<6400xi32, #tpu.memory_space<hbm>>) dst(%arg7 : memref<6400xi32, #tpu.memory_space<vmem>>)
    %dma_start3A_145 = arith.constant 0 : i32
    %dma_start3A_146 = tpu.memref_slice %arg4[%dma_start3A_145] : memref<102400xf32, #tpu.memory_space<vmem_shared>> -> memref<102400xf32, #tpu.memory_space<vmem_shared>>
    tpu.enqueue_indirect_dma source(%arg8 : memref<6400xf32, #tpu.memory_space<vmem>>) target(%dma_start3A_146 : memref<102400xf32, #tpu.memory_space<vmem_shared>>) offsets(%arg7 : memref<6400xi32, #tpu.memory_space<vmem>>) semaphore(%arg15 : memref<!tpu.dma_semaphore, #tpu.memory_space<semaphore_mem>>) {add = true}
    %dma_wait3A_147 = arith.constant 0 : i32
    %dma_wait3A_148 = tpu.memref_slice %arg4[%dma_wait3A_147] : memref<102400xf32, #tpu.memory_space<vmem_shared>> -> memref<102400xf32, #tpu.memory_space<vmem_shared>>
    tpu.wait_indirect_dma semaphore(%arg15 : memref<!tpu.dma_semaphore, #tpu.memory_space<semaphore_mem>>) src(%arg8 : memref<6400xf32, #tpu.memory_space<vmem>>) dst(%dma_wait3A_148 : memref<102400xf32, #tpu.memory_space<vmem_shared>>)
    %add3A_149 = arith.constant 8 : i32
    %add3A_150 = arith.addi %add3A_4, %add3A_149 : i32
    %mul3A_151 = arith.constant 6400 : i32
    %mul3A_152 = arith.muli %add3A_150, %mul3A_151 : i32
    %dma_start3A_153 = arith.constant 1 : i32
    %dma_start3A_154 = tpu.memref_slice %arg2[%dma_start3A_153, %mul3A_152] : memref<2x3200000xi32, #tpu.memory_space<hbm>> -> memref<1x6400xi32, #tpu.memory_space<hbm>>
    %dma_start3A_155 = tpu.memref_squeeze %dma_start3A_154 : memref<1x6400xi32, #tpu.memory_space<hbm>> -> memref<6400xi32, #tpu.memory_space<hbm>>
    %dma_start3A_156 = tpu.memref_slice %arg2[%dma_start3A_153, %mul3A_152] : memref<2x3200000xi32, #tpu.memory_space<hbm>> -> memref<1x6400xi32, #tpu.memory_space<hbm>>
    %dma_start3A_157 = tpu.memref_squeeze %dma_start3A_156 : memref<1x6400xi32, #tpu.memory_space<hbm>> -> memref<6400xi32, #tpu.memory_space<hbm>>
    tpu.enqueue_dma source(%dma_start3A_157 : memref<6400xi32, #tpu.memory_space<hbm>>) target(%arg7 : memref<6400xi32, #tpu.memory_space<vmem>>) target_semaphore(%arg12 : memref<!tpu.dma_semaphore, #tpu.memory_space<semaphore_mem>>)
    %dma_wait3A_158 = arith.constant 1 : i32
    %dma_wait3A_159 = arith.constant 0 : i32
    %dma_wait3A_160 = tpu.memref_slice %arg2[%dma_wait3A_158, %dma_wait3A_159] : memref<2x3200000xi32, #tpu.memory_space<hbm>> -> memref<1x6400xi32, #tpu.memory_space<hbm>>
    %dma_wait3A_161 = tpu.memref_squeeze %dma_wait3A_160 : memref<1x6400xi32, #tpu.memory_space<hbm>> -> memref<6400xi32, #tpu.memory_space<hbm>>
    %dma_wait3A_162 = arith.constant 0 : i32
    %dma_wait3A_163 = tpu.memref_slice %arg2[%dma_wait3A_158, %dma_wait3A_162] : memref<2x3200000xi32, #tpu.memory_space<hbm>> -> memref<1x6400xi32, #tpu.memory_space<hbm>>
    %dma_wait3A_164 = tpu.memref_squeeze %dma_wait3A_163 : memref<1x6400xi32, #tpu.memory_space<hbm>> -> memref<6400xi32, #tpu.memory_space<hbm>>
    tpu.wait_dma2 semaphore(%arg10 : memref<!tpu.dma_semaphore, #tpu.memory_space<semaphore_mem>>) src(%dma_wait3A_164 : memref<6400xi32, #tpu.memory_space<hbm>>) dst(%arg5 : memref<6400xi32, #tpu.memory_space<vmem>>)
    %dma_start3A_165 = arith.constant 0 : i32
    %dma_start3A_166 = tpu.memref_slice %arg4[%dma_start3A_165] : memref<102400xf32, #tpu.memory_space<vmem_shared>> -> memref<102400xf32, #tpu.memory_space<vmem_shared>>
    tpu.enqueue_indirect_dma source(%arg8 : memref<6400xf32, #tpu.memory_space<vmem>>) target(%dma_start3A_166 : memref<102400xf32, #tpu.memory_space<vmem_shared>>) offsets(%arg5 : memref<6400xi32, #tpu.memory_space<vmem>>) semaphore(%arg13 : memref<!tpu.dma_semaphore, #tpu.memory_space<semaphore_mem>>) {add = true}
    %dma_wait3A_167 = arith.constant 0 : i32
    %dma_wait3A_168 = tpu.memref_slice %arg4[%dma_wait3A_167] : memref<102400xf32, #tpu.memory_space<vmem_shared>> -> memref<102400xf32, #tpu.memory_space<vmem_shared>>
    tpu.wait_indirect_dma semaphore(%arg13 : memref<!tpu.dma_semaphore, #tpu.memory_space<semaphore_mem>>) src(%arg8 : memref<6400xf32, #tpu.memory_space<vmem>>) dst(%dma_wait3A_168 : memref<102400xf32, #tpu.memory_space<vmem_shared>>)
    %add3A_169 = arith.constant 9 : i32
    %add3A_170 = arith.addi %add3A_4, %add3A_169 : i32
    %mul3A_171 = arith.constant 6400 : i32
    %mul3A_172 = arith.muli %add3A_170, %mul3A_171 : i32
    %dma_start3A_173 = arith.constant 1 : i32
    %dma_start3A_174 = tpu.memref_slice %arg2[%dma_start3A_173, %mul3A_172] : memref<2x3200000xi32, #tpu.memory_space<hbm>> -> memref<1x6400xi32, #tpu.memory_space<hbm>>
    %dma_start3A_175 = tpu.memref_squeeze %dma_start3A_174 : memref<1x6400xi32, #tpu.memory_space<hbm>> -> memref<6400xi32, #tpu.memory_space<hbm>>
    %dma_start3A_176 = tpu.memref_slice %arg2[%dma_start3A_173, %mul3A_172] : memref<2x3200000xi32, #tpu.memory_space<hbm>> -> memref<1x6400xi32, #tpu.memory_space<hbm>>
    %dma_start3A_177 = tpu.memref_squeeze %dma_start3A_176 : memref<1x6400xi32, #tpu.memory_space<hbm>> -> memref<6400xi32, #tpu.memory_space<hbm>>
    tpu.enqueue_dma source(%dma_start3A_177 : memref<6400xi32, #tpu.memory_space<hbm>>) target(%arg5 : memref<6400xi32, #tpu.memory_space<vmem>>) target_semaphore(%arg10 : memref<!tpu.dma_semaphore, #tpu.memory_space<semaphore_mem>>)
    %dma_wait3A_178 = arith.constant 1 : i32
    %dma_wait3A_179 = arith.constant 0 : i32
    %dma_wait3A_180 = tpu.memref_slice %arg2[%dma_wait3A_178, %dma_wait3A_179] : memref<2x3200000xi32, #tpu.memory_space<hbm>> -> memref<1x6400xi32, #tpu.memory_space<hbm>>
    %dma_wait3A_181 = tpu.memref_squeeze %dma_wait3A_180 : memref<1x6400xi32, #tpu.memory_space<hbm>> -> memref<6400xi32, #tpu.memory_space<hbm>>
    %dma_wait3A_182 = arith.constant 0 : i32
    %dma_wait3A_183 = tpu.memref_slice %arg2[%dma_wait3A_178, %dma_wait3A_182] : memref<2x3200000xi32, #tpu.memory_space<hbm>> -> memref<1x6400xi32, #tpu.memory_space<hbm>>
    %dma_wait3A_184 = tpu.memref_squeeze %dma_wait3A_183 : memref<1x6400xi32, #tpu.memory_space<hbm>> -> memref<6400xi32, #tpu.memory_space<hbm>>
    tpu.wait_dma2 semaphore(%arg11 : memref<!tpu.dma_semaphore, #tpu.memory_space<semaphore_mem>>) src(%dma_wait3A_184 : memref<6400xi32, #tpu.memory_space<hbm>>) dst(%arg6 : memref<6400xi32, #tpu.memory_space<vmem>>)
    %dma_start3A_185 = arith.constant 0 : i32
    %dma_start3A_186 = tpu.memref_slice %arg4[%dma_start3A_185] : memref<102400xf32, #tpu.memory_space<vmem_shared>> -> memref<102400xf32, #tpu.memory_space<vmem_shared>>
    tpu.enqueue_indirect_dma source(%arg8 : memref<6400xf32, #tpu.memory_space<vmem>>) target(%dma_start3A_186 : memref<102400xf32, #tpu.memory_space<vmem_shared>>) offsets(%arg6 : memref<6400xi32, #tpu.memory_space<vmem>>) semaphore(%arg14 : memref<!tpu.dma_semaphore, #tpu.memory_space<semaphore_mem>>) {add = true}
    %dma_wait3A_187 = arith.constant 0 : i32
    %dma_wait3A_188 = tpu.memref_slice %arg4[%dma_wait3A_187] : memref<102400xf32, #tpu.memory_space<vmem_shared>> -> memref<102400xf32, #tpu.memory_space<vmem_shared>>
    tpu.wait_indirect_dma semaphore(%arg14 : memref<!tpu.dma_semaphore, #tpu.memory_space<semaphore_mem>>) src(%arg8 : memref<6400xf32, #tpu.memory_space<vmem>>) dst(%dma_wait3A_188 : memref<102400xf32, #tpu.memory_space<vmem_shared>>)
    %add3A_189 = arith.constant 10 : i32
    %add3A_190 = arith.addi %add3A_4, %add3A_189 : i32
    %mul3A_191 = arith.constant 6400 : i32
    %mul3A_192 = arith.muli %add3A_190, %mul3A_191 : i32
    %dma_start3A_193 = arith.constant 1 : i32
    %dma_start3A_194 = tpu.memref_slice %arg2[%dma_start3A_193, %mul3A_192] : memref<2x3200000xi32, #tpu.memory_space<hbm>> -> memref<1x6400xi32, #tpu.memory_space<hbm>>
    %dma_start3A_195 = tpu.memref_squeeze %dma_start3A_194 : memref<1x6400xi32, #tpu.memory_space<hbm>> -> memref<6400xi32, #tpu.memory_space<hbm>>
    %dma_start3A_196 = tpu.memref_slice %arg2[%dma_start3A_193, %mul3A_192] : memref<2x3200000xi32, #tpu.memory_space<hbm>> -> memref<1x6400xi32, #tpu.memory_space<hbm>>
    %dma_start3A_197 = tpu.memref_squeeze %dma_start3A_196 : memref<1x6400xi32, #tpu.memory_space<hbm>> -> memref<6400xi32, #tpu.memory_space<hbm>>
    tpu.enqueue_dma source(%dma_start3A_197 : memref<6400xi32, #tpu.memory_space<hbm>>) target(%arg6 : memref<6400xi32, #tpu.memory_space<vmem>>) target_semaphore(%arg11 : memref<!tpu.dma_semaphore, #tpu.memory_space<semaphore_mem>>)
    %dma_wait3A_198 = arith.constant 1 : i32
    %dma_wait3A_199 = arith.constant 0 : i32
    %dma_wait3A_200 = tpu.memref_slice %arg2[%dma_wait3A_198, %dma_wait3A_199] : memref<2x3200000xi32, #tpu.memory_space<hbm>> -> memref<1x6400xi32, #tpu.memory_space<hbm>>
    %dma_wait3A_201 = tpu.memref_squeeze %dma_wait3A_200 : memref<1x6400xi32, #tpu.memory_space<hbm>> -> memref<6400xi32, #tpu.memory_space<hbm>>
    %dma_wait3A_202 = arith.constant 0 : i32
    %dma_wait3A_203 = tpu.memref_slice %arg2[%dma_wait3A_198, %dma_wait3A_202] : memref<2x3200000xi32, #tpu.memory_space<hbm>> -> memref<1x6400xi32, #tpu.memory_space<hbm>>
    %dma_wait3A_204 = tpu.memref_squeeze %dma_wait3A_203 : memref<1x6400xi32, #tpu.memory_space<hbm>> -> memref<6400xi32, #tpu.memory_space<hbm>>
    tpu.wait_dma2 semaphore(%arg12 : memref<!tpu.dma_semaphore, #tpu.memory_space<semaphore_mem>>) src(%dma_wait3A_204 : memref<6400xi32, #tpu.memory_space<hbm>>) dst(%arg7 : memref<6400xi32, #tpu.memory_space<vmem>>)
    %dma_start3A_205 = arith.constant 0 : i32
    %dma_start3A_206 = tpu.memref_slice %arg4[%dma_start3A_205] : memref<102400xf32, #tpu.memory_space<vmem_shared>> -> memref<102400xf32, #tpu.memory_space<vmem_shared>>
    tpu.enqueue_indirect_dma source(%arg8 : memref<6400xf32, #tpu.memory_space<vmem>>) target(%dma_start3A_206 : memref<102400xf32, #tpu.memory_space<vmem_shared>>) offsets(%arg7 : memref<6400xi32, #tpu.memory_space<vmem>>) semaphore(%arg15 : memref<!tpu.dma_semaphore, #tpu.memory_space<semaphore_mem>>) {add = true}
    %dma_wait3A_207 = arith.constant 0 : i32
    %dma_wait3A_208 = tpu.memref_slice %arg4[%dma_wait3A_207] : memref<102400xf32, #tpu.memory_space<vmem_shared>> -> memref<102400xf32, #tpu.memory_space<vmem_shared>>
    tpu.wait_indirect_dma semaphore(%arg15 : memref<!tpu.dma_semaphore, #tpu.memory_space<semaphore_mem>>) src(%arg8 : memref<6400xf32, #tpu.memory_space<vmem>>) dst(%dma_wait3A_208 : memref<102400xf32, #tpu.memory_space<vmem_shared>>)
    %add3A_209 = arith.constant 11 : i32
    %add3A_210 = arith.addi %add3A_4, %add3A_209 : i32
    %mul3A_211 = arith.constant 6400 : i32
    %mul3A_212 = arith.muli %add3A_210, %mul3A_211 : i32
    %dma_start3A_213 = arith.constant 1 : i32
    %dma_start3A_214 = tpu.memref_slice %arg2[%dma_start3A_213, %mul3A_212] : memref<2x3200000xi32, #tpu.memory_space<hbm>> -> memref<1x6400xi32, #tpu.memory_space<hbm>>
    %dma_start3A_215 = tpu.memref_squeeze %dma_start3A_214 : memref<1x6400xi32, #tpu.memory_space<hbm>> -> memref<6400xi32, #tpu.memory_space<hbm>>
    %dma_start3A_216 = tpu.memref_slice %arg2[%dma_start3A_213, %mul3A_212] : memref<2x3200000xi32, #tpu.memory_space<hbm>> -> memref<1x6400xi32, #tpu.memory_space<hbm>>
    %dma_start3A_217 = tpu.memref_squeeze %dma_start3A_216 : memref<1x6400xi32, #tpu.memory_space<hbm>> -> memref<6400xi32, #tpu.memory_space<hbm>>
    tpu.enqueue_dma source(%dma_start3A_217 : memref<6400xi32, #tpu.memory_space<hbm>>) target(%arg7 : memref<6400xi32, #tpu.memory_space<vmem>>) target_semaphore(%arg12 : memref<!tpu.dma_semaphore, #tpu.memory_space<semaphore_mem>>)
    %dma_wait3A_218 = arith.constant 1 : i32
    %dma_wait3A_219 = arith.constant 0 : i32
    %dma_wait3A_220 = tpu.memref_slice %arg2[%dma_wait3A_218, %dma_wait3A_219] : memref<2x3200000xi32, #tpu.memory_space<hbm>> -> memref<1x6400xi32, #tpu.memory_space<hbm>>
    %dma_wait3A_221 = tpu.memref_squeeze %dma_wait3A_220 : memref<1x6400xi32, #tpu.memory_space<hbm>> -> memref<6400xi32, #tpu.memory_space<hbm>>
    %dma_wait3A_222 = arith.constant 0 : i32
    %dma_wait3A_223 = tpu.memref_slice %arg2[%dma_wait3A_218, %dma_wait3A_222] : memref<2x3200000xi32, #tpu.memory_space<hbm>> -> memref<1x6400xi32, #tpu.memory_space<hbm>>
    %dma_wait3A_224 = tpu.memref_squeeze %dma_wait3A_223 : memref<1x6400xi32, #tpu.memory_space<hbm>> -> memref<6400xi32, #tpu.memory_space<hbm>>
    tpu.wait_dma2 semaphore(%arg10 : memref<!tpu.dma_semaphore, #tpu.memory_space<semaphore_mem>>) src(%dma_wait3A_224 : memref<6400xi32, #tpu.memory_space<hbm>>) dst(%arg5 : memref<6400xi32, #tpu.memory_space<vmem>>)
    %dma_start3A_225 = arith.constant 0 : i32
    %dma_start3A_226 = tpu.memref_slice %arg4[%dma_start3A_225] : memref<102400xf32, #tpu.memory_space<vmem_shared>> -> memref<102400xf32, #tpu.memory_space<vmem_shared>>
    tpu.enqueue_indirect_dma source(%arg8 : memref<6400xf32, #tpu.memory_space<vmem>>) target(%dma_start3A_226 : memref<102400xf32, #tpu.memory_space<vmem_shared>>) offsets(%arg5 : memref<6400xi32, #tpu.memory_space<vmem>>) semaphore(%arg13 : memref<!tpu.dma_semaphore, #tpu.memory_space<semaphore_mem>>) {add = true}
    %dma_wait3A_227 = arith.constant 0 : i32
    %dma_wait3A_228 = tpu.memref_slice %arg4[%dma_wait3A_227] : memref<102400xf32, #tpu.memory_space<vmem_shared>> -> memref<102400xf32, #tpu.memory_space<vmem_shared>>
    tpu.wait_indirect_dma semaphore(%arg13 : memref<!tpu.dma_semaphore, #tpu.memory_space<semaphore_mem>>) src(%arg8 : memref<6400xf32, #tpu.memory_space<vmem>>) dst(%dma_wait3A_228 : memref<102400xf32, #tpu.memory_space<vmem_shared>>)
    %add3A_229 = arith.constant 12 : i32
    %add3A_230 = arith.addi %add3A_4, %add3A_229 : i32
    %mul3A_231 = arith.constant 6400 : i32
    %mul3A_232 = arith.muli %add3A_230, %mul3A_231 : i32
    %dma_start3A_233 = arith.constant 1 : i32
    %dma_start3A_234 = tpu.memref_slice %arg2[%dma_start3A_233, %mul3A_232] : memref<2x3200000xi32, #tpu.memory_space<hbm>> -> memref<1x6400xi32, #tpu.memory_space<hbm>>
    %dma_start3A_235 = tpu.memref_squeeze %dma_start3A_234 : memref<1x6400xi32, #tpu.memory_space<hbm>> -> memref<6400xi32, #tpu.memory_space<hbm>>
    %dma_start3A_236 = tpu.memref_slice %arg2[%dma_start3A_233, %mul3A_232] : memref<2x3200000xi32, #tpu.memory_space<hbm>> -> memref<1x6400xi32, #tpu.memory_space<hbm>>
    %dma_start3A_237 = tpu.memref_squeeze %dma_start3A_236 : memref<1x6400xi32, #tpu.memory_space<hbm>> -> memref<6400xi32, #tpu.memory_space<hbm>>
    tpu.enqueue_dma source(%dma_start3A_237 : memref<6400xi32, #tpu.memory_space<hbm>>) target(%arg5 : memref<6400xi32, #tpu.memory_space<vmem>>) target_semaphore(%arg10 : memref<!tpu.dma_semaphore, #tpu.memory_space<semaphore_mem>>)
    %dma_wait3A_238 = arith.constant 1 : i32
    %dma_wait3A_239 = arith.constant 0 : i32
    %dma_wait3A_240 = tpu.memref_slice %arg2[%dma_wait3A_238, %dma_wait3A_239] : memref<2x3200000xi32, #tpu.memory_space<hbm>> -> memref<1x6400xi32, #tpu.memory_space<hbm>>
    %dma_wait3A_241 = tpu.memref_squeeze %dma_wait3A_240 : memref<1x6400xi32, #tpu.memory_space<hbm>> -> memref<6400xi32, #tpu.memory_space<hbm>>
    %dma_wait3A_242 = arith.constant 0 : i32
    %dma_wait3A_243 = tpu.memref_slice %arg2[%dma_wait3A_238, %dma_wait3A_242] : memref<2x3200000xi32, #tpu.memory_space<hbm>> -> memref<1x6400xi32, #tpu.memory_space<hbm>>
    %dma_wait3A_244 = tpu.memref_squeeze %dma_wait3A_243 : memref<1x6400xi32, #tpu.memory_space<hbm>> -> memref<6400xi32, #tpu.memory_space<hbm>>
    tpu.wait_dma2 semaphore(%arg11 : memref<!tpu.dma_semaphore, #tpu.memory_space<semaphore_mem>>) src(%dma_wait3A_244 : memref<6400xi32, #tpu.memory_space<hbm>>) dst(%arg6 : memref<6400xi32, #tpu.memory_space<vmem>>)
    %dma_start3A_245 = arith.constant 0 : i32
    %dma_start3A_246 = tpu.memref_slice %arg4[%dma_start3A_245] : memref<102400xf32, #tpu.memory_space<vmem_shared>> -> memref<102400xf32, #tpu.memory_space<vmem_shared>>
    tpu.enqueue_indirect_dma source(%arg8 : memref<6400xf32, #tpu.memory_space<vmem>>) target(%dma_start3A_246 : memref<102400xf32, #tpu.memory_space<vmem_shared>>) offsets(%arg6 : memref<6400xi32, #tpu.memory_space<vmem>>) semaphore(%arg14 : memref<!tpu.dma_semaphore, #tpu.memory_space<semaphore_mem>>) {add = true}
    %dma_wait3A_247 = arith.constant 0 : i32
    %dma_wait3A_248 = tpu.memref_slice %arg4[%dma_wait3A_247] : memref<102400xf32, #tpu.memory_space<vmem_shared>> -> memref<102400xf32, #tpu.memory_space<vmem_shared>>
    tpu.wait_indirect_dma semaphore(%arg14 : memref<!tpu.dma_semaphore, #tpu.memory_space<semaphore_mem>>) src(%arg8 : memref<6400xf32, #tpu.memory_space<vmem>>) dst(%dma_wait3A_248 : memref<102400xf32, #tpu.memory_space<vmem_shared>>)
    %add3A_249 = arith.constant 13 : i32
    %add3A_250 = arith.addi %add3A_4, %add3A_249 : i32
    %mul3A_251 = arith.constant 6400 : i32
    %mul3A_252 = arith.muli %add3A_250, %mul3A_251 : i32
    %dma_start3A_253 = arith.constant 1 : i32
    %dma_start3A_254 = tpu.memref_slice %arg2[%dma_start3A_253, %mul3A_252] : memref<2x3200000xi32, #tpu.memory_space<hbm>> -> memref<1x6400xi32, #tpu.memory_space<hbm>>
    %dma_start3A_255 = tpu.memref_squeeze %dma_start3A_254 : memref<1x6400xi32, #tpu.memory_space<hbm>> -> memref<6400xi32, #tpu.memory_space<hbm>>
    %dma_start3A_256 = tpu.memref_slice %arg2[%dma_start3A_253, %mul3A_252] : memref<2x3200000xi32, #tpu.memory_space<hbm>> -> memref<1x6400xi32, #tpu.memory_space<hbm>>
    %dma_start3A_257 = tpu.memref_squeeze %dma_start3A_256 : memref<1x6400xi32, #tpu.memory_space<hbm>> -> memref<6400xi32, #tpu.memory_space<hbm>>
    tpu.enqueue_dma source(%dma_start3A_257 : memref<6400xi32, #tpu.memory_space<hbm>>) target(%arg6 : memref<6400xi32, #tpu.memory_space<vmem>>) target_semaphore(%arg11 : memref<!tpu.dma_semaphore, #tpu.memory_space<semaphore_mem>>)
    %dma_wait3A_258 = arith.constant 1 : i32
    %dma_wait3A_259 = arith.constant 0 : i32
    %dma_wait3A_260 = tpu.memref_slice %arg2[%dma_wait3A_258, %dma_wait3A_259] : memref<2x3200000xi32, #tpu.memory_space<hbm>> -> memref<1x6400xi32, #tpu.memory_space<hbm>>
    %dma_wait3A_261 = tpu.memref_squeeze %dma_wait3A_260 : memref<1x6400xi32, #tpu.memory_space<hbm>> -> memref<6400xi32, #tpu.memory_space<hbm>>
    %dma_wait3A_262 = arith.constant 0 : i32
    %dma_wait3A_263 = tpu.memref_slice %arg2[%dma_wait3A_258, %dma_wait3A_262] : memref<2x3200000xi32, #tpu.memory_space<hbm>> -> memref<1x6400xi32, #tpu.memory_space<hbm>>
    %dma_wait3A_264 = tpu.memref_squeeze %dma_wait3A_263 : memref<1x6400xi32, #tpu.memory_space<hbm>> -> memref<6400xi32, #tpu.memory_space<hbm>>
    tpu.wait_dma2 semaphore(%arg12 : memref<!tpu.dma_semaphore, #tpu.memory_space<semaphore_mem>>) src(%dma_wait3A_264 : memref<6400xi32, #tpu.memory_space<hbm>>) dst(%arg7 : memref<6400xi32, #tpu.memory_space<vmem>>)
    %dma_start3A_265 = arith.constant 0 : i32
    %dma_start3A_266 = tpu.memref_slice %arg4[%dma_start3A_265] : memref<102400xf32, #tpu.memory_space<vmem_shared>> -> memref<102400xf32, #tpu.memory_space<vmem_shared>>
    tpu.enqueue_indirect_dma source(%arg8 : memref<6400xf32, #tpu.memory_space<vmem>>) target(%dma_start3A_266 : memref<102400xf32, #tpu.memory_space<vmem_shared>>) offsets(%arg7 : memref<6400xi32, #tpu.memory_space<vmem>>) semaphore(%arg15 : memref<!tpu.dma_semaphore, #tpu.memory_space<semaphore_mem>>) {add = true}
    %dma_wait3A_267 = arith.constant 0 : i32
    %dma_wait3A_268 = tpu.memref_slice %arg4[%dma_wait3A_267] : memref<102400xf32, #tpu.memory_space<vmem_shared>> -> memref<102400xf32, #tpu.memory_space<vmem_shared>>
    tpu.wait_indirect_dma semaphore(%arg15 : memref<!tpu.dma_semaphore, #tpu.memory_space<semaphore_mem>>) src(%arg8 : memref<6400xf32, #tpu.memory_space<vmem>>) dst(%dma_wait3A_268 : memref<102400xf32, #tpu.memory_space<vmem_shared>>)
    %add3A_269 = arith.constant 14 : i32
    %add3A_270 = arith.addi %add3A_4, %add3A_269 : i32
    %mul3A_271 = arith.constant 6400 : i32
    %mul3A_272 = arith.muli %add3A_270, %mul3A_271 : i32
    %dma_start3A_273 = arith.constant 1 : i32
    %dma_start3A_274 = tpu.memref_slice %arg2[%dma_start3A_273, %mul3A_272] : memref<2x3200000xi32, #tpu.memory_space<hbm>> -> memref<1x6400xi32, #tpu.memory_space<hbm>>
    %dma_start3A_275 = tpu.memref_squeeze %dma_start3A_274 : memref<1x6400xi32, #tpu.memory_space<hbm>> -> memref<6400xi32, #tpu.memory_space<hbm>>
    %dma_start3A_276 = tpu.memref_slice %arg2[%dma_start3A_273, %mul3A_272] : memref<2x3200000xi32, #tpu.memory_space<hbm>> -> memref<1x6400xi32, #tpu.memory_space<hbm>>
    %dma_start3A_277 = tpu.memref_squeeze %dma_start3A_276 : memref<1x6400xi32, #tpu.memory_space<hbm>> -> memref<6400xi32, #tpu.memory_space<hbm>>
    tpu.enqueue_dma source(%dma_start3A_277 : memref<6400xi32, #tpu.memory_space<hbm>>) target(%arg7 : memref<6400xi32, #tpu.memory_space<vmem>>) target_semaphore(%arg12 : memref<!tpu.dma_semaphore, #tpu.memory_space<semaphore_mem>>)
    %dma_wait3A_278 = arith.constant 1 : i32
    %dma_wait3A_279 = arith.constant 0 : i32
    %dma_wait3A_280 = tpu.memref_slice %arg2[%dma_wait3A_278, %dma_wait3A_279] : memref<2x3200000xi32, #tpu.memory_space<hbm>> -> memref<1x6400xi32, #tpu.memory_space<hbm>>
    %dma_wait3A_281 = tpu.memref_squeeze %dma_wait3A_280 : memref<1x6400xi32, #tpu.memory_space<hbm>> -> memref<6400xi32, #tpu.memory_space<hbm>>
    %dma_wait3A_282 = arith.constant 0 : i32
    %dma_wait3A_283 = tpu.memref_slice %arg2[%dma_wait3A_278, %dma_wait3A_282] : memref<2x3200000xi32, #tpu.memory_space<hbm>> -> memref<1x6400xi32, #tpu.memory_space<hbm>>
    %dma_wait3A_284 = tpu.memref_squeeze %dma_wait3A_283 : memref<1x6400xi32, #tpu.memory_space<hbm>> -> memref<6400xi32, #tpu.memory_space<hbm>>
    tpu.wait_dma2 semaphore(%arg10 : memref<!tpu.dma_semaphore, #tpu.memory_space<semaphore_mem>>) src(%dma_wait3A_284 : memref<6400xi32, #tpu.memory_space<hbm>>) dst(%arg5 : memref<6400xi32, #tpu.memory_space<vmem>>)
    %dma_start3A_285 = arith.constant 0 : i32
    %dma_start3A_286 = tpu.memref_slice %arg4[%dma_start3A_285] : memref<102400xf32, #tpu.memory_space<vmem_shared>> -> memref<102400xf32, #tpu.memory_space<vmem_shared>>
    tpu.enqueue_indirect_dma source(%arg8 : memref<6400xf32, #tpu.memory_space<vmem>>) target(%dma_start3A_286 : memref<102400xf32, #tpu.memory_space<vmem_shared>>) offsets(%arg5 : memref<6400xi32, #tpu.memory_space<vmem>>) semaphore(%arg13 : memref<!tpu.dma_semaphore, #tpu.memory_space<semaphore_mem>>) {add = true}
    %convert_element_type3A = arith.extui %lt3A_5 : i1 to i32
    %cond3A = arith.constant 0 : i32
    %cond3A_287 = arith.cmpi ne, %convert_element_type3A, %cond3A : i32
    scf.if %cond3A_287 {
      %dma_wait3A_320 = arith.constant 0 : i32
      %dma_wait3A_321 = tpu.memref_slice %arg4[%dma_wait3A_320] : memref<102400xf32, #tpu.memory_space<vmem_shared>> -> memref<102400xf32, #tpu.memory_space<vmem_shared>>
      tpu.wait_indirect_dma semaphore(%arg13 : memref<!tpu.dma_semaphore, #tpu.memory_space<semaphore_mem>>) src(%arg8 : memref<6400xf32, #tpu.memory_space<vmem>>) dst(%dma_wait3A_321 : memref<102400xf32, #tpu.memory_space<vmem_shared>>)
      %add3A_322 = arith.constant 15 : i32
      %add3A_323 = arith.addi %add3A_4, %add3A_322 : i32
      %mul3A_324 = arith.constant 6400 : i32
      %mul3A_325 = arith.muli %add3A_323, %mul3A_324 : i32
      %dma_start3A_326 = arith.constant 1 : i32
      %dma_start3A_327 = tpu.memref_slice %arg2[%dma_start3A_326, %mul3A_325] : memref<2x3200000xi32, #tpu.memory_space<hbm>> -> memref<1x6400xi32, #tpu.memory_space<hbm>>
      %dma_start3A_328 = tpu.memref_squeeze %dma_start3A_327 : memref<1x6400xi32, #tpu.memory_space<hbm>> -> memref<6400xi32, #tpu.memory_space<hbm>>
      %dma_start3A_329 = tpu.memref_slice %arg2[%dma_start3A_326, %mul3A_325] : memref<2x3200000xi32, #tpu.memory_space<hbm>> -> memref<1x6400xi32, #tpu.memory_space<hbm>>
      %dma_start3A_330 = tpu.memref_squeeze %dma_start3A_329 : memref<1x6400xi32, #tpu.memory_space<hbm>> -> memref<6400xi32, #tpu.memory_space<hbm>>
      tpu.enqueue_dma source(%dma_start3A_330 : memref<6400xi32, #tpu.memory_space<hbm>>) target(%arg5 : memref<6400xi32, #tpu.memory_space<vmem>>) target_semaphore(%arg10 : memref<!tpu.dma_semaphore, #tpu.memory_space<semaphore_mem>>)
    } else {
    }
    %dma_wait3A_288 = arith.constant 1 : i32
    %dma_wait3A_289 = arith.constant 0 : i32
    %dma_wait3A_290 = tpu.memref_slice %arg2[%dma_wait3A_288, %dma_wait3A_289] : memref<2x3200000xi32, #tpu.memory_space<hbm>> -> memref<1x6400xi32, #tpu.memory_space<hbm>>
    %dma_wait3A_291 = tpu.memref_squeeze %dma_wait3A_290 : memref<1x6400xi32, #tpu.memory_space<hbm>> -> memref<6400xi32, #tpu.memory_space<hbm>>
    %dma_wait3A_292 = arith.constant 0 : i32
    %dma_wait3A_293 = tpu.memref_slice %arg2[%dma_wait3A_288, %dma_wait3A_292] : memref<2x3200000xi32, #tpu.memory_space<hbm>> -> memref<1x6400xi32, #tpu.memory_space<hbm>>
    %dma_wait3A_294 = tpu.memref_squeeze %dma_wait3A_293 : memref<1x6400xi32, #tpu.memory_space<hbm>> -> memref<6400xi32, #tpu.memory_space<hbm>>
    tpu.wait_dma2 semaphore(%arg11 : memref<!tpu.dma_semaphore, #tpu.memory_space<semaphore_mem>>) src(%dma_wait3A_294 : memref<6400xi32, #tpu.memory_space<hbm>>) dst(%arg6 : memref<6400xi32, #tpu.memory_space<vmem>>)
    %dma_start3A_295 = arith.constant 0 : i32
    %dma_start3A_296 = tpu.memref_slice %arg4[%dma_start3A_295] : memref<102400xf32, #tpu.memory_space<vmem_shared>> -> memref<102400xf32, #tpu.memory_space<vmem_shared>>
    tpu.enqueue_indirect_dma source(%arg8 : memref<6400xf32, #tpu.memory_space<vmem>>) target(%dma_start3A_296 : memref<102400xf32, #tpu.memory_space<vmem_shared>>) offsets(%arg6 : memref<6400xi32, #tpu.memory_space<vmem>>) semaphore(%arg14 : memref<!tpu.dma_semaphore, #tpu.memory_space<semaphore_mem>>) {add = true}
    %dma_wait3A_297 = arith.constant 1 : i32
    %dma_wait3A_298 = arith.constant 0 : i32
    %dma_wait3A_299 = tpu.memref_slice %arg2[%dma_wait3A_297, %dma_wait3A_298] : memref<2x3200000xi32, #tpu.memory_space<hbm>> -> memref<1x6400xi32, #tpu.memory_space<hbm>>
    %dma_wait3A_300 = tpu.memref_squeeze %dma_wait3A_299 : memref<1x6400xi32, #tpu.memory_space<hbm>> -> memref<6400xi32, #tpu.memory_space<hbm>>
    %dma_wait3A_301 = arith.constant 0 : i32
    %dma_wait3A_302 = tpu.memref_slice %arg2[%dma_wait3A_297, %dma_wait3A_301] : memref<2x3200000xi32, #tpu.memory_space<hbm>> -> memref<1x6400xi32, #tpu.memory_space<hbm>>
    %dma_wait3A_303 = tpu.memref_squeeze %dma_wait3A_302 : memref<1x6400xi32, #tpu.memory_space<hbm>> -> memref<6400xi32, #tpu.memory_space<hbm>>
    tpu.wait_dma2 semaphore(%arg12 : memref<!tpu.dma_semaphore, #tpu.memory_space<semaphore_mem>>) src(%dma_wait3A_303 : memref<6400xi32, #tpu.memory_space<hbm>>) dst(%arg7 : memref<6400xi32, #tpu.memory_space<vmem>>)
    %dma_start3A_304 = arith.constant 0 : i32
    %dma_start3A_305 = tpu.memref_slice %arg4[%dma_start3A_304] : memref<102400xf32, #tpu.memory_space<vmem_shared>> -> memref<102400xf32, #tpu.memory_space<vmem_shared>>
    tpu.enqueue_indirect_dma source(%arg8 : memref<6400xf32, #tpu.memory_space<vmem>>) target(%dma_start3A_305 : memref<102400xf32, #tpu.memory_space<vmem_shared>>) offsets(%arg7 : memref<6400xi32, #tpu.memory_space<vmem>>) semaphore(%arg15 : memref<!tpu.dma_semaphore, #tpu.memory_space<semaphore_mem>>) {add = true}
    %convert_element_type3A_306 = arith.extui %lt3A_5 : i1 to i32
    %cond3A_307 = arith.constant 0 : i32
    %cond3A_308 = arith.cmpi ne, %convert_element_type3A_306, %cond3A_307 : i32
    scf.if %cond3A_308 {
      %dma_wait3A_320 = arith.constant 1 : i32
      %dma_wait3A_321 = arith.constant 0 : i32
      %dma_wait3A_322 = tpu.memref_slice %arg2[%dma_wait3A_320, %dma_wait3A_321] : memref<2x3200000xi32, #tpu.memory_space<hbm>> -> memref<1x6400xi32, #tpu.memory_space<hbm>>
      %dma_wait3A_323 = tpu.memref_squeeze %dma_wait3A_322 : memref<1x6400xi32, #tpu.memory_space<hbm>> -> memref<6400xi32, #tpu.memory_space<hbm>>
      %dma_wait3A_324 = arith.constant 0 : i32
      %dma_wait3A_325 = tpu.memref_slice %arg2[%dma_wait3A_320, %dma_wait3A_324] : memref<2x3200000xi32, #tpu.memory_space<hbm>> -> memref<1x6400xi32, #tpu.memory_space<hbm>>
      %dma_wait3A_326 = tpu.memref_squeeze %dma_wait3A_325 : memref<1x6400xi32, #tpu.memory_space<hbm>> -> memref<6400xi32, #tpu.memory_space<hbm>>
      tpu.wait_dma2 semaphore(%arg10 : memref<!tpu.dma_semaphore, #tpu.memory_space<semaphore_mem>>) src(%dma_wait3A_326 : memref<6400xi32, #tpu.memory_space<hbm>>) dst(%arg5 : memref<6400xi32, #tpu.memory_space<vmem>>)
      %dma_start3A_327 = arith.constant 0 : i32
      %dma_start3A_328 = tpu.memref_slice %arg4[%dma_start3A_327] : memref<102400xf32, #tpu.memory_space<vmem_shared>> -> memref<102400xf32, #tpu.memory_space<vmem_shared>>
      tpu.enqueue_indirect_dma source(%arg8 : memref<6400xf32, #tpu.memory_space<vmem>>) target(%dma_start3A_328 : memref<102400xf32, #tpu.memory_space<vmem_shared>>) offsets(%arg5 : memref<6400xi32, #tpu.memory_space<vmem>>) semaphore(%arg13 : memref<!tpu.dma_semaphore, #tpu.memory_space<semaphore_mem>>) {add = true}
    } else {
    }
    %dma_wait3A_309 = arith.constant 0 : i32
    %dma_wait3A_310 = tpu.memref_slice %arg4[%dma_wait3A_309] : memref<102400xf32, #tpu.memory_space<vmem_shared>> -> memref<102400xf32, #tpu.memory_space<vmem_shared>>
    tpu.wait_indirect_dma semaphore(%arg13 : memref<!tpu.dma_semaphore, #tpu.memory_space<semaphore_mem>>) src(%arg8 : memref<6400xf32, #tpu.memory_space<vmem>>) dst(%dma_wait3A_310 : memref<102400xf32, #tpu.memory_space<vmem_shared>>)
    %dma_wait3A_311 = arith.constant 0 : i32
    %dma_wait3A_312 = tpu.memref_slice %arg4[%dma_wait3A_311] : memref<102400xf32, #tpu.memory_space<vmem_shared>> -> memref<102400xf32, #tpu.memory_space<vmem_shared>>
    tpu.wait_indirect_dma semaphore(%arg14 : memref<!tpu.dma_semaphore, #tpu.memory_space<semaphore_mem>>) src(%arg8 : memref<6400xf32, #tpu.memory_space<vmem>>) dst(%dma_wait3A_312 : memref<102400xf32, #tpu.memory_space<vmem_shared>>)
    %dma_wait3A_313 = arith.constant 0 : i32
    %dma_wait3A_314 = tpu.memref_slice %arg4[%dma_wait3A_313] : memref<102400xf32, #tpu.memory_space<vmem_shared>> -> memref<102400xf32, #tpu.memory_space<vmem_shared>>
    tpu.wait_indirect_dma semaphore(%arg15 : memref<!tpu.dma_semaphore, #tpu.memory_space<semaphore_mem>>) src(%arg8 : memref<6400xf32, #tpu.memory_space<vmem>>) dst(%dma_wait3A_314 : memref<102400xf32, #tpu.memory_space<vmem_shared>>)
    %barrier3A_315 = arith.constant 0 : index
    tpu.barrier barrier_id(%barrier3A_315)
    %mul3A_316 = arith.constant 6400 : i32
    %mul3A_317 = arith.muli %arg1, %mul3A_316 : i32
    %mul3A_318 = arith.constant 6400 : i32
    %mul3A_319 = arith.muli %arg1, %mul3A_318 : i32
    "tpu.region"() ({
      %run_scoped3A = tpu.sem_alloc : memref<!tpu.dma_semaphore, #tpu.memory_space<semaphore_mem>>
      %dma_start3A_320 = tpu.memref_slice %arg3[%arg0, %mul3A_319] : memref<2x102400xf32, #tpu.memory_space<hbm>> -> memref<1x6400xf32, #tpu.memory_space<hbm>>
      %dma_start3A_321 = tpu.memref_squeeze %dma_start3A_320 : memref<1x6400xf32, #tpu.memory_space<hbm>> -> memref<6400xf32, #tpu.memory_space<hbm>>
      %dma_start3A_322 = tpu.memref_slice %arg4[%mul3A_317] : memref<102400xf32, #tpu.memory_space<vmem_shared>> -> memref<6400xf32, #tpu.memory_space<vmem_shared>>
      tpu.enqueue_dma source(%dma_start3A_322 : memref<6400xf32, #tpu.memory_space<vmem_shared>>) target(%dma_start3A_321 : memref<6400xf32, #tpu.memory_space<hbm>>) target_semaphore(%run_scoped3A : memref<!tpu.dma_semaphore, #tpu.memory_space<semaphore_mem>>)
      %dma_wait3A_323 = tpu.memref_slice %arg3[%arg0, %mul3A_319] : memref<2x102400xf32, #tpu.memory_space<hbm>> -> memref<1x6400xf32, #tpu.memory_space<hbm>>
      %dma_wait3A_324 = tpu.memref_squeeze %dma_wait3A_323 : memref<1x6400xf32, #tpu.memory_space<hbm>> -> memref<6400xf32, #tpu.memory_space<hbm>>
      %dma_wait3A_325 = tpu.memref_slice %arg4[%mul3A_317] : memref<102400xf32, #tpu.memory_space<vmem_shared>> -> memref<6400xf32, #tpu.memory_space<vmem_shared>>
      tpu.wait_dma2 semaphore(%run_scoped3A : memref<!tpu.dma_semaphore, #tpu.memory_space<semaphore_mem>>) src(%dma_wait3A_325 : memref<6400xf32, #tpu.memory_space<vmem_shared>>) dst(%dma_wait3A_324 : memref<6400xf32, #tpu.memory_space<hbm>>)
      tpu.yield
    }) : () -> ()
    return
  }
}

#map = affine_map<(d0, d1) -> (0, 0)>
#map1 = affine_map<(d0, d1) -> (0)>
module attributes {stable_mosaic.version = 14 : i64} {
  func.func @_scatter_kernel(%arg0: i32, %arg1: i32, %arg2: memref<2x3200000xi32, #tpu.memory_space<hbm>>, %arg3: memref<102400xf32, #tpu.memory_space<hbm>>, %arg4: memref<2x1024000xf32, #tpu.memory_space<hbm>>, %arg5: memref<1024000xf32, #tpu.memory_space<vmem_shared>>, %arg6: memref<102400xf32, #tpu.memory_space<vmem_shared>>, %arg7: memref<6400xi32, #tpu.memory_space<vmem>>, %arg8: memref<6400xi32, #tpu.memory_space<vmem>>, %arg9: memref<6400xi32, #tpu.memory_space<vmem>>, %arg10: memref<6400xi32, #tpu.memory_space<vmem>>, %arg11: memref<6400xi32, #tpu.memory_space<vmem>>, %arg12: memref<6400xi32, #tpu.memory_space<vmem>>, %arg13: memref<6400xf32, #tpu.memory_space<vmem>>, %arg14: memref<6400xf32, #tpu.memory_space<vmem>>, %arg15: memref<4000xf32, #tpu.memory_space<vmem>>, %arg16: memref<!tpu.dma_semaphore, #tpu.memory_space<semaphore_mem>>, %arg17: memref<!tpu.dma_semaphore, #tpu.memory_space<semaphore_mem>>, %arg18: memref<!tpu.dma_semaphore, #tpu.memory_space<semaphore_mem>>, %arg19: memref<!tpu.dma_semaphore, #tpu.memory_space<semaphore_mem>>, %arg20: memref<!tpu.dma_semaphore, #tpu.memory_space<semaphore_mem>>, %arg21: memref<!tpu.dma_semaphore, #tpu.memory_space<semaphore_mem>>) attributes {dimension_semantics = [#tpu.dimension_semantics<core_parallel>, #tpu.dimension_semantics<subcore_parallel>], iteration_bounds = array<i64: 2, 16>, scalar_prefetch = 0 : i64, scratch_operands = 17 : i64, tpu.core_type = #tpu.core_type<sc_vector_subcore>, window_params = [{transform_indices = #map}, {transform_indices = #map1}, {transform_indices = #map}]} {
    %mul3A = arith.constant 2 : i32
    %mul3A_0 = arith.muli %arg1, %mul3A : i32
    %add3A = arith.addi %mul3A_0, %arg0 : i32
    %mul3A_1 = arith.constant 15 : i32
    %mul3A_2 = arith.muli %add3A, %mul3A_1 : i32
    %min3A = arith.constant 20 : i32
    %min3A_3 = arith.minsi %add3A, %min3A : i32
    %add3A_4 = arith.addi %mul3A_2, %min3A_3 : i32
    %lt3A = arith.constant 20 : i32
    %lt3A_5 = arith.cmpi slt, %add3A, %lt3A : i32
    %mul3A_6 = arith.constant 6400 : i32
    %mul3A_7 = arith.muli %arg1, %mul3A_6 : i32
    %mul3A_8 = arith.constant 6400 : i32
    %mul3A_9 = arith.muli %arg1, %mul3A_8 : i32
    "tpu.region"() ({
      %run_scoped3A = tpu.sem_alloc : memref<!tpu.dma_semaphore, #tpu.memory_space<semaphore_mem>>
      %dma_start3A_608 = tpu.memref_slice %arg6[%mul3A_9] : memref<102400xf32, #tpu.memory_space<vmem_shared>> -> memref<6400xf32, #tpu.memory_space<vmem_shared>>
      %dma_start3A_609 = tpu.memref_slice %arg3[%mul3A_7] : memref<102400xf32, #tpu.memory_space<hbm>> -> memref<6400xf32, #tpu.memory_space<hbm>>
      tpu.enqueue_dma source(%dma_start3A_609 : memref<6400xf32, #tpu.memory_space<hbm>>) target(%dma_start3A_608 : memref<6400xf32, #tpu.memory_space<vmem_shared>>) target_semaphore(%run_scoped3A : memref<!tpu.dma_semaphore, #tpu.memory_space<semaphore_mem>>)
      %dma_wait3A_610 = tpu.memref_slice %arg6[%mul3A_9] : memref<102400xf32, #tpu.memory_space<vmem_shared>> -> memref<6400xf32, #tpu.memory_space<vmem_shared>>
      %dma_wait3A_611 = tpu.memref_slice %arg3[%mul3A_7] : memref<102400xf32, #tpu.memory_space<hbm>> -> memref<6400xf32, #tpu.memory_space<hbm>>
      tpu.wait_dma2 semaphore(%run_scoped3A : memref<!tpu.dma_semaphore, #tpu.memory_space<semaphore_mem>>) src(%dma_wait3A_611 : memref<6400xf32, #tpu.memory_space<hbm>>) dst(%dma_wait3A_610 : memref<6400xf32, #tpu.memory_space<vmem_shared>>)
      tpu.yield
    }) : () -> ()
    %parallel_loop3A = arith.constant 0 : i32
    %parallel_loop3A_10 = arith.constant 4000 : i32
    %parallel_loop3A_11 = arith.constant 16 : i32
    scf.for %parallel_loop3A_608 = %parallel_loop3A to %parallel_loop3A_10 step %parallel_loop3A_11  : i32 {
      %parallel_loop3A_609 = arith.constant 0.000000e+00 : f32
      %parallel_loop3A_610 = vector.broadcast %parallel_loop3A_609 : f32 to vector<16xf32>
      %parallel_loop3A_611 = arith.index_cast %parallel_loop3A_608 : i32 to index
      %parallel_loop3A_612 = tpu.vector_load %arg15[%parallel_loop3A_611] {strides = array<i32>} : memref<4000xf32, #tpu.memory_space<vmem>>, vector<16xf32>,
      tpu.vector_store %arg15[%parallel_loop3A_611], %parallel_loop3A_610 {strides = array<i32>} : memref<4000xf32, #tpu.memory_space<vmem>>, vector<16xf32>,
    } {sc.loop_unroll_factor = 4 : i64, sc.parallel_access}
    %mul3A_12 = arith.constant 64000 : i32
    %mul3A_13 = arith.muli %arg1, %mul3A_12 : i32
    %add3A_14 = arith.constant 0 : i32
    %add3A_15 = arith.addi %mul3A_13, %add3A_14 : i32
    "tpu.region"() ({
      %run_scoped3A = tpu.sem_alloc : memref<!tpu.dma_semaphore, #tpu.memory_space<semaphore_mem>>
      %dma_start3A_608 = tpu.memref_slice %arg5[%add3A_15] : memref<1024000xf32, #tpu.memory_space<vmem_shared>> -> memref<4000xf32, #tpu.memory_space<vmem_shared>>
      %dma_start3A_609 = tpu.memref_slice %arg5[%add3A_15] : memref<1024000xf32, #tpu.memory_space<vmem_shared>> -> memref<4000xf32, #tpu.memory_space<vmem_shared>>
      tpu.enqueue_dma source(%arg15 : memref<4000xf32, #tpu.memory_space<vmem>>) target(%dma_start3A_609 : memref<4000xf32, #tpu.memory_space<vmem_shared>>) target_semaphore(%run_scoped3A : memref<!tpu.dma_semaphore, #tpu.memory_space<semaphore_mem>>)
      %dma_wait3A_610 = tpu.memref_slice %arg5[%add3A_15] : memref<1024000xf32, #tpu.memory_space<vmem_shared>> -> memref<4000xf32, #tpu.memory_space<vmem_shared>>
      %dma_wait3A_611 = tpu.memref_slice %arg5[%add3A_15] : memref<1024000xf32, #tpu.memory_space<vmem_shared>> -> memref<4000xf32, #tpu.memory_space<vmem_shared>>
      tpu.wait_dma2 semaphore(%run_scoped3A : memref<!tpu.dma_semaphore, #tpu.memory_space<semaphore_mem>>) src(%arg15 : memref<4000xf32, #tpu.memory_space<vmem>>) dst(%dma_wait3A_611 : memref<4000xf32, #tpu.memory_space<vmem_shared>>)
      tpu.yield
    }) : () -> ()
    %mul3A_16 = arith.constant 64000 : i32
    %mul3A_17 = arith.muli %arg1, %mul3A_16 : i32
    %add3A_18 = arith.constant 4000 : i32
    %add3A_19 = arith.addi %mul3A_17, %add3A_18 : i32
    "tpu.region"() ({
      %run_scoped3A = tpu.sem_alloc : memref<!tpu.dma_semaphore, #tpu.memory_space<semaphore_mem>>
      %dma_start3A_608 = tpu.memref_slice %arg5[%add3A_19] : memref<1024000xf32, #tpu.memory_space<vmem_shared>> -> memref<4000xf32, #tpu.memory_space<vmem_shared>>
      %dma_start3A_609 = tpu.memref_slice %arg5[%add3A_19] : memref<1024000xf32, #tpu.memory_space<vmem_shared>> -> memref<4000xf32, #tpu.memory_space<vmem_shared>>
      tpu.enqueue_dma source(%arg15 : memref<4000xf32, #tpu.memory_space<vmem>>) target(%dma_start3A_609 : memref<4000xf32, #tpu.memory_space<vmem_shared>>) target_semaphore(%run_scoped3A : memref<!tpu.dma_semaphore, #tpu.memory_space<semaphore_mem>>)
      %dma_wait3A_610 = tpu.memref_slice %arg5[%add3A_19] : memref<1024000xf32, #tpu.memory_space<vmem_shared>> -> memref<4000xf32, #tpu.memory_space<vmem_shared>>
      %dma_wait3A_611 = tpu.memref_slice %arg5[%add3A_19] : memref<1024000xf32, #tpu.memory_space<vmem_shared>> -> memref<4000xf32, #tpu.memory_space<vmem_shared>>
      tpu.wait_dma2 semaphore(%run_scoped3A : memref<!tpu.dma_semaphore, #tpu.memory_space<semaphore_mem>>) src(%arg15 : memref<4000xf32, #tpu.memory_space<vmem>>) dst(%dma_wait3A_611 : memref<4000xf32, #tpu.memory_space<vmem_shared>>)
      tpu.yield
    }) : () -> ()
    %mul3A_20 = arith.constant 64000 : i32
    %mul3A_21 = arith.muli %arg1, %mul3A_20 : i32
    %add3A_22 = arith.constant 8000 : i32
    %add3A_23 = arith.addi %mul3A_21, %add3A_22 : i32
    "tpu.region"() ({
      %run_scoped3A = tpu.sem_alloc : memref<!tpu.dma_semaphore, #tpu.memory_space<semaphore_mem>>
      %dma_start3A_608 = tpu.memref_slice %arg5[%add3A_23] : memref<1024000xf32, #tpu.memory_space<vmem_shared>> -> memref<4000xf32, #tpu.memory_space<vmem_shared>>
      %dma_start3A_609 = tpu.memref_slice %arg5[%add3A_23] : memref<1024000xf32, #tpu.memory_space<vmem_shared>> -> memref<4000xf32, #tpu.memory_space<vmem_shared>>
      tpu.enqueue_dma source(%arg15 : memref<4000xf32, #tpu.memory_space<vmem>>) target(%dma_start3A_609 : memref<4000xf32, #tpu.memory_space<vmem_shared>>) target_semaphore(%run_scoped3A : memref<!tpu.dma_semaphore, #tpu.memory_space<semaphore_mem>>)
      %dma_wait3A_610 = tpu.memref_slice %arg5[%add3A_23] : memref<1024000xf32, #tpu.memory_space<vmem_shared>> -> memref<4000xf32, #tpu.memory_space<vmem_shared>>
      %dma_wait3A_611 = tpu.memref_slice %arg5[%add3A_23] : memref<1024000xf32, #tpu.memory_space<vmem_shared>> -> memref<4000xf32, #tpu.memory_space<vmem_shared>>
      tpu.wait_dma2 semaphore(%run_scoped3A : memref<!tpu.dma_semaphore, #tpu.memory_space<semaphore_mem>>) src(%arg15 : memref<4000xf32, #tpu.memory_space<vmem>>) dst(%dma_wait3A_611 : memref<4000xf32, #tpu.memory_space<vmem_shared>>)
      tpu.yield
    }) : () -> ()
    %mul3A_24 = arith.constant 64000 : i32
    %mul3A_25 = arith.muli %arg1, %mul3A_24 : i32
    %add3A_26 = arith.constant 12000 : i32
    %add3A_27 = arith.addi %mul3A_25, %add3A_26 : i32
    "tpu.region"() ({
      %run_scoped3A = tpu.sem_alloc : memref<!tpu.dma_semaphore, #tpu.memory_space<semaphore_mem>>
      %dma_start3A_608 = tpu.memref_slice %arg5[%add3A_27] : memref<1024000xf32, #tpu.memory_space<vmem_shared>> -> memref<4000xf32, #tpu.memory_space<vmem_shared>>
      %dma_start3A_609 = tpu.memref_slice %arg5[%add3A_27] : memref<1024000xf32, #tpu.memory_space<vmem_shared>> -> memref<4000xf32, #tpu.memory_space<vmem_shared>>
      tpu.enqueue_dma source(%arg15 : memref<4000xf32, #tpu.memory_space<vmem>>) target(%dma_start3A_609 : memref<4000xf32, #tpu.memory_space<vmem_shared>>) target_semaphore(%run_scoped3A : memref<!tpu.dma_semaphore, #tpu.memory_space<semaphore_mem>>)
      %dma_wait3A_610 = tpu.memref_slice %arg5[%add3A_27] : memref<1024000xf32, #tpu.memory_space<vmem_shared>> -> memref<4000xf32, #tpu.memory_space<vmem_shared>>
      %dma_wait3A_611 = tpu.memref_slice %arg5[%add3A_27] : memref<1024000xf32, #tpu.memory_space<vmem_shared>> -> memref<4000xf32, #tpu.memory_space<vmem_shared>>
      tpu.wait_dma2 semaphore(%run_scoped3A : memref<!tpu.dma_semaphore, #tpu.memory_space<semaphore_mem>>) src(%arg15 : memref<4000xf32, #tpu.memory_space<vmem>>) dst(%dma_wait3A_611 : memref<4000xf32, #tpu.memory_space<vmem_shared>>)
      tpu.yield
    }) : () -> ()
    %mul3A_28 = arith.constant 64000 : i32
    %mul3A_29 = arith.muli %arg1, %mul3A_28 : i32
    %add3A_30 = arith.constant 16000 : i32
    %add3A_31 = arith.addi %mul3A_29, %add3A_30 : i32
    "tpu.region"() ({
      %run_scoped3A = tpu.sem_alloc : memref<!tpu.dma_semaphore, #tpu.memory_space<semaphore_mem>>
      %dma_start3A_608 = tpu.memref_slice %arg5[%add3A_31] : memref<1024000xf32, #tpu.memory_space<vmem_shared>> -> memref<4000xf32, #tpu.memory_space<vmem_shared>>
      %dma_start3A_609 = tpu.memref_slice %arg5[%add3A_31] : memref<1024000xf32, #tpu.memory_space<vmem_shared>> -> memref<4000xf32, #tpu.memory_space<vmem_shared>>
      tpu.enqueue_dma source(%arg15 : memref<4000xf32, #tpu.memory_space<vmem>>) target(%dma_start3A_609 : memref<4000xf32, #tpu.memory_space<vmem_shared>>) target_semaphore(%run_scoped3A : memref<!tpu.dma_semaphore, #tpu.memory_space<semaphore_mem>>)
      %dma_wait3A_610 = tpu.memref_slice %arg5[%add3A_31] : memref<1024000xf32, #tpu.memory_space<vmem_shared>> -> memref<4000xf32, #tpu.memory_space<vmem_shared>>
      %dma_wait3A_611 = tpu.memref_slice %arg5[%add3A_31] : memref<1024000xf32, #tpu.memory_space<vmem_shared>> -> memref<4000xf32, #tpu.memory_space<vmem_shared>>
      tpu.wait_dma2 semaphore(%run_scoped3A : memref<!tpu.dma_semaphore, #tpu.memory_space<semaphore_mem>>) src(%arg15 : memref<4000xf32, #tpu.memory_space<vmem>>) dst(%dma_wait3A_611 : memref<4000xf32, #tpu.memory_space<vmem_shared>>)
      tpu.yield
    }) : () -> ()
    %mul3A_32 = arith.constant 64000 : i32
    %mul3A_33 = arith.muli %arg1, %mul3A_32 : i32
    %add3A_34 = arith.constant 20000 : i32
    %add3A_35 = arith.addi %mul3A_33, %add3A_34 : i32
    "tpu.region"() ({
      %run_scoped3A = tpu.sem_alloc : memref<!tpu.dma_semaphore, #tpu.memory_space<semaphore_mem>>
      %dma_start3A_608 = tpu.memref_slice %arg5[%add3A_35] : memref<1024000xf32, #tpu.memory_space<vmem_shared>> -> memref<4000xf32, #tpu.memory_space<vmem_shared>>
      %dma_start3A_609 = tpu.memref_slice %arg5[%add3A_35] : memref<1024000xf32, #tpu.memory_space<vmem_shared>> -> memref<4000xf32, #tpu.memory_space<vmem_shared>>
      tpu.enqueue_dma source(%arg15 : memref<4000xf32, #tpu.memory_space<vmem>>) target(%dma_start3A_609 : memref<4000xf32, #tpu.memory_space<vmem_shared>>) target_semaphore(%run_scoped3A : memref<!tpu.dma_semaphore, #tpu.memory_space<semaphore_mem>>)
      %dma_wait3A_610 = tpu.memref_slice %arg5[%add3A_35] : memref<1024000xf32, #tpu.memory_space<vmem_shared>> -> memref<4000xf32, #tpu.memory_space<vmem_shared>>
      %dma_wait3A_611 = tpu.memref_slice %arg5[%add3A_35] : memref<1024000xf32, #tpu.memory_space<vmem_shared>> -> memref<4000xf32, #tpu.memory_space<vmem_shared>>
      tpu.wait_dma2 semaphore(%run_scoped3A : memref<!tpu.dma_semaphore, #tpu.memory_space<semaphore_mem>>) src(%arg15 : memref<4000xf32, #tpu.memory_space<vmem>>) dst(%dma_wait3A_611 : memref<4000xf32, #tpu.memory_space<vmem_shared>>)
      tpu.yield
    }) : () -> ()
    %mul3A_36 = arith.constant 64000 : i32
    %mul3A_37 = arith.muli %arg1, %mul3A_36 : i32
    %add3A_38 = arith.constant 24000 : i32
    %add3A_39 = arith.addi %mul3A_37, %add3A_38 : i32
    "tpu.region"() ({
      %run_scoped3A = tpu.sem_alloc : memref<!tpu.dma_semaphore, #tpu.memory_space<semaphore_mem>>
      %dma_start3A_608 = tpu.memref_slice %arg5[%add3A_39] : memref<1024000xf32, #tpu.memory_space<vmem_shared>> -> memref<4000xf32, #tpu.memory_space<vmem_shared>>
      %dma_start3A_609 = tpu.memref_slice %arg5[%add3A_39] : memref<1024000xf32, #tpu.memory_space<vmem_shared>> -> memref<4000xf32, #tpu.memory_space<vmem_shared>>
      tpu.enqueue_dma source(%arg15 : memref<4000xf32, #tpu.memory_space<vmem>>) target(%dma_start3A_609 : memref<4000xf32, #tpu.memory_space<vmem_shared>>) target_semaphore(%run_scoped3A : memref<!tpu.dma_semaphore, #tpu.memory_space<semaphore_mem>>)
      %dma_wait3A_610 = tpu.memref_slice %arg5[%add3A_39] : memref<1024000xf32, #tpu.memory_space<vmem_shared>> -> memref<4000xf32, #tpu.memory_space<vmem_shared>>
      %dma_wait3A_611 = tpu.memref_slice %arg5[%add3A_39] : memref<1024000xf32, #tpu.memory_space<vmem_shared>> -> memref<4000xf32, #tpu.memory_space<vmem_shared>>
      tpu.wait_dma2 semaphore(%run_scoped3A : memref<!tpu.dma_semaphore, #tpu.memory_space<semaphore_mem>>) src(%arg15 : memref<4000xf32, #tpu.memory_space<vmem>>) dst(%dma_wait3A_611 : memref<4000xf32, #tpu.memory_space<vmem_shared>>)
      tpu.yield
    }) : () -> ()
    %mul3A_40 = arith.constant 64000 : i32
    %mul3A_41 = arith.muli %arg1, %mul3A_40 : i32
    %add3A_42 = arith.constant 28000 : i32
    %add3A_43 = arith.addi %mul3A_41, %add3A_42 : i32
    "tpu.region"() ({
      %run_scoped3A = tpu.sem_alloc : memref<!tpu.dma_semaphore, #tpu.memory_space<semaphore_mem>>
      %dma_start3A_608 = tpu.memref_slice %arg5[%add3A_43] : memref<1024000xf32, #tpu.memory_space<vmem_shared>> -> memref<4000xf32, #tpu.memory_space<vmem_shared>>
      %dma_start3A_609 = tpu.memref_slice %arg5[%add3A_43] : memref<1024000xf32, #tpu.memory_space<vmem_shared>> -> memref<4000xf32, #tpu.memory_space<vmem_shared>>
      tpu.enqueue_dma source(%arg15 : memref<4000xf32, #tpu.memory_space<vmem>>) target(%dma_start3A_609 : memref<4000xf32, #tpu.memory_space<vmem_shared>>) target_semaphore(%run_scoped3A : memref<!tpu.dma_semaphore, #tpu.memory_space<semaphore_mem>>)
      %dma_wait3A_610 = tpu.memref_slice %arg5[%add3A_43] : memref<1024000xf32, #tpu.memory_space<vmem_shared>> -> memref<4000xf32, #tpu.memory_space<vmem_shared>>
      %dma_wait3A_611 = tpu.memref_slice %arg5[%add3A_43] : memref<1024000xf32, #tpu.memory_space<vmem_shared>> -> memref<4000xf32, #tpu.memory_space<vmem_shared>>
      tpu.wait_dma2 semaphore(%run_scoped3A : memref<!tpu.dma_semaphore, #tpu.memory_space<semaphore_mem>>) src(%arg15 : memref<4000xf32, #tpu.memory_space<vmem>>) dst(%dma_wait3A_611 : memref<4000xf32, #tpu.memory_space<vmem_shared>>)
      tpu.yield
    }) : () -> ()
    %mul3A_44 = arith.constant 64000 : i32
    %mul3A_45 = arith.muli %arg1, %mul3A_44 : i32
    %add3A_46 = arith.constant 32000 : i32
    %add3A_47 = arith.addi %mul3A_45, %add3A_46 : i32
    "tpu.region"() ({
      %run_scoped3A = tpu.sem_alloc : memref<!tpu.dma_semaphore, #tpu.memory_space<semaphore_mem>>
      %dma_start3A_608 = tpu.memref_slice %arg5[%add3A_47] : memref<1024000xf32, #tpu.memory_space<vmem_shared>> -> memref<4000xf32, #tpu.memory_space<vmem_shared>>
      %dma_start3A_609 = tpu.memref_slice %arg5[%add3A_47] : memref<1024000xf32, #tpu.memory_space<vmem_shared>> -> memref<4000xf32, #tpu.memory_space<vmem_shared>>
      tpu.enqueue_dma source(%arg15 : memref<4000xf32, #tpu.memory_space<vmem>>) target(%dma_start3A_609 : memref<4000xf32, #tpu.memory_space<vmem_shared>>) target_semaphore(%run_scoped3A : memref<!tpu.dma_semaphore, #tpu.memory_space<semaphore_mem>>)
      %dma_wait3A_610 = tpu.memref_slice %arg5[%add3A_47] : memref<1024000xf32, #tpu.memory_space<vmem_shared>> -> memref<4000xf32, #tpu.memory_space<vmem_shared>>
      %dma_wait3A_611 = tpu.memref_slice %arg5[%add3A_47] : memref<1024000xf32, #tpu.memory_space<vmem_shared>> -> memref<4000xf32, #tpu.memory_space<vmem_shared>>
      tpu.wait_dma2 semaphore(%run_scoped3A : memref<!tpu.dma_semaphore, #tpu.memory_space<semaphore_mem>>) src(%arg15 : memref<4000xf32, #tpu.memory_space<vmem>>) dst(%dma_wait3A_611 : memref<4000xf32, #tpu.memory_space<vmem_shared>>)
      tpu.yield
    }) : () -> ()
    %mul3A_48 = arith.constant 64000 : i32
    %mul3A_49 = arith.muli %arg1, %mul3A_48 : i32
    %add3A_50 = arith.constant 36000 : i32
    %add3A_51 = arith.addi %mul3A_49, %add3A_50 : i32
    "tpu.region"() ({
      %run_scoped3A = tpu.sem_alloc : memref<!tpu.dma_semaphore, #tpu.memory_space<semaphore_mem>>
      %dma_start3A_608 = tpu.memref_slice %arg5[%add3A_51] : memref<1024000xf32, #tpu.memory_space<vmem_shared>> -> memref<4000xf32, #tpu.memory_space<vmem_shared>>
      %dma_start3A_609 = tpu.memref_slice %arg5[%add3A_51] : memref<1024000xf32, #tpu.memory_space<vmem_shared>> -> memref<4000xf32, #tpu.memory_space<vmem_shared>>
      tpu.enqueue_dma source(%arg15 : memref<4000xf32, #tpu.memory_space<vmem>>) target(%dma_start3A_609 : memref<4000xf32, #tpu.memory_space<vmem_shared>>) target_semaphore(%run_scoped3A : memref<!tpu.dma_semaphore, #tpu.memory_space<semaphore_mem>>)
      %dma_wait3A_610 = tpu.memref_slice %arg5[%add3A_51] : memref<1024000xf32, #tpu.memory_space<vmem_shared>> -> memref<4000xf32, #tpu.memory_space<vmem_shared>>
      %dma_wait3A_611 = tpu.memref_slice %arg5[%add3A_51] : memref<1024000xf32, #tpu.memory_space<vmem_shared>> -> memref<4000xf32, #tpu.memory_space<vmem_shared>>
      tpu.wait_dma2 semaphore(%run_scoped3A : memref<!tpu.dma_semaphore, #tpu.memory_space<semaphore_mem>>) src(%arg15 : memref<4000xf32, #tpu.memory_space<vmem>>) dst(%dma_wait3A_611 : memref<4000xf32, #tpu.memory_space<vmem_shared>>)
      tpu.yield
    }) : () -> ()
    %mul3A_52 = arith.constant 64000 : i32
    %mul3A_53 = arith.muli %arg1, %mul3A_52 : i32
    %add3A_54 = arith.constant 40000 : i32
    %add3A_55 = arith.addi %mul3A_53, %add3A_54 : i32
    "tpu.region"() ({
      %run_scoped3A = tpu.sem_alloc : memref<!tpu.dma_semaphore, #tpu.memory_space<semaphore_mem>>
      %dma_start3A_608 = tpu.memref_slice %arg5[%add3A_55] : memref<1024000xf32, #tpu.memory_space<vmem_shared>> -> memref<4000xf32, #tpu.memory_space<vmem_shared>>
      %dma_start3A_609 = tpu.memref_slice %arg5[%add3A_55] : memref<1024000xf32, #tpu.memory_space<vmem_shared>> -> memref<4000xf32, #tpu.memory_space<vmem_shared>>
      tpu.enqueue_dma source(%arg15 : memref<4000xf32, #tpu.memory_space<vmem>>) target(%dma_start3A_609 : memref<4000xf32, #tpu.memory_space<vmem_shared>>) target_semaphore(%run_scoped3A : memref<!tpu.dma_semaphore, #tpu.memory_space<semaphore_mem>>)
      %dma_wait3A_610 = tpu.memref_slice %arg5[%add3A_55] : memref<1024000xf32, #tpu.memory_space<vmem_shared>> -> memref<4000xf32, #tpu.memory_space<vmem_shared>>
      %dma_wait3A_611 = tpu.memref_slice %arg5[%add3A_55] : memref<1024000xf32, #tpu.memory_space<vmem_shared>> -> memref<4000xf32, #tpu.memory_space<vmem_shared>>
      tpu.wait_dma2 semaphore(%run_scoped3A : memref<!tpu.dma_semaphore, #tpu.memory_space<semaphore_mem>>) src(%arg15 : memref<4000xf32, #tpu.memory_space<vmem>>) dst(%dma_wait3A_611 : memref<4000xf32, #tpu.memory_space<vmem_shared>>)
      tpu.yield
    }) : () -> ()
    %mul3A_56 = arith.constant 64000 : i32
    %mul3A_57 = arith.muli %arg1, %mul3A_56 : i32
    %add3A_58 = arith.constant 44000 : i32
    %add3A_59 = arith.addi %mul3A_57, %add3A_58 : i32
    "tpu.region"() ({
      %run_scoped3A = tpu.sem_alloc : memref<!tpu.dma_semaphore, #tpu.memory_space<semaphore_mem>>
      %dma_start3A_608 = tpu.memref_slice %arg5[%add3A_59] : memref<1024000xf32, #tpu.memory_space<vmem_shared>> -> memref<4000xf32, #tpu.memory_space<vmem_shared>>
      %dma_start3A_609 = tpu.memref_slice %arg5[%add3A_59] : memref<1024000xf32, #tpu.memory_space<vmem_shared>> -> memref<4000xf32, #tpu.memory_space<vmem_shared>>
      tpu.enqueue_dma source(%arg15 : memref<4000xf32, #tpu.memory_space<vmem>>) target(%dma_start3A_609 : memref<4000xf32, #tpu.memory_space<vmem_shared>>) target_semaphore(%run_scoped3A : memref<!tpu.dma_semaphore, #tpu.memory_space<semaphore_mem>>)
      %dma_wait3A_610 = tpu.memref_slice %arg5[%add3A_59] : memref<1024000xf32, #tpu.memory_space<vmem_shared>> -> memref<4000xf32, #tpu.memory_space<vmem_shared>>
      %dma_wait3A_611 = tpu.memref_slice %arg5[%add3A_59] : memref<1024000xf32, #tpu.memory_space<vmem_shared>> -> memref<4000xf32, #tpu.memory_space<vmem_shared>>
      tpu.wait_dma2 semaphore(%run_scoped3A : memref<!tpu.dma_semaphore, #tpu.memory_space<semaphore_mem>>) src(%arg15 : memref<4000xf32, #tpu.memory_space<vmem>>) dst(%dma_wait3A_611 : memref<4000xf32, #tpu.memory_space<vmem_shared>>)
      tpu.yield
    }) : () -> ()
    %mul3A_60 = arith.constant 64000 : i32
    %mul3A_61 = arith.muli %arg1, %mul3A_60 : i32
    %add3A_62 = arith.constant 48000 : i32
    %add3A_63 = arith.addi %mul3A_61, %add3A_62 : i32
    "tpu.region"() ({
      %run_scoped3A = tpu.sem_alloc : memref<!tpu.dma_semaphore, #tpu.memory_space<semaphore_mem>>
      %dma_start3A_608 = tpu.memref_slice %arg5[%add3A_63] : memref<1024000xf32, #tpu.memory_space<vmem_shared>> -> memref<4000xf32, #tpu.memory_space<vmem_shared>>
      %dma_start3A_609 = tpu.memref_slice %arg5[%add3A_63] : memref<1024000xf32, #tpu.memory_space<vmem_shared>> -> memref<4000xf32, #tpu.memory_space<vmem_shared>>
      tpu.enqueue_dma source(%arg15 : memref<4000xf32, #tpu.memory_space<vmem>>) target(%dma_start3A_609 : memref<4000xf32, #tpu.memory_space<vmem_shared>>) target_semaphore(%run_scoped3A : memref<!tpu.dma_semaphore, #tpu.memory_space<semaphore_mem>>)
      %dma_wait3A_610 = tpu.memref_slice %arg5[%add3A_63] : memref<1024000xf32, #tpu.memory_space<vmem_shared>> -> memref<4000xf32, #tpu.memory_space<vmem_shared>>
      %dma_wait3A_611 = tpu.memref_slice %arg5[%add3A_63] : memref<1024000xf32, #tpu.memory_space<vmem_shared>> -> memref<4000xf32, #tpu.memory_space<vmem_shared>>
      tpu.wait_dma2 semaphore(%run_scoped3A : memref<!tpu.dma_semaphore, #tpu.memory_space<semaphore_mem>>) src(%arg15 : memref<4000xf32, #tpu.memory_space<vmem>>) dst(%dma_wait3A_611 : memref<4000xf32, #tpu.memory_space<vmem_shared>>)
      tpu.yield
    }) : () -> ()
    %mul3A_64 = arith.constant 64000 : i32
    %mul3A_65 = arith.muli %arg1, %mul3A_64 : i32
    %add3A_66 = arith.constant 52000 : i32
    %add3A_67 = arith.addi %mul3A_65, %add3A_66 : i32
    "tpu.region"() ({
      %run_scoped3A = tpu.sem_alloc : memref<!tpu.dma_semaphore, #tpu.memory_space<semaphore_mem>>
      %dma_start3A_608 = tpu.memref_slice %arg5[%add3A_67] : memref<1024000xf32, #tpu.memory_space<vmem_shared>> -> memref<4000xf32, #tpu.memory_space<vmem_shared>>
      %dma_start3A_609 = tpu.memref_slice %arg5[%add3A_67] : memref<1024000xf32, #tpu.memory_space<vmem_shared>> -> memref<4000xf32, #tpu.memory_space<vmem_shared>>
      tpu.enqueue_dma source(%arg15 : memref<4000xf32, #tpu.memory_space<vmem>>) target(%dma_start3A_609 : memref<4000xf32, #tpu.memory_space<vmem_shared>>) target_semaphore(%run_scoped3A : memref<!tpu.dma_semaphore, #tpu.memory_space<semaphore_mem>>)
      %dma_wait3A_610 = tpu.memref_slice %arg5[%add3A_67] : memref<1024000xf32, #tpu.memory_space<vmem_shared>> -> memref<4000xf32, #tpu.memory_space<vmem_shared>>
      %dma_wait3A_611 = tpu.memref_slice %arg5[%add3A_67] : memref<1024000xf32, #tpu.memory_space<vmem_shared>> -> memref<4000xf32, #tpu.memory_space<vmem_shared>>
      tpu.wait_dma2 semaphore(%run_scoped3A : memref<!tpu.dma_semaphore, #tpu.memory_space<semaphore_mem>>) src(%arg15 : memref<4000xf32, #tpu.memory_space<vmem>>) dst(%dma_wait3A_611 : memref<4000xf32, #tpu.memory_space<vmem_shared>>)
      tpu.yield
    }) : () -> ()
    %mul3A_68 = arith.constant 64000 : i32
    %mul3A_69 = arith.muli %arg1, %mul3A_68 : i32
    %add3A_70 = arith.constant 56000 : i32
    %add3A_71 = arith.addi %mul3A_69, %add3A_70 : i32
    "tpu.region"() ({
      %run_scoped3A = tpu.sem_alloc : memref<!tpu.dma_semaphore, #tpu.memory_space<semaphore_mem>>
      %dma_start3A_608 = tpu.memref_slice %arg5[%add3A_71] : memref<1024000xf32, #tpu.memory_space<vmem_shared>> -> memref<4000xf32, #tpu.memory_space<vmem_shared>>
      %dma_start3A_609 = tpu.memref_slice %arg5[%add3A_71] : memref<1024000xf32, #tpu.memory_space<vmem_shared>> -> memref<4000xf32, #tpu.memory_space<vmem_shared>>
      tpu.enqueue_dma source(%arg15 : memref<4000xf32, #tpu.memory_space<vmem>>) target(%dma_start3A_609 : memref<4000xf32, #tpu.memory_space<vmem_shared>>) target_semaphore(%run_scoped3A : memref<!tpu.dma_semaphore, #tpu.memory_space<semaphore_mem>>)
      %dma_wait3A_610 = tpu.memref_slice %arg5[%add3A_71] : memref<1024000xf32, #tpu.memory_space<vmem_shared>> -> memref<4000xf32, #tpu.memory_space<vmem_shared>>
      %dma_wait3A_611 = tpu.memref_slice %arg5[%add3A_71] : memref<1024000xf32, #tpu.memory_space<vmem_shared>> -> memref<4000xf32, #tpu.memory_space<vmem_shared>>
      tpu.wait_dma2 semaphore(%run_scoped3A : memref<!tpu.dma_semaphore, #tpu.memory_space<semaphore_mem>>) src(%arg15 : memref<4000xf32, #tpu.memory_space<vmem>>) dst(%dma_wait3A_611 : memref<4000xf32, #tpu.memory_space<vmem_shared>>)
      tpu.yield
    }) : () -> ()
    %mul3A_72 = arith.constant 64000 : i32
    %mul3A_73 = arith.muli %arg1, %mul3A_72 : i32
    %add3A_74 = arith.constant 60000 : i32
    %add3A_75 = arith.addi %mul3A_73, %add3A_74 : i32
    "tpu.region"() ({
      %run_scoped3A = tpu.sem_alloc : memref<!tpu.dma_semaphore, #tpu.memory_space<semaphore_mem>>
      %dma_start3A_608 = tpu.memref_slice %arg5[%add3A_75] : memref<1024000xf32, #tpu.memory_space<vmem_shared>> -> memref<4000xf32, #tpu.memory_space<vmem_shared>>
      %dma_start3A_609 = tpu.memref_slice %arg5[%add3A_75] : memref<1024000xf32, #tpu.memory_space<vmem_shared>> -> memref<4000xf32, #tpu.memory_space<vmem_shared>>
      tpu.enqueue_dma source(%arg15 : memref<4000xf32, #tpu.memory_space<vmem>>) target(%dma_start3A_609 : memref<4000xf32, #tpu.memory_space<vmem_shared>>) target_semaphore(%run_scoped3A : memref<!tpu.dma_semaphore, #tpu.memory_space<semaphore_mem>>)
      %dma_wait3A_610 = tpu.memref_slice %arg5[%add3A_75] : memref<1024000xf32, #tpu.memory_space<vmem_shared>> -> memref<4000xf32, #tpu.memory_space<vmem_shared>>
      %dma_wait3A_611 = tpu.memref_slice %arg5[%add3A_75] : memref<1024000xf32, #tpu.memory_space<vmem_shared>> -> memref<4000xf32, #tpu.memory_space<vmem_shared>>
      tpu.wait_dma2 semaphore(%run_scoped3A : memref<!tpu.dma_semaphore, #tpu.memory_space<semaphore_mem>>) src(%arg15 : memref<4000xf32, #tpu.memory_space<vmem>>) dst(%dma_wait3A_611 : memref<4000xf32, #tpu.memory_space<vmem_shared>>)
      tpu.yield
    }) : () -> ()
    %barrier3A = arith.constant 0 : index
    tpu.barrier barrier_id(%barrier3A)
    %add3A_76 = arith.constant 0 : i32
    %add3A_77 = arith.addi %add3A_4, %add3A_76 : i32
    %mul3A_78 = arith.constant 6400 : i32
    %mul3A_79 = arith.muli %add3A_77, %mul3A_78 : i32
    %dma_start3A = arith.constant 0 : i32
    %dma_start3A_80 = tpu.memref_slice %arg2[%dma_start3A, %mul3A_79] : memref<2x3200000xi32, #tpu.memory_space<hbm>> -> memref<1x6400xi32, #tpu.memory_space<hbm>>
    %dma_start3A_81 = tpu.memref_squeeze %dma_start3A_80 : memref<1x6400xi32, #tpu.memory_space<hbm>> -> memref<6400xi32, #tpu.memory_space<hbm>>
    %dma_start3A_82 = tpu.memref_slice %arg2[%dma_start3A, %mul3A_79] : memref<2x3200000xi32, #tpu.memory_space<hbm>> -> memref<1x6400xi32, #tpu.memory_space<hbm>>
    %dma_start3A_83 = tpu.memref_squeeze %dma_start3A_82 : memref<1x6400xi32, #tpu.memory_space<hbm>> -> memref<6400xi32, #tpu.memory_space<hbm>>
    tpu.enqueue_dma source(%dma_start3A_83 : memref<6400xi32, #tpu.memory_space<hbm>>) target(%arg7 : memref<6400xi32, #tpu.memory_space<vmem>>) target_semaphore(%arg16 : memref<!tpu.dma_semaphore, #tpu.memory_space<semaphore_mem>>)
    %dma_start3A_84 = arith.constant 1 : i32
    %dma_start3A_85 = tpu.memref_slice %arg2[%dma_start3A_84, %mul3A_79] : memref<2x3200000xi32, #tpu.memory_space<hbm>> -> memref<1x6400xi32, #tpu.memory_space<hbm>>
    %dma_start3A_86 = tpu.memref_squeeze %dma_start3A_85 : memref<1x6400xi32, #tpu.memory_space<hbm>> -> memref<6400xi32, #tpu.memory_space<hbm>>
    %dma_start3A_87 = tpu.memref_slice %arg2[%dma_start3A_84, %mul3A_79] : memref<2x3200000xi32, #tpu.memory_space<hbm>> -> memref<1x6400xi32, #tpu.memory_space<hbm>>
    %dma_start3A_88 = tpu.memref_squeeze %dma_start3A_87 : memref<1x6400xi32, #tpu.memory_space<hbm>> -> memref<6400xi32, #tpu.memory_space<hbm>>
    tpu.enqueue_dma source(%dma_start3A_88 : memref<6400xi32, #tpu.memory_space<hbm>>) target(%arg9 : memref<6400xi32, #tpu.memory_space<vmem>>) target_semaphore(%arg18 : memref<!tpu.dma_semaphore, #tpu.memory_space<semaphore_mem>>)
    %add3A_89 = arith.constant 1 : i32
    %add3A_90 = arith.addi %add3A_4, %add3A_89 : i32
    %mul3A_91 = arith.constant 6400 : i32
    %mul3A_92 = arith.muli %add3A_90, %mul3A_91 : i32
    %dma_start3A_93 = arith.constant 0 : i32
    %dma_start3A_94 = tpu.memref_slice %arg2[%dma_start3A_93, %mul3A_92] : memref<2x3200000xi32, #tpu.memory_space<hbm>> -> memref<1x6400xi32, #tpu.memory_space<hbm>>
    %dma_start3A_95 = tpu.memref_squeeze %dma_start3A_94 : memref<1x6400xi32, #tpu.memory_space<hbm>> -> memref<6400xi32, #tpu.memory_space<hbm>>
    %dma_start3A_96 = tpu.memref_slice %arg2[%dma_start3A_93, %mul3A_92] : memref<2x3200000xi32, #tpu.memory_space<hbm>> -> memref<1x6400xi32, #tpu.memory_space<hbm>>
    %dma_start3A_97 = tpu.memref_squeeze %dma_start3A_96 : memref<1x6400xi32, #tpu.memory_space<hbm>> -> memref<6400xi32, #tpu.memory_space<hbm>>
    tpu.enqueue_dma source(%dma_start3A_97 : memref<6400xi32, #tpu.memory_space<hbm>>) target(%arg8 : memref<6400xi32, #tpu.memory_space<vmem>>) target_semaphore(%arg17 : memref<!tpu.dma_semaphore, #tpu.memory_space<semaphore_mem>>)
    %dma_start3A_98 = arith.constant 1 : i32
    %dma_start3A_99 = tpu.memref_slice %arg2[%dma_start3A_98, %mul3A_92] : memref<2x3200000xi32, #tpu.memory_space<hbm>> -> memref<1x6400xi32, #tpu.memory_space<hbm>>
    %dma_start3A_100 = tpu.memref_squeeze %dma_start3A_99 : memref<1x6400xi32, #tpu.memory_space<hbm>> -> memref<6400xi32, #tpu.memory_space<hbm>>
    %dma_start3A_101 = tpu.memref_slice %arg2[%dma_start3A_98, %mul3A_92] : memref<2x3200000xi32, #tpu.memory_space<hbm>> -> memref<1x6400xi32, #tpu.memory_space<hbm>>
    %dma_start3A_102 = tpu.memref_squeeze %dma_start3A_101 : memref<1x6400xi32, #tpu.memory_space<hbm>> -> memref<6400xi32, #tpu.memory_space<hbm>>
    tpu.enqueue_dma source(%dma_start3A_102 : memref<6400xi32, #tpu.memory_space<hbm>>) target(%arg10 : memref<6400xi32, #tpu.memory_space<vmem>>) target_semaphore(%arg19 : memref<!tpu.dma_semaphore, #tpu.memory_space<semaphore_mem>>)
    %dma_wait3A = arith.constant 0 : i32
    %dma_wait3A_103 = arith.constant 0 : i32
    %dma_wait3A_104 = tpu.memref_slice %arg2[%dma_wait3A, %dma_wait3A_103] : memref<2x3200000xi32, #tpu.memory_space<hbm>> -> memref<1x6400xi32, #tpu.memory_space<hbm>>
    %dma_wait3A_105 = tpu.memref_squeeze %dma_wait3A_104 : memref<1x6400xi32, #tpu.memory_space<hbm>> -> memref<6400xi32, #tpu.memory_space<hbm>>
    %dma_wait3A_106 = arith.constant 0 : i32
    %dma_wait3A_107 = tpu.memref_slice %arg2[%dma_wait3A, %dma_wait3A_106] : memref<2x3200000xi32, #tpu.memory_space<hbm>> -> memref<1x6400xi32, #tpu.memory_space<hbm>>
    %dma_wait3A_108 = tpu.memref_squeeze %dma_wait3A_107 : memref<1x6400xi32, #tpu.memory_space<hbm>> -> memref<6400xi32, #tpu.memory_space<hbm>>
    tpu.wait_dma2 semaphore(%arg16 : memref<!tpu.dma_semaphore, #tpu.memory_space<semaphore_mem>>) src(%dma_wait3A_108 : memref<6400xi32, #tpu.memory_space<hbm>>) dst(%arg7 : memref<6400xi32, #tpu.memory_space<vmem>>)
    %dma_wait3A_109 = arith.constant 1 : i32
    %dma_wait3A_110 = arith.constant 0 : i32
    %dma_wait3A_111 = tpu.memref_slice %arg2[%dma_wait3A_109, %dma_wait3A_110] : memref<2x3200000xi32, #tpu.memory_space<hbm>> -> memref<1x6400xi32, #tpu.memory_space<hbm>>
    %dma_wait3A_112 = tpu.memref_squeeze %dma_wait3A_111 : memref<1x6400xi32, #tpu.memory_space<hbm>> -> memref<6400xi32, #tpu.memory_space<hbm>>
    %dma_wait3A_113 = arith.constant 0 : i32
    %dma_wait3A_114 = tpu.memref_slice %arg2[%dma_wait3A_109, %dma_wait3A_113] : memref<2x3200000xi32, #tpu.memory_space<hbm>> -> memref<1x6400xi32, #tpu.memory_space<hbm>>
    %dma_wait3A_115 = tpu.memref_squeeze %dma_wait3A_114 : memref<1x6400xi32, #tpu.memory_space<hbm>> -> memref<6400xi32, #tpu.memory_space<hbm>>
    tpu.wait_dma2 semaphore(%arg18 : memref<!tpu.dma_semaphore, #tpu.memory_space<semaphore_mem>>) src(%dma_wait3A_115 : memref<6400xi32, #tpu.memory_space<hbm>>) dst(%arg9 : memref<6400xi32, #tpu.memory_space<vmem>>)
    "tpu.region"() ({
      %run_scoped3A = tpu.sem_alloc : memref<!tpu.dma_semaphore, #tpu.memory_space<semaphore_mem>>
      %dma_start3A_608 = arith.constant 0 : i32
      %dma_start3A_609 = tpu.memref_slice %arg6[%dma_start3A_608] : memref<102400xf32, #tpu.memory_space<vmem_shared>> -> memref<102400xf32, #tpu.memory_space<vmem_shared>>
      tpu.enqueue_indirect_dma source(%dma_start3A_609 : memref<102400xf32, #tpu.memory_space<vmem_shared>>) target(%arg13 : memref<6400xf32, #tpu.memory_space<vmem>>) offsets(%arg7 : memref<6400xi32, #tpu.memory_space<vmem>>) semaphore(%run_scoped3A : memref<!tpu.dma_semaphore, #tpu.memory_space<semaphore_mem>>)
      %dma_wait3A_610 = arith.constant 0 : i32
      %dma_wait3A_611 = tpu.memref_slice %arg6[%dma_wait3A_610] : memref<102400xf32, #tpu.memory_space<vmem_shared>> -> memref<102400xf32, #tpu.memory_space<vmem_shared>>
      tpu.wait_indirect_dma semaphore(%run_scoped3A : memref<!tpu.dma_semaphore, #tpu.memory_space<semaphore_mem>>) src(%dma_wait3A_611 : memref<102400xf32, #tpu.memory_space<vmem_shared>>) dst(%arg13 : memref<6400xf32, #tpu.memory_space<vmem>>)
      tpu.yield
    }) : () -> ()
    %parallel_loop3A_116 = arith.constant 0 : i32
    %parallel_loop3A_117 = arith.constant 6400 : i32
    %parallel_loop3A_118 = arith.constant 16 : i32
    scf.for %parallel_loop3A_608 = %parallel_loop3A_116 to %parallel_loop3A_117 step %parallel_loop3A_118  : i32 {
      %parallel_loop3A_609 = arith.index_cast %parallel_loop3A_608 : i32 to index
      %parallel_loop3A_610 = tpu.vector_load %arg13[%parallel_loop3A_609] {strides = array<i32>} : memref<6400xf32, #tpu.memory_space<vmem>>, vector<16xf32>,
      %parallel_loop3A_611 = vector.bitcast %parallel_loop3A_610 : vector<16xf32> to vector<16xi32>
      %parallel_loop3A_612 = arith.index_cast %parallel_loop3A_608 : i32 to index
      %parallel_loop3A_613 = tpu.vector_load %arg9[%parallel_loop3A_612] {strides = array<i32>} : memref<6400xi32, #tpu.memory_space<vmem>>, vector<16xi32>,
      %parallel_loop3A_614 = arith.constant 15 : i32
      %parallel_loop3A_615 = vector.broadcast %parallel_loop3A_614 : i32 to vector<16xi32>
      %parallel_loop3A_616 = arith.andi %parallel_loop3A_611, %parallel_loop3A_615 : vector<16xi32>
      %parallel_loop3A_617 = arith.constant 102400 : i32
      %parallel_loop3A_618 = vector.broadcast %parallel_loop3A_617 : i32 to vector<16xi32>
      %parallel_loop3A_619 = arith.muli %parallel_loop3A_616, %parallel_loop3A_618 : vector<16xi32>
      %parallel_loop3A_620 = arith.addi %parallel_loop3A_619, %parallel_loop3A_613 : vector<16xi32>
      %parallel_loop3A_621 = arith.index_cast %parallel_loop3A_608 : i32 to index
      %parallel_loop3A_622 = tpu.vector_load %arg11[%parallel_loop3A_621] {strides = array<i32>} : memref<6400xi32, #tpu.memory_space<vmem>>, vector<16xi32>,
      tpu.vector_store %arg11[%parallel_loop3A_621], %parallel_loop3A_620 {strides = array<i32>} : memref<6400xi32, #tpu.memory_space<vmem>>, vector<16xi32>,
      %parallel_loop3A_623 = arith.constant -16 : i32
      %parallel_loop3A_624 = vector.broadcast %parallel_loop3A_623 : i32 to vector<16xi32>
      %parallel_loop3A_625 = arith.andi %parallel_loop3A_611, %parallel_loop3A_624 : vector<16xi32>
      %parallel_loop3A_626 = vector.bitcast %parallel_loop3A_625 : vector<16xi32> to vector<16xf32>
      %parallel_loop3A_627 = arith.index_cast %parallel_loop3A_608 : i32 to index
      %parallel_loop3A_628 = tpu.vector_load %arg13[%parallel_loop3A_627] {strides = array<i32>} : memref<6400xf32, #tpu.memory_space<vmem>>, vector<16xf32>,
      tpu.vector_store %arg13[%parallel_loop3A_627], %parallel_loop3A_626 {strides = array<i32>} : memref<6400xf32, #tpu.memory_space<vmem>>, vector<16xf32>,
    } {sc.loop_unroll_factor = 8 : i64, sc.parallel_access}
    %add3A_119 = arith.constant 2 : i32
    %add3A_120 = arith.addi %add3A_4, %add3A_119 : i32
    %mul3A_121 = arith.constant 6400 : i32
    %mul3A_122 = arith.muli %add3A_120, %mul3A_121 : i32
    %dma_start3A_123 = arith.constant 0 : i32
    %dma_start3A_124 = tpu.memref_slice %arg2[%dma_start3A_123, %mul3A_122] : memref<2x3200000xi32, #tpu.memory_space<hbm>> -> memref<1x6400xi32, #tpu.memory_space<hbm>>
    %dma_start3A_125 = tpu.memref_squeeze %dma_start3A_124 : memref<1x6400xi32, #tpu.memory_space<hbm>> -> memref<6400xi32, #tpu.memory_space<hbm>>
    %dma_start3A_126 = tpu.memref_slice %arg2[%dma_start3A_123, %mul3A_122] : memref<2x3200000xi32, #tpu.memory_space<hbm>> -> memref<1x6400xi32, #tpu.memory_space<hbm>>
    %dma_start3A_127 = tpu.memref_squeeze %dma_start3A_126 : memref<1x6400xi32, #tpu.memory_space<hbm>> -> memref<6400xi32, #tpu.memory_space<hbm>>
    tpu.enqueue_dma source(%dma_start3A_127 : memref<6400xi32, #tpu.memory_space<hbm>>) target(%arg7 : memref<6400xi32, #tpu.memory_space<vmem>>) target_semaphore(%arg16 : memref<!tpu.dma_semaphore, #tpu.memory_space<semaphore_mem>>)
    %dma_start3A_128 = arith.constant 1 : i32
    %dma_start3A_129 = tpu.memref_slice %arg2[%dma_start3A_128, %mul3A_122] : memref<2x3200000xi32, #tpu.memory_space<hbm>> -> memref<1x6400xi32, #tpu.memory_space<hbm>>
    %dma_start3A_130 = tpu.memref_squeeze %dma_start3A_129 : memref<1x6400xi32, #tpu.memory_space<hbm>> -> memref<6400xi32, #tpu.memory_space<hbm>>
    %dma_start3A_131 = tpu.memref_slice %arg2[%dma_start3A_128, %mul3A_122] : memref<2x3200000xi32, #tpu.memory_space<hbm>> -> memref<1x6400xi32, #tpu.memory_space<hbm>>
    %dma_start3A_132 = tpu.memref_squeeze %dma_start3A_131 : memref<1x6400xi32, #tpu.memory_space<hbm>> -> memref<6400xi32, #tpu.memory_space<hbm>>
    tpu.enqueue_dma source(%dma_start3A_132 : memref<6400xi32, #tpu.memory_space<hbm>>) target(%arg9 : memref<6400xi32, #tpu.memory_space<vmem>>) target_semaphore(%arg18 : memref<!tpu.dma_semaphore, #tpu.memory_space<semaphore_mem>>)
    %dma_start3A_133 = arith.constant 0 : i32
    %dma_start3A_134 = tpu.memref_slice %arg5[%dma_start3A_133] : memref<1024000xf32, #tpu.memory_space<vmem_shared>> -> memref<1024000xf32, #tpu.memory_space<vmem_shared>>
    tpu.enqueue_indirect_dma source(%arg13 : memref<6400xf32, #tpu.memory_space<vmem>>) target(%dma_start3A_134 : memref<1024000xf32, #tpu.memory_space<vmem_shared>>) offsets(%arg11 : memref<6400xi32, #tpu.memory_space<vmem>>) semaphore(%arg20 : memref<!tpu.dma_semaphore, #tpu.memory_space<semaphore_mem>>) {add = true}
    %dma_wait3A_135 = arith.constant 0 : i32
    %dma_wait3A_136 = arith.constant 0 : i32
    %dma_wait3A_137 = tpu.memref_slice %arg2[%dma_wait3A_135, %dma_wait3A_136] : memref<2x3200000xi32, #tpu.memory_space<hbm>> -> memref<1x6400xi32, #tpu.memory_space<hbm>>
    %dma_wait3A_138 = tpu.memref_squeeze %dma_wait3A_137 : memref<1x6400xi32, #tpu.memory_space<hbm>> -> memref<6400xi32, #tpu.memory_space<hbm>>
    %dma_wait3A_139 = arith.constant 0 : i32
    %dma_wait3A_140 = tpu.memref_slice %arg2[%dma_wait3A_135, %dma_wait3A_139] : memref<2x3200000xi32, #tpu.memory_space<hbm>> -> memref<1x6400xi32, #tpu.memory_space<hbm>>
    %dma_wait3A_141 = tpu.memref_squeeze %dma_wait3A_140 : memref<1x6400xi32, #tpu.memory_space<hbm>> -> memref<6400xi32, #tpu.memory_space<hbm>>
    tpu.wait_dma2 semaphore(%arg17 : memref<!tpu.dma_semaphore, #tpu.memory_space<semaphore_mem>>) src(%dma_wait3A_141 : memref<6400xi32, #tpu.memory_space<hbm>>) dst(%arg8 : memref<6400xi32, #tpu.memory_space<vmem>>)
    %dma_wait3A_142 = arith.constant 1 : i32
    %dma_wait3A_143 = arith.constant 0 : i32
    %dma_wait3A_144 = tpu.memref_slice %arg2[%dma_wait3A_142, %dma_wait3A_143] : memref<2x3200000xi32, #tpu.memory_space<hbm>> -> memref<1x6400xi32, #tpu.memory_space<hbm>>
    %dma_wait3A_145 = tpu.memref_squeeze %dma_wait3A_144 : memref<1x6400xi32, #tpu.memory_space<hbm>> -> memref<6400xi32, #tpu.memory_space<hbm>>
    %dma_wait3A_146 = arith.constant 0 : i32
    %dma_wait3A_147 = tpu.memref_slice %arg2[%dma_wait3A_142, %dma_wait3A_146] : memref<2x3200000xi32, #tpu.memory_space<hbm>> -> memref<1x6400xi32, #tpu.memory_space<hbm>>
    %dma_wait3A_148 = tpu.memref_squeeze %dma_wait3A_147 : memref<1x6400xi32, #tpu.memory_space<hbm>> -> memref<6400xi32, #tpu.memory_space<hbm>>
    tpu.wait_dma2 semaphore(%arg19 : memref<!tpu.dma_semaphore, #tpu.memory_space<semaphore_mem>>) src(%dma_wait3A_148 : memref<6400xi32, #tpu.memory_space<hbm>>) dst(%arg10 : memref<6400xi32, #tpu.memory_space<vmem>>)
    "tpu.region"() ({
      %run_scoped3A = tpu.sem_alloc : memref<!tpu.dma_semaphore, #tpu.memory_space<semaphore_mem>>
      %dma_start3A_608 = arith.constant 0 : i32
      %dma_start3A_609 = tpu.memref_slice %arg6[%dma_start3A_608] : memref<102400xf32, #tpu.memory_space<vmem_shared>> -> memref<102400xf32, #tpu.memory_space<vmem_shared>>
      tpu.enqueue_indirect_dma source(%dma_start3A_609 : memref<102400xf32, #tpu.memory_space<vmem_shared>>) target(%arg14 : memref<6400xf32, #tpu.memory_space<vmem>>) offsets(%arg8 : memref<6400xi32, #tpu.memory_space<vmem>>) semaphore(%run_scoped3A : memref<!tpu.dma_semaphore, #tpu.memory_space<semaphore_mem>>)
      %dma_wait3A_610 = arith.constant 0 : i32
      %dma_wait3A_611 = tpu.memref_slice %arg6[%dma_wait3A_610] : memref<102400xf32, #tpu.memory_space<vmem_shared>> -> memref<102400xf32, #tpu.memory_space<vmem_shared>>
      tpu.wait_indirect_dma semaphore(%run_scoped3A : memref<!tpu.dma_semaphore, #tpu.memory_space<semaphore_mem>>) src(%dma_wait3A_611 : memref<102400xf32, #tpu.memory_space<vmem_shared>>) dst(%arg14 : memref<6400xf32, #tpu.memory_space<vmem>>)
      tpu.yield
    }) : () -> ()
    %parallel_loop3A_149 = arith.constant 0 : i32
    %parallel_loop3A_150 = arith.constant 6400 : i32
    %parallel_loop3A_151 = arith.constant 16 : i32
    scf.for %parallel_loop3A_608 = %parallel_loop3A_149 to %parallel_loop3A_150 step %parallel_loop3A_151  : i32 {
      %parallel_loop3A_609 = arith.index_cast %parallel_loop3A_608 : i32 to index
      %parallel_loop3A_610 = tpu.vector_load %arg14[%parallel_loop3A_609] {strides = array<i32>} : memref<6400xf32, #tpu.memory_space<vmem>>, vector<16xf32>,
      %parallel_loop3A_611 = vector.bitcast %parallel_loop3A_610 : vector<16xf32> to vector<16xi32>
      %parallel_loop3A_612 = arith.index_cast %parallel_loop3A_608 : i32 to index
      %parallel_loop3A_613 = tpu.vector_load %arg10[%parallel_loop3A_612] {strides = array<i32>} : memref<6400xi32, #tpu.memory_space<vmem>>, vector<16xi32>,
      %parallel_loop3A_614 = arith.constant 15 : i32
      %parallel_loop3A_615 = vector.broadcast %parallel_loop3A_614 : i32 to vector<16xi32>
      %parallel_loop3A_616 = arith.andi %parallel_loop3A_611, %parallel_loop3A_615 : vector<16xi32>
      %parallel_loop3A_617 = arith.constant 102400 : i32
      %parallel_loop3A_618 = vector.broadcast %parallel_loop3A_617 : i32 to vector<16xi32>
      %parallel_loop3A_619 = arith.muli %parallel_loop3A_616, %parallel_loop3A_618 : vector<16xi32>
      %parallel_loop3A_620 = arith.addi %parallel_loop3A_619, %parallel_loop3A_613 : vector<16xi32>
      %parallel_loop3A_621 = arith.index_cast %parallel_loop3A_608 : i32 to index
      %parallel_loop3A_622 = tpu.vector_load %arg12[%parallel_loop3A_621] {strides = array<i32>} : memref<6400xi32, #tpu.memory_space<vmem>>, vector<16xi32>,
      tpu.vector_store %arg12[%parallel_loop3A_621], %parallel_loop3A_620 {strides = array<i32>} : memref<6400xi32, #tpu.memory_space<vmem>>, vector<16xi32>,
      %parallel_loop3A_623 = arith.constant -16 : i32
      %parallel_loop3A_624 = vector.broadcast %parallel_loop3A_623 : i32 to vector<16xi32>
      %parallel_loop3A_625 = arith.andi %parallel_loop3A_611, %parallel_loop3A_624 : vector<16xi32>
      %parallel_loop3A_626 = vector.bitcast %parallel_loop3A_625 : vector<16xi32> to vector<16xf32>
      %parallel_loop3A_627 = arith.index_cast %parallel_loop3A_608 : i32 to index
      %parallel_loop3A_628 = tpu.vector_load %arg14[%parallel_loop3A_627] {strides = array<i32>} : memref<6400xf32, #tpu.memory_space<vmem>>, vector<16xf32>,
      tpu.vector_store %arg14[%parallel_loop3A_627], %parallel_loop3A_626 {strides = array<i32>} : memref<6400xf32, #tpu.memory_space<vmem>>, vector<16xf32>,
    } {sc.loop_unroll_factor = 8 : i64, sc.parallel_access}
    %add3A_152 = arith.constant 3 : i32
    %add3A_153 = arith.addi %add3A_4, %add3A_152 : i32
    %mul3A_154 = arith.constant 6400 : i32
    %mul3A_155 = arith.muli %add3A_153, %mul3A_154 : i32
    %dma_start3A_156 = arith.constant 0 : i32
    %dma_start3A_157 = tpu.memref_slice %arg2[%dma_start3A_156, %mul3A_155] : memref<2x3200000xi32, #tpu.memory_space<hbm>> -> memref<1x6400xi32, #tpu.memory_space<hbm>>
    %dma_start3A_158 = tpu.memref_squeeze %dma_start3A_157 : memref<1x6400xi32, #tpu.memory_space<hbm>> -> memref<6400xi32, #tpu.memory_space<hbm>>
    %dma_start3A_159 = tpu.memref_slice %arg2[%dma_start3A_156, %mul3A_155] : memref<2x3200000xi32, #tpu.memory_space<hbm>> -> memref<1x6400xi32, #tpu.memory_space<hbm>>
    %dma_start3A_160 = tpu.memref_squeeze %dma_start3A_159 : memref<1x6400xi32, #tpu.memory_space<hbm>> -> memref<6400xi32, #tpu.memory_space<hbm>>
    tpu.enqueue_dma source(%dma_start3A_160 : memref<6400xi32, #tpu.memory_space<hbm>>) target(%arg8 : memref<6400xi32, #tpu.memory_space<vmem>>) target_semaphore(%arg17 : memref<!tpu.dma_semaphore, #tpu.memory_space<semaphore_mem>>)
    %dma_start3A_161 = arith.constant 1 : i32
    %dma_start3A_162 = tpu.memref_slice %arg2[%dma_start3A_161, %mul3A_155] : memref<2x3200000xi32, #tpu.memory_space<hbm>> -> memref<1x6400xi32, #tpu.memory_space<hbm>>
    %dma_start3A_163 = tpu.memref_squeeze %dma_start3A_162 : memref<1x6400xi32, #tpu.memory_space<hbm>> -> memref<6400xi32, #tpu.memory_space<hbm>>
    %dma_start3A_164 = tpu.memref_slice %arg2[%dma_start3A_161, %mul3A_155] : memref<2x3200000xi32, #tpu.memory_space<hbm>> -> memref<1x6400xi32, #tpu.memory_space<hbm>>
    %dma_start3A_165 = tpu.memref_squeeze %dma_start3A_164 : memref<1x6400xi32, #tpu.memory_space<hbm>> -> memref<6400xi32, #tpu.memory_space<hbm>>
    tpu.enqueue_dma source(%dma_start3A_165 : memref<6400xi32, #tpu.memory_space<hbm>>) target(%arg10 : memref<6400xi32, #tpu.memory_space<vmem>>) target_semaphore(%arg19 : memref<!tpu.dma_semaphore, #tpu.memory_space<semaphore_mem>>)
    %dma_start3A_166 = arith.constant 0 : i32
    %dma_start3A_167 = tpu.memref_slice %arg5[%dma_start3A_166] : memref<1024000xf32, #tpu.memory_space<vmem_shared>> -> memref<1024000xf32, #tpu.memory_space<vmem_shared>>
    tpu.enqueue_indirect_dma source(%arg14 : memref<6400xf32, #tpu.memory_space<vmem>>) target(%dma_start3A_167 : memref<1024000xf32, #tpu.memory_space<vmem_shared>>) offsets(%arg12 : memref<6400xi32, #tpu.memory_space<vmem>>) semaphore(%arg21 : memref<!tpu.dma_semaphore, #tpu.memory_space<semaphore_mem>>) {add = true}
    %dma_wait3A_168 = arith.constant 0 : i32
    %dma_wait3A_169 = arith.constant 0 : i32
    %dma_wait3A_170 = tpu.memref_slice %arg2[%dma_wait3A_168, %dma_wait3A_169] : memref<2x3200000xi32, #tpu.memory_space<hbm>> -> memref<1x6400xi32, #tpu.memory_space<hbm>>
    %dma_wait3A_171 = tpu.memref_squeeze %dma_wait3A_170 : memref<1x6400xi32, #tpu.memory_space<hbm>> -> memref<6400xi32, #tpu.memory_space<hbm>>
    %dma_wait3A_172 = arith.constant 0 : i32
    %dma_wait3A_173 = tpu.memref_slice %arg2[%dma_wait3A_168, %dma_wait3A_172] : memref<2x3200000xi32, #tpu.memory_space<hbm>> -> memref<1x6400xi32, #tpu.memory_space<hbm>>
    %dma_wait3A_174 = tpu.memref_squeeze %dma_wait3A_173 : memref<1x6400xi32, #tpu.memory_space<hbm>> -> memref<6400xi32, #tpu.memory_space<hbm>>
    tpu.wait_dma2 semaphore(%arg16 : memref<!tpu.dma_semaphore, #tpu.memory_space<semaphore_mem>>) src(%dma_wait3A_174 : memref<6400xi32, #tpu.memory_space<hbm>>) dst(%arg7 : memref<6400xi32, #tpu.memory_space<vmem>>)
    %dma_wait3A_175 = arith.constant 1 : i32
    %dma_wait3A_176 = arith.constant 0 : i32
    %dma_wait3A_177 = tpu.memref_slice %arg2[%dma_wait3A_175, %dma_wait3A_176] : memref<2x3200000xi32, #tpu.memory_space<hbm>> -> memref<1x6400xi32, #tpu.memory_space<hbm>>
    %dma_wait3A_178 = tpu.memref_squeeze %dma_wait3A_177 : memref<1x6400xi32, #tpu.memory_space<hbm>> -> memref<6400xi32, #tpu.memory_space<hbm>>
    %dma_wait3A_179 = arith.constant 0 : i32
    %dma_wait3A_180 = tpu.memref_slice %arg2[%dma_wait3A_175, %dma_wait3A_179] : memref<2x3200000xi32, #tpu.memory_space<hbm>> -> memref<1x6400xi32, #tpu.memory_space<hbm>>
    %dma_wait3A_181 = tpu.memref_squeeze %dma_wait3A_180 : memref<1x6400xi32, #tpu.memory_space<hbm>> -> memref<6400xi32, #tpu.memory_space<hbm>>
    tpu.wait_dma2 semaphore(%arg18 : memref<!tpu.dma_semaphore, #tpu.memory_space<semaphore_mem>>) src(%dma_wait3A_181 : memref<6400xi32, #tpu.memory_space<hbm>>) dst(%arg9 : memref<6400xi32, #tpu.memory_space<vmem>>)
    %dma_wait3A_182 = arith.constant 0 : i32
    %dma_wait3A_183 = tpu.memref_slice %arg5[%dma_wait3A_182] : memref<1024000xf32, #tpu.memory_space<vmem_shared>> -> memref<1024000xf32, #tpu.memory_space<vmem_shared>>
    tpu.wait_indirect_dma semaphore(%arg20 : memref<!tpu.dma_semaphore, #tpu.memory_space<semaphore_mem>>) src(%arg13 : memref<6400xf32, #tpu.memory_space<vmem>>) dst(%dma_wait3A_183 : memref<1024000xf32, #tpu.memory_space<vmem_shared>>)
    "tpu.region"() ({
      %run_scoped3A = tpu.sem_alloc : memref<!tpu.dma_semaphore, #tpu.memory_space<semaphore_mem>>
      %dma_start3A_608 = arith.constant 0 : i32
      %dma_start3A_609 = tpu.memref_slice %arg6[%dma_start3A_608] : memref<102400xf32, #tpu.memory_space<vmem_shared>> -> memref<102400xf32, #tpu.memory_space<vmem_shared>>
      tpu.enqueue_indirect_dma source(%dma_start3A_609 : memref<102400xf32, #tpu.memory_space<vmem_shared>>) target(%arg13 : memref<6400xf32, #tpu.memory_space<vmem>>) offsets(%arg7 : memref<6400xi32, #tpu.memory_space<vmem>>) semaphore(%run_scoped3A : memref<!tpu.dma_semaphore, #tpu.memory_space<semaphore_mem>>)
      %dma_wait3A_610 = arith.constant 0 : i32
      %dma_wait3A_611 = tpu.memref_slice %arg6[%dma_wait3A_610] : memref<102400xf32, #tpu.memory_space<vmem_shared>> -> memref<102400xf32, #tpu.memory_space<vmem_shared>>
      tpu.wait_indirect_dma semaphore(%run_scoped3A : memref<!tpu.dma_semaphore, #tpu.memory_space<semaphore_mem>>) src(%dma_wait3A_611 : memref<102400xf32, #tpu.memory_space<vmem_shared>>) dst(%arg13 : memref<6400xf32, #tpu.memory_space<vmem>>)
      tpu.yield
    }) : () -> ()
    %parallel_loop3A_184 = arith.constant 0 : i32
    %parallel_loop3A_185 = arith.constant 6400 : i32
    %parallel_loop3A_186 = arith.constant 16 : i32
    scf.for %parallel_loop3A_608 = %parallel_loop3A_184 to %parallel_loop3A_185 step %parallel_loop3A_186  : i32 {
      %parallel_loop3A_609 = arith.index_cast %parallel_loop3A_608 : i32 to index
      %parallel_loop3A_610 = tpu.vector_load %arg13[%parallel_loop3A_609] {strides = array<i32>} : memref<6400xf32, #tpu.memory_space<vmem>>, vector<16xf32>,
      %parallel_loop3A_611 = vector.bitcast %parallel_loop3A_610 : vector<16xf32> to vector<16xi32>
      %parallel_loop3A_612 = arith.index_cast %parallel_loop3A_608 : i32 to index
      %parallel_loop3A_613 = tpu.vector_load %arg9[%parallel_loop3A_612] {strides = array<i32>} : memref<6400xi32, #tpu.memory_space<vmem>>, vector<16xi32>,
      %parallel_loop3A_614 = arith.constant 15 : i32
      %parallel_loop3A_615 = vector.broadcast %parallel_loop3A_614 : i32 to vector<16xi32>
      %parallel_loop3A_616 = arith.andi %parallel_loop3A_611, %parallel_loop3A_615 : vector<16xi32>
      %parallel_loop3A_617 = arith.constant 102400 : i32
      %parallel_loop3A_618 = vector.broadcast %parallel_loop3A_617 : i32 to vector<16xi32>
      %parallel_loop3A_619 = arith.muli %parallel_loop3A_616, %parallel_loop3A_618 : vector<16xi32>
      %parallel_loop3A_620 = arith.addi %parallel_loop3A_619, %parallel_loop3A_613 : vector<16xi32>
      %parallel_loop3A_621 = arith.index_cast %parallel_loop3A_608 : i32 to index
      %parallel_loop3A_622 = tpu.vector_load %arg11[%parallel_loop3A_621] {strides = array<i32>} : memref<6400xi32, #tpu.memory_space<vmem>>, vector<16xi32>,
      tpu.vector_store %arg11[%parallel_loop3A_621], %parallel_loop3A_620 {strides = array<i32>} : memref<6400xi32, #tpu.memory_space<vmem>>, vector<16xi32>,
      %parallel_loop3A_623 = arith.constant -16 : i32
      %parallel_loop3A_624 = vector.broadcast %parallel_loop3A_623 : i32 to vector<16xi32>
      %parallel_loop3A_625 = arith.andi %parallel_loop3A_611, %parallel_loop3A_624 : vector<16xi32>
      %parallel_loop3A_626 = vector.bitcast %parallel_loop3A_625 : vector<16xi32> to vector<16xf32>
      %parallel_loop3A_627 = arith.index_cast %parallel_loop3A_608 : i32 to index
      %parallel_loop3A_628 = tpu.vector_load %arg13[%parallel_loop3A_627] {strides = array<i32>} : memref<6400xf32, #tpu.memory_space<vmem>>, vector<16xf32>,
      tpu.vector_store %arg13[%parallel_loop3A_627], %parallel_loop3A_626 {strides = array<i32>} : memref<6400xf32, #tpu.memory_space<vmem>>, vector<16xf32>,
    } {sc.loop_unroll_factor = 8 : i64, sc.parallel_access}
    %add3A_187 = arith.constant 4 : i32
    %add3A_188 = arith.addi %add3A_4, %add3A_187 : i32
    %mul3A_189 = arith.constant 6400 : i32
    %mul3A_190 = arith.muli %add3A_188, %mul3A_189 : i32
    %dma_start3A_191 = arith.constant 0 : i32
    %dma_start3A_192 = tpu.memref_slice %arg2[%dma_start3A_191, %mul3A_190] : memref<2x3200000xi32, #tpu.memory_space<hbm>> -> memref<1x6400xi32, #tpu.memory_space<hbm>>
    %dma_start3A_193 = tpu.memref_squeeze %dma_start3A_192 : memref<1x6400xi32, #tpu.memory_space<hbm>> -> memref<6400xi32, #tpu.memory_space<hbm>>
    %dma_start3A_194 = tpu.memref_slice %arg2[%dma_start3A_191, %mul3A_190] : memref<2x3200000xi32, #tpu.memory_space<hbm>> -> memref<1x6400xi32, #tpu.memory_space<hbm>>
    %dma_start3A_195 = tpu.memref_squeeze %dma_start3A_194 : memref<1x6400xi32, #tpu.memory_space<hbm>> -> memref<6400xi32, #tpu.memory_space<hbm>>
    tpu.enqueue_dma source(%dma_start3A_195 : memref<6400xi32, #tpu.memory_space<hbm>>) target(%arg7 : memref<6400xi32, #tpu.memory_space<vmem>>) target_semaphore(%arg16 : memref<!tpu.dma_semaphore, #tpu.memory_space<semaphore_mem>>)
    %dma_start3A_196 = arith.constant 1 : i32
    %dma_start3A_197 = tpu.memref_slice %arg2[%dma_start3A_196, %mul3A_190] : memref<2x3200000xi32, #tpu.memory_space<hbm>> -> memref<1x6400xi32, #tpu.memory_space<hbm>>
    %dma_start3A_198 = tpu.memref_squeeze %dma_start3A_197 : memref<1x6400xi32, #tpu.memory_space<hbm>> -> memref<6400xi32, #tpu.memory_space<hbm>>
    %dma_start3A_199 = tpu.memref_slice %arg2[%dma_start3A_196, %mul3A_190] : memref<2x3200000xi32, #tpu.memory_space<hbm>> -> memref<1x6400xi32, #tpu.memory_space<hbm>>
    %dma_start3A_200 = tpu.memref_squeeze %dma_start3A_199 : memref<1x6400xi32, #tpu.memory_space<hbm>> -> memref<6400xi32, #tpu.memory_space<hbm>>
    tpu.enqueue_dma source(%dma_start3A_200 : memref<6400xi32, #tpu.memory_space<hbm>>) target(%arg9 : memref<6400xi32, #tpu.memory_space<vmem>>) target_semaphore(%arg18 : memref<!tpu.dma_semaphore, #tpu.memory_space<semaphore_mem>>)
    %dma_start3A_201 = arith.constant 0 : i32
    %dma_start3A_202 = tpu.memref_slice %arg5[%dma_start3A_201] : memref<1024000xf32, #tpu.memory_space<vmem_shared>> -> memref<1024000xf32, #tpu.memory_space<vmem_shared>>
    tpu.enqueue_indirect_dma source(%arg13 : memref<6400xf32, #tpu.memory_space<vmem>>) target(%dma_start3A_202 : memref<1024000xf32, #tpu.memory_space<vmem_shared>>) offsets(%arg11 : memref<6400xi32, #tpu.memory_space<vmem>>) semaphore(%arg20 : memref<!tpu.dma_semaphore, #tpu.memory_space<semaphore_mem>>) {add = true}
    %dma_wait3A_203 = arith.constant 0 : i32
    %dma_wait3A_204 = arith.constant 0 : i32
    %dma_wait3A_205 = tpu.memref_slice %arg2[%dma_wait3A_203, %dma_wait3A_204] : memref<2x3200000xi32, #tpu.memory_space<hbm>> -> memref<1x6400xi32, #tpu.memory_space<hbm>>
    %dma_wait3A_206 = tpu.memref_squeeze %dma_wait3A_205 : memref<1x6400xi32, #tpu.memory_space<hbm>> -> memref<6400xi32, #tpu.memory_space<hbm>>
    %dma_wait3A_207 = arith.constant 0 : i32
    %dma_wait3A_208 = tpu.memref_slice %arg2[%dma_wait3A_203, %dma_wait3A_207] : memref<2x3200000xi32, #tpu.memory_space<hbm>> -> memref<1x6400xi32, #tpu.memory_space<hbm>>
    %dma_wait3A_209 = tpu.memref_squeeze %dma_wait3A_208 : memref<1x6400xi32, #tpu.memory_space<hbm>> -> memref<6400xi32, #tpu.memory_space<hbm>>
    tpu.wait_dma2 semaphore(%arg17 : memref<!tpu.dma_semaphore, #tpu.memory_space<semaphore_mem>>) src(%dma_wait3A_209 : memref<6400xi32, #tpu.memory_space<hbm>>) dst(%arg8 : memref<6400xi32, #tpu.memory_space<vmem>>)
    %dma_wait3A_210 = arith.constant 1 : i32
    %dma_wait3A_211 = arith.constant 0 : i32
    %dma_wait3A_212 = tpu.memref_slice %arg2[%dma_wait3A_210, %dma_wait3A_211] : memref<2x3200000xi32, #tpu.memory_space<hbm>> -> memref<1x6400xi32, #tpu.memory_space<hbm>>
    %dma_wait3A_213 = tpu.memref_squeeze %dma_wait3A_212 : memref<1x6400xi32, #tpu.memory_space<hbm>> -> memref<6400xi32, #tpu.memory_space<hbm>>
    %dma_wait3A_214 = arith.constant 0 : i32
    %dma_wait3A_215 = tpu.memref_slice %arg2[%dma_wait3A_210, %dma_wait3A_214] : memref<2x3200000xi32, #tpu.memory_space<hbm>> -> memref<1x6400xi32, #tpu.memory_space<hbm>>
    %dma_wait3A_216 = tpu.memref_squeeze %dma_wait3A_215 : memref<1x6400xi32, #tpu.memory_space<hbm>> -> memref<6400xi32, #tpu.memory_space<hbm>>
    tpu.wait_dma2 semaphore(%arg19 : memref<!tpu.dma_semaphore, #tpu.memory_space<semaphore_mem>>) src(%dma_wait3A_216 : memref<6400xi32, #tpu.memory_space<hbm>>) dst(%arg10 : memref<6400xi32, #tpu.memory_space<vmem>>)
    %dma_wait3A_217 = arith.constant 0 : i32
    %dma_wait3A_218 = tpu.memref_slice %arg5[%dma_wait3A_217] : memref<1024000xf32, #tpu.memory_space<vmem_shared>> -> memref<1024000xf32, #tpu.memory_space<vmem_shared>>
    tpu.wait_indirect_dma semaphore(%arg21 : memref<!tpu.dma_semaphore, #tpu.memory_space<semaphore_mem>>) src(%arg14 : memref<6400xf32, #tpu.memory_space<vmem>>) dst(%dma_wait3A_218 : memref<1024000xf32, #tpu.memory_space<vmem_shared>>)
    "tpu.region"() ({
      %run_scoped3A = tpu.sem_alloc : memref<!tpu.dma_semaphore, #tpu.memory_space<semaphore_mem>>
      %dma_start3A_608 = arith.constant 0 : i32
      %dma_start3A_609 = tpu.memref_slice %arg6[%dma_start3A_608] : memref<102400xf32, #tpu.memory_space<vmem_shared>> -> memref<102400xf32, #tpu.memory_space<vmem_shared>>
      tpu.enqueue_indirect_dma source(%dma_start3A_609 : memref<102400xf32, #tpu.memory_space<vmem_shared>>) target(%arg14 : memref<6400xf32, #tpu.memory_space<vmem>>) offsets(%arg8 : memref<6400xi32, #tpu.memory_space<vmem>>) semaphore(%run_scoped3A : memref<!tpu.dma_semaphore, #tpu.memory_space<semaphore_mem>>)
      %dma_wait3A_610 = arith.constant 0 : i32
      %dma_wait3A_611 = tpu.memref_slice %arg6[%dma_wait3A_610] : memref<102400xf32, #tpu.memory_space<vmem_shared>> -> memref<102400xf32, #tpu.memory_space<vmem_shared>>
      tpu.wait_indirect_dma semaphore(%run_scoped3A : memref<!tpu.dma_semaphore, #tpu.memory_space<semaphore_mem>>) src(%dma_wait3A_611 : memref<102400xf32, #tpu.memory_space<vmem_shared>>) dst(%arg14 : memref<6400xf32, #tpu.memory_space<vmem>>)
      tpu.yield
    }) : () -> ()
    %parallel_loop3A_219 = arith.constant 0 : i32
    %parallel_loop3A_220 = arith.constant 6400 : i32
    %parallel_loop3A_221 = arith.constant 16 : i32
    scf.for %parallel_loop3A_608 = %parallel_loop3A_219 to %parallel_loop3A_220 step %parallel_loop3A_221  : i32 {
      %parallel_loop3A_609 = arith.index_cast %parallel_loop3A_608 : i32 to index
      %parallel_loop3A_610 = tpu.vector_load %arg14[%parallel_loop3A_609] {strides = array<i32>} : memref<6400xf32, #tpu.memory_space<vmem>>, vector<16xf32>,
      %parallel_loop3A_611 = vector.bitcast %parallel_loop3A_610 : vector<16xf32> to vector<16xi32>
      %parallel_loop3A_612 = arith.index_cast %parallel_loop3A_608 : i32 to index
      %parallel_loop3A_613 = tpu.vector_load %arg10[%parallel_loop3A_612] {strides = array<i32>} : memref<6400xi32, #tpu.memory_space<vmem>>, vector<16xi32>,
      %parallel_loop3A_614 = arith.constant 15 : i32
      %parallel_loop3A_615 = vector.broadcast %parallel_loop3A_614 : i32 to vector<16xi32>
      %parallel_loop3A_616 = arith.andi %parallel_loop3A_611, %parallel_loop3A_615 : vector<16xi32>
      %parallel_loop3A_617 = arith.constant 102400 : i32
      %parallel_loop3A_618 = vector.broadcast %parallel_loop3A_617 : i32 to vector<16xi32>
      %parallel_loop3A_619 = arith.muli %parallel_loop3A_616, %parallel_loop3A_618 : vector<16xi32>
      %parallel_loop3A_620 = arith.addi %parallel_loop3A_619, %parallel_loop3A_613 : vector<16xi32>
      %parallel_loop3A_621 = arith.index_cast %parallel_loop3A_608 : i32 to index
      %parallel_loop3A_622 = tpu.vector_load %arg12[%parallel_loop3A_621] {strides = array<i32>} : memref<6400xi32, #tpu.memory_space<vmem>>, vector<16xi32>,
      tpu.vector_store %arg12[%parallel_loop3A_621], %parallel_loop3A_620 {strides = array<i32>} : memref<6400xi32, #tpu.memory_space<vmem>>, vector<16xi32>,
      %parallel_loop3A_623 = arith.constant -16 : i32
      %parallel_loop3A_624 = vector.broadcast %parallel_loop3A_623 : i32 to vector<16xi32>
      %parallel_loop3A_625 = arith.andi %parallel_loop3A_611, %parallel_loop3A_624 : vector<16xi32>
      %parallel_loop3A_626 = vector.bitcast %parallel_loop3A_625 : vector<16xi32> to vector<16xf32>
      %parallel_loop3A_627 = arith.index_cast %parallel_loop3A_608 : i32 to index
      %parallel_loop3A_628 = tpu.vector_load %arg14[%parallel_loop3A_627] {strides = array<i32>} : memref<6400xf32, #tpu.memory_space<vmem>>, vector<16xf32>,
      tpu.vector_store %arg14[%parallel_loop3A_627], %parallel_loop3A_626 {strides = array<i32>} : memref<6400xf32, #tpu.memory_space<vmem>>, vector<16xf32>,
    } {sc.loop_unroll_factor = 8 : i64, sc.parallel_access}
    %add3A_222 = arith.constant 5 : i32
    %add3A_223 = arith.addi %add3A_4, %add3A_222 : i32
    %mul3A_224 = arith.constant 6400 : i32
    %mul3A_225 = arith.muli %add3A_223, %mul3A_224 : i32
    %dma_start3A_226 = arith.constant 0 : i32
    %dma_start3A_227 = tpu.memref_slice %arg2[%dma_start3A_226, %mul3A_225] : memref<2x3200000xi32, #tpu.memory_space<hbm>> -> memref<1x6400xi32, #tpu.memory_space<hbm>>
    %dma_start3A_228 = tpu.memref_squeeze %dma_start3A_227 : memref<1x6400xi32, #tpu.memory_space<hbm>> -> memref<6400xi32, #tpu.memory_space<hbm>>
    %dma_start3A_229 = tpu.memref_slice %arg2[%dma_start3A_226, %mul3A_225] : memref<2x3200000xi32, #tpu.memory_space<hbm>> -> memref<1x6400xi32, #tpu.memory_space<hbm>>
    %dma_start3A_230 = tpu.memref_squeeze %dma_start3A_229 : memref<1x6400xi32, #tpu.memory_space<hbm>> -> memref<6400xi32, #tpu.memory_space<hbm>>
    tpu.enqueue_dma source(%dma_start3A_230 : memref<6400xi32, #tpu.memory_space<hbm>>) target(%arg8 : memref<6400xi32, #tpu.memory_space<vmem>>) target_semaphore(%arg17 : memref<!tpu.dma_semaphore, #tpu.memory_space<semaphore_mem>>)
    %dma_start3A_231 = arith.constant 1 : i32
    %dma_start3A_232 = tpu.memref_slice %arg2[%dma_start3A_231, %mul3A_225] : memref<2x3200000xi32, #tpu.memory_space<hbm>> -> memref<1x6400xi32, #tpu.memory_space<hbm>>
    %dma_start3A_233 = tpu.memref_squeeze %dma_start3A_232 : memref<1x6400xi32, #tpu.memory_space<hbm>> -> memref<6400xi32, #tpu.memory_space<hbm>>
    %dma_start3A_234 = tpu.memref_slice %arg2[%dma_start3A_231, %mul3A_225] : memref<2x3200000xi32, #tpu.memory_space<hbm>> -> memref<1x6400xi32, #tpu.memory_space<hbm>>
    %dma_start3A_235 = tpu.memref_squeeze %dma_start3A_234 : memref<1x6400xi32, #tpu.memory_space<hbm>> -> memref<6400xi32, #tpu.memory_space<hbm>>
    tpu.enqueue_dma source(%dma_start3A_235 : memref<6400xi32, #tpu.memory_space<hbm>>) target(%arg10 : memref<6400xi32, #tpu.memory_space<vmem>>) target_semaphore(%arg19 : memref<!tpu.dma_semaphore, #tpu.memory_space<semaphore_mem>>)
    %dma_start3A_236 = arith.constant 0 : i32
    %dma_start3A_237 = tpu.memref_slice %arg5[%dma_start3A_236] : memref<1024000xf32, #tpu.memory_space<vmem_shared>> -> memref<1024000xf32, #tpu.memory_space<vmem_shared>>
    tpu.enqueue_indirect_dma source(%arg14 : memref<6400xf32, #tpu.memory_space<vmem>>) target(%dma_start3A_237 : memref<1024000xf32, #tpu.memory_space<vmem_shared>>) offsets(%arg12 : memref<6400xi32, #tpu.memory_space<vmem>>) semaphore(%arg21 : memref<!tpu.dma_semaphore, #tpu.memory_space<semaphore_mem>>) {add = true}
    %dma_wait3A_238 = arith.constant 0 : i32
    %dma_wait3A_239 = arith.constant 0 : i32
    %dma_wait3A_240 = tpu.memref_slice %arg2[%dma_wait3A_238, %dma_wait3A_239] : memref<2x3200000xi32, #tpu.memory_space<hbm>> -> memref<1x6400xi32, #tpu.memory_space<hbm>>
    %dma_wait3A_241 = tpu.memref_squeeze %dma_wait3A_240 : memref<1x6400xi32, #tpu.memory_space<hbm>> -> memref<6400xi32, #tpu.memory_space<hbm>>
    %dma_wait3A_242 = arith.constant 0 : i32
    %dma_wait3A_243 = tpu.memref_slice %arg2[%dma_wait3A_238, %dma_wait3A_242] : memref<2x3200000xi32, #tpu.memory_space<hbm>> -> memref<1x6400xi32, #tpu.memory_space<hbm>>
    %dma_wait3A_244 = tpu.memref_squeeze %dma_wait3A_243 : memref<1x6400xi32, #tpu.memory_space<hbm>> -> memref<6400xi32, #tpu.memory_space<hbm>>
    tpu.wait_dma2 semaphore(%arg16 : memref<!tpu.dma_semaphore, #tpu.memory_space<semaphore_mem>>) src(%dma_wait3A_244 : memref<6400xi32, #tpu.memory_space<hbm>>) dst(%arg7 : memref<6400xi32, #tpu.memory_space<vmem>>)
    %dma_wait3A_245 = arith.constant 1 : i32
    %dma_wait3A_246 = arith.constant 0 : i32
    %dma_wait3A_247 = tpu.memref_slice %arg2[%dma_wait3A_245, %dma_wait3A_246] : memref<2x3200000xi32, #tpu.memory_space<hbm>> -> memref<1x6400xi32, #tpu.memory_space<hbm>>
    %dma_wait3A_248 = tpu.memref_squeeze %dma_wait3A_247 : memref<1x6400xi32, #tpu.memory_space<hbm>> -> memref<6400xi32, #tpu.memory_space<hbm>>
    %dma_wait3A_249 = arith.constant 0 : i32
    %dma_wait3A_250 = tpu.memref_slice %arg2[%dma_wait3A_245, %dma_wait3A_249] : memref<2x3200000xi32, #tpu.memory_space<hbm>> -> memref<1x6400xi32, #tpu.memory_space<hbm>>
    %dma_wait3A_251 = tpu.memref_squeeze %dma_wait3A_250 : memref<1x6400xi32, #tpu.memory_space<hbm>> -> memref<6400xi32, #tpu.memory_space<hbm>>
    tpu.wait_dma2 semaphore(%arg18 : memref<!tpu.dma_semaphore, #tpu.memory_space<semaphore_mem>>) src(%dma_wait3A_251 : memref<6400xi32, #tpu.memory_space<hbm>>) dst(%arg9 : memref<6400xi32, #tpu.memory_space<vmem>>)
    %dma_wait3A_252 = arith.constant 0 : i32
    %dma_wait3A_253 = tpu.memref_slice %arg5[%dma_wait3A_252] : memref<1024000xf32, #tpu.memory_space<vmem_shared>> -> memref<1024000xf32, #tpu.memory_space<vmem_shared>>
    tpu.wait_indirect_dma semaphore(%arg20 : memref<!tpu.dma_semaphore, #tpu.memory_space<semaphore_mem>>) src(%arg13 : memref<6400xf32, #tpu.memory_space<vmem>>) dst(%dma_wait3A_253 : memref<1024000xf32, #tpu.memory_space<vmem_shared>>)
    "tpu.region"() ({
      %run_scoped3A = tpu.sem_alloc : memref<!tpu.dma_semaphore, #tpu.memory_space<semaphore_mem>>
      %dma_start3A_608 = arith.constant 0 : i32
      %dma_start3A_609 = tpu.memref_slice %arg6[%dma_start3A_608] : memref<102400xf32, #tpu.memory_space<vmem_shared>> -> memref<102400xf32, #tpu.memory_space<vmem_shared>>
      tpu.enqueue_indirect_dma source(%dma_start3A_609 : memref<102400xf32, #tpu.memory_space<vmem_shared>>) target(%arg13 : memref<6400xf32, #tpu.memory_space<vmem>>) offsets(%arg7 : memref<6400xi32, #tpu.memory_space<vmem>>) semaphore(%run_scoped3A : memref<!tpu.dma_semaphore, #tpu.memory_space<semaphore_mem>>)
      %dma_wait3A_610 = arith.constant 0 : i32
      %dma_wait3A_611 = tpu.memref_slice %arg6[%dma_wait3A_610] : memref<102400xf32, #tpu.memory_space<vmem_shared>> -> memref<102400xf32, #tpu.memory_space<vmem_shared>>
      tpu.wait_indirect_dma semaphore(%run_scoped3A : memref<!tpu.dma_semaphore, #tpu.memory_space<semaphore_mem>>) src(%dma_wait3A_611 : memref<102400xf32, #tpu.memory_space<vmem_shared>>) dst(%arg13 : memref<6400xf32, #tpu.memory_space<vmem>>)
      tpu.yield
    }) : () -> ()
    %parallel_loop3A_254 = arith.constant 0 : i32
    %parallel_loop3A_255 = arith.constant 6400 : i32
    %parallel_loop3A_256 = arith.constant 16 : i32
    scf.for %parallel_loop3A_608 = %parallel_loop3A_254 to %parallel_loop3A_255 step %parallel_loop3A_256  : i32 {
      %parallel_loop3A_609 = arith.index_cast %parallel_loop3A_608 : i32 to index
      %parallel_loop3A_610 = tpu.vector_load %arg13[%parallel_loop3A_609] {strides = array<i32>} : memref<6400xf32, #tpu.memory_space<vmem>>, vector<16xf32>,
      %parallel_loop3A_611 = vector.bitcast %parallel_loop3A_610 : vector<16xf32> to vector<16xi32>
      %parallel_loop3A_612 = arith.index_cast %parallel_loop3A_608 : i32 to index
      %parallel_loop3A_613 = tpu.vector_load %arg9[%parallel_loop3A_612] {strides = array<i32>} : memref<6400xi32, #tpu.memory_space<vmem>>, vector<16xi32>,
      %parallel_loop3A_614 = arith.constant 15 : i32
      %parallel_loop3A_615 = vector.broadcast %parallel_loop3A_614 : i32 to vector<16xi32>
      %parallel_loop3A_616 = arith.andi %parallel_loop3A_611, %parallel_loop3A_615 : vector<16xi32>
      %parallel_loop3A_617 = arith.constant 102400 : i32
      %parallel_loop3A_618 = vector.broadcast %parallel_loop3A_617 : i32 to vector<16xi32>
      %parallel_loop3A_619 = arith.muli %parallel_loop3A_616, %parallel_loop3A_618 : vector<16xi32>
      %parallel_loop3A_620 = arith.addi %parallel_loop3A_619, %parallel_loop3A_613 : vector<16xi32>
      %parallel_loop3A_621 = arith.index_cast %parallel_loop3A_608 : i32 to index
      %parallel_loop3A_622 = tpu.vector_load %arg11[%parallel_loop3A_621] {strides = array<i32>} : memref<6400xi32, #tpu.memory_space<vmem>>, vector<16xi32>,
      tpu.vector_store %arg11[%parallel_loop3A_621], %parallel_loop3A_620 {strides = array<i32>} : memref<6400xi32, #tpu.memory_space<vmem>>, vector<16xi32>,
      %parallel_loop3A_623 = arith.constant -16 : i32
      %parallel_loop3A_624 = vector.broadcast %parallel_loop3A_623 : i32 to vector<16xi32>
      %parallel_loop3A_625 = arith.andi %parallel_loop3A_611, %parallel_loop3A_624 : vector<16xi32>
      %parallel_loop3A_626 = vector.bitcast %parallel_loop3A_625 : vector<16xi32> to vector<16xf32>
      %parallel_loop3A_627 = arith.index_cast %parallel_loop3A_608 : i32 to index
      %parallel_loop3A_628 = tpu.vector_load %arg13[%parallel_loop3A_627] {strides = array<i32>} : memref<6400xf32, #tpu.memory_space<vmem>>, vector<16xf32>,
      tpu.vector_store %arg13[%parallel_loop3A_627], %parallel_loop3A_626 {strides = array<i32>} : memref<6400xf32, #tpu.memory_space<vmem>>, vector<16xf32>,
    } {sc.loop_unroll_factor = 8 : i64, sc.parallel_access}
    %add3A_257 = arith.constant 6 : i32
    %add3A_258 = arith.addi %add3A_4, %add3A_257 : i32
    %mul3A_259 = arith.constant 6400 : i32
    %mul3A_260 = arith.muli %add3A_258, %mul3A_259 : i32
    %dma_start3A_261 = arith.constant 0 : i32
    %dma_start3A_262 = tpu.memref_slice %arg2[%dma_start3A_261, %mul3A_260] : memref<2x3200000xi32, #tpu.memory_space<hbm>> -> memref<1x6400xi32, #tpu.memory_space<hbm>>
    %dma_start3A_263 = tpu.memref_squeeze %dma_start3A_262 : memref<1x6400xi32, #tpu.memory_space<hbm>> -> memref<6400xi32, #tpu.memory_space<hbm>>
    %dma_start3A_264 = tpu.memref_slice %arg2[%dma_start3A_261, %mul3A_260] : memref<2x3200000xi32, #tpu.memory_space<hbm>> -> memref<1x6400xi32, #tpu.memory_space<hbm>>
    %dma_start3A_265 = tpu.memref_squeeze %dma_start3A_264 : memref<1x6400xi32, #tpu.memory_space<hbm>> -> memref<6400xi32, #tpu.memory_space<hbm>>
    tpu.enqueue_dma source(%dma_start3A_265 : memref<6400xi32, #tpu.memory_space<hbm>>) target(%arg7 : memref<6400xi32, #tpu.memory_space<vmem>>) target_semaphore(%arg16 : memref<!tpu.dma_semaphore, #tpu.memory_space<semaphore_mem>>)
    %dma_start3A_266 = arith.constant 1 : i32
    %dma_start3A_267 = tpu.memref_slice %arg2[%dma_start3A_266, %mul3A_260] : memref<2x3200000xi32, #tpu.memory_space<hbm>> -> memref<1x6400xi32, #tpu.memory_space<hbm>>
    %dma_start3A_268 = tpu.memref_squeeze %dma_start3A_267 : memref<1x6400xi32, #tpu.memory_space<hbm>> -> memref<6400xi32, #tpu.memory_space<hbm>>
    %dma_start3A_269 = tpu.memref_slice %arg2[%dma_start3A_266, %mul3A_260] : memref<2x3200000xi32, #tpu.memory_space<hbm>> -> memref<1x6400xi32, #tpu.memory_space<hbm>>
    %dma_start3A_270 = tpu.memref_squeeze %dma_start3A_269 : memref<1x6400xi32, #tpu.memory_space<hbm>> -> memref<6400xi32, #tpu.memory_space<hbm>>
    tpu.enqueue_dma source(%dma_start3A_270 : memref<6400xi32, #tpu.memory_space<hbm>>) target(%arg9 : memref<6400xi32, #tpu.memory_space<vmem>>) target_semaphore(%arg18 : memref<!tpu.dma_semaphore, #tpu.memory_space<semaphore_mem>>)
    %dma_start3A_271 = arith.constant 0 : i32
    %dma_start3A_272 = tpu.memref_slice %arg5[%dma_start3A_271] : memref<1024000xf32, #tpu.memory_space<vmem_shared>> -> memref<1024000xf32, #tpu.memory_space<vmem_shared>>
    tpu.enqueue_indirect_dma source(%arg13 : memref<6400xf32, #tpu.memory_space<vmem>>) target(%dma_start3A_272 : memref<1024000xf32, #tpu.memory_space<vmem_shared>>) offsets(%arg11 : memref<6400xi32, #tpu.memory_space<vmem>>) semaphore(%arg20 : memref<!tpu.dma_semaphore, #tpu.memory_space<semaphore_mem>>) {add = true}
    %dma_wait3A_273 = arith.constant 0 : i32
    %dma_wait3A_274 = arith.constant 0 : i32
    %dma_wait3A_275 = tpu.memref_slice %arg2[%dma_wait3A_273, %dma_wait3A_274] : memref<2x3200000xi32, #tpu.memory_space<hbm>> -> memref<1x6400xi32, #tpu.memory_space<hbm>>
    %dma_wait3A_276 = tpu.memref_squeeze %dma_wait3A_275 : memref<1x6400xi32, #tpu.memory_space<hbm>> -> memref<6400xi32, #tpu.memory_space<hbm>>
    %dma_wait3A_277 = arith.constant 0 : i32
    %dma_wait3A_278 = tpu.memref_slice %arg2[%dma_wait3A_273, %dma_wait3A_277] : memref<2x3200000xi32, #tpu.memory_space<hbm>> -> memref<1x6400xi32, #tpu.memory_space<hbm>>
    %dma_wait3A_279 = tpu.memref_squeeze %dma_wait3A_278 : memref<1x6400xi32, #tpu.memory_space<hbm>> -> memref<6400xi32, #tpu.memory_space<hbm>>
    tpu.wait_dma2 semaphore(%arg17 : memref<!tpu.dma_semaphore, #tpu.memory_space<semaphore_mem>>) src(%dma_wait3A_279 : memref<6400xi32, #tpu.memory_space<hbm>>) dst(%arg8 : memref<6400xi32, #tpu.memory_space<vmem>>)
    %dma_wait3A_280 = arith.constant 1 : i32
    %dma_wait3A_281 = arith.constant 0 : i32
    %dma_wait3A_282 = tpu.memref_slice %arg2[%dma_wait3A_280, %dma_wait3A_281] : memref<2x3200000xi32, #tpu.memory_space<hbm>> -> memref<1x6400xi32, #tpu.memory_space<hbm>>
    %dma_wait3A_283 = tpu.memref_squeeze %dma_wait3A_282 : memref<1x6400xi32, #tpu.memory_space<hbm>> -> memref<6400xi32, #tpu.memory_space<hbm>>
    %dma_wait3A_284 = arith.constant 0 : i32
    %dma_wait3A_285 = tpu.memref_slice %arg2[%dma_wait3A_280, %dma_wait3A_284] : memref<2x3200000xi32, #tpu.memory_space<hbm>> -> memref<1x6400xi32, #tpu.memory_space<hbm>>
    %dma_wait3A_286 = tpu.memref_squeeze %dma_wait3A_285 : memref<1x6400xi32, #tpu.memory_space<hbm>> -> memref<6400xi32, #tpu.memory_space<hbm>>
    tpu.wait_dma2 semaphore(%arg19 : memref<!tpu.dma_semaphore, #tpu.memory_space<semaphore_mem>>) src(%dma_wait3A_286 : memref<6400xi32, #tpu.memory_space<hbm>>) dst(%arg10 : memref<6400xi32, #tpu.memory_space<vmem>>)
    %dma_wait3A_287 = arith.constant 0 : i32
    %dma_wait3A_288 = tpu.memref_slice %arg5[%dma_wait3A_287] : memref<1024000xf32, #tpu.memory_space<vmem_shared>> -> memref<1024000xf32, #tpu.memory_space<vmem_shared>>
    tpu.wait_indirect_dma semaphore(%arg21 : memref<!tpu.dma_semaphore, #tpu.memory_space<semaphore_mem>>) src(%arg14 : memref<6400xf32, #tpu.memory_space<vmem>>) dst(%dma_wait3A_288 : memref<1024000xf32, #tpu.memory_space<vmem_shared>>)
    "tpu.region"() ({
      %run_scoped3A = tpu.sem_alloc : memref<!tpu.dma_semaphore, #tpu.memory_space<semaphore_mem>>
      %dma_start3A_608 = arith.constant 0 : i32
      %dma_start3A_609 = tpu.memref_slice %arg6[%dma_start3A_608] : memref<102400xf32, #tpu.memory_space<vmem_shared>> -> memref<102400xf32, #tpu.memory_space<vmem_shared>>
      tpu.enqueue_indirect_dma source(%dma_start3A_609 : memref<102400xf32, #tpu.memory_space<vmem_shared>>) target(%arg14 : memref<6400xf32, #tpu.memory_space<vmem>>) offsets(%arg8 : memref<6400xi32, #tpu.memory_space<vmem>>) semaphore(%run_scoped3A : memref<!tpu.dma_semaphore, #tpu.memory_space<semaphore_mem>>)
      %dma_wait3A_610 = arith.constant 0 : i32
      %dma_wait3A_611 = tpu.memref_slice %arg6[%dma_wait3A_610] : memref<102400xf32, #tpu.memory_space<vmem_shared>> -> memref<102400xf32, #tpu.memory_space<vmem_shared>>
      tpu.wait_indirect_dma semaphore(%run_scoped3A : memref<!tpu.dma_semaphore, #tpu.memory_space<semaphore_mem>>) src(%dma_wait3A_611 : memref<102400xf32, #tpu.memory_space<vmem_shared>>) dst(%arg14 : memref<6400xf32, #tpu.memory_space<vmem>>)
      tpu.yield
    }) : () -> ()
    %parallel_loop3A_289 = arith.constant 0 : i32
    %parallel_loop3A_290 = arith.constant 6400 : i32
    %parallel_loop3A_291 = arith.constant 16 : i32
    scf.for %parallel_loop3A_608 = %parallel_loop3A_289 to %parallel_loop3A_290 step %parallel_loop3A_291  : i32 {
      %parallel_loop3A_609 = arith.index_cast %parallel_loop3A_608 : i32 to index
      %parallel_loop3A_610 = tpu.vector_load %arg14[%parallel_loop3A_609] {strides = array<i32>} : memref<6400xf32, #tpu.memory_space<vmem>>, vector<16xf32>,
      %parallel_loop3A_611 = vector.bitcast %parallel_loop3A_610 : vector<16xf32> to vector<16xi32>
      %parallel_loop3A_612 = arith.index_cast %parallel_loop3A_608 : i32 to index
      %parallel_loop3A_613 = tpu.vector_load %arg10[%parallel_loop3A_612] {strides = array<i32>} : memref<6400xi32, #tpu.memory_space<vmem>>, vector<16xi32>,
      %parallel_loop3A_614 = arith.constant 15 : i32
      %parallel_loop3A_615 = vector.broadcast %parallel_loop3A_614 : i32 to vector<16xi32>
      %parallel_loop3A_616 = arith.andi %parallel_loop3A_611, %parallel_loop3A_615 : vector<16xi32>
      %parallel_loop3A_617 = arith.constant 102400 : i32
      %parallel_loop3A_618 = vector.broadcast %parallel_loop3A_617 : i32 to vector<16xi32>
      %parallel_loop3A_619 = arith.muli %parallel_loop3A_616, %parallel_loop3A_618 : vector<16xi32>
      %parallel_loop3A_620 = arith.addi %parallel_loop3A_619, %parallel_loop3A_613 : vector<16xi32>
      %parallel_loop3A_621 = arith.index_cast %parallel_loop3A_608 : i32 to index
      %parallel_loop3A_622 = tpu.vector_load %arg12[%parallel_loop3A_621] {strides = array<i32>} : memref<6400xi32, #tpu.memory_space<vmem>>, vector<16xi32>,
      tpu.vector_store %arg12[%parallel_loop3A_621], %parallel_loop3A_620 {strides = array<i32>} : memref<6400xi32, #tpu.memory_space<vmem>>, vector<16xi32>,
      %parallel_loop3A_623 = arith.constant -16 : i32
      %parallel_loop3A_624 = vector.broadcast %parallel_loop3A_623 : i32 to vector<16xi32>
      %parallel_loop3A_625 = arith.andi %parallel_loop3A_611, %parallel_loop3A_624 : vector<16xi32>
      %parallel_loop3A_626 = vector.bitcast %parallel_loop3A_625 : vector<16xi32> to vector<16xf32>
      %parallel_loop3A_627 = arith.index_cast %parallel_loop3A_608 : i32 to index
      %parallel_loop3A_628 = tpu.vector_load %arg14[%parallel_loop3A_627] {strides = array<i32>} : memref<6400xf32, #tpu.memory_space<vmem>>, vector<16xf32>,
      tpu.vector_store %arg14[%parallel_loop3A_627], %parallel_loop3A_626 {strides = array<i32>} : memref<6400xf32, #tpu.memory_space<vmem>>, vector<16xf32>,
    } {sc.loop_unroll_factor = 8 : i64, sc.parallel_access}
    %add3A_292 = arith.constant 7 : i32
    %add3A_293 = arith.addi %add3A_4, %add3A_292 : i32
    %mul3A_294 = arith.constant 6400 : i32
    %mul3A_295 = arith.muli %add3A_293, %mul3A_294 : i32
    %dma_start3A_296 = arith.constant 0 : i32
    %dma_start3A_297 = tpu.memref_slice %arg2[%dma_start3A_296, %mul3A_295] : memref<2x3200000xi32, #tpu.memory_space<hbm>> -> memref<1x6400xi32, #tpu.memory_space<hbm>>
    %dma_start3A_298 = tpu.memref_squeeze %dma_start3A_297 : memref<1x6400xi32, #tpu.memory_space<hbm>> -> memref<6400xi32, #tpu.memory_space<hbm>>
    %dma_start3A_299 = tpu.memref_slice %arg2[%dma_start3A_296, %mul3A_295] : memref<2x3200000xi32, #tpu.memory_space<hbm>> -> memref<1x6400xi32, #tpu.memory_space<hbm>>
    %dma_start3A_300 = tpu.memref_squeeze %dma_start3A_299 : memref<1x6400xi32, #tpu.memory_space<hbm>> -> memref<6400xi32, #tpu.memory_space<hbm>>
    tpu.enqueue_dma source(%dma_start3A_300 : memref<6400xi32, #tpu.memory_space<hbm>>) target(%arg8 : memref<6400xi32, #tpu.memory_space<vmem>>) target_semaphore(%arg17 : memref<!tpu.dma_semaphore, #tpu.memory_space<semaphore_mem>>)
    %dma_start3A_301 = arith.constant 1 : i32
    %dma_start3A_302 = tpu.memref_slice %arg2[%dma_start3A_301, %mul3A_295] : memref<2x3200000xi32, #tpu.memory_space<hbm>> -> memref<1x6400xi32, #tpu.memory_space<hbm>>
    %dma_start3A_303 = tpu.memref_squeeze %dma_start3A_302 : memref<1x6400xi32, #tpu.memory_space<hbm>> -> memref<6400xi32, #tpu.memory_space<hbm>>
    %dma_start3A_304 = tpu.memref_slice %arg2[%dma_start3A_301, %mul3A_295] : memref<2x3200000xi32, #tpu.memory_space<hbm>> -> memref<1x6400xi32, #tpu.memory_space<hbm>>
    %dma_start3A_305 = tpu.memref_squeeze %dma_start3A_304 : memref<1x6400xi32, #tpu.memory_space<hbm>> -> memref<6400xi32, #tpu.memory_space<hbm>>
    tpu.enqueue_dma source(%dma_start3A_305 : memref<6400xi32, #tpu.memory_space<hbm>>) target(%arg10 : memref<6400xi32, #tpu.memory_space<vmem>>) target_semaphore(%arg19 : memref<!tpu.dma_semaphore, #tpu.memory_space<semaphore_mem>>)
    %dma_start3A_306 = arith.constant 0 : i32
    %dma_start3A_307 = tpu.memref_slice %arg5[%dma_start3A_306] : memref<1024000xf32, #tpu.memory_space<vmem_shared>> -> memref<1024000xf32, #tpu.memory_space<vmem_shared>>
    tpu.enqueue_indirect_dma source(%arg14 : memref<6400xf32, #tpu.memory_space<vmem>>) target(%dma_start3A_307 : memref<1024000xf32, #tpu.memory_space<vmem_shared>>) offsets(%arg12 : memref<6400xi32, #tpu.memory_space<vmem>>) semaphore(%arg21 : memref<!tpu.dma_semaphore, #tpu.memory_space<semaphore_mem>>) {add = true}
    %dma_wait3A_308 = arith.constant 0 : i32
    %dma_wait3A_309 = arith.constant 0 : i32
    %dma_wait3A_310 = tpu.memref_slice %arg2[%dma_wait3A_308, %dma_wait3A_309] : memref<2x3200000xi32, #tpu.memory_space<hbm>> -> memref<1x6400xi32, #tpu.memory_space<hbm>>
    %dma_wait3A_311 = tpu.memref_squeeze %dma_wait3A_310 : memref<1x6400xi32, #tpu.memory_space<hbm>> -> memref<6400xi32, #tpu.memory_space<hbm>>
    %dma_wait3A_312 = arith.constant 0 : i32
    %dma_wait3A_313 = tpu.memref_slice %arg2[%dma_wait3A_308, %dma_wait3A_312] : memref<2x3200000xi32, #tpu.memory_space<hbm>> -> memref<1x6400xi32, #tpu.memory_space<hbm>>
    %dma_wait3A_314 = tpu.memref_squeeze %dma_wait3A_313 : memref<1x6400xi32, #tpu.memory_space<hbm>> -> memref<6400xi32, #tpu.memory_space<hbm>>
    tpu.wait_dma2 semaphore(%arg16 : memref<!tpu.dma_semaphore, #tpu.memory_space<semaphore_mem>>) src(%dma_wait3A_314 : memref<6400xi32, #tpu.memory_space<hbm>>) dst(%arg7 : memref<6400xi32, #tpu.memory_space<vmem>>)
    %dma_wait3A_315 = arith.constant 1 : i32
    %dma_wait3A_316 = arith.constant 0 : i32
    %dma_wait3A_317 = tpu.memref_slice %arg2[%dma_wait3A_315, %dma_wait3A_316] : memref<2x3200000xi32, #tpu.memory_space<hbm>> -> memref<1x6400xi32, #tpu.memory_space<hbm>>
    %dma_wait3A_318 = tpu.memref_squeeze %dma_wait3A_317 : memref<1x6400xi32, #tpu.memory_space<hbm>> -> memref<6400xi32, #tpu.memory_space<hbm>>
    %dma_wait3A_319 = arith.constant 0 : i32
    %dma_wait3A_320 = tpu.memref_slice %arg2[%dma_wait3A_315, %dma_wait3A_319] : memref<2x3200000xi32, #tpu.memory_space<hbm>> -> memref<1x6400xi32, #tpu.memory_space<hbm>>
    %dma_wait3A_321 = tpu.memref_squeeze %dma_wait3A_320 : memref<1x6400xi32, #tpu.memory_space<hbm>> -> memref<6400xi32, #tpu.memory_space<hbm>>
    tpu.wait_dma2 semaphore(%arg18 : memref<!tpu.dma_semaphore, #tpu.memory_space<semaphore_mem>>) src(%dma_wait3A_321 : memref<6400xi32, #tpu.memory_space<hbm>>) dst(%arg9 : memref<6400xi32, #tpu.memory_space<vmem>>)
    %dma_wait3A_322 = arith.constant 0 : i32
    %dma_wait3A_323 = tpu.memref_slice %arg5[%dma_wait3A_322] : memref<1024000xf32, #tpu.memory_space<vmem_shared>> -> memref<1024000xf32, #tpu.memory_space<vmem_shared>>
    tpu.wait_indirect_dma semaphore(%arg20 : memref<!tpu.dma_semaphore, #tpu.memory_space<semaphore_mem>>) src(%arg13 : memref<6400xf32, #tpu.memory_space<vmem>>) dst(%dma_wait3A_323 : memref<1024000xf32, #tpu.memory_space<vmem_shared>>)
    "tpu.region"() ({
      %run_scoped3A = tpu.sem_alloc : memref<!tpu.dma_semaphore, #tpu.memory_space<semaphore_mem>>
      %dma_start3A_608 = arith.constant 0 : i32
      %dma_start3A_609 = tpu.memref_slice %arg6[%dma_start3A_608] : memref<102400xf32, #tpu.memory_space<vmem_shared>> -> memref<102400xf32, #tpu.memory_space<vmem_shared>>
      tpu.enqueue_indirect_dma source(%dma_start3A_609 : memref<102400xf32, #tpu.memory_space<vmem_shared>>) target(%arg13 : memref<6400xf32, #tpu.memory_space<vmem>>) offsets(%arg7 : memref<6400xi32, #tpu.memory_space<vmem>>) semaphore(%run_scoped3A : memref<!tpu.dma_semaphore, #tpu.memory_space<semaphore_mem>>)
      %dma_wait3A_610 = arith.constant 0 : i32
      %dma_wait3A_611 = tpu.memref_slice %arg6[%dma_wait3A_610] : memref<102400xf32, #tpu.memory_space<vmem_shared>> -> memref<102400xf32, #tpu.memory_space<vmem_shared>>
      tpu.wait_indirect_dma semaphore(%run_scoped3A : memref<!tpu.dma_semaphore, #tpu.memory_space<semaphore_mem>>) src(%dma_wait3A_611 : memref<102400xf32, #tpu.memory_space<vmem_shared>>) dst(%arg13 : memref<6400xf32, #tpu.memory_space<vmem>>)
      tpu.yield
    }) : () -> ()
    %parallel_loop3A_324 = arith.constant 0 : i32
    %parallel_loop3A_325 = arith.constant 6400 : i32
    %parallel_loop3A_326 = arith.constant 16 : i32
    scf.for %parallel_loop3A_608 = %parallel_loop3A_324 to %parallel_loop3A_325 step %parallel_loop3A_326  : i32 {
      %parallel_loop3A_609 = arith.index_cast %parallel_loop3A_608 : i32 to index
      %parallel_loop3A_610 = tpu.vector_load %arg13[%parallel_loop3A_609] {strides = array<i32>} : memref<6400xf32, #tpu.memory_space<vmem>>, vector<16xf32>,
      %parallel_loop3A_611 = vector.bitcast %parallel_loop3A_610 : vector<16xf32> to vector<16xi32>
      %parallel_loop3A_612 = arith.index_cast %parallel_loop3A_608 : i32 to index
      %parallel_loop3A_613 = tpu.vector_load %arg9[%parallel_loop3A_612] {strides = array<i32>} : memref<6400xi32, #tpu.memory_space<vmem>>, vector<16xi32>,
      %parallel_loop3A_614 = arith.constant 15 : i32
      %parallel_loop3A_615 = vector.broadcast %parallel_loop3A_614 : i32 to vector<16xi32>
      %parallel_loop3A_616 = arith.andi %parallel_loop3A_611, %parallel_loop3A_615 : vector<16xi32>
      %parallel_loop3A_617 = arith.constant 102400 : i32
      %parallel_loop3A_618 = vector.broadcast %parallel_loop3A_617 : i32 to vector<16xi32>
      %parallel_loop3A_619 = arith.muli %parallel_loop3A_616, %parallel_loop3A_618 : vector<16xi32>
      %parallel_loop3A_620 = arith.addi %parallel_loop3A_619, %parallel_loop3A_613 : vector<16xi32>
      %parallel_loop3A_621 = arith.index_cast %parallel_loop3A_608 : i32 to index
      %parallel_loop3A_622 = tpu.vector_load %arg11[%parallel_loop3A_621] {strides = array<i32>} : memref<6400xi32, #tpu.memory_space<vmem>>, vector<16xi32>,
      tpu.vector_store %arg11[%parallel_loop3A_621], %parallel_loop3A_620 {strides = array<i32>} : memref<6400xi32, #tpu.memory_space<vmem>>, vector<16xi32>,
      %parallel_loop3A_623 = arith.constant -16 : i32
      %parallel_loop3A_624 = vector.broadcast %parallel_loop3A_623 : i32 to vector<16xi32>
      %parallel_loop3A_625 = arith.andi %parallel_loop3A_611, %parallel_loop3A_624 : vector<16xi32>
      %parallel_loop3A_626 = vector.bitcast %parallel_loop3A_625 : vector<16xi32> to vector<16xf32>
      %parallel_loop3A_627 = arith.index_cast %parallel_loop3A_608 : i32 to index
      %parallel_loop3A_628 = tpu.vector_load %arg13[%parallel_loop3A_627] {strides = array<i32>} : memref<6400xf32, #tpu.memory_space<vmem>>, vector<16xf32>,
      tpu.vector_store %arg13[%parallel_loop3A_627], %parallel_loop3A_626 {strides = array<i32>} : memref<6400xf32, #tpu.memory_space<vmem>>, vector<16xf32>,
    } {sc.loop_unroll_factor = 8 : i64, sc.parallel_access}
    %add3A_327 = arith.constant 8 : i32
    %add3A_328 = arith.addi %add3A_4, %add3A_327 : i32
    %mul3A_329 = arith.constant 6400 : i32
    %mul3A_330 = arith.muli %add3A_328, %mul3A_329 : i32
    %dma_start3A_331 = arith.constant 0 : i32
    %dma_start3A_332 = tpu.memref_slice %arg2[%dma_start3A_331, %mul3A_330] : memref<2x3200000xi32, #tpu.memory_space<hbm>> -> memref<1x6400xi32, #tpu.memory_space<hbm>>
    %dma_start3A_333 = tpu.memref_squeeze %dma_start3A_332 : memref<1x6400xi32, #tpu.memory_space<hbm>> -> memref<6400xi32, #tpu.memory_space<hbm>>
    %dma_start3A_334 = tpu.memref_slice %arg2[%dma_start3A_331, %mul3A_330] : memref<2x3200000xi32, #tpu.memory_space<hbm>> -> memref<1x6400xi32, #tpu.memory_space<hbm>>
    %dma_start3A_335 = tpu.memref_squeeze %dma_start3A_334 : memref<1x6400xi32, #tpu.memory_space<hbm>> -> memref<6400xi32, #tpu.memory_space<hbm>>
    tpu.enqueue_dma source(%dma_start3A_335 : memref<6400xi32, #tpu.memory_space<hbm>>) target(%arg7 : memref<6400xi32, #tpu.memory_space<vmem>>) target_semaphore(%arg16 : memref<!tpu.dma_semaphore, #tpu.memory_space<semaphore_mem>>)
    %dma_start3A_336 = arith.constant 1 : i32
    %dma_start3A_337 = tpu.memref_slice %arg2[%dma_start3A_336, %mul3A_330] : memref<2x3200000xi32, #tpu.memory_space<hbm>> -> memref<1x6400xi32, #tpu.memory_space<hbm>>
    %dma_start3A_338 = tpu.memref_squeeze %dma_start3A_337 : memref<1x6400xi32, #tpu.memory_space<hbm>> -> memref<6400xi32, #tpu.memory_space<hbm>>
    %dma_start3A_339 = tpu.memref_slice %arg2[%dma_start3A_336, %mul3A_330] : memref<2x3200000xi32, #tpu.memory_space<hbm>> -> memref<1x6400xi32, #tpu.memory_space<hbm>>
    %dma_start3A_340 = tpu.memref_squeeze %dma_start3A_339 : memref<1x6400xi32, #tpu.memory_space<hbm>> -> memref<6400xi32, #tpu.memory_space<hbm>>
    tpu.enqueue_dma source(%dma_start3A_340 : memref<6400xi32, #tpu.memory_space<hbm>>) target(%arg9 : memref<6400xi32, #tpu.memory_space<vmem>>) target_semaphore(%arg18 : memref<!tpu.dma_semaphore, #tpu.memory_space<semaphore_mem>>)
    %dma_start3A_341 = arith.constant 0 : i32
    %dma_start3A_342 = tpu.memref_slice %arg5[%dma_start3A_341] : memref<1024000xf32, #tpu.memory_space<vmem_shared>> -> memref<1024000xf32, #tpu.memory_space<vmem_shared>>
    tpu.enqueue_indirect_dma source(%arg13 : memref<6400xf32, #tpu.memory_space<vmem>>) target(%dma_start3A_342 : memref<1024000xf32, #tpu.memory_space<vmem_shared>>) offsets(%arg11 : memref<6400xi32, #tpu.memory_space<vmem>>) semaphore(%arg20 : memref<!tpu.dma_semaphore, #tpu.memory_space<semaphore_mem>>) {add = true}
    %dma_wait3A_343 = arith.constant 0 : i32
    %dma_wait3A_344 = arith.constant 0 : i32
    %dma_wait3A_345 = tpu.memref_slice %arg2[%dma_wait3A_343, %dma_wait3A_344] : memref<2x3200000xi32, #tpu.memory_space<hbm>> -> memref<1x6400xi32, #tpu.memory_space<hbm>>
    %dma_wait3A_346 = tpu.memref_squeeze %dma_wait3A_345 : memref<1x6400xi32, #tpu.memory_space<hbm>> -> memref<6400xi32, #tpu.memory_space<hbm>>
    %dma_wait3A_347 = arith.constant 0 : i32
    %dma_wait3A_348 = tpu.memref_slice %arg2[%dma_wait3A_343, %dma_wait3A_347] : memref<2x3200000xi32, #tpu.memory_space<hbm>> -> memref<1x6400xi32, #tpu.memory_space<hbm>>
    %dma_wait3A_349 = tpu.memref_squeeze %dma_wait3A_348 : memref<1x6400xi32, #tpu.memory_space<hbm>> -> memref<6400xi32, #tpu.memory_space<hbm>>
    tpu.wait_dma2 semaphore(%arg17 : memref<!tpu.dma_semaphore, #tpu.memory_space<semaphore_mem>>) src(%dma_wait3A_349 : memref<6400xi32, #tpu.memory_space<hbm>>) dst(%arg8 : memref<6400xi32, #tpu.memory_space<vmem>>)
    %dma_wait3A_350 = arith.constant 1 : i32
    %dma_wait3A_351 = arith.constant 0 : i32
    %dma_wait3A_352 = tpu.memref_slice %arg2[%dma_wait3A_350, %dma_wait3A_351] : memref<2x3200000xi32, #tpu.memory_space<hbm>> -> memref<1x6400xi32, #tpu.memory_space<hbm>>
    %dma_wait3A_353 = tpu.memref_squeeze %dma_wait3A_352 : memref<1x6400xi32, #tpu.memory_space<hbm>> -> memref<6400xi32, #tpu.memory_space<hbm>>
    %dma_wait3A_354 = arith.constant 0 : i32
    %dma_wait3A_355 = tpu.memref_slice %arg2[%dma_wait3A_350, %dma_wait3A_354] : memref<2x3200000xi32, #tpu.memory_space<hbm>> -> memref<1x6400xi32, #tpu.memory_space<hbm>>
    %dma_wait3A_356 = tpu.memref_squeeze %dma_wait3A_355 : memref<1x6400xi32, #tpu.memory_space<hbm>> -> memref<6400xi32, #tpu.memory_space<hbm>>
    tpu.wait_dma2 semaphore(%arg19 : memref<!tpu.dma_semaphore, #tpu.memory_space<semaphore_mem>>) src(%dma_wait3A_356 : memref<6400xi32, #tpu.memory_space<hbm>>) dst(%arg10 : memref<6400xi32, #tpu.memory_space<vmem>>)
    %dma_wait3A_357 = arith.constant 0 : i32
    %dma_wait3A_358 = tpu.memref_slice %arg5[%dma_wait3A_357] : memref<1024000xf32, #tpu.memory_space<vmem_shared>> -> memref<1024000xf32, #tpu.memory_space<vmem_shared>>
    tpu.wait_indirect_dma semaphore(%arg21 : memref<!tpu.dma_semaphore, #tpu.memory_space<semaphore_mem>>) src(%arg14 : memref<6400xf32, #tpu.memory_space<vmem>>) dst(%dma_wait3A_358 : memref<1024000xf32, #tpu.memory_space<vmem_shared>>)
    "tpu.region"() ({
      %run_scoped3A = tpu.sem_alloc : memref<!tpu.dma_semaphore, #tpu.memory_space<semaphore_mem>>
      %dma_start3A_608 = arith.constant 0 : i32
      %dma_start3A_609 = tpu.memref_slice %arg6[%dma_start3A_608] : memref<102400xf32, #tpu.memory_space<vmem_shared>> -> memref<102400xf32, #tpu.memory_space<vmem_shared>>
      tpu.enqueue_indirect_dma source(%dma_start3A_609 : memref<102400xf32, #tpu.memory_space<vmem_shared>>) target(%arg14 : memref<6400xf32, #tpu.memory_space<vmem>>) offsets(%arg8 : memref<6400xi32, #tpu.memory_space<vmem>>) semaphore(%run_scoped3A : memref<!tpu.dma_semaphore, #tpu.memory_space<semaphore_mem>>)
      %dma_wait3A_610 = arith.constant 0 : i32
      %dma_wait3A_611 = tpu.memref_slice %arg6[%dma_wait3A_610] : memref<102400xf32, #tpu.memory_space<vmem_shared>> -> memref<102400xf32, #tpu.memory_space<vmem_shared>>
      tpu.wait_indirect_dma semaphore(%run_scoped3A : memref<!tpu.dma_semaphore, #tpu.memory_space<semaphore_mem>>) src(%dma_wait3A_611 : memref<102400xf32, #tpu.memory_space<vmem_shared>>) dst(%arg14 : memref<6400xf32, #tpu.memory_space<vmem>>)
      tpu.yield
    }) : () -> ()
    %parallel_loop3A_359 = arith.constant 0 : i32
    %parallel_loop3A_360 = arith.constant 6400 : i32
    %parallel_loop3A_361 = arith.constant 16 : i32
    scf.for %parallel_loop3A_608 = %parallel_loop3A_359 to %parallel_loop3A_360 step %parallel_loop3A_361  : i32 {
      %parallel_loop3A_609 = arith.index_cast %parallel_loop3A_608 : i32 to index
      %parallel_loop3A_610 = tpu.vector_load %arg14[%parallel_loop3A_609] {strides = array<i32>} : memref<6400xf32, #tpu.memory_space<vmem>>, vector<16xf32>,
      %parallel_loop3A_611 = vector.bitcast %parallel_loop3A_610 : vector<16xf32> to vector<16xi32>
      %parallel_loop3A_612 = arith.index_cast %parallel_loop3A_608 : i32 to index
      %parallel_loop3A_613 = tpu.vector_load %arg10[%parallel_loop3A_612] {strides = array<i32>} : memref<6400xi32, #tpu.memory_space<vmem>>, vector<16xi32>,
      %parallel_loop3A_614 = arith.constant 15 : i32
      %parallel_loop3A_615 = vector.broadcast %parallel_loop3A_614 : i32 to vector<16xi32>
      %parallel_loop3A_616 = arith.andi %parallel_loop3A_611, %parallel_loop3A_615 : vector<16xi32>
      %parallel_loop3A_617 = arith.constant 102400 : i32
      %parallel_loop3A_618 = vector.broadcast %parallel_loop3A_617 : i32 to vector<16xi32>
      %parallel_loop3A_619 = arith.muli %parallel_loop3A_616, %parallel_loop3A_618 : vector<16xi32>
      %parallel_loop3A_620 = arith.addi %parallel_loop3A_619, %parallel_loop3A_613 : vector<16xi32>
      %parallel_loop3A_621 = arith.index_cast %parallel_loop3A_608 : i32 to index
      %parallel_loop3A_622 = tpu.vector_load %arg12[%parallel_loop3A_621] {strides = array<i32>} : memref<6400xi32, #tpu.memory_space<vmem>>, vector<16xi32>,
      tpu.vector_store %arg12[%parallel_loop3A_621], %parallel_loop3A_620 {strides = array<i32>} : memref<6400xi32, #tpu.memory_space<vmem>>, vector<16xi32>,
      %parallel_loop3A_623 = arith.constant -16 : i32
      %parallel_loop3A_624 = vector.broadcast %parallel_loop3A_623 : i32 to vector<16xi32>
      %parallel_loop3A_625 = arith.andi %parallel_loop3A_611, %parallel_loop3A_624 : vector<16xi32>
      %parallel_loop3A_626 = vector.bitcast %parallel_loop3A_625 : vector<16xi32> to vector<16xf32>
      %parallel_loop3A_627 = arith.index_cast %parallel_loop3A_608 : i32 to index
      %parallel_loop3A_628 = tpu.vector_load %arg14[%parallel_loop3A_627] {strides = array<i32>} : memref<6400xf32, #tpu.memory_space<vmem>>, vector<16xf32>,
      tpu.vector_store %arg14[%parallel_loop3A_627], %parallel_loop3A_626 {strides = array<i32>} : memref<6400xf32, #tpu.memory_space<vmem>>, vector<16xf32>,
    } {sc.loop_unroll_factor = 8 : i64, sc.parallel_access}
    %add3A_362 = arith.constant 9 : i32
    %add3A_363 = arith.addi %add3A_4, %add3A_362 : i32
    %mul3A_364 = arith.constant 6400 : i32
    %mul3A_365 = arith.muli %add3A_363, %mul3A_364 : i32
    %dma_start3A_366 = arith.constant 0 : i32
    %dma_start3A_367 = tpu.memref_slice %arg2[%dma_start3A_366, %mul3A_365] : memref<2x3200000xi32, #tpu.memory_space<hbm>> -> memref<1x6400xi32, #tpu.memory_space<hbm>>
    %dma_start3A_368 = tpu.memref_squeeze %dma_start3A_367 : memref<1x6400xi32, #tpu.memory_space<hbm>> -> memref<6400xi32, #tpu.memory_space<hbm>>
    %dma_start3A_369 = tpu.memref_slice %arg2[%dma_start3A_366, %mul3A_365] : memref<2x3200000xi32, #tpu.memory_space<hbm>> -> memref<1x6400xi32, #tpu.memory_space<hbm>>
    %dma_start3A_370 = tpu.memref_squeeze %dma_start3A_369 : memref<1x6400xi32, #tpu.memory_space<hbm>> -> memref<6400xi32, #tpu.memory_space<hbm>>
    tpu.enqueue_dma source(%dma_start3A_370 : memref<6400xi32, #tpu.memory_space<hbm>>) target(%arg8 : memref<6400xi32, #tpu.memory_space<vmem>>) target_semaphore(%arg17 : memref<!tpu.dma_semaphore, #tpu.memory_space<semaphore_mem>>)
    %dma_start3A_371 = arith.constant 1 : i32
    %dma_start3A_372 = tpu.memref_slice %arg2[%dma_start3A_371, %mul3A_365] : memref<2x3200000xi32, #tpu.memory_space<hbm>> -> memref<1x6400xi32, #tpu.memory_space<hbm>>
    %dma_start3A_373 = tpu.memref_squeeze %dma_start3A_372 : memref<1x6400xi32, #tpu.memory_space<hbm>> -> memref<6400xi32, #tpu.memory_space<hbm>>
    %dma_start3A_374 = tpu.memref_slice %arg2[%dma_start3A_371, %mul3A_365] : memref<2x3200000xi32, #tpu.memory_space<hbm>> -> memref<1x6400xi32, #tpu.memory_space<hbm>>
    %dma_start3A_375 = tpu.memref_squeeze %dma_start3A_374 : memref<1x6400xi32, #tpu.memory_space<hbm>> -> memref<6400xi32, #tpu.memory_space<hbm>>
    tpu.enqueue_dma source(%dma_start3A_375 : memref<6400xi32, #tpu.memory_space<hbm>>) target(%arg10 : memref<6400xi32, #tpu.memory_space<vmem>>) target_semaphore(%arg19 : memref<!tpu.dma_semaphore, #tpu.memory_space<semaphore_mem>>)
    %dma_start3A_376 = arith.constant 0 : i32
    %dma_start3A_377 = tpu.memref_slice %arg5[%dma_start3A_376] : memref<1024000xf32, #tpu.memory_space<vmem_shared>> -> memref<1024000xf32, #tpu.memory_space<vmem_shared>>
    tpu.enqueue_indirect_dma source(%arg14 : memref<6400xf32, #tpu.memory_space<vmem>>) target(%dma_start3A_377 : memref<1024000xf32, #tpu.memory_space<vmem_shared>>) offsets(%arg12 : memref<6400xi32, #tpu.memory_space<vmem>>) semaphore(%arg21 : memref<!tpu.dma_semaphore, #tpu.memory_space<semaphore_mem>>) {add = true}
    %dma_wait3A_378 = arith.constant 0 : i32
    %dma_wait3A_379 = arith.constant 0 : i32
    %dma_wait3A_380 = tpu.memref_slice %arg2[%dma_wait3A_378, %dma_wait3A_379] : memref<2x3200000xi32, #tpu.memory_space<hbm>> -> memref<1x6400xi32, #tpu.memory_space<hbm>>
    %dma_wait3A_381 = tpu.memref_squeeze %dma_wait3A_380 : memref<1x6400xi32, #tpu.memory_space<hbm>> -> memref<6400xi32, #tpu.memory_space<hbm>>
    %dma_wait3A_382 = arith.constant 0 : i32
    %dma_wait3A_383 = tpu.memref_slice %arg2[%dma_wait3A_378, %dma_wait3A_382] : memref<2x3200000xi32, #tpu.memory_space<hbm>> -> memref<1x6400xi32, #tpu.memory_space<hbm>>
    %dma_wait3A_384 = tpu.memref_squeeze %dma_wait3A_383 : memref<1x6400xi32, #tpu.memory_space<hbm>> -> memref<6400xi32, #tpu.memory_space<hbm>>
    tpu.wait_dma2 semaphore(%arg16 : memref<!tpu.dma_semaphore, #tpu.memory_space<semaphore_mem>>) src(%dma_wait3A_384 : memref<6400xi32, #tpu.memory_space<hbm>>) dst(%arg7 : memref<6400xi32, #tpu.memory_space<vmem>>)
    %dma_wait3A_385 = arith.constant 1 : i32
    %dma_wait3A_386 = arith.constant 0 : i32
    %dma_wait3A_387 = tpu.memref_slice %arg2[%dma_wait3A_385, %dma_wait3A_386] : memref<2x3200000xi32, #tpu.memory_space<hbm>> -> memref<1x6400xi32, #tpu.memory_space<hbm>>
    %dma_wait3A_388 = tpu.memref_squeeze %dma_wait3A_387 : memref<1x6400xi32, #tpu.memory_space<hbm>> -> memref<6400xi32, #tpu.memory_space<hbm>>
    %dma_wait3A_389 = arith.constant 0 : i32
    %dma_wait3A_390 = tpu.memref_slice %arg2[%dma_wait3A_385, %dma_wait3A_389] : memref<2x3200000xi32, #tpu.memory_space<hbm>> -> memref<1x6400xi32, #tpu.memory_space<hbm>>
    %dma_wait3A_391 = tpu.memref_squeeze %dma_wait3A_390 : memref<1x6400xi32, #tpu.memory_space<hbm>> -> memref<6400xi32, #tpu.memory_space<hbm>>
    tpu.wait_dma2 semaphore(%arg18 : memref<!tpu.dma_semaphore, #tpu.memory_space<semaphore_mem>>) src(%dma_wait3A_391 : memref<6400xi32, #tpu.memory_space<hbm>>) dst(%arg9 : memref<6400xi32, #tpu.memory_space<vmem>>)
    %dma_wait3A_392 = arith.constant 0 : i32
    %dma_wait3A_393 = tpu.memref_slice %arg5[%dma_wait3A_392] : memref<1024000xf32, #tpu.memory_space<vmem_shared>> -> memref<1024000xf32, #tpu.memory_space<vmem_shared>>
    tpu.wait_indirect_dma semaphore(%arg20 : memref<!tpu.dma_semaphore, #tpu.memory_space<semaphore_mem>>) src(%arg13 : memref<6400xf32, #tpu.memory_space<vmem>>) dst(%dma_wait3A_393 : memref<1024000xf32, #tpu.memory_space<vmem_shared>>)
    "tpu.region"() ({
      %run_scoped3A = tpu.sem_alloc : memref<!tpu.dma_semaphore, #tpu.memory_space<semaphore_mem>>
      %dma_start3A_608 = arith.constant 0 : i32
      %dma_start3A_609 = tpu.memref_slice %arg6[%dma_start3A_608] : memref<102400xf32, #tpu.memory_space<vmem_shared>> -> memref<102400xf32, #tpu.memory_space<vmem_shared>>
      tpu.enqueue_indirect_dma source(%dma_start3A_609 : memref<102400xf32, #tpu.memory_space<vmem_shared>>) target(%arg13 : memref<6400xf32, #tpu.memory_space<vmem>>) offsets(%arg7 : memref<6400xi32, #tpu.memory_space<vmem>>) semaphore(%run_scoped3A : memref<!tpu.dma_semaphore, #tpu.memory_space<semaphore_mem>>)
      %dma_wait3A_610 = arith.constant 0 : i32
      %dma_wait3A_611 = tpu.memref_slice %arg6[%dma_wait3A_610] : memref<102400xf32, #tpu.memory_space<vmem_shared>> -> memref<102400xf32, #tpu.memory_space<vmem_shared>>
      tpu.wait_indirect_dma semaphore(%run_scoped3A : memref<!tpu.dma_semaphore, #tpu.memory_space<semaphore_mem>>) src(%dma_wait3A_611 : memref<102400xf32, #tpu.memory_space<vmem_shared>>) dst(%arg13 : memref<6400xf32, #tpu.memory_space<vmem>>)
      tpu.yield
    }) : () -> ()
    %parallel_loop3A_394 = arith.constant 0 : i32
    %parallel_loop3A_395 = arith.constant 6400 : i32
    %parallel_loop3A_396 = arith.constant 16 : i32
    scf.for %parallel_loop3A_608 = %parallel_loop3A_394 to %parallel_loop3A_395 step %parallel_loop3A_396  : i32 {
      %parallel_loop3A_609 = arith.index_cast %parallel_loop3A_608 : i32 to index
      %parallel_loop3A_610 = tpu.vector_load %arg13[%parallel_loop3A_609] {strides = array<i32>} : memref<6400xf32, #tpu.memory_space<vmem>>, vector<16xf32>,
      %parallel_loop3A_611 = vector.bitcast %parallel_loop3A_610 : vector<16xf32> to vector<16xi32>
      %parallel_loop3A_612 = arith.index_cast %parallel_loop3A_608 : i32 to index
      %parallel_loop3A_613 = tpu.vector_load %arg9[%parallel_loop3A_612] {strides = array<i32>} : memref<6400xi32, #tpu.memory_space<vmem>>, vector<16xi32>,
      %parallel_loop3A_614 = arith.constant 15 : i32
      %parallel_loop3A_615 = vector.broadcast %parallel_loop3A_614 : i32 to vector<16xi32>
      %parallel_loop3A_616 = arith.andi %parallel_loop3A_611, %parallel_loop3A_615 : vector<16xi32>
      %parallel_loop3A_617 = arith.constant 102400 : i32
      %parallel_loop3A_618 = vector.broadcast %parallel_loop3A_617 : i32 to vector<16xi32>
      %parallel_loop3A_619 = arith.muli %parallel_loop3A_616, %parallel_loop3A_618 : vector<16xi32>
      %parallel_loop3A_620 = arith.addi %parallel_loop3A_619, %parallel_loop3A_613 : vector<16xi32>
      %parallel_loop3A_621 = arith.index_cast %parallel_loop3A_608 : i32 to index
      %parallel_loop3A_622 = tpu.vector_load %arg11[%parallel_loop3A_621] {strides = array<i32>} : memref<6400xi32, #tpu.memory_space<vmem>>, vector<16xi32>,
      tpu.vector_store %arg11[%parallel_loop3A_621], %parallel_loop3A_620 {strides = array<i32>} : memref<6400xi32, #tpu.memory_space<vmem>>, vector<16xi32>,
      %parallel_loop3A_623 = arith.constant -16 : i32
      %parallel_loop3A_624 = vector.broadcast %parallel_loop3A_623 : i32 to vector<16xi32>
      %parallel_loop3A_625 = arith.andi %parallel_loop3A_611, %parallel_loop3A_624 : vector<16xi32>
      %parallel_loop3A_626 = vector.bitcast %parallel_loop3A_625 : vector<16xi32> to vector<16xf32>
      %parallel_loop3A_627 = arith.index_cast %parallel_loop3A_608 : i32 to index
      %parallel_loop3A_628 = tpu.vector_load %arg13[%parallel_loop3A_627] {strides = array<i32>} : memref<6400xf32, #tpu.memory_space<vmem>>, vector<16xf32>,
      tpu.vector_store %arg13[%parallel_loop3A_627], %parallel_loop3A_626 {strides = array<i32>} : memref<6400xf32, #tpu.memory_space<vmem>>, vector<16xf32>,
    } {sc.loop_unroll_factor = 8 : i64, sc.parallel_access}
    %add3A_397 = arith.constant 10 : i32
    %add3A_398 = arith.addi %add3A_4, %add3A_397 : i32
    %mul3A_399 = arith.constant 6400 : i32
    %mul3A_400 = arith.muli %add3A_398, %mul3A_399 : i32
    %dma_start3A_401 = arith.constant 0 : i32
    %dma_start3A_402 = tpu.memref_slice %arg2[%dma_start3A_401, %mul3A_400] : memref<2x3200000xi32, #tpu.memory_space<hbm>> -> memref<1x6400xi32, #tpu.memory_space<hbm>>
    %dma_start3A_403 = tpu.memref_squeeze %dma_start3A_402 : memref<1x6400xi32, #tpu.memory_space<hbm>> -> memref<6400xi32, #tpu.memory_space<hbm>>
    %dma_start3A_404 = tpu.memref_slice %arg2[%dma_start3A_401, %mul3A_400] : memref<2x3200000xi32, #tpu.memory_space<hbm>> -> memref<1x6400xi32, #tpu.memory_space<hbm>>
    %dma_start3A_405 = tpu.memref_squeeze %dma_start3A_404 : memref<1x6400xi32, #tpu.memory_space<hbm>> -> memref<6400xi32, #tpu.memory_space<hbm>>
    tpu.enqueue_dma source(%dma_start3A_405 : memref<6400xi32, #tpu.memory_space<hbm>>) target(%arg7 : memref<6400xi32, #tpu.memory_space<vmem>>) target_semaphore(%arg16 : memref<!tpu.dma_semaphore, #tpu.memory_space<semaphore_mem>>)
    %dma_start3A_406 = arith.constant 1 : i32
    %dma_start3A_407 = tpu.memref_slice %arg2[%dma_start3A_406, %mul3A_400] : memref<2x3200000xi32, #tpu.memory_space<hbm>> -> memref<1x6400xi32, #tpu.memory_space<hbm>>
    %dma_start3A_408 = tpu.memref_squeeze %dma_start3A_407 : memref<1x6400xi32, #tpu.memory_space<hbm>> -> memref<6400xi32, #tpu.memory_space<hbm>>
    %dma_start3A_409 = tpu.memref_slice %arg2[%dma_start3A_406, %mul3A_400] : memref<2x3200000xi32, #tpu.memory_space<hbm>> -> memref<1x6400xi32, #tpu.memory_space<hbm>>
    %dma_start3A_410 = tpu.memref_squeeze %dma_start3A_409 : memref<1x6400xi32, #tpu.memory_space<hbm>> -> memref<6400xi32, #tpu.memory_space<hbm>>
    tpu.enqueue_dma source(%dma_start3A_410 : memref<6400xi32, #tpu.memory_space<hbm>>) target(%arg9 : memref<6400xi32, #tpu.memory_space<vmem>>) target_semaphore(%arg18 : memref<!tpu.dma_semaphore, #tpu.memory_space<semaphore_mem>>)
    %dma_start3A_411 = arith.constant 0 : i32
    %dma_start3A_412 = tpu.memref_slice %arg5[%dma_start3A_411] : memref<1024000xf32, #tpu.memory_space<vmem_shared>> -> memref<1024000xf32, #tpu.memory_space<vmem_shared>>
    tpu.enqueue_indirect_dma source(%arg13 : memref<6400xf32, #tpu.memory_space<vmem>>) target(%dma_start3A_412 : memref<1024000xf32, #tpu.memory_space<vmem_shared>>) offsets(%arg11 : memref<6400xi32, #tpu.memory_space<vmem>>) semaphore(%arg20 : memref<!tpu.dma_semaphore, #tpu.memory_space<semaphore_mem>>) {add = true}
    %dma_wait3A_413 = arith.constant 0 : i32
    %dma_wait3A_414 = arith.constant 0 : i32
    %dma_wait3A_415 = tpu.memref_slice %arg2[%dma_wait3A_413, %dma_wait3A_414] : memref<2x3200000xi32, #tpu.memory_space<hbm>> -> memref<1x6400xi32, #tpu.memory_space<hbm>>
    %dma_wait3A_416 = tpu.memref_squeeze %dma_wait3A_415 : memref<1x6400xi32, #tpu.memory_space<hbm>> -> memref<6400xi32, #tpu.memory_space<hbm>>
    %dma_wait3A_417 = arith.constant 0 : i32
    %dma_wait3A_418 = tpu.memref_slice %arg2[%dma_wait3A_413, %dma_wait3A_417] : memref<2x3200000xi32, #tpu.memory_space<hbm>> -> memref<1x6400xi32, #tpu.memory_space<hbm>>
    %dma_wait3A_419 = tpu.memref_squeeze %dma_wait3A_418 : memref<1x6400xi32, #tpu.memory_space<hbm>> -> memref<6400xi32, #tpu.memory_space<hbm>>
    tpu.wait_dma2 semaphore(%arg17 : memref<!tpu.dma_semaphore, #tpu.memory_space<semaphore_mem>>) src(%dma_wait3A_419 : memref<6400xi32, #tpu.memory_space<hbm>>) dst(%arg8 : memref<6400xi32, #tpu.memory_space<vmem>>)
    %dma_wait3A_420 = arith.constant 1 : i32
    %dma_wait3A_421 = arith.constant 0 : i32
    %dma_wait3A_422 = tpu.memref_slice %arg2[%dma_wait3A_420, %dma_wait3A_421] : memref<2x3200000xi32, #tpu.memory_space<hbm>> -> memref<1x6400xi32, #tpu.memory_space<hbm>>
    %dma_wait3A_423 = tpu.memref_squeeze %dma_wait3A_422 : memref<1x6400xi32, #tpu.memory_space<hbm>> -> memref<6400xi32, #tpu.memory_space<hbm>>
    %dma_wait3A_424 = arith.constant 0 : i32
    %dma_wait3A_425 = tpu.memref_slice %arg2[%dma_wait3A_420, %dma_wait3A_424] : memref<2x3200000xi32, #tpu.memory_space<hbm>> -> memref<1x6400xi32, #tpu.memory_space<hbm>>
    %dma_wait3A_426 = tpu.memref_squeeze %dma_wait3A_425 : memref<1x6400xi32, #tpu.memory_space<hbm>> -> memref<6400xi32, #tpu.memory_space<hbm>>
    tpu.wait_dma2 semaphore(%arg19 : memref<!tpu.dma_semaphore, #tpu.memory_space<semaphore_mem>>) src(%dma_wait3A_426 : memref<6400xi32, #tpu.memory_space<hbm>>) dst(%arg10 : memref<6400xi32, #tpu.memory_space<vmem>>)
    %dma_wait3A_427 = arith.constant 0 : i32
    %dma_wait3A_428 = tpu.memref_slice %arg5[%dma_wait3A_427] : memref<1024000xf32, #tpu.memory_space<vmem_shared>> -> memref<1024000xf32, #tpu.memory_space<vmem_shared>>
    tpu.wait_indirect_dma semaphore(%arg21 : memref<!tpu.dma_semaphore, #tpu.memory_space<semaphore_mem>>) src(%arg14 : memref<6400xf32, #tpu.memory_space<vmem>>) dst(%dma_wait3A_428 : memref<1024000xf32, #tpu.memory_space<vmem_shared>>)
    "tpu.region"() ({
      %run_scoped3A = tpu.sem_alloc : memref<!tpu.dma_semaphore, #tpu.memory_space<semaphore_mem>>
      %dma_start3A_608 = arith.constant 0 : i32
      %dma_start3A_609 = tpu.memref_slice %arg6[%dma_start3A_608] : memref<102400xf32, #tpu.memory_space<vmem_shared>> -> memref<102400xf32, #tpu.memory_space<vmem_shared>>
      tpu.enqueue_indirect_dma source(%dma_start3A_609 : memref<102400xf32, #tpu.memory_space<vmem_shared>>) target(%arg14 : memref<6400xf32, #tpu.memory_space<vmem>>) offsets(%arg8 : memref<6400xi32, #tpu.memory_space<vmem>>) semaphore(%run_scoped3A : memref<!tpu.dma_semaphore, #tpu.memory_space<semaphore_mem>>)
      %dma_wait3A_610 = arith.constant 0 : i32
      %dma_wait3A_611 = tpu.memref_slice %arg6[%dma_wait3A_610] : memref<102400xf32, #tpu.memory_space<vmem_shared>> -> memref<102400xf32, #tpu.memory_space<vmem_shared>>
      tpu.wait_indirect_dma semaphore(%run_scoped3A : memref<!tpu.dma_semaphore, #tpu.memory_space<semaphore_mem>>) src(%dma_wait3A_611 : memref<102400xf32, #tpu.memory_space<vmem_shared>>) dst(%arg14 : memref<6400xf32, #tpu.memory_space<vmem>>)
      tpu.yield
    }) : () -> ()
    %parallel_loop3A_429 = arith.constant 0 : i32
    %parallel_loop3A_430 = arith.constant 6400 : i32
    %parallel_loop3A_431 = arith.constant 16 : i32
    scf.for %parallel_loop3A_608 = %parallel_loop3A_429 to %parallel_loop3A_430 step %parallel_loop3A_431  : i32 {
      %parallel_loop3A_609 = arith.index_cast %parallel_loop3A_608 : i32 to index
      %parallel_loop3A_610 = tpu.vector_load %arg14[%parallel_loop3A_609] {strides = array<i32>} : memref<6400xf32, #tpu.memory_space<vmem>>, vector<16xf32>,
      %parallel_loop3A_611 = vector.bitcast %parallel_loop3A_610 : vector<16xf32> to vector<16xi32>
      %parallel_loop3A_612 = arith.index_cast %parallel_loop3A_608 : i32 to index
      %parallel_loop3A_613 = tpu.vector_load %arg10[%parallel_loop3A_612] {strides = array<i32>} : memref<6400xi32, #tpu.memory_space<vmem>>, vector<16xi32>,
      %parallel_loop3A_614 = arith.constant 15 : i32
      %parallel_loop3A_615 = vector.broadcast %parallel_loop3A_614 : i32 to vector<16xi32>
      %parallel_loop3A_616 = arith.andi %parallel_loop3A_611, %parallel_loop3A_615 : vector<16xi32>
      %parallel_loop3A_617 = arith.constant 102400 : i32
      %parallel_loop3A_618 = vector.broadcast %parallel_loop3A_617 : i32 to vector<16xi32>
      %parallel_loop3A_619 = arith.muli %parallel_loop3A_616, %parallel_loop3A_618 : vector<16xi32>
      %parallel_loop3A_620 = arith.addi %parallel_loop3A_619, %parallel_loop3A_613 : vector<16xi32>
      %parallel_loop3A_621 = arith.index_cast %parallel_loop3A_608 : i32 to index
      %parallel_loop3A_622 = tpu.vector_load %arg12[%parallel_loop3A_621] {strides = array<i32>} : memref<6400xi32, #tpu.memory_space<vmem>>, vector<16xi32>,
      tpu.vector_store %arg12[%parallel_loop3A_621], %parallel_loop3A_620 {strides = array<i32>} : memref<6400xi32, #tpu.memory_space<vmem>>, vector<16xi32>,
      %parallel_loop3A_623 = arith.constant -16 : i32
      %parallel_loop3A_624 = vector.broadcast %parallel_loop3A_623 : i32 to vector<16xi32>
      %parallel_loop3A_625 = arith.andi %parallel_loop3A_611, %parallel_loop3A_624 : vector<16xi32>
      %parallel_loop3A_626 = vector.bitcast %parallel_loop3A_625 : vector<16xi32> to vector<16xf32>
      %parallel_loop3A_627 = arith.index_cast %parallel_loop3A_608 : i32 to index
      %parallel_loop3A_628 = tpu.vector_load %arg14[%parallel_loop3A_627] {strides = array<i32>} : memref<6400xf32, #tpu.memory_space<vmem>>, vector<16xf32>,
      tpu.vector_store %arg14[%parallel_loop3A_627], %parallel_loop3A_626 {strides = array<i32>} : memref<6400xf32, #tpu.memory_space<vmem>>, vector<16xf32>,
    } {sc.loop_unroll_factor = 8 : i64, sc.parallel_access}
    %add3A_432 = arith.constant 11 : i32
    %add3A_433 = arith.addi %add3A_4, %add3A_432 : i32
    %mul3A_434 = arith.constant 6400 : i32
    %mul3A_435 = arith.muli %add3A_433, %mul3A_434 : i32
    %dma_start3A_436 = arith.constant 0 : i32
    %dma_start3A_437 = tpu.memref_slice %arg2[%dma_start3A_436, %mul3A_435] : memref<2x3200000xi32, #tpu.memory_space<hbm>> -> memref<1x6400xi32, #tpu.memory_space<hbm>>
    %dma_start3A_438 = tpu.memref_squeeze %dma_start3A_437 : memref<1x6400xi32, #tpu.memory_space<hbm>> -> memref<6400xi32, #tpu.memory_space<hbm>>
    %dma_start3A_439 = tpu.memref_slice %arg2[%dma_start3A_436, %mul3A_435] : memref<2x3200000xi32, #tpu.memory_space<hbm>> -> memref<1x6400xi32, #tpu.memory_space<hbm>>
    %dma_start3A_440 = tpu.memref_squeeze %dma_start3A_439 : memref<1x6400xi32, #tpu.memory_space<hbm>> -> memref<6400xi32, #tpu.memory_space<hbm>>
    tpu.enqueue_dma source(%dma_start3A_440 : memref<6400xi32, #tpu.memory_space<hbm>>) target(%arg8 : memref<6400xi32, #tpu.memory_space<vmem>>) target_semaphore(%arg17 : memref<!tpu.dma_semaphore, #tpu.memory_space<semaphore_mem>>)
    %dma_start3A_441 = arith.constant 1 : i32
    %dma_start3A_442 = tpu.memref_slice %arg2[%dma_start3A_441, %mul3A_435] : memref<2x3200000xi32, #tpu.memory_space<hbm>> -> memref<1x6400xi32, #tpu.memory_space<hbm>>
    %dma_start3A_443 = tpu.memref_squeeze %dma_start3A_442 : memref<1x6400xi32, #tpu.memory_space<hbm>> -> memref<6400xi32, #tpu.memory_space<hbm>>
    %dma_start3A_444 = tpu.memref_slice %arg2[%dma_start3A_441, %mul3A_435] : memref<2x3200000xi32, #tpu.memory_space<hbm>> -> memref<1x6400xi32, #tpu.memory_space<hbm>>
    %dma_start3A_445 = tpu.memref_squeeze %dma_start3A_444 : memref<1x6400xi32, #tpu.memory_space<hbm>> -> memref<6400xi32, #tpu.memory_space<hbm>>
    tpu.enqueue_dma source(%dma_start3A_445 : memref<6400xi32, #tpu.memory_space<hbm>>) target(%arg10 : memref<6400xi32, #tpu.memory_space<vmem>>) target_semaphore(%arg19 : memref<!tpu.dma_semaphore, #tpu.memory_space<semaphore_mem>>)
    %dma_start3A_446 = arith.constant 0 : i32
    %dma_start3A_447 = tpu.memref_slice %arg5[%dma_start3A_446] : memref<1024000xf32, #tpu.memory_space<vmem_shared>> -> memref<1024000xf32, #tpu.memory_space<vmem_shared>>
    tpu.enqueue_indirect_dma source(%arg14 : memref<6400xf32, #tpu.memory_space<vmem>>) target(%dma_start3A_447 : memref<1024000xf32, #tpu.memory_space<vmem_shared>>) offsets(%arg12 : memref<6400xi32, #tpu.memory_space<vmem>>) semaphore(%arg21 : memref<!tpu.dma_semaphore, #tpu.memory_space<semaphore_mem>>) {add = true}
    %dma_wait3A_448 = arith.constant 0 : i32
    %dma_wait3A_449 = arith.constant 0 : i32
    %dma_wait3A_450 = tpu.memref_slice %arg2[%dma_wait3A_448, %dma_wait3A_449] : memref<2x3200000xi32, #tpu.memory_space<hbm>> -> memref<1x6400xi32, #tpu.memory_space<hbm>>
    %dma_wait3A_451 = tpu.memref_squeeze %dma_wait3A_450 : memref<1x6400xi32, #tpu.memory_space<hbm>> -> memref<6400xi32, #tpu.memory_space<hbm>>
    %dma_wait3A_452 = arith.constant 0 : i32
    %dma_wait3A_453 = tpu.memref_slice %arg2[%dma_wait3A_448, %dma_wait3A_452] : memref<2x3200000xi32, #tpu.memory_space<hbm>> -> memref<1x6400xi32, #tpu.memory_space<hbm>>
    %dma_wait3A_454 = tpu.memref_squeeze %dma_wait3A_453 : memref<1x6400xi32, #tpu.memory_space<hbm>> -> memref<6400xi32, #tpu.memory_space<hbm>>
    tpu.wait_dma2 semaphore(%arg16 : memref<!tpu.dma_semaphore, #tpu.memory_space<semaphore_mem>>) src(%dma_wait3A_454 : memref<6400xi32, #tpu.memory_space<hbm>>) dst(%arg7 : memref<6400xi32, #tpu.memory_space<vmem>>)
    %dma_wait3A_455 = arith.constant 1 : i32
    %dma_wait3A_456 = arith.constant 0 : i32
    %dma_wait3A_457 = tpu.memref_slice %arg2[%dma_wait3A_455, %dma_wait3A_456] : memref<2x3200000xi32, #tpu.memory_space<hbm>> -> memref<1x6400xi32, #tpu.memory_space<hbm>>
    %dma_wait3A_458 = tpu.memref_squeeze %dma_wait3A_457 : memref<1x6400xi32, #tpu.memory_space<hbm>> -> memref<6400xi32, #tpu.memory_space<hbm>>
    %dma_wait3A_459 = arith.constant 0 : i32
    %dma_wait3A_460 = tpu.memref_slice %arg2[%dma_wait3A_455, %dma_wait3A_459] : memref<2x3200000xi32, #tpu.memory_space<hbm>> -> memref<1x6400xi32, #tpu.memory_space<hbm>>
    %dma_wait3A_461 = tpu.memref_squeeze %dma_wait3A_460 : memref<1x6400xi32, #tpu.memory_space<hbm>> -> memref<6400xi32, #tpu.memory_space<hbm>>
    tpu.wait_dma2 semaphore(%arg18 : memref<!tpu.dma_semaphore, #tpu.memory_space<semaphore_mem>>) src(%dma_wait3A_461 : memref<6400xi32, #tpu.memory_space<hbm>>) dst(%arg9 : memref<6400xi32, #tpu.memory_space<vmem>>)
    %dma_wait3A_462 = arith.constant 0 : i32
    %dma_wait3A_463 = tpu.memref_slice %arg5[%dma_wait3A_462] : memref<1024000xf32, #tpu.memory_space<vmem_shared>> -> memref<1024000xf32, #tpu.memory_space<vmem_shared>>
    tpu.wait_indirect_dma semaphore(%arg20 : memref<!tpu.dma_semaphore, #tpu.memory_space<semaphore_mem>>) src(%arg13 : memref<6400xf32, #tpu.memory_space<vmem>>) dst(%dma_wait3A_463 : memref<1024000xf32, #tpu.memory_space<vmem_shared>>)
    "tpu.region"() ({
      %run_scoped3A = tpu.sem_alloc : memref<!tpu.dma_semaphore, #tpu.memory_space<semaphore_mem>>
      %dma_start3A_608 = arith.constant 0 : i32
      %dma_start3A_609 = tpu.memref_slice %arg6[%dma_start3A_608] : memref<102400xf32, #tpu.memory_space<vmem_shared>> -> memref<102400xf32, #tpu.memory_space<vmem_shared>>
      tpu.enqueue_indirect_dma source(%dma_start3A_609 : memref<102400xf32, #tpu.memory_space<vmem_shared>>) target(%arg13 : memref<6400xf32, #tpu.memory_space<vmem>>) offsets(%arg7 : memref<6400xi32, #tpu.memory_space<vmem>>) semaphore(%run_scoped3A : memref<!tpu.dma_semaphore, #tpu.memory_space<semaphore_mem>>)
      %dma_wait3A_610 = arith.constant 0 : i32
      %dma_wait3A_611 = tpu.memref_slice %arg6[%dma_wait3A_610] : memref<102400xf32, #tpu.memory_space<vmem_shared>> -> memref<102400xf32, #tpu.memory_space<vmem_shared>>
      tpu.wait_indirect_dma semaphore(%run_scoped3A : memref<!tpu.dma_semaphore, #tpu.memory_space<semaphore_mem>>) src(%dma_wait3A_611 : memref<102400xf32, #tpu.memory_space<vmem_shared>>) dst(%arg13 : memref<6400xf32, #tpu.memory_space<vmem>>)
      tpu.yield
    }) : () -> ()
    %parallel_loop3A_464 = arith.constant 0 : i32
    %parallel_loop3A_465 = arith.constant 6400 : i32
    %parallel_loop3A_466 = arith.constant 16 : i32
    scf.for %parallel_loop3A_608 = %parallel_loop3A_464 to %parallel_loop3A_465 step %parallel_loop3A_466  : i32 {
      %parallel_loop3A_609 = arith.index_cast %parallel_loop3A_608 : i32 to index
      %parallel_loop3A_610 = tpu.vector_load %arg13[%parallel_loop3A_609] {strides = array<i32>} : memref<6400xf32, #tpu.memory_space<vmem>>, vector<16xf32>,
      %parallel_loop3A_611 = vector.bitcast %parallel_loop3A_610 : vector<16xf32> to vector<16xi32>
      %parallel_loop3A_612 = arith.index_cast %parallel_loop3A_608 : i32 to index
      %parallel_loop3A_613 = tpu.vector_load %arg9[%parallel_loop3A_612] {strides = array<i32>} : memref<6400xi32, #tpu.memory_space<vmem>>, vector<16xi32>,
      %parallel_loop3A_614 = arith.constant 15 : i32
      %parallel_loop3A_615 = vector.broadcast %parallel_loop3A_614 : i32 to vector<16xi32>
      %parallel_loop3A_616 = arith.andi %parallel_loop3A_611, %parallel_loop3A_615 : vector<16xi32>
      %parallel_loop3A_617 = arith.constant 102400 : i32
      %parallel_loop3A_618 = vector.broadcast %parallel_loop3A_617 : i32 to vector<16xi32>
      %parallel_loop3A_619 = arith.muli %parallel_loop3A_616, %parallel_loop3A_618 : vector<16xi32>
      %parallel_loop3A_620 = arith.addi %parallel_loop3A_619, %parallel_loop3A_613 : vector<16xi32>
      %parallel_loop3A_621 = arith.index_cast %parallel_loop3A_608 : i32 to index
      %parallel_loop3A_622 = tpu.vector_load %arg11[%parallel_loop3A_621] {strides = array<i32>} : memref<6400xi32, #tpu.memory_space<vmem>>, vector<16xi32>,
      tpu.vector_store %arg11[%parallel_loop3A_621], %parallel_loop3A_620 {strides = array<i32>} : memref<6400xi32, #tpu.memory_space<vmem>>, vector<16xi32>,
      %parallel_loop3A_623 = arith.constant -16 : i32
      %parallel_loop3A_624 = vector.broadcast %parallel_loop3A_623 : i32 to vector<16xi32>
      %parallel_loop3A_625 = arith.andi %parallel_loop3A_611, %parallel_loop3A_624 : vector<16xi32>
      %parallel_loop3A_626 = vector.bitcast %parallel_loop3A_625 : vector<16xi32> to vector<16xf32>
      %parallel_loop3A_627 = arith.index_cast %parallel_loop3A_608 : i32 to index
      %parallel_loop3A_628 = tpu.vector_load %arg13[%parallel_loop3A_627] {strides = array<i32>} : memref<6400xf32, #tpu.memory_space<vmem>>, vector<16xf32>,
      tpu.vector_store %arg13[%parallel_loop3A_627], %parallel_loop3A_626 {strides = array<i32>} : memref<6400xf32, #tpu.memory_space<vmem>>, vector<16xf32>,
    } {sc.loop_unroll_factor = 8 : i64, sc.parallel_access}
    %add3A_467 = arith.constant 12 : i32
    %add3A_468 = arith.addi %add3A_4, %add3A_467 : i32
    %mul3A_469 = arith.constant 6400 : i32
    %mul3A_470 = arith.muli %add3A_468, %mul3A_469 : i32
    %dma_start3A_471 = arith.constant 0 : i32
    %dma_start3A_472 = tpu.memref_slice %arg2[%dma_start3A_471, %mul3A_470] : memref<2x3200000xi32, #tpu.memory_space<hbm>> -> memref<1x6400xi32, #tpu.memory_space<hbm>>
    %dma_start3A_473 = tpu.memref_squeeze %dma_start3A_472 : memref<1x6400xi32, #tpu.memory_space<hbm>> -> memref<6400xi32, #tpu.memory_space<hbm>>
    %dma_start3A_474 = tpu.memref_slice %arg2[%dma_start3A_471, %mul3A_470] : memref<2x3200000xi32, #tpu.memory_space<hbm>> -> memref<1x6400xi32, #tpu.memory_space<hbm>>
    %dma_start3A_475 = tpu.memref_squeeze %dma_start3A_474 : memref<1x6400xi32, #tpu.memory_space<hbm>> -> memref<6400xi32, #tpu.memory_space<hbm>>
    tpu.enqueue_dma source(%dma_start3A_475 : memref<6400xi32, #tpu.memory_space<hbm>>) target(%arg7 : memref<6400xi32, #tpu.memory_space<vmem>>) target_semaphore(%arg16 : memref<!tpu.dma_semaphore, #tpu.memory_space<semaphore_mem>>)
    %dma_start3A_476 = arith.constant 1 : i32
    %dma_start3A_477 = tpu.memref_slice %arg2[%dma_start3A_476, %mul3A_470] : memref<2x3200000xi32, #tpu.memory_space<hbm>> -> memref<1x6400xi32, #tpu.memory_space<hbm>>
    %dma_start3A_478 = tpu.memref_squeeze %dma_start3A_477 : memref<1x6400xi32, #tpu.memory_space<hbm>> -> memref<6400xi32, #tpu.memory_space<hbm>>
    %dma_start3A_479 = tpu.memref_slice %arg2[%dma_start3A_476, %mul3A_470] : memref<2x3200000xi32, #tpu.memory_space<hbm>> -> memref<1x6400xi32, #tpu.memory_space<hbm>>
    %dma_start3A_480 = tpu.memref_squeeze %dma_start3A_479 : memref<1x6400xi32, #tpu.memory_space<hbm>> -> memref<6400xi32, #tpu.memory_space<hbm>>
    tpu.enqueue_dma source(%dma_start3A_480 : memref<6400xi32, #tpu.memory_space<hbm>>) target(%arg9 : memref<6400xi32, #tpu.memory_space<vmem>>) target_semaphore(%arg18 : memref<!tpu.dma_semaphore, #tpu.memory_space<semaphore_mem>>)
    %dma_start3A_481 = arith.constant 0 : i32
    %dma_start3A_482 = tpu.memref_slice %arg5[%dma_start3A_481] : memref<1024000xf32, #tpu.memory_space<vmem_shared>> -> memref<1024000xf32, #tpu.memory_space<vmem_shared>>
    tpu.enqueue_indirect_dma source(%arg13 : memref<6400xf32, #tpu.memory_space<vmem>>) target(%dma_start3A_482 : memref<1024000xf32, #tpu.memory_space<vmem_shared>>) offsets(%arg11 : memref<6400xi32, #tpu.memory_space<vmem>>) semaphore(%arg20 : memref<!tpu.dma_semaphore, #tpu.memory_space<semaphore_mem>>) {add = true}
    %dma_wait3A_483 = arith.constant 0 : i32
    %dma_wait3A_484 = arith.constant 0 : i32
    %dma_wait3A_485 = tpu.memref_slice %arg2[%dma_wait3A_483, %dma_wait3A_484] : memref<2x3200000xi32, #tpu.memory_space<hbm>> -> memref<1x6400xi32, #tpu.memory_space<hbm>>
    %dma_wait3A_486 = tpu.memref_squeeze %dma_wait3A_485 : memref<1x6400xi32, #tpu.memory_space<hbm>> -> memref<6400xi32, #tpu.memory_space<hbm>>
    %dma_wait3A_487 = arith.constant 0 : i32
    %dma_wait3A_488 = tpu.memref_slice %arg2[%dma_wait3A_483, %dma_wait3A_487] : memref<2x3200000xi32, #tpu.memory_space<hbm>> -> memref<1x6400xi32, #tpu.memory_space<hbm>>
    %dma_wait3A_489 = tpu.memref_squeeze %dma_wait3A_488 : memref<1x6400xi32, #tpu.memory_space<hbm>> -> memref<6400xi32, #tpu.memory_space<hbm>>
    tpu.wait_dma2 semaphore(%arg17 : memref<!tpu.dma_semaphore, #tpu.memory_space<semaphore_mem>>) src(%dma_wait3A_489 : memref<6400xi32, #tpu.memory_space<hbm>>) dst(%arg8 : memref<6400xi32, #tpu.memory_space<vmem>>)
    %dma_wait3A_490 = arith.constant 1 : i32
    %dma_wait3A_491 = arith.constant 0 : i32
    %dma_wait3A_492 = tpu.memref_slice %arg2[%dma_wait3A_490, %dma_wait3A_491] : memref<2x3200000xi32, #tpu.memory_space<hbm>> -> memref<1x6400xi32, #tpu.memory_space<hbm>>
    %dma_wait3A_493 = tpu.memref_squeeze %dma_wait3A_492 : memref<1x6400xi32, #tpu.memory_space<hbm>> -> memref<6400xi32, #tpu.memory_space<hbm>>
    %dma_wait3A_494 = arith.constant 0 : i32
    %dma_wait3A_495 = tpu.memref_slice %arg2[%dma_wait3A_490, %dma_wait3A_494] : memref<2x3200000xi32, #tpu.memory_space<hbm>> -> memref<1x6400xi32, #tpu.memory_space<hbm>>
    %dma_wait3A_496 = tpu.memref_squeeze %dma_wait3A_495 : memref<1x6400xi32, #tpu.memory_space<hbm>> -> memref<6400xi32, #tpu.memory_space<hbm>>
    tpu.wait_dma2 semaphore(%arg19 : memref<!tpu.dma_semaphore, #tpu.memory_space<semaphore_mem>>) src(%dma_wait3A_496 : memref<6400xi32, #tpu.memory_space<hbm>>) dst(%arg10 : memref<6400xi32, #tpu.memory_space<vmem>>)
    %dma_wait3A_497 = arith.constant 0 : i32
    %dma_wait3A_498 = tpu.memref_slice %arg5[%dma_wait3A_497] : memref<1024000xf32, #tpu.memory_space<vmem_shared>> -> memref<1024000xf32, #tpu.memory_space<vmem_shared>>
    tpu.wait_indirect_dma semaphore(%arg21 : memref<!tpu.dma_semaphore, #tpu.memory_space<semaphore_mem>>) src(%arg14 : memref<6400xf32, #tpu.memory_space<vmem>>) dst(%dma_wait3A_498 : memref<1024000xf32, #tpu.memory_space<vmem_shared>>)
    "tpu.region"() ({
      %run_scoped3A = tpu.sem_alloc : memref<!tpu.dma_semaphore, #tpu.memory_space<semaphore_mem>>
      %dma_start3A_608 = arith.constant 0 : i32
      %dma_start3A_609 = tpu.memref_slice %arg6[%dma_start3A_608] : memref<102400xf32, #tpu.memory_space<vmem_shared>> -> memref<102400xf32, #tpu.memory_space<vmem_shared>>
      tpu.enqueue_indirect_dma source(%dma_start3A_609 : memref<102400xf32, #tpu.memory_space<vmem_shared>>) target(%arg14 : memref<6400xf32, #tpu.memory_space<vmem>>) offsets(%arg8 : memref<6400xi32, #tpu.memory_space<vmem>>) semaphore(%run_scoped3A : memref<!tpu.dma_semaphore, #tpu.memory_space<semaphore_mem>>)
      %dma_wait3A_610 = arith.constant 0 : i32
      %dma_wait3A_611 = tpu.memref_slice %arg6[%dma_wait3A_610] : memref<102400xf32, #tpu.memory_space<vmem_shared>> -> memref<102400xf32, #tpu.memory_space<vmem_shared>>
      tpu.wait_indirect_dma semaphore(%run_scoped3A : memref<!tpu.dma_semaphore, #tpu.memory_space<semaphore_mem>>) src(%dma_wait3A_611 : memref<102400xf32, #tpu.memory_space<vmem_shared>>) dst(%arg14 : memref<6400xf32, #tpu.memory_space<vmem>>)
      tpu.yield
    }) : () -> ()
    %parallel_loop3A_499 = arith.constant 0 : i32
    %parallel_loop3A_500 = arith.constant 6400 : i32
    %parallel_loop3A_501 = arith.constant 16 : i32
    scf.for %parallel_loop3A_608 = %parallel_loop3A_499 to %parallel_loop3A_500 step %parallel_loop3A_501  : i32 {
      %parallel_loop3A_609 = arith.index_cast %parallel_loop3A_608 : i32 to index
      %parallel_loop3A_610 = tpu.vector_load %arg14[%parallel_loop3A_609] {strides = array<i32>} : memref<6400xf32, #tpu.memory_space<vmem>>, vector<16xf32>,
      %parallel_loop3A_611 = vector.bitcast %parallel_loop3A_610 : vector<16xf32> to vector<16xi32>
      %parallel_loop3A_612 = arith.index_cast %parallel_loop3A_608 : i32 to index
      %parallel_loop3A_613 = tpu.vector_load %arg10[%parallel_loop3A_612] {strides = array<i32>} : memref<6400xi32, #tpu.memory_space<vmem>>, vector<16xi32>,
      %parallel_loop3A_614 = arith.constant 15 : i32
      %parallel_loop3A_615 = vector.broadcast %parallel_loop3A_614 : i32 to vector<16xi32>
      %parallel_loop3A_616 = arith.andi %parallel_loop3A_611, %parallel_loop3A_615 : vector<16xi32>
      %parallel_loop3A_617 = arith.constant 102400 : i32
      %parallel_loop3A_618 = vector.broadcast %parallel_loop3A_617 : i32 to vector<16xi32>
      %parallel_loop3A_619 = arith.muli %parallel_loop3A_616, %parallel_loop3A_618 : vector<16xi32>
      %parallel_loop3A_620 = arith.addi %parallel_loop3A_619, %parallel_loop3A_613 : vector<16xi32>
      %parallel_loop3A_621 = arith.index_cast %parallel_loop3A_608 : i32 to index
      %parallel_loop3A_622 = tpu.vector_load %arg12[%parallel_loop3A_621] {strides = array<i32>} : memref<6400xi32, #tpu.memory_space<vmem>>, vector<16xi32>,
      tpu.vector_store %arg12[%parallel_loop3A_621], %parallel_loop3A_620 {strides = array<i32>} : memref<6400xi32, #tpu.memory_space<vmem>>, vector<16xi32>,
      %parallel_loop3A_623 = arith.constant -16 : i32
      %parallel_loop3A_624 = vector.broadcast %parallel_loop3A_623 : i32 to vector<16xi32>
      %parallel_loop3A_625 = arith.andi %parallel_loop3A_611, %parallel_loop3A_624 : vector<16xi32>
      %parallel_loop3A_626 = vector.bitcast %parallel_loop3A_625 : vector<16xi32> to vector<16xf32>
      %parallel_loop3A_627 = arith.index_cast %parallel_loop3A_608 : i32 to index
      %parallel_loop3A_628 = tpu.vector_load %arg14[%parallel_loop3A_627] {strides = array<i32>} : memref<6400xf32, #tpu.memory_space<vmem>>, vector<16xf32>,
      tpu.vector_store %arg14[%parallel_loop3A_627], %parallel_loop3A_626 {strides = array<i32>} : memref<6400xf32, #tpu.memory_space<vmem>>, vector<16xf32>,
    } {sc.loop_unroll_factor = 8 : i64, sc.parallel_access}
    %add3A_502 = arith.constant 13 : i32
    %add3A_503 = arith.addi %add3A_4, %add3A_502 : i32
    %mul3A_504 = arith.constant 6400 : i32
    %mul3A_505 = arith.muli %add3A_503, %mul3A_504 : i32
    %dma_start3A_506 = arith.constant 0 : i32
    %dma_start3A_507 = tpu.memref_slice %arg2[%dma_start3A_506, %mul3A_505] : memref<2x3200000xi32, #tpu.memory_space<hbm>> -> memref<1x6400xi32, #tpu.memory_space<hbm>>
    %dma_start3A_508 = tpu.memref_squeeze %dma_start3A_507 : memref<1x6400xi32, #tpu.memory_space<hbm>> -> memref<6400xi32, #tpu.memory_space<hbm>>
    %dma_start3A_509 = tpu.memref_slice %arg2[%dma_start3A_506, %mul3A_505] : memref<2x3200000xi32, #tpu.memory_space<hbm>> -> memref<1x6400xi32, #tpu.memory_space<hbm>>
    %dma_start3A_510 = tpu.memref_squeeze %dma_start3A_509 : memref<1x6400xi32, #tpu.memory_space<hbm>> -> memref<6400xi32, #tpu.memory_space<hbm>>
    tpu.enqueue_dma source(%dma_start3A_510 : memref<6400xi32, #tpu.memory_space<hbm>>) target(%arg8 : memref<6400xi32, #tpu.memory_space<vmem>>) target_semaphore(%arg17 : memref<!tpu.dma_semaphore, #tpu.memory_space<semaphore_mem>>)
    %dma_start3A_511 = arith.constant 1 : i32
    %dma_start3A_512 = tpu.memref_slice %arg2[%dma_start3A_511, %mul3A_505] : memref<2x3200000xi32, #tpu.memory_space<hbm>> -> memref<1x6400xi32, #tpu.memory_space<hbm>>
    %dma_start3A_513 = tpu.memref_squeeze %dma_start3A_512 : memref<1x6400xi32, #tpu.memory_space<hbm>> -> memref<6400xi32, #tpu.memory_space<hbm>>
    %dma_start3A_514 = tpu.memref_slice %arg2[%dma_start3A_511, %mul3A_505] : memref<2x3200000xi32, #tpu.memory_space<hbm>> -> memref<1x6400xi32, #tpu.memory_space<hbm>>
    %dma_start3A_515 = tpu.memref_squeeze %dma_start3A_514 : memref<1x6400xi32, #tpu.memory_space<hbm>> -> memref<6400xi32, #tpu.memory_space<hbm>>
    tpu.enqueue_dma source(%dma_start3A_515 : memref<6400xi32, #tpu.memory_space<hbm>>) target(%arg10 : memref<6400xi32, #tpu.memory_space<vmem>>) target_semaphore(%arg19 : memref<!tpu.dma_semaphore, #tpu.memory_space<semaphore_mem>>)
    %dma_start3A_516 = arith.constant 0 : i32
    %dma_start3A_517 = tpu.memref_slice %arg5[%dma_start3A_516] : memref<1024000xf32, #tpu.memory_space<vmem_shared>> -> memref<1024000xf32, #tpu.memory_space<vmem_shared>>
    tpu.enqueue_indirect_dma source(%arg14 : memref<6400xf32, #tpu.memory_space<vmem>>) target(%dma_start3A_517 : memref<1024000xf32, #tpu.memory_space<vmem_shared>>) offsets(%arg12 : memref<6400xi32, #tpu.memory_space<vmem>>) semaphore(%arg21 : memref<!tpu.dma_semaphore, #tpu.memory_space<semaphore_mem>>) {add = true}
    %dma_wait3A_518 = arith.constant 0 : i32
    %dma_wait3A_519 = arith.constant 0 : i32
    %dma_wait3A_520 = tpu.memref_slice %arg2[%dma_wait3A_518, %dma_wait3A_519] : memref<2x3200000xi32, #tpu.memory_space<hbm>> -> memref<1x6400xi32, #tpu.memory_space<hbm>>
    %dma_wait3A_521 = tpu.memref_squeeze %dma_wait3A_520 : memref<1x6400xi32, #tpu.memory_space<hbm>> -> memref<6400xi32, #tpu.memory_space<hbm>>
    %dma_wait3A_522 = arith.constant 0 : i32
    %dma_wait3A_523 = tpu.memref_slice %arg2[%dma_wait3A_518, %dma_wait3A_522] : memref<2x3200000xi32, #tpu.memory_space<hbm>> -> memref<1x6400xi32, #tpu.memory_space<hbm>>
    %dma_wait3A_524 = tpu.memref_squeeze %dma_wait3A_523 : memref<1x6400xi32, #tpu.memory_space<hbm>> -> memref<6400xi32, #tpu.memory_space<hbm>>
    tpu.wait_dma2 semaphore(%arg16 : memref<!tpu.dma_semaphore, #tpu.memory_space<semaphore_mem>>) src(%dma_wait3A_524 : memref<6400xi32, #tpu.memory_space<hbm>>) dst(%arg7 : memref<6400xi32, #tpu.memory_space<vmem>>)
    %dma_wait3A_525 = arith.constant 1 : i32
    %dma_wait3A_526 = arith.constant 0 : i32
    %dma_wait3A_527 = tpu.memref_slice %arg2[%dma_wait3A_525, %dma_wait3A_526] : memref<2x3200000xi32, #tpu.memory_space<hbm>> -> memref<1x6400xi32, #tpu.memory_space<hbm>>
    %dma_wait3A_528 = tpu.memref_squeeze %dma_wait3A_527 : memref<1x6400xi32, #tpu.memory_space<hbm>> -> memref<6400xi32, #tpu.memory_space<hbm>>
    %dma_wait3A_529 = arith.constant 0 : i32
    %dma_wait3A_530 = tpu.memref_slice %arg2[%dma_wait3A_525, %dma_wait3A_529] : memref<2x3200000xi32, #tpu.memory_space<hbm>> -> memref<1x6400xi32, #tpu.memory_space<hbm>>
    %dma_wait3A_531 = tpu.memref_squeeze %dma_wait3A_530 : memref<1x6400xi32, #tpu.memory_space<hbm>> -> memref<6400xi32, #tpu.memory_space<hbm>>
    tpu.wait_dma2 semaphore(%arg18 : memref<!tpu.dma_semaphore, #tpu.memory_space<semaphore_mem>>) src(%dma_wait3A_531 : memref<6400xi32, #tpu.memory_space<hbm>>) dst(%arg9 : memref<6400xi32, #tpu.memory_space<vmem>>)
    %dma_wait3A_532 = arith.constant 0 : i32
    %dma_wait3A_533 = tpu.memref_slice %arg5[%dma_wait3A_532] : memref<1024000xf32, #tpu.memory_space<vmem_shared>> -> memref<1024000xf32, #tpu.memory_space<vmem_shared>>
    tpu.wait_indirect_dma semaphore(%arg20 : memref<!tpu.dma_semaphore, #tpu.memory_space<semaphore_mem>>) src(%arg13 : memref<6400xf32, #tpu.memory_space<vmem>>) dst(%dma_wait3A_533 : memref<1024000xf32, #tpu.memory_space<vmem_shared>>)
    "tpu.region"() ({
      %run_scoped3A = tpu.sem_alloc : memref<!tpu.dma_semaphore, #tpu.memory_space<semaphore_mem>>
      %dma_start3A_608 = arith.constant 0 : i32
      %dma_start3A_609 = tpu.memref_slice %arg6[%dma_start3A_608] : memref<102400xf32, #tpu.memory_space<vmem_shared>> -> memref<102400xf32, #tpu.memory_space<vmem_shared>>
      tpu.enqueue_indirect_dma source(%dma_start3A_609 : memref<102400xf32, #tpu.memory_space<vmem_shared>>) target(%arg13 : memref<6400xf32, #tpu.memory_space<vmem>>) offsets(%arg7 : memref<6400xi32, #tpu.memory_space<vmem>>) semaphore(%run_scoped3A : memref<!tpu.dma_semaphore, #tpu.memory_space<semaphore_mem>>)
      %dma_wait3A_610 = arith.constant 0 : i32
      %dma_wait3A_611 = tpu.memref_slice %arg6[%dma_wait3A_610] : memref<102400xf32, #tpu.memory_space<vmem_shared>> -> memref<102400xf32, #tpu.memory_space<vmem_shared>>
      tpu.wait_indirect_dma semaphore(%run_scoped3A : memref<!tpu.dma_semaphore, #tpu.memory_space<semaphore_mem>>) src(%dma_wait3A_611 : memref<102400xf32, #tpu.memory_space<vmem_shared>>) dst(%arg13 : memref<6400xf32, #tpu.memory_space<vmem>>)
      tpu.yield
    }) : () -> ()
    %parallel_loop3A_534 = arith.constant 0 : i32
    %parallel_loop3A_535 = arith.constant 6400 : i32
    %parallel_loop3A_536 = arith.constant 16 : i32
    scf.for %parallel_loop3A_608 = %parallel_loop3A_534 to %parallel_loop3A_535 step %parallel_loop3A_536  : i32 {
      %parallel_loop3A_609 = arith.index_cast %parallel_loop3A_608 : i32 to index
      %parallel_loop3A_610 = tpu.vector_load %arg13[%parallel_loop3A_609] {strides = array<i32>} : memref<6400xf32, #tpu.memory_space<vmem>>, vector<16xf32>,
      %parallel_loop3A_611 = vector.bitcast %parallel_loop3A_610 : vector<16xf32> to vector<16xi32>
      %parallel_loop3A_612 = arith.index_cast %parallel_loop3A_608 : i32 to index
      %parallel_loop3A_613 = tpu.vector_load %arg9[%parallel_loop3A_612] {strides = array<i32>} : memref<6400xi32, #tpu.memory_space<vmem>>, vector<16xi32>,
      %parallel_loop3A_614 = arith.constant 15 : i32
      %parallel_loop3A_615 = vector.broadcast %parallel_loop3A_614 : i32 to vector<16xi32>
      %parallel_loop3A_616 = arith.andi %parallel_loop3A_611, %parallel_loop3A_615 : vector<16xi32>
      %parallel_loop3A_617 = arith.constant 102400 : i32
      %parallel_loop3A_618 = vector.broadcast %parallel_loop3A_617 : i32 to vector<16xi32>
      %parallel_loop3A_619 = arith.muli %parallel_loop3A_616, %parallel_loop3A_618 : vector<16xi32>
      %parallel_loop3A_620 = arith.addi %parallel_loop3A_619, %parallel_loop3A_613 : vector<16xi32>
      %parallel_loop3A_621 = arith.index_cast %parallel_loop3A_608 : i32 to index
      %parallel_loop3A_622 = tpu.vector_load %arg11[%parallel_loop3A_621] {strides = array<i32>} : memref<6400xi32, #tpu.memory_space<vmem>>, vector<16xi32>,
      tpu.vector_store %arg11[%parallel_loop3A_621], %parallel_loop3A_620 {strides = array<i32>} : memref<6400xi32, #tpu.memory_space<vmem>>, vector<16xi32>,
      %parallel_loop3A_623 = arith.constant -16 : i32
      %parallel_loop3A_624 = vector.broadcast %parallel_loop3A_623 : i32 to vector<16xi32>
      %parallel_loop3A_625 = arith.andi %parallel_loop3A_611, %parallel_loop3A_624 : vector<16xi32>
      %parallel_loop3A_626 = vector.bitcast %parallel_loop3A_625 : vector<16xi32> to vector<16xf32>
      %parallel_loop3A_627 = arith.index_cast %parallel_loop3A_608 : i32 to index
      %parallel_loop3A_628 = tpu.vector_load %arg13[%parallel_loop3A_627] {strides = array<i32>} : memref<6400xf32, #tpu.memory_space<vmem>>, vector<16xf32>,
      tpu.vector_store %arg13[%parallel_loop3A_627], %parallel_loop3A_626 {strides = array<i32>} : memref<6400xf32, #tpu.memory_space<vmem>>, vector<16xf32>,
    } {sc.loop_unroll_factor = 8 : i64, sc.parallel_access}
    %add3A_537 = arith.constant 14 : i32
    %add3A_538 = arith.addi %add3A_4, %add3A_537 : i32
    %mul3A_539 = arith.constant 6400 : i32
    %mul3A_540 = arith.muli %add3A_538, %mul3A_539 : i32
    %dma_start3A_541 = arith.constant 0 : i32
    %dma_start3A_542 = tpu.memref_slice %arg2[%dma_start3A_541, %mul3A_540] : memref<2x3200000xi32, #tpu.memory_space<hbm>> -> memref<1x6400xi32, #tpu.memory_space<hbm>>
    %dma_start3A_543 = tpu.memref_squeeze %dma_start3A_542 : memref<1x6400xi32, #tpu.memory_space<hbm>> -> memref<6400xi32, #tpu.memory_space<hbm>>
    %dma_start3A_544 = tpu.memref_slice %arg2[%dma_start3A_541, %mul3A_540] : memref<2x3200000xi32, #tpu.memory_space<hbm>> -> memref<1x6400xi32, #tpu.memory_space<hbm>>
    %dma_start3A_545 = tpu.memref_squeeze %dma_start3A_544 : memref<1x6400xi32, #tpu.memory_space<hbm>> -> memref<6400xi32, #tpu.memory_space<hbm>>
    tpu.enqueue_dma source(%dma_start3A_545 : memref<6400xi32, #tpu.memory_space<hbm>>) target(%arg7 : memref<6400xi32, #tpu.memory_space<vmem>>) target_semaphore(%arg16 : memref<!tpu.dma_semaphore, #tpu.memory_space<semaphore_mem>>)
    %dma_start3A_546 = arith.constant 1 : i32
    %dma_start3A_547 = tpu.memref_slice %arg2[%dma_start3A_546, %mul3A_540] : memref<2x3200000xi32, #tpu.memory_space<hbm>> -> memref<1x6400xi32, #tpu.memory_space<hbm>>
    %dma_start3A_548 = tpu.memref_squeeze %dma_start3A_547 : memref<1x6400xi32, #tpu.memory_space<hbm>> -> memref<6400xi32, #tpu.memory_space<hbm>>
    %dma_start3A_549 = tpu.memref_slice %arg2[%dma_start3A_546, %mul3A_540] : memref<2x3200000xi32, #tpu.memory_space<hbm>> -> memref<1x6400xi32, #tpu.memory_space<hbm>>
    %dma_start3A_550 = tpu.memref_squeeze %dma_start3A_549 : memref<1x6400xi32, #tpu.memory_space<hbm>> -> memref<6400xi32, #tpu.memory_space<hbm>>
    tpu.enqueue_dma source(%dma_start3A_550 : memref<6400xi32, #tpu.memory_space<hbm>>) target(%arg9 : memref<6400xi32, #tpu.memory_space<vmem>>) target_semaphore(%arg18 : memref<!tpu.dma_semaphore, #tpu.memory_space<semaphore_mem>>)
    %dma_start3A_551 = arith.constant 0 : i32
    %dma_start3A_552 = tpu.memref_slice %arg5[%dma_start3A_551] : memref<1024000xf32, #tpu.memory_space<vmem_shared>> -> memref<1024000xf32, #tpu.memory_space<vmem_shared>>
    tpu.enqueue_indirect_dma source(%arg13 : memref<6400xf32, #tpu.memory_space<vmem>>) target(%dma_start3A_552 : memref<1024000xf32, #tpu.memory_space<vmem_shared>>) offsets(%arg11 : memref<6400xi32, #tpu.memory_space<vmem>>) semaphore(%arg20 : memref<!tpu.dma_semaphore, #tpu.memory_space<semaphore_mem>>) {add = true}
    %dma_wait3A_553 = arith.constant 0 : i32
    %dma_wait3A_554 = arith.constant 0 : i32
    %dma_wait3A_555 = tpu.memref_slice %arg2[%dma_wait3A_553, %dma_wait3A_554] : memref<2x3200000xi32, #tpu.memory_space<hbm>> -> memref<1x6400xi32, #tpu.memory_space<hbm>>
    %dma_wait3A_556 = tpu.memref_squeeze %dma_wait3A_555 : memref<1x6400xi32, #tpu.memory_space<hbm>> -> memref<6400xi32, #tpu.memory_space<hbm>>
    %dma_wait3A_557 = arith.constant 0 : i32
    %dma_wait3A_558 = tpu.memref_slice %arg2[%dma_wait3A_553, %dma_wait3A_557] : memref<2x3200000xi32, #tpu.memory_space<hbm>> -> memref<1x6400xi32, #tpu.memory_space<hbm>>
    %dma_wait3A_559 = tpu.memref_squeeze %dma_wait3A_558 : memref<1x6400xi32, #tpu.memory_space<hbm>> -> memref<6400xi32, #tpu.memory_space<hbm>>
    tpu.wait_dma2 semaphore(%arg17 : memref<!tpu.dma_semaphore, #tpu.memory_space<semaphore_mem>>) src(%dma_wait3A_559 : memref<6400xi32, #tpu.memory_space<hbm>>) dst(%arg8 : memref<6400xi32, #tpu.memory_space<vmem>>)
    %dma_wait3A_560 = arith.constant 1 : i32
    %dma_wait3A_561 = arith.constant 0 : i32
    %dma_wait3A_562 = tpu.memref_slice %arg2[%dma_wait3A_560, %dma_wait3A_561] : memref<2x3200000xi32, #tpu.memory_space<hbm>> -> memref<1x6400xi32, #tpu.memory_space<hbm>>
    %dma_wait3A_563 = tpu.memref_squeeze %dma_wait3A_562 : memref<1x6400xi32, #tpu.memory_space<hbm>> -> memref<6400xi32, #tpu.memory_space<hbm>>
    %dma_wait3A_564 = arith.constant 0 : i32
    %dma_wait3A_565 = tpu.memref_slice %arg2[%dma_wait3A_560, %dma_wait3A_564] : memref<2x3200000xi32, #tpu.memory_space<hbm>> -> memref<1x6400xi32, #tpu.memory_space<hbm>>
    %dma_wait3A_566 = tpu.memref_squeeze %dma_wait3A_565 : memref<1x6400xi32, #tpu.memory_space<hbm>> -> memref<6400xi32, #tpu.memory_space<hbm>>
    tpu.wait_dma2 semaphore(%arg19 : memref<!tpu.dma_semaphore, #tpu.memory_space<semaphore_mem>>) src(%dma_wait3A_566 : memref<6400xi32, #tpu.memory_space<hbm>>) dst(%arg10 : memref<6400xi32, #tpu.memory_space<vmem>>)
    %dma_wait3A_567 = arith.constant 0 : i32
    %dma_wait3A_568 = tpu.memref_slice %arg5[%dma_wait3A_567] : memref<1024000xf32, #tpu.memory_space<vmem_shared>> -> memref<1024000xf32, #tpu.memory_space<vmem_shared>>
    tpu.wait_indirect_dma semaphore(%arg21 : memref<!tpu.dma_semaphore, #tpu.memory_space<semaphore_mem>>) src(%arg14 : memref<6400xf32, #tpu.memory_space<vmem>>) dst(%dma_wait3A_568 : memref<1024000xf32, #tpu.memory_space<vmem_shared>>)
    "tpu.region"() ({
      %run_scoped3A = tpu.sem_alloc : memref<!tpu.dma_semaphore, #tpu.memory_space<semaphore_mem>>
      %dma_start3A_608 = arith.constant 0 : i32
      %dma_start3A_609 = tpu.memref_slice %arg6[%dma_start3A_608] : memref<102400xf32, #tpu.memory_space<vmem_shared>> -> memref<102400xf32, #tpu.memory_space<vmem_shared>>
      tpu.enqueue_indirect_dma source(%dma_start3A_609 : memref<102400xf32, #tpu.memory_space<vmem_shared>>) target(%arg14 : memref<6400xf32, #tpu.memory_space<vmem>>) offsets(%arg8 : memref<6400xi32, #tpu.memory_space<vmem>>) semaphore(%run_scoped3A : memref<!tpu.dma_semaphore, #tpu.memory_space<semaphore_mem>>)
      %dma_wait3A_610 = arith.constant 0 : i32
      %dma_wait3A_611 = tpu.memref_slice %arg6[%dma_wait3A_610] : memref<102400xf32, #tpu.memory_space<vmem_shared>> -> memref<102400xf32, #tpu.memory_space<vmem_shared>>
      tpu.wait_indirect_dma semaphore(%run_scoped3A : memref<!tpu.dma_semaphore, #tpu.memory_space<semaphore_mem>>) src(%dma_wait3A_611 : memref<102400xf32, #tpu.memory_space<vmem_shared>>) dst(%arg14 : memref<6400xf32, #tpu.memory_space<vmem>>)
      tpu.yield
    }) : () -> ()
    %parallel_loop3A_569 = arith.constant 0 : i32
    %parallel_loop3A_570 = arith.constant 6400 : i32
    %parallel_loop3A_571 = arith.constant 16 : i32
    scf.for %parallel_loop3A_608 = %parallel_loop3A_569 to %parallel_loop3A_570 step %parallel_loop3A_571  : i32 {
      %parallel_loop3A_609 = arith.index_cast %parallel_loop3A_608 : i32 to index
      %parallel_loop3A_610 = tpu.vector_load %arg14[%parallel_loop3A_609] {strides = array<i32>} : memref<6400xf32, #tpu.memory_space<vmem>>, vector<16xf32>,
      %parallel_loop3A_611 = vector.bitcast %parallel_loop3A_610 : vector<16xf32> to vector<16xi32>
      %parallel_loop3A_612 = arith.index_cast %parallel_loop3A_608 : i32 to index
      %parallel_loop3A_613 = tpu.vector_load %arg10[%parallel_loop3A_612] {strides = array<i32>} : memref<6400xi32, #tpu.memory_space<vmem>>, vector<16xi32>,
      %parallel_loop3A_614 = arith.constant 15 : i32
      %parallel_loop3A_615 = vector.broadcast %parallel_loop3A_614 : i32 to vector<16xi32>
      %parallel_loop3A_616 = arith.andi %parallel_loop3A_611, %parallel_loop3A_615 : vector<16xi32>
      %parallel_loop3A_617 = arith.constant 102400 : i32
      %parallel_loop3A_618 = vector.broadcast %parallel_loop3A_617 : i32 to vector<16xi32>
      %parallel_loop3A_619 = arith.muli %parallel_loop3A_616, %parallel_loop3A_618 : vector<16xi32>
      %parallel_loop3A_620 = arith.addi %parallel_loop3A_619, %parallel_loop3A_613 : vector<16xi32>
      %parallel_loop3A_621 = arith.index_cast %parallel_loop3A_608 : i32 to index
      %parallel_loop3A_622 = tpu.vector_load %arg12[%parallel_loop3A_621] {strides = array<i32>} : memref<6400xi32, #tpu.memory_space<vmem>>, vector<16xi32>,
      tpu.vector_store %arg12[%parallel_loop3A_621], %parallel_loop3A_620 {strides = array<i32>} : memref<6400xi32, #tpu.memory_space<vmem>>, vector<16xi32>,
      %parallel_loop3A_623 = arith.constant -16 : i32
      %parallel_loop3A_624 = vector.broadcast %parallel_loop3A_623 : i32 to vector<16xi32>
      %parallel_loop3A_625 = arith.andi %parallel_loop3A_611, %parallel_loop3A_624 : vector<16xi32>
      %parallel_loop3A_626 = vector.bitcast %parallel_loop3A_625 : vector<16xi32> to vector<16xf32>
      %parallel_loop3A_627 = arith.index_cast %parallel_loop3A_608 : i32 to index
      %parallel_loop3A_628 = tpu.vector_load %arg14[%parallel_loop3A_627] {strides = array<i32>} : memref<6400xf32, #tpu.memory_space<vmem>>, vector<16xf32>,
      tpu.vector_store %arg14[%parallel_loop3A_627], %parallel_loop3A_626 {strides = array<i32>} : memref<6400xf32, #tpu.memory_space<vmem>>, vector<16xf32>,
    } {sc.loop_unroll_factor = 8 : i64, sc.parallel_access}
    %convert_element_type3A = arith.extui %lt3A_5 : i1 to i32
    %cond3A = arith.constant 0 : i32
    %cond3A_572 = arith.cmpi ne, %convert_element_type3A, %cond3A : i32
    scf.if %cond3A_572 {
      %add3A_608 = arith.constant 15 : i32
      %add3A_609 = arith.addi %add3A_4, %add3A_608 : i32
      %mul3A_610 = arith.constant 6400 : i32
      %mul3A_611 = arith.muli %add3A_609, %mul3A_610 : i32
      %dma_start3A_612 = arith.constant 0 : i32
      %dma_start3A_613 = tpu.memref_slice %arg2[%dma_start3A_612, %mul3A_611] : memref<2x3200000xi32, #tpu.memory_space<hbm>> -> memref<1x6400xi32, #tpu.memory_space<hbm>>
      %dma_start3A_614 = tpu.memref_squeeze %dma_start3A_613 : memref<1x6400xi32, #tpu.memory_space<hbm>> -> memref<6400xi32, #tpu.memory_space<hbm>>
      %dma_start3A_615 = tpu.memref_slice %arg2[%dma_start3A_612, %mul3A_611] : memref<2x3200000xi32, #tpu.memory_space<hbm>> -> memref<1x6400xi32, #tpu.memory_space<hbm>>
      %dma_start3A_616 = tpu.memref_squeeze %dma_start3A_615 : memref<1x6400xi32, #tpu.memory_space<hbm>> -> memref<6400xi32, #tpu.memory_space<hbm>>
      tpu.enqueue_dma source(%dma_start3A_616 : memref<6400xi32, #tpu.memory_space<hbm>>) target(%arg8 : memref<6400xi32, #tpu.memory_space<vmem>>) target_semaphore(%arg17 : memref<!tpu.dma_semaphore, #tpu.memory_space<semaphore_mem>>)
      %dma_start3A_617 = arith.constant 1 : i32
      %dma_start3A_618 = tpu.memref_slice %arg2[%dma_start3A_617, %mul3A_611] : memref<2x3200000xi32, #tpu.memory_space<hbm>> -> memref<1x6400xi32, #tpu.memory_space<hbm>>
      %dma_start3A_619 = tpu.memref_squeeze %dma_start3A_618 : memref<1x6400xi32, #tpu.memory_space<hbm>> -> memref<6400xi32, #tpu.memory_space<hbm>>
      %dma_start3A_620 = tpu.memref_slice %arg2[%dma_start3A_617, %mul3A_611] : memref<2x3200000xi32, #tpu.memory_space<hbm>> -> memref<1x6400xi32, #tpu.memory_space<hbm>>
      %dma_start3A_621 = tpu.memref_squeeze %dma_start3A_620 : memref<1x6400xi32, #tpu.memory_space<hbm>> -> memref<6400xi32, #tpu.memory_space<hbm>>
      tpu.enqueue_dma source(%dma_start3A_621 : memref<6400xi32, #tpu.memory_space<hbm>>) target(%arg10 : memref<6400xi32, #tpu.memory_space<vmem>>) target_semaphore(%arg19 : memref<!tpu.dma_semaphore, #tpu.memory_space<semaphore_mem>>)
    } else {
    }
    %dma_start3A_573 = arith.constant 0 : i32
    %dma_start3A_574 = tpu.memref_slice %arg5[%dma_start3A_573] : memref<1024000xf32, #tpu.memory_space<vmem_shared>> -> memref<1024000xf32, #tpu.memory_space<vmem_shared>>
    tpu.enqueue_indirect_dma source(%arg14 : memref<6400xf32, #tpu.memory_space<vmem>>) target(%dma_start3A_574 : memref<1024000xf32, #tpu.memory_space<vmem_shared>>) offsets(%arg12 : memref<6400xi32, #tpu.memory_space<vmem>>) semaphore(%arg21 : memref<!tpu.dma_semaphore, #tpu.memory_space<semaphore_mem>>) {add = true}
    %dma_wait3A_575 = arith.constant 0 : i32
    %dma_wait3A_576 = arith.constant 0 : i32
    %dma_wait3A_577 = tpu.memref_slice %arg2[%dma_wait3A_575, %dma_wait3A_576] : memref<2x3200000xi32, #tpu.memory_space<hbm>> -> memref<1x6400xi32, #tpu.memory_space<hbm>>
    %dma_wait3A_578 = tpu.memref_squeeze %dma_wait3A_577 : memref<1x6400xi32, #tpu.memory_space<hbm>> -> memref<6400xi32, #tpu.memory_space<hbm>>
    %dma_wait3A_579 = arith.constant 0 : i32
    %dma_wait3A_580 = tpu.memref_slice %arg2[%dma_wait3A_575, %dma_wait3A_579] : memref<2x3200000xi32, #tpu.memory_space<hbm>> -> memref<1x6400xi32, #tpu.memory_space<hbm>>
    %dma_wait3A_581 = tpu.memref_squeeze %dma_wait3A_580 : memref<1x6400xi32, #tpu.memory_space<hbm>> -> memref<6400xi32, #tpu.memory_space<hbm>>
    tpu.wait_dma2 semaphore(%arg16 : memref<!tpu.dma_semaphore, #tpu.memory_space<semaphore_mem>>) src(%dma_wait3A_581 : memref<6400xi32, #tpu.memory_space<hbm>>) dst(%arg7 : memref<6400xi32, #tpu.memory_space<vmem>>)
    %dma_wait3A_582 = arith.constant 1 : i32
    %dma_wait3A_583 = arith.constant 0 : i32
    %dma_wait3A_584 = tpu.memref_slice %arg2[%dma_wait3A_582, %dma_wait3A_583] : memref<2x3200000xi32, #tpu.memory_space<hbm>> -> memref<1x6400xi32, #tpu.memory_space<hbm>>
    %dma_wait3A_585 = tpu.memref_squeeze %dma_wait3A_584 : memref<1x6400xi32, #tpu.memory_space<hbm>> -> memref<6400xi32, #tpu.memory_space<hbm>>
    %dma_wait3A_586 = arith.constant 0 : i32
    %dma_wait3A_587 = tpu.memref_slice %arg2[%dma_wait3A_582, %dma_wait3A_586] : memref<2x3200000xi32, #tpu.memory_space<hbm>> -> memref<1x6400xi32, #tpu.memory_space<hbm>>
    %dma_wait3A_588 = tpu.memref_squeeze %dma_wait3A_587 : memref<1x6400xi32, #tpu.memory_space<hbm>> -> memref<6400xi32, #tpu.memory_space<hbm>>
    tpu.wait_dma2 semaphore(%arg18 : memref<!tpu.dma_semaphore, #tpu.memory_space<semaphore_mem>>) src(%dma_wait3A_588 : memref<6400xi32, #tpu.memory_space<hbm>>) dst(%arg9 : memref<6400xi32, #tpu.memory_space<vmem>>)
    %dma_wait3A_589 = arith.constant 0 : i32
    %dma_wait3A_590 = tpu.memref_slice %arg5[%dma_wait3A_589] : memref<1024000xf32, #tpu.memory_space<vmem_shared>> -> memref<1024000xf32, #tpu.memory_space<vmem_shared>>
    tpu.wait_indirect_dma semaphore(%arg20 : memref<!tpu.dma_semaphore, #tpu.memory_space<semaphore_mem>>) src(%arg13 : memref<6400xf32, #tpu.memory_space<vmem>>) dst(%dma_wait3A_590 : memref<1024000xf32, #tpu.memory_space<vmem_shared>>)
    "tpu.region"() ({
      %run_scoped3A = tpu.sem_alloc : memref<!tpu.dma_semaphore, #tpu.memory_space<semaphore_mem>>
      %dma_start3A_608 = arith.constant 0 : i32
      %dma_start3A_609 = tpu.memref_slice %arg6[%dma_start3A_608] : memref<102400xf32, #tpu.memory_space<vmem_shared>> -> memref<102400xf32, #tpu.memory_space<vmem_shared>>
      tpu.enqueue_indirect_dma source(%dma_start3A_609 : memref<102400xf32, #tpu.memory_space<vmem_shared>>) target(%arg13 : memref<6400xf32, #tpu.memory_space<vmem>>) offsets(%arg7 : memref<6400xi32, #tpu.memory_space<vmem>>) semaphore(%run_scoped3A : memref<!tpu.dma_semaphore, #tpu.memory_space<semaphore_mem>>)
      %dma_wait3A_610 = arith.constant 0 : i32
      %dma_wait3A_611 = tpu.memref_slice %arg6[%dma_wait3A_610] : memref<102400xf32, #tpu.memory_space<vmem_shared>> -> memref<102400xf32, #tpu.memory_space<vmem_shared>>
      tpu.wait_indirect_dma semaphore(%run_scoped3A : memref<!tpu.dma_semaphore, #tpu.memory_space<semaphore_mem>>) src(%dma_wait3A_611 : memref<102400xf32, #tpu.memory_space<vmem_shared>>) dst(%arg13 : memref<6400xf32, #tpu.memory_space<vmem>>)
      tpu.yield
    }) : () -> ()
    %parallel_loop3A_591 = arith.constant 0 : i32
    %parallel_loop3A_592 = arith.constant 6400 : i32
    %parallel_loop3A_593 = arith.constant 16 : i32
    scf.for %parallel_loop3A_608 = %parallel_loop3A_591 to %parallel_loop3A_592 step %parallel_loop3A_593  : i32 {
      %parallel_loop3A_609 = arith.index_cast %parallel_loop3A_608 : i32 to index
      %parallel_loop3A_610 = tpu.vector_load %arg13[%parallel_loop3A_609] {strides = array<i32>} : memref<6400xf32, #tpu.memory_space<vmem>>, vector<16xf32>,
      %parallel_loop3A_611 = vector.bitcast %parallel_loop3A_610 : vector<16xf32> to vector<16xi32>
      %parallel_loop3A_612 = arith.index_cast %parallel_loop3A_608 : i32 to index
      %parallel_loop3A_613 = tpu.vector_load %arg9[%parallel_loop3A_612] {strides = array<i32>} : memref<6400xi32, #tpu.memory_space<vmem>>, vector<16xi32>,
      %parallel_loop3A_614 = arith.constant 15 : i32
      %parallel_loop3A_615 = vector.broadcast %parallel_loop3A_614 : i32 to vector<16xi32>
      %parallel_loop3A_616 = arith.andi %parallel_loop3A_611, %parallel_loop3A_615 : vector<16xi32>
      %parallel_loop3A_617 = arith.constant 102400 : i32
      %parallel_loop3A_618 = vector.broadcast %parallel_loop3A_617 : i32 to vector<16xi32>
      %parallel_loop3A_619 = arith.muli %parallel_loop3A_616, %parallel_loop3A_618 : vector<16xi32>
      %parallel_loop3A_620 = arith.addi %parallel_loop3A_619, %parallel_loop3A_613 : vector<16xi32>
      %parallel_loop3A_621 = arith.index_cast %parallel_loop3A_608 : i32 to index
      %parallel_loop3A_622 = tpu.vector_load %arg11[%parallel_loop3A_621] {strides = array<i32>} : memref<6400xi32, #tpu.memory_space<vmem>>, vector<16xi32>,
      tpu.vector_store %arg11[%parallel_loop3A_621], %parallel_loop3A_620 {strides = array<i32>} : memref<6400xi32, #tpu.memory_space<vmem>>, vector<16xi32>,
      %parallel_loop3A_623 = arith.constant -16 : i32
      %parallel_loop3A_624 = vector.broadcast %parallel_loop3A_623 : i32 to vector<16xi32>
      %parallel_loop3A_625 = arith.andi %parallel_loop3A_611, %parallel_loop3A_624 : vector<16xi32>
      %parallel_loop3A_626 = vector.bitcast %parallel_loop3A_625 : vector<16xi32> to vector<16xf32>
      %parallel_loop3A_627 = arith.index_cast %parallel_loop3A_608 : i32 to index
      %parallel_loop3A_628 = tpu.vector_load %arg13[%parallel_loop3A_627] {strides = array<i32>} : memref<6400xf32, #tpu.memory_space<vmem>>, vector<16xf32>,
      tpu.vector_store %arg13[%parallel_loop3A_627], %parallel_loop3A_626 {strides = array<i32>} : memref<6400xf32, #tpu.memory_space<vmem>>, vector<16xf32>,
    } {sc.loop_unroll_factor = 8 : i64, sc.parallel_access}
    %dma_start3A_594 = arith.constant 0 : i32
    %dma_start3A_595 = tpu.memref_slice %arg5[%dma_start3A_594] : memref<1024000xf32, #tpu.memory_space<vmem_shared>> -> memref<1024000xf32, #tpu.memory_space<vmem_shared>>
    tpu.enqueue_indirect_dma source(%arg13 : memref<6400xf32, #tpu.memory_space<vmem>>) target(%dma_start3A_595 : memref<1024000xf32, #tpu.memory_space<vmem_shared>>) offsets(%arg11 : memref<6400xi32, #tpu.memory_space<vmem>>) semaphore(%arg20 : memref<!tpu.dma_semaphore, #tpu.memory_space<semaphore_mem>>) {add = true}
    %convert_element_type3A_596 = arith.extui %lt3A_5 : i1 to i32
    %cond3A_597 = arith.constant 0 : i32
    %cond3A_598 = arith.cmpi ne, %convert_element_type3A_596, %cond3A_597 : i32
    scf.if %cond3A_598 {
      %dma_wait3A_608 = arith.constant 0 : i32
      %dma_wait3A_609 = arith.constant 0 : i32
      %dma_wait3A_610 = tpu.memref_slice %arg2[%dma_wait3A_608, %dma_wait3A_609] : memref<2x3200000xi32, #tpu.memory_space<hbm>> -> memref<1x6400xi32, #tpu.memory_space<hbm>>
      %dma_wait3A_611 = tpu.memref_squeeze %dma_wait3A_610 : memref<1x6400xi32, #tpu.memory_space<hbm>> -> memref<6400xi32, #tpu.memory_space<hbm>>
      %dma_wait3A_612 = arith.constant 0 : i32
      %dma_wait3A_613 = tpu.memref_slice %arg2[%dma_wait3A_608, %dma_wait3A_612] : memref<2x3200000xi32, #tpu.memory_space<hbm>> -> memref<1x6400xi32, #tpu.memory_space<hbm>>
      %dma_wait3A_614 = tpu.memref_squeeze %dma_wait3A_613 : memref<1x6400xi32, #tpu.memory_space<hbm>> -> memref<6400xi32, #tpu.memory_space<hbm>>
      tpu.wait_dma2 semaphore(%arg17 : memref<!tpu.dma_semaphore, #tpu.memory_space<semaphore_mem>>) src(%dma_wait3A_614 : memref<6400xi32, #tpu.memory_space<hbm>>) dst(%arg8 : memref<6400xi32, #tpu.memory_space<vmem>>)
      %dma_wait3A_615 = arith.constant 1 : i32
      %dma_wait3A_616 = arith.constant 0 : i32
      %dma_wait3A_617 = tpu.memref_slice %arg2[%dma_wait3A_615, %dma_wait3A_616] : memref<2x3200000xi32, #tpu.memory_space<hbm>> -> memref<1x6400xi32, #tpu.memory_space<hbm>>
      %dma_wait3A_618 = tpu.memref_squeeze %dma_wait3A_617 : memref<1x6400xi32, #tpu.memory_space<hbm>> -> memref<6400xi32, #tpu.memory_space<hbm>>
      %dma_wait3A_619 = arith.constant 0 : i32
      %dma_wait3A_620 = tpu.memref_slice %arg2[%dma_wait3A_615, %dma_wait3A_619] : memref<2x3200000xi32, #tpu.memory_space<hbm>> -> memref<1x6400xi32, #tpu.memory_space<hbm>>
      %dma_wait3A_621 = tpu.memref_squeeze %dma_wait3A_620 : memref<1x6400xi32, #tpu.memory_space<hbm>> -> memref<6400xi32, #tpu.memory_space<hbm>>
      tpu.wait_dma2 semaphore(%arg19 : memref<!tpu.dma_semaphore, #tpu.memory_space<semaphore_mem>>) src(%dma_wait3A_621 : memref<6400xi32, #tpu.memory_space<hbm>>) dst(%arg10 : memref<6400xi32, #tpu.memory_space<vmem>>)
      %dma_wait3A_622 = arith.constant 0 : i32
      %dma_wait3A_623 = tpu.memref_slice %arg5[%dma_wait3A_622] : memref<1024000xf32, #tpu.memory_space<vmem_shared>> -> memref<1024000xf32, #tpu.memory_space<vmem_shared>>
      tpu.wait_indirect_dma semaphore(%arg21 : memref<!tpu.dma_semaphore, #tpu.memory_space<semaphore_mem>>) src(%arg14 : memref<6400xf32, #tpu.memory_space<vmem>>) dst(%dma_wait3A_623 : memref<1024000xf32, #tpu.memory_space<vmem_shared>>)
      "tpu.region"() ({
        %run_scoped3A = tpu.sem_alloc : memref<!tpu.dma_semaphore, #tpu.memory_space<semaphore_mem>>
        %dma_start3A_629 = arith.constant 0 : i32
        %dma_start3A_630 = tpu.memref_slice %arg6[%dma_start3A_629] : memref<102400xf32, #tpu.memory_space<vmem_shared>> -> memref<102400xf32, #tpu.memory_space<vmem_shared>>
        tpu.enqueue_indirect_dma source(%dma_start3A_630 : memref<102400xf32, #tpu.memory_space<vmem_shared>>) target(%arg14 : memref<6400xf32, #tpu.memory_space<vmem>>) offsets(%arg8 : memref<6400xi32, #tpu.memory_space<vmem>>) semaphore(%run_scoped3A : memref<!tpu.dma_semaphore, #tpu.memory_space<semaphore_mem>>)
        %dma_wait3A_631 = arith.constant 0 : i32
        %dma_wait3A_632 = tpu.memref_slice %arg6[%dma_wait3A_631] : memref<102400xf32, #tpu.memory_space<vmem_shared>> -> memref<102400xf32, #tpu.memory_space<vmem_shared>>
        tpu.wait_indirect_dma semaphore(%run_scoped3A : memref<!tpu.dma_semaphore, #tpu.memory_space<semaphore_mem>>) src(%dma_wait3A_632 : memref<102400xf32, #tpu.memory_space<vmem_shared>>) dst(%arg14 : memref<6400xf32, #tpu.memory_space<vmem>>)
        tpu.yield
      }) : () -> ()
      %parallel_loop3A_624 = arith.constant 0 : i32
      %parallel_loop3A_625 = arith.constant 6400 : i32
      %parallel_loop3A_626 = arith.constant 16 : i32
      scf.for %parallel_loop3A_629 = %parallel_loop3A_624 to %parallel_loop3A_625 step %parallel_loop3A_626  : i32 {
        %parallel_loop3A_630 = arith.index_cast %parallel_loop3A_629 : i32 to index
        %parallel_loop3A_631 = tpu.vector_load %arg14[%parallel_loop3A_630] {strides = array<i32>} : memref<6400xf32, #tpu.memory_space<vmem>>, vector<16xf32>,
        %parallel_loop3A_632 = vector.bitcast %parallel_loop3A_631 : vector<16xf32> to vector<16xi32>
        %parallel_loop3A_633 = arith.index_cast %parallel_loop3A_629 : i32 to index
        %parallel_loop3A_634 = tpu.vector_load %arg10[%parallel_loop3A_633] {strides = array<i32>} : memref<6400xi32, #tpu.memory_space<vmem>>, vector<16xi32>,
        %parallel_loop3A_635 = arith.constant 15 : i32
        %parallel_loop3A_636 = vector.broadcast %parallel_loop3A_635 : i32 to vector<16xi32>
        %parallel_loop3A_637 = arith.andi %parallel_loop3A_632, %parallel_loop3A_636 : vector<16xi32>
        %parallel_loop3A_638 = arith.constant 102400 : i32
        %parallel_loop3A_639 = vector.broadcast %parallel_loop3A_638 : i32 to vector<16xi32>
        %parallel_loop3A_640 = arith.muli %parallel_loop3A_637, %parallel_loop3A_639 : vector<16xi32>
        %parallel_loop3A_641 = arith.addi %parallel_loop3A_640, %parallel_loop3A_634 : vector<16xi32>
        %parallel_loop3A_642 = arith.index_cast %parallel_loop3A_629 : i32 to index
        %parallel_loop3A_643 = tpu.vector_load %arg12[%parallel_loop3A_642] {strides = array<i32>} : memref<6400xi32, #tpu.memory_space<vmem>>, vector<16xi32>,
        tpu.vector_store %arg12[%parallel_loop3A_642], %parallel_loop3A_641 {strides = array<i32>} : memref<6400xi32, #tpu.memory_space<vmem>>, vector<16xi32>,
        %parallel_loop3A_644 = arith.constant -16 : i32
        %parallel_loop3A_645 = vector.broadcast %parallel_loop3A_644 : i32 to vector<16xi32>
        %parallel_loop3A_646 = arith.andi %parallel_loop3A_632, %parallel_loop3A_645 : vector<16xi32>
        %parallel_loop3A_647 = vector.bitcast %parallel_loop3A_646 : vector<16xi32> to vector<16xf32>
        %parallel_loop3A_648 = arith.index_cast %parallel_loop3A_629 : i32 to index
        %parallel_loop3A_649 = tpu.vector_load %arg14[%parallel_loop3A_648] {strides = array<i32>} : memref<6400xf32, #tpu.memory_space<vmem>>, vector<16xf32>,
        tpu.vector_store %arg14[%parallel_loop3A_648], %parallel_loop3A_647 {strides = array<i32>} : memref<6400xf32, #tpu.memory_space<vmem>>, vector<16xf32>,
      } {sc.loop_unroll_factor = 8 : i64, sc.parallel_access}
      %dma_start3A_627 = arith.constant 0 : i32
      %dma_start3A_628 = tpu.memref_slice %arg5[%dma_start3A_627] : memref<1024000xf32, #tpu.memory_space<vmem_shared>> -> memref<1024000xf32, #tpu.memory_space<vmem_shared>>
      tpu.enqueue_indirect_dma source(%arg14 : memref<6400xf32, #tpu.memory_space<vmem>>) target(%dma_start3A_628 : memref<1024000xf32, #tpu.memory_space<vmem_shared>>) offsets(%arg12 : memref<6400xi32, #tpu.memory_space<vmem>>) semaphore(%arg21 : memref<!tpu.dma_semaphore, #tpu.memory_space<semaphore_mem>>) {add = true}
    } else {
    }
    %dma_wait3A_599 = arith.constant 0 : i32
    %dma_wait3A_600 = tpu.memref_slice %arg5[%dma_wait3A_599] : memref<1024000xf32, #tpu.memory_space<vmem_shared>> -> memref<1024000xf32, #tpu.memory_space<vmem_shared>>
    tpu.wait_indirect_dma semaphore(%arg20 : memref<!tpu.dma_semaphore, #tpu.memory_space<semaphore_mem>>) src(%arg13 : memref<6400xf32, #tpu.memory_space<vmem>>) dst(%dma_wait3A_600 : memref<1024000xf32, #tpu.memory_space<vmem_shared>>)
    %dma_wait3A_601 = arith.constant 0 : i32
    %dma_wait3A_602 = tpu.memref_slice %arg5[%dma_wait3A_601] : memref<1024000xf32, #tpu.memory_space<vmem_shared>> -> memref<1024000xf32, #tpu.memory_space<vmem_shared>>
    tpu.wait_indirect_dma semaphore(%arg21 : memref<!tpu.dma_semaphore, #tpu.memory_space<semaphore_mem>>) src(%arg14 : memref<6400xf32, #tpu.memory_space<vmem>>) dst(%dma_wait3A_602 : memref<1024000xf32, #tpu.memory_space<vmem_shared>>)
    %barrier3A_603 = arith.constant 0 : index
    tpu.barrier barrier_id(%barrier3A_603)
    %mul3A_604 = arith.constant 64000 : i32
    %mul3A_605 = arith.muli %arg1, %mul3A_604 : i32
    %mul3A_606 = arith.constant 64000 : i32
    %mul3A_607 = arith.muli %arg1, %mul3A_606 : i32
    "tpu.region"() ({
      %run_scoped3A = tpu.sem_alloc : memref<!tpu.dma_semaphore, #tpu.memory_space<semaphore_mem>>
      %dma_start3A_608 = tpu.memref_slice %arg4[%arg0, %mul3A_607] : memref<2x1024000xf32, #tpu.memory_space<hbm>> -> memref<1x64000xf32, #tpu.memory_space<hbm>>
      %dma_start3A_609 = tpu.memref_squeeze %dma_start3A_608 : memref<1x64000xf32, #tpu.memory_space<hbm>> -> memref<64000xf32, #tpu.memory_space<hbm>>
      %dma_start3A_610 = tpu.memref_slice %arg5[%mul3A_605] : memref<1024000xf32, #tpu.memory_space<vmem_shared>> -> memref<64000xf32, #tpu.memory_space<vmem_shared>>
      tpu.enqueue_dma source(%dma_start3A_610 : memref<64000xf32, #tpu.memory_space<vmem_shared>>) target(%dma_start3A_609 : memref<64000xf32, #tpu.memory_space<hbm>>) target_semaphore(%run_scoped3A : memref<!tpu.dma_semaphore, #tpu.memory_space<semaphore_mem>>)
      %dma_wait3A_611 = tpu.memref_slice %arg4[%arg0, %mul3A_607] : memref<2x1024000xf32, #tpu.memory_space<hbm>> -> memref<1x64000xf32, #tpu.memory_space<hbm>>
      %dma_wait3A_612 = tpu.memref_squeeze %dma_wait3A_611 : memref<1x64000xf32, #tpu.memory_space<hbm>> -> memref<64000xf32, #tpu.memory_space<hbm>>
      %dma_wait3A_613 = tpu.memref_slice %arg5[%mul3A_605] : memref<1024000xf32, #tpu.memory_space<vmem_shared>> -> memref<64000xf32, #tpu.memory_space<vmem_shared>>
      tpu.wait_dma2 semaphore(%run_scoped3A : memref<!tpu.dma_semaphore, #tpu.memory_space<semaphore_mem>>) src(%dma_wait3A_613 : memref<64000xf32, #tpu.memory_space<vmem_shared>>) dst(%dma_wait3A_612 : memref<64000xf32, #tpu.memory_space<hbm>>)
      tpu.yield
    }) : () -> ()
    return
  }
}

module attributes {stable_mosaic.version = 14 : i64} {
  func.func @_pack_body(%arg0: memref<2x102400xf32, #tpu.memory_space<vmem>>, %arg1: memref<1x102400xi32, #tpu.memory_space<vmem>>, %arg2: memref<1x102400xf32, #tpu.memory_space<vmem>>) attributes {dimension_semantics = [], scalar_prefetch = 0 : i64, scratch_operands = 0 : i64, tpu.core_type = #tpu.core_type<tc>} {
    %get3A = arith.constant 0 : index
    %get3A_0 = arith.constant 0 : index
    %get3A_1 = vector.load %arg0[%get3A, %get3A_0] : memref<2x102400xf32, #tpu.memory_space<vmem>>, vector<1x102400xf32>
    %get3A_2 = arith.constant 1 : index
    %get3A_3 = arith.constant 0 : index
    %get3A_4 = vector.load %arg0[%get3A_2, %get3A_3] : memref<2x102400xf32, #tpu.memory_space<vmem>>, vector<1x102400xf32>
    %add3A = arith.addf %get3A_1, %get3A_4 : vector<1x102400xf32>
    %max3A = arith.constant 1.000000e+00 : f32
    %max3A_5 = vector.broadcast %max3A : f32 to vector<1x102400xf32>
    %max3A_6 = arith.maximumf %add3A, %max3A_5 : vector<1x102400xf32>
    %rsqrt3A = math.rsqrt %max3A_6 : vector<1x102400xf32>
    %bitcast_convert_type3A = tpu.bitcast %rsqrt3A : vector<1x102400xf32> -> vector<1x102400xi32>
    %and3A = arith.constant -16 : i32
    %and3A_7 = vector.broadcast %and3A : i32 to vector<1x102400xi32>
    %and3A_8 = arith.andi %bitcast_convert_type3A, %and3A_7 : vector<1x102400xi32>
    %get3A_9 = arith.constant 0 : index
    %get3A_10 = arith.constant 0 : index
    %get3A_11 = vector.load %arg1[%get3A_9, %get3A_10] : memref<1x102400xi32, #tpu.memory_space<vmem>>, vector<1x102400xi32>
    %or3A = arith.ori %and3A_8, %get3A_11 : vector<1x102400xi32>
    %bitcast_convert_type3A_12 = tpu.bitcast %or3A : vector<1x102400xi32> -> vector<1x102400xf32>
    %swap3A = arith.constant 0 : index
    %swap3A_13 = arith.constant 0 : index
    %swap3A_14 = vector.load %arg2[%swap3A, %swap3A_13] : memref<1x102400xf32, #tpu.memory_space<vmem>>, vector<1x102400xf32>
    tpu.vector_store %arg2[%swap3A, %swap3A_13], %bitcast_convert_type3A_12 {strides = array<i32>} : memref<1x102400xf32, #tpu.memory_space<vmem>>, vector<1x102400xf32>,
    return
  }
}

module attributes {stable_mosaic.version = 14 : i64} {
  func.func @_final_body(%arg0: i32, %arg1: memref<2x10x12800xf32, #tpu.memory_space<vmem>>, %arg2: memref<2x12800xf32, #tpu.memory_space<vmem>>, %arg3: memref<16x10xf32, #tpu.memory_space<vmem>>, %arg4: memref<32x16xf32, #tpu.memory_space<vmem>>, %arg5: memref<32x1xf32, #tpu.memory_space<vmem>>, %arg6: memref<1x32xf32, #tpu.memory_space<vmem>>) attributes {dimension_semantics = [#tpu.dimension_semantics<arbitrary>], iteration_bounds = array<i64: 8>, scalar_prefetch = 0 : i64, scratch_operands = 0 : i64, tpu.core_type = #tpu.core_type<tc>, window_params = [{transform_indices = @transform_0, window_bounds = array<i64: 2, 10, 12800>}, {transform_indices = @transform_1, window_bounds = array<i64: 2, 12800>}, {pipeline_mode = #tpu.pipeline_mode<synchronous>, transform_indices = @transform_2, window_bounds = array<i64: 16, 10>}, {pipeline_mode = #tpu.pipeline_mode<synchronous>, transform_indices = @transform_3, window_bounds = array<i64: 32, 16>}, {pipeline_mode = #tpu.pipeline_mode<synchronous>, transform_indices = @transform_4, window_bounds = array<i64: 32, 1>}, {pipeline_mode = #tpu.pipeline_mode<synchronous>, transform_indices = @transform_5, window_bounds = array<i64: 1, 32>}]} {
    %eq3A = arith.constant 0 : i32
    %eq3A_0 = arith.cmpi eq, %arg0, %eq3A : i32
    %convert_element_type3A = arith.extui %eq3A_0 : i1 to i32
    %cond3A = arith.constant 0 : i32
    %cond3A_1 = arith.cmpi ne, %convert_element_type3A, %cond3A : i32
    scf.if %cond3A_1 {
      %broadcast_in_dim3A = arith.constant 0.000000e+00 : f32
      %broadcast_in_dim3A_50 = vector.broadcast %broadcast_in_dim3A : f32 to vector<1x32xf32>
      %swap3A_51 = arith.constant 0 : index
      %swap3A_52 = arith.constant 0 : index
      %swap3A_53 = vector.load %arg6[%swap3A_51, %swap3A_52] : memref<1x32xf32, #tpu.memory_space<vmem>>, vector<1x32xf32>
      tpu.vector_store %arg6[%swap3A_51, %swap3A_52], %broadcast_in_dim3A_50 {strides = array<i32>} : memref<1x32xf32, #tpu.memory_space<vmem>>, vector<1x32xf32>,
    } else {
    }
    %get3A = arith.constant 0 : index
    %get3A_2 = arith.constant 0 : index
    %get3A_3 = arith.constant 0 : index
    %get3A_4 = vector.load %arg1[%get3A, %get3A_2, %get3A_3] : memref<2x10x12800xf32, #tpu.memory_space<vmem>>, vector<1x10x12800xf32>
    %get3A_5 = vector.shape_cast %get3A_4 : vector<1x10x12800xf32> to vector<10x12800xf32>
    %get3A_6 = arith.constant 1 : index
    %get3A_7 = arith.constant 0 : index
    %get3A_8 = arith.constant 0 : index
    %get3A_9 = vector.load %arg1[%get3A_6, %get3A_7, %get3A_8] : memref<2x10x12800xf32, #tpu.memory_space<vmem>>, vector<1x10x12800xf32>
    %get3A_10 = vector.shape_cast %get3A_9 : vector<1x10x12800xf32> to vector<10x12800xf32>
    %add3A = arith.addf %get3A_5, %get3A_10 : vector<10x12800xf32>
    %get3A_11 = arith.constant 0 : index
    %get3A_12 = arith.constant 0 : index
    %get3A_13 = vector.load %arg4[%get3A_11, %get3A_12] : memref<32x16xf32, #tpu.memory_space<vmem>>, vector<32x16xf32>
    %get3A_14 = arith.constant 0 : index
    %get3A_15 = arith.constant 0 : index
    %get3A_16 = vector.load %arg3[%get3A_14, %get3A_15] : memref<16x10xf32, #tpu.memory_space<vmem>>, vector<16x10xf32>
    %dot_general3A = arith.constant dense<0.000000e+00> : vector<32x10xf32>
    %dot_general3A_17 = tpu.matmul %get3A_13, %get3A_16, %dot_general3A {dimension_numbers = #tpu.dot_dimension_numbers<[1], [0], [0], [1], [0, 0, 1, 1], [], []>, precision = #tpu.contract_precision<fp32>, transpose_lhs_hint = false} : vector<32x16xf32>, vector<16x10xf32>, vector<32x10xf32> -> vector<32x10xf32>
    %get3A_18 = arith.constant 0 : index
    %get3A_19 = arith.constant 0 : index
    %get3A_20 = vector.load %arg5[%get3A_18, %get3A_19] : memref<32x1xf32, #tpu.memory_space<vmem>>, vector<32x1xf32>
    %add3A_21 = vector.broadcast %get3A_20 : vector<32x1xf32> to vector<32x10xf32>
    %add3A_22 = arith.addf %dot_general3A_17, %add3A_21 : vector<32x10xf32>
    %dot_general3A_23 = arith.constant dense<0.000000e+00> : vector<32x12800xf32>
    %dot_general3A_24 = tpu.matmul %add3A_22, %add3A, %dot_general3A_23 {dimension_numbers = #tpu.dot_dimension_numbers<[1], [0], [0], [1], [0, 0, 1, 1], [], []>, precision = #tpu.contract_precision<fp32>, transpose_lhs_hint = false} : vector<32x10xf32>, vector<10x12800xf32>, vector<32x12800xf32> -> vector<32x12800xf32>
    %get3A_25 = arith.constant 0 : index
    %get3A_26 = arith.constant 0 : index
    %get3A_27 = vector.load %arg2[%get3A_25, %get3A_26] : memref<2x12800xf32, #tpu.memory_space<vmem>>, vector<1x12800xf32>
    %get3A_28 = arith.constant 1 : index
    %get3A_29 = arith.constant 0 : index
    %get3A_30 = vector.load %arg2[%get3A_28, %get3A_29] : memref<2x12800xf32, #tpu.memory_space<vmem>>, vector<1x12800xf32>
    %add3A_31 = arith.addf %get3A_27, %get3A_30 : vector<1x12800xf32>
    %max3A = arith.constant 1.000000e+00 : f32
    %max3A_32 = vector.broadcast %max3A : f32 to vector<1x12800xf32>
    %max3A_33 = arith.maximumf %add3A_31, %max3A_32 : vector<1x12800xf32>
    %rsqrt3A = math.rsqrt %max3A_33 : vector<1x12800xf32>
    %max3A_34 = arith.constant 0.000000e+00 : f32
    %max3A_35 = vector.broadcast %max3A_34 : f32 to vector<32x12800xf32>
    %max3A_36 = arith.maximumf %dot_general3A_24, %max3A_35 : vector<32x12800xf32>
    %mul3A = vector.broadcast %rsqrt3A : vector<1x12800xf32> to vector<32x12800xf32>
    %mul3A_37 = arith.mulf %max3A_36, %mul3A : vector<32x12800xf32>
    %get3A_38 = arith.constant 0 : index
    %get3A_39 = arith.constant 0 : index
    %get3A_40 = vector.load %arg6[%get3A_38, %get3A_39] : memref<1x32xf32, #tpu.memory_space<vmem>>, vector<1x32xf32>
    %reduce_sum3A = arith.constant dense<0.000000e+00> : vector<32xf32>
    %reduce_sum3A_41 = vector.multi_reduction <add>, %mul3A_37, %reduce_sum3A [1] : vector<32x12800xf32> to vector<32xf32>
    %reshape3A = vector.shape_cast %reduce_sum3A_41 : vector<32xf32> to vector<1x32xf32>
    %add3A_42 = arith.addf %get3A_40, %reshape3A : vector<1x32xf32>
    %swap3A = arith.constant 0 : index
    %swap3A_43 = arith.constant 0 : index
    %swap3A_44 = vector.load %arg6[%swap3A, %swap3A_43] : memref<1x32xf32, #tpu.memory_space<vmem>>, vector<1x32xf32>
    tpu.vector_store %arg6[%swap3A, %swap3A_43], %add3A_42 {strides = array<i32>} : memref<1x32xf32, #tpu.memory_space<vmem>>, vector<1x32xf32>,
    %eq3A_45 = arith.constant 7 : i32
    %eq3A_46 = arith.cmpi eq, %arg0, %eq3A_45 : i32
    %convert_element_type3A_47 = arith.extui %eq3A_46 : i1 to i32
    %cond3A_48 = arith.constant 0 : i32
    %cond3A_49 = arith.cmpi ne, %convert_element_type3A_47, %cond3A_48 : i32
    scf.if %cond3A_49 {
      %get3A_50 = arith.constant 0 : index
      %get3A_51 = arith.constant 0 : index
      %get3A_52 = vector.load %arg6[%get3A_50, %get3A_51] : memref<1x32xf32, #tpu.memory_space<vmem>>, vector<1x32xf32>
      %mul3A_53 = arith.constant 9.99999974E-6 : f32
      %mul3A_54 = vector.broadcast %mul3A_53 : f32 to vector<1x32xf32>
      %mul3A_55 = arith.mulf %get3A_52, %mul3A_54 : vector<1x32xf32>
      %swap3A_56 = arith.constant 0 : index
      %swap3A_57 = arith.constant 0 : index
      %swap3A_58 = vector.load %arg6[%swap3A_56, %swap3A_57] : memref<1x32xf32, #tpu.memory_space<vmem>>, vector<1x32xf32>
      tpu.vector_store %arg6[%swap3A_56, %swap3A_57], %mul3A_55 {strides = array<i32>} : memref<1x32xf32, #tpu.memory_space<vmem>>, vector<1x32xf32>,
    } else {
    }
    return
  }
  func.func @transform_0(%arg0: i32) -> (i32, i32, i32) {
    %c0_i32 = arith.constant 0 : i32
    %c0_i32_0 = arith.constant 0 : i32
    %c0_i32_1 = arith.constant 0 : i32
    return %c0_i32, %c0_i32_0, %arg0 : i32, i32, i32
  }
  func.func @transform_1(%arg0: i32) -> (i32, i32) {
    %c0_i32 = arith.constant 0 : i32
    %c0_i32_0 = arith.constant 0 : i32
    return %c0_i32, %arg0 : i32, i32
  }
  func.func @transform_2(%arg0: i32) -> (i32, i32) {
    %c0_i32 = arith.constant 0 : i32
    %c0_i32_0 = arith.constant 0 : i32
    %c0_i32_1 = arith.constant 0 : i32
    return %c0_i32, %c0_i32_0 : i32, i32
  }
  func.func @transform_3(%arg0: i32) -> (i32, i32) {
    %c0_i32 = arith.constant 0 : i32
    %c0_i32_0 = arith.constant 0 : i32
    %c0_i32_1 = arith.constant 0 : i32
    return %c0_i32, %c0_i32_0 : i32, i32
  }
  func.func @transform_4(%arg0: i32) -> (i32, i32) {
    %c0_i32 = arith.constant 0 : i32
    %c0_i32_0 = arith.constant 0 : i32
    %c0_i32_1 = arith.constant 0 : i32
    return %c0_i32, %c0_i32_0 : i32, i32
  }
  func.func @transform_5(%arg0: i32) -> (i32, i32) {
    %c0_i32 = arith.constant 0 : i32
    %c0_i32_0 = arith.constant 0 : i32
    %c0_i32_1 = arith.constant 0 : i32
    return %c0_i32, %c0_i32_0 : i32, i32
  }
}

</mosaic_0001>

<sc_bundles>
// kernel: kernel.6.cloned.1.call-start
scs
__scs_entry_jumppad:
0x0: {  	(pc) =	sbr.rel $0x88, $3  }
0x1: {  	(tag) =	ssettag $0x0;
	lr =	simm.s32 $0x1  }
0x2: {  	[smem:$0x3F9C] =	sst lr;
	_ =	strace $0xD0000000  }
0x3: {  	_ = 	snop  }
0x4: {  	_ = 	snop  }
0x5: {  	_ = 	snop  }
0x6: {  	_ = 	snop  }
0x7: {  	_ = 	snop  }
__scs_overlays_trampoline_lowered:
0x8: {  	[smem:$0x3FAB] =	sst s0  }
0x9: {  	[smem:$0x3FAC] =	sst s1  }
0xa: {  	[smem:$0x3FAD] =	sst s2  }
0xb: {  	[smem:$0x3FAE] =	sst s3  }
0xc: {  	[smem:$0x3FAF] =	sst s4  }
0xd: {  	[smem:$0x3FB0] =	sst s5  }
0xe: {  	[smem:$0x3FB1] =	sst s6  }
0xf: {  	[smem:$0x3FB2] =	sst s7  }
0x10: {  	[smem:$0x3FB3] =	sst s8  }
0x11: {  	[smem:$0x3FB4] =	sst s9;
	s0 =	simm.s32 @!p0 $0x0  }
0x12: {  	s1 =	sld [smem:$0x3F9A];
	s0 =	simm.s32 @p0 $0x1  }
0x13: {  	[smem:$0x3FB5] =	sst s0;
	s0 =	simm.s32 @!p1 $0x0  }
0x14: {  	s2 =	sld [smem:$0x3F99];
	s0 =	simm.s32 @p1 $0x1  }
0x15: {  	[smem:$0x3FB6] =	sst s0;
	s0 =	simm.s32 @!p2 $0x0  }
0x16: {  	s3 =	sld [smem:$0x3FDB];
	s0 =	simm.s32 @p2 $0x1  }
0x17: {  	s4 =	simm.s32 $0x1BF5;
	[smem:$0x3FB8] =	sst s0  }
0x18: {  	s0 =	sld [smem:$0x3F9B];
	_ =	swait.ge [sflag:s4], $0x0  }
0x19: {  	s7 =	sld [smem:$0x3F9C]  }
0x1a: {  	s8 =	sadd.s32 $0xFFFFE003, lr  }
0x1b: {  	s9 =	sadd.s32 $0xFFFFFEF7, lr;
	s5 =	simm.s32 $0xFFFFFFFF;
	p2 =	slt.u32 s8, $0xFFFFF086  }
0x1c: {  	p1 =	slt.u32 s9, $0xF7A;
	s5 =	simm.s32 @!p2 $0x0  }
0x1d: {  	s5 =	simm.s32 @p1 $0x1;
	p0 =	seq.s32 s7, s2  }
0x1e: {  	s7 =	smul.u32 @!p0 $0xF7A, s2;
	p2 =	seq.s32 @!p0 s5, $0x0  }
0x1f: {  	s9 =	smul.u32 $0xF7A, s1;
	s8 =	simm.s32 @!p0 $0x1BF5;
	p2 =	por !p2, p0  }
0x20: {  	[sflag:s8] =	ssyncset.s32 @!p0 $0xFFFFF086;
	s6 =	sadd.s32 @!p0 s3, s7;
	s7 =	simm.s32 @!p0 $0x108  }
0x21: {  	s3 =	sadd.s32 s3, s9;
	s6 =	sadd.s32 @!p0 $0x88, s6;
	s7 =	simm.s32 @p2 $0x1082  }
0x22: {  	[simem:s7], [sflag:s8] =	dma.local @!p0 [hbm:s6], $0xF7A  }
0x23: {  	s9 =	sor.u32 $0xD0000000, s2;
	s6 =	simm.s32 $0x108;
	_ =	swait.ge @!p0 [sflag:s8], $0x0  }
0x24: {  	s3 =	sadd.s32 $0x88, s3;
	s6 =	simm.s32 @!p1 $0x1082;
	[sflag:s4] =	ssyncset.s32 $0xFFFFF086  }
0x25: {  	[simem:s6], [sflag:s4] =	dma.local [hbm:s3], $0xF7A  }
0x26: {  	[smem:$0x3F9C] =	sst s1;
	(tag) =	ssettag s2;
	_ =	strace s9  }
0x27: {  	s1 =	sld [smem:$0x3FAC]  }
0x28: {  	s2 =	sld [smem:$0x3FAD]  }
0x29: {  	s4 =	sld [smem:$0x3FAF]  }
0x2a: {  	p0 =	seq.s32 s5, $0x0;
	s5 =	sld [smem:$0x3FB0]  }
0x2b: {  	s6 =	sld [smem:$0x3FB1]  }
0x2c: {  	s7 =	sld [smem:$0x3FB2]  }
0x2d: {  	s3 =	simm.s32 $0x108;
	s8 =	sld [smem:$0x3FB3]  }
0x2e: {  	s3 =	simm.s32 @!p0 $0x1082;
	s9 =	sld [smem:$0x3FB4]  }
0x2f: {  	lr =	sadd.s32 s0, s3;
	s0 =	sld [smem:$0x3FAB]  }
0x30: {  	s3 =	sld [smem:$0x3FAE]  }
0x31: {  	[smem:$0x3FB7] =	sst s10  }
0x32: {  	s10 =	sld [smem:$0x3FB5];
	_ =	sdelay $0x3  }
0x33: {  	p0 =	seq.s32 s10, $0x1;
	s10 =	sld [smem:$0x3FB7];
	_ =	sdelay $0x3  }
0x34: {  	[smem:$0x3FB7] =	sst s10  }
0x35: {  	s10 =	sld [smem:$0x3FB6];
	_ =	sdelay $0x3  }
0x36: {  	p1 =	seq.s32 s10, $0x1;
	s10 =	sld [smem:$0x3FB7];
	_ =	sdelay $0x3  }
0x37: {  	[smem:$0x3FB7] =	sst s10  }
0x38: {  	s10 =	sld [smem:$0x3FB8]  }
0x39: {  	_ = 	snop;
	(pc) =	sbr.ind lr, $3  }
0x3a: {  	_ = 	snop  }
0x3b: {  	_ = 	snop  }
0x3c: {  	p2 =	seq.s32 s10, $0x1;
	s10 =	sld [smem:$0x3FB7]  }
0x3d: {  	_ =	shalt  }
0x3e: {  	_ =	shalt  }
0x3f: {  	_ =	shalt  }
0x40: {  	_ =	shalt  }
0x41: {  	_ =	shalt  }
0x42: {  	_ =	shalt  }
0x43: {  	_ =	shalt  }
0x44: {  	_ =	shalt  }
0x45: {  	_ =	shalt  }
0x46: {  	_ =	shalt  }
0x47: {  	_ =	shalt  }
0x48: {  	_ =	shalt  }
0x49: {  	_ =	shalt  }
0x4a: {  	_ =	shalt  }
0x4b: {  	_ =	shalt  }
0x4c: {  	_ =	shalt  }
0x4d: {  	_ =	shalt  }
0x4e: {  	_ =	shalt  }
0x4f: {  	_ =	shalt  }
0x50: {  	_ =	shalt  }
0x51: {  	_ =	shalt  }
0x52: {  	_ =	shalt  }
0x53: {  	_ =	shalt  }
0x54: {  	_ =	shalt  }
0x55: {  	_ =	shalt  }
0x56: {  	_ =	shalt  }
0x57: {  	_ =	shalt  }
0x58: {  	_ =	shalt  }
0x59: {  	_ =	shalt  }
0x5a: {  	_ =	shalt  }
0x5b: {  	_ =	shalt  }
0x5c: {  	_ =	shalt  }
0x5d: {  	_ =	shalt  }
0x5e: {  	_ =	shalt  }
0x5f: {  	_ =	shalt  }
0x60: {  	_ =	shalt  }
0x61: {  	_ =	shalt  }
0x62: {  	_ =	shalt  }
0x63: {  	_ =	shalt  }
0x64: {  	_ =	shalt  }
0x65: {  	_ =	shalt  }
0x66: {  	_ =	shalt  }
0x67: {  	_ =	shalt  }
0x68: {  	_ =	shalt  }
0x69: {  	_ =	shalt  }
0x6a: {  	_ =	shalt  }
0x6b: {  	_ =	shalt  }
0x6c: {  	_ =	shalt  }
0x6d: {  	_ =	shalt  }
0x6e: {  	_ =	shalt  }
0x6f: {  	_ =	shalt  }
0x70: {  	_ =	shalt  }
0x71: {  	_ =	shalt  }
0x72: {  	_ =	shalt  }
0x73: {  	_ =	shalt  }
0x74: {  	_ =	shalt  }
0x75: {  	_ =	shalt  }
0x76: {  	_ =	shalt  }
0x77: {  	_ =	shalt  }
0x78: {  	_ =	shalt  }
0x79: {  	_ =	shalt  }
0x7a: {  	_ =	shalt  }
0x7b: {  	_ =	shalt  }
0x7c: {  	_ =	shalt  }
0x7d: {  	_ =	shalt  }
0x7e: {  	_ =	shalt  }
0x7f: {  	_ =	shalt  }
0x80: {  	_ =	shalt  }
0x81: {  	_ =	shalt  }
0x82: {  	_ =	shalt  }
0x83: {  	_ =	shalt  }
0x84: {  	_ =	shalt  }
0x85: {  	_ =	shalt  }
0x86: {  	_ =	shalt  }
0x87: {  	_ =	shalt  }
.Lfunc_end0:
.L_simem_size_0:
called_computation_lowered:
.L_overlay_start_0:
0x88: {  	s2 =	sld [smem:$0x3FD9]  }
0x89: {  	s3 =	sld [smem:$0x3FFE];
	_ =	sdelay $0x1  }
0x8a: {  	s1 =	srdreg.scid  }
0x8b: {  	s0 =	sand.u32 $0x1, s1  }
0x8c: {  	s17 =	sshll.u32 s0, $0xA;
	s2 =	sadd.s32 s3, s2  }
0x8d: {  	s2 =	sadd.s32 s2, s17  }
0x8e: {  	[smem:$0x3FC3] =	sst s2  }
0x8f: {  	_ = 	snop  }
0x90: {  	s2 =	sld [smem:$0x3FC8];
	(tm) =	ssettm $0x1  }
0x91: {  	s18 =	sld [smem:$0x3FFB];
	_ =	sdelay $0x3  }
0x92: {  	_ =	strace s18  }
0x93: {  	s3 =	sld [smem:$0x3FFC];
	_ =	sdelay $0x3  }
0x94: {  	_ =	strace s3  }
0x95: {  	s3 =	sld [smem:$0x3FFD];
	_ =	sdelay $0x3  }
0x96: {  	_ =	strace s3  }
0x97: {  	_ =	strace $0x8FFFFFFF  }
0x98: {  	s19 =	sld [smem:$0x3FDB];
	_ =	sdelay $0x1  }
0x99: {  	s4 =	simm.s32 $_scs_section_size  }
0x9a: {  	s5 =	simm.s32 $_size__tile_overlayer_lowered;
	s6 =	simm.s32 $_tile_overlayer_lowered  }
0x9b: {  	s22 =	simm.s32 $0x1BFF;
	s21 =	sshll.u32 s6, $0x1;
	s3 =	sadd.s32 s4, s19  }
0x9c: {  	s7 =	simm.s32 $0x0;
	s20 =	sshll.u32 s5, $0x1;
	s5 =	sadd.s32 s21, s3  }
0x9d: {  	[timem:s7], [sflag:s22] =	dma.local [hbm:s5], s20  }
0x9e: {  	_ =	swait.ge [sflag:s22], s20  }
0x9f: {  	s4 =	ssub.s32 $0x0, s20;
	[sflag:s22] =	ssyncset.done $0x0  }
0xa0: {  	[sflag:s22] =	ssyncadd.s32 s4;
	_ =	sdelay $0x1  }
0xa1: {  	s23 =	simm.s32 $0x1B8B  }
0xa2: {  	_ =	swait.ge [sflag:s23], $0x1  }
0xa3: {  	[sflag:s23] =	ssyncset.done $0x0  }
0xa4: {  	s25 =	simm.s32 $0x1B8E;
	s24 =	sld [smem:$0x3FFE];
	[sflag:s23] =	ssyncadd.s32 $0xFFFFFFFF  }
0xa5: {  	s26 =	simm.s32 $execute0_lowered;
	[smem:$0x3FD2] =	sst s25  }
0xa6: {  	s5 =	sshll.u32 s26, $0x1;
	_ =	strace $0x80000046;
	[dreg:$0x1] =	wrdreg $0xFFFFFFFF  }
0xa7: {  	s28 =	simm.s32 $_size_execute0_lowered;
	s3 =	sadd.s32 s3, s5;
	[dreg:$0x0] =	wrdreg $0x0  }
0xa8: {  	s5 =	sshll.u32 s28, $0x1;
	[dreg:$0x2] =	wrdreg s3  }
0xa9: {  	[dreg:$0x3] =	wrdreg s5  }
0xaa: {  	[dreg:$0x4] =	wrdreg $0xC0  }
0xab: {  	_ =	task [dreg:s7], $0x5FFFF  }
0xac: {  	[dreg:$0x1] =	wrdreg $0xFFFFFFFF  }
0xad: {  	[dreg:$0x0] =	wrdreg $0x60  }
0xae: {  	[dreg:$0x2] =	wrdreg s2  }
0xaf: {  	[dreg:$0x3] =	wrdreg s24  }
0xb0: {  	[dreg:$0x4] =	wrdreg $0x0  }
0xb1: {  	[dreg:$0x5] =	wrdreg $0x9  }
0xb2: {  	_ =	task.clear_ibuf [dreg:s7], $0x6FFFF;
	_ =	strace $0x90000046  }
0xb3: {  	s29 =	simm.s32 $0x9;
	_ =	strace $0x80000048  }
0xb4: {  	_ =	swait.ge [sflag:s29], $0x1  }
0xb5: {  	[sflag:s29] =	ssyncadd.s32 $0xFFFFFFFF  }
0xb6: {  	_ =	strace $0x90000048  }
0xb7: {  	_ =	sfence  }
0xb8: {  	s30 =	sld [smem:$0x0];
	_ =	sdelay $0x2  }
0xb9: {  	s31 =	sshll.u32 s1, $0xD;
	s1 =	sshrl.u32 s1, $0x2  }
0xba: {  	s3 =	sand.u32 $0x4000, s31;
	s1 =	sadd.s32 s1, s30  }
0xbb: {  	s0 =	sor.u32 s3, s0;
	s1 =	sshll.u32 s1, $0x11  }
0xbc: {  	s0 =	sor.u32 s1, s0  }
0xbd: {  	s0 =	sadd.s32 $0x8F2B, s0  }
0xbe: {  	[sflag:s0] =	ssyncadd.remote.s32 $0x1  }
0xbf: {  	_ =	sfence.sel $0xFFFF  }
0xc0: {  	[dreg:$0x0] =	wrdreg $0xFFFFFFFF;
	(pc) =	sbr.abs _section_cstart, $3  }
0xc1: {  	[dreg:$0x1] =	wrdreg $0xFFFFFFFF  }
0xc2: {  	_ =	task.clear_ibuf [dreg:s7], $0x2FFFF;
	_ =	strace $0x9FFFFFFF  }
0xc3: {  	(tm) =	ssettm $0x7FFFFFFF  }
tec
execute0_lowered:
.L_overlay_start_1:
0x0: {  	(tag) =	ssettag $0x1  }
0x1: {  	s0 =	rddreg [dreg:$0x0]  }
0x2: {  	s1 =	rddreg [dreg:$0x1]  }
0x3: {  	s3 =	srdreg.scid;
	s10 =	stileid.u32  }
0x4: {  	s2 =	rddreg [dreg:$0x2];
	s28 =	simm.s32 $0x1900;
	s29 =	simm.s32 $0x3200  }
0x5: {  	s4 =	sand.u32 $0x1, s3;
	s5 =	sshll.u32 s10, $0x1;
	s7 =	smul.u32 $0x3200, s10  }
0x6: {  	s30 =	simm.s32 $0x4B00;
	s25 =	smul.u32 $0x6400, s10;
	s5 =	sor.u32 s4, s5  }
0x7: {  	s31 =	simm.s32 $0x1;
	s3 =	simm.s32 $0x0;
	s6 =	smul.u32 $0xF, s5  }
0x8: {  	p0 =	sgt.u32 s10, $0x9;
	[smem:$0x7FF] =	sst s3;
	s5 =	smin.u32 s5, $0x14  }
0x9: {  	s8 =	sshll.u32 s4, $0x7;
	s4 =	ssub.s32 $0x2, s4;
	s5 =	sadd.s32 s5, s6  }
0xa: {  	_ =	strace $0x80000047;
	s7 =	sor.u32 s8, s7;
	s26 =	smul.u32 $0x3200, s5  }
0xb: {  	s9 =	sshrl.u32 s4, $0x1;
	s7 =	sshrl.u32 s7, $0x3;
	s5 =	smul.u32 $0x640, s5  }
0xc: {  	s11 =	ssub.s32 s4, s9;
	s1 =	sadd.s32 s7, s1;
	s6 =	sshrl.u32 s25, $0x2  }
0xd: {  	s7 =	simm.s32 $0x6;
	s20 =	sshrl.u32 s26, $0x3;
	s5 =	sadd.s32 s5, s0  }
0xe: {  	s4 =	sadd.s32 s6, s2;
	s0 =	sadd.s32 s0, s20;
	s5 =	sadd.s32 $0x10, s5  }
0xf: {  	s6 =	simm.s32 $0x3;
	[dreg:$0x4] =	wrdreg s5;
	s21 =	sadd.s32 $0x650, s0  }
0x10: {  	s22 =	sadd.s32 $0xC90, s0;
	s23 =	sadd.s32 $0x12D0, s0;
	s24 =	sadd.s32 $0x1910, s0  }
0x11: {  	s25 =	sadd.s32 $0x1F50, s0;
	s26 =	sadd.s32 $0x2590, s0;
	s12 =	sadd.s32 $0x2BD0, s0  }
0x12: {  	s13 =	sadd.s32 $0x3210, s0;
	s14 =	sadd.s32 $0x3850, s0;
	[dreg:$0x5] =	wrdreg s21  }
0x13: {  	s15 =	sadd.s32 $0x3E90, s0;
	s16 =	sadd.s32 $0x44D0, s0;
	[dreg:$0x6] =	wrdreg s22  }
0x14: {  	s17 =	sadd.s32 $0x4B10, s0;
	s18 =	sadd.s32 $0x5150, s0;
	[dreg:$0x7] =	wrdreg s23  }
0x15: {  	s19 =	sadd.s32 $0x5790, s0;
	s20 =	sadd.s32 $0x5DD0, s0;
	[dreg:$0x8] =	wrdreg s24  }
0x16: {  	s0 =	simm.s32 $0x4;
	s5 =	simm.s32 $0x5;
	[dreg:$0x9] =	wrdreg s25  }
0x17: {  	[dreg:$0xa] =	wrdreg s26;
	s21 =	sadd.s32 $0x1400, s1;
	s22 =	smax.u32 s11, $0x1  }
0x18: {  	s24 =	simm.s32 $0x7;
	s25 =	simm.s32 $0x80;
	s26 =	simm.s32 $0x100  }
0x19: {  	v0 =	vimm.f32 $1.000000000e+00;
	v1 =	vimm.f32 $0.0e+00;
	s1 =	simm.s32 $0x6400;
	s23 =	simm.s32 $0x2;
	s11 =	simm.s32 $0x10  }
.LBB2_1:
0x1a: {  	s9 =	simm.s32 $0x6420  }
0x1b: {  	[tilespmem:s9+$0xFFFFFFE0] =	vst v0  }
0x1c: {  	[tilespmem:s9+$0x10] =	vst v0  }
0x1d: {  	s10 =	simm.s32 $0x0;
	[tilespmem:s9+$0x0] =	vst v0  }
.LBB2_2:
0x1e: {  	s10 =	sadd.s32 $0x40, s10  }
0x1f: {  	[tilespmem:s9+$0xFFFFFFF0] =	vst v0;
	s9 =	sadd.s32 $0x40, s9;
	s8 =	simm.s32 $0x7D20;
	p1 =	slt.u32 s10, $0x18C0  }
.Ltmp0:
0x20: {  	[tilespmem:s9+$0xFFFFFFE0] =	vst v0;
	(pc) =	sbr.rel @p1 .LBB2_2-.Ltmp0, $3  }
0x21: {  	_ =	sdelay $0x1  }
0x22: {  	[tilespmem:s9+$0x10] =	vst v0  }
0x23: {  	[tilespmem:s9+$0x0] =	vst v0  }
0x24: {  	[tilespmem:s9+$0xFFFFFFF0] =	vst v0  }
0x25: {  	[tilespmem:s8+$0xFFFFFFE0] =	vst v1  }
0x26: {  	[tilespmem:s8+$0x10] =	vst v1  }
0x27: {  	s9 =	simm.s32 $0x0;
	[tilespmem:s8+$0x0] =	vst v1  }
.LBB2_4:
0x28: {  	s9 =	sadd.s32 $0x40, s9  }
0x29: {  	[tilespmem:s8+$0xFFFFFFF0] =	vst v1;
	s8 =	sadd.s32 $0x40, s8;
	p1 =	slt.u32 s9, $0x18C0  }
.Ltmp1:
0x2a: {  	[tilespmem:s8+$0xFFFFFFE0] =	vst v1;
	(pc) =	sbr.rel @p1 .LBB2_4-.Ltmp1, $3  }
0x2b: {  	_ =	sdelay $0x1  }
0x2c: {  	[tilespmem:s8+$0x10] =	vst v1  }
0x2d: {  	[tilespmem:s8+$0x0] =	vst v1  }
0x2e: {  	[tilespmem:s8+$0xFFFFFFF0] =	vst v1;
	s10 =	simm.s32 $0x7D00  }
0x2f: {  	[spmem:s4] =	stream.linear.scatter [tilespmem:s10], [sflag:$0x7], $0x1900, $0x38;
	[tilespmem:$0x9600] =	vst v63  }
0x30: {  	_ =	swait.ge [sflag:s24], $0x1900  }
0x31: {  	[sflag:s24] =	ssyncset.done $0x0  }
0x32: {  	[sflag:s24] =	ssyncadd.s32 $0xFFFFE700  }
0x33: {  	[bflag:$0x0] =	sbarrier.arrive $0xFFFF  }
0x34: {  	s9 =	rddreg [dreg:$0x4]  }
0x35: {  	[tilespmem:s28], [sflag:$0x1] =	stream.strided.gather [hbm4b:s9+s25], $0x1900, s26, s25, $0x38;
	[tilespmem:$0x9600] =	vst v63  }
0x36: {  	s10 =	rddreg [dreg:$0x5]  }
0x37: {  	[tilespmem:s29], [sflag:$0x2] =	stream.strided.gather [hbm4b:s10+s25], $0x1900, s26, s25, $0x38;
	[tilespmem:$0x9600] =	vst v63  }
0x38: {  	s9 =	rddreg [dreg:$0x6]  }
0x39: {  	[tilespmem:s30], [sflag:$0x3] =	stream.strided.gather [hbm4b:s9+s25], $0x1900, s26, s25, $0x38;
	[tilespmem:$0x9600] =	vst v63  }
0x3a: {  	_ =	swait.ge [sflag:s31], $0x1900  }
0x3b: {  	[sflag:s31] =	ssyncset.done $0x0  }
0x3c: {  	[sflag:s31] =	ssyncadd.s32 $0xFFFFE700  }
0x3d: {  	[spmem:s2] =	stream.indirect.scatter.add.f32 [tilespmem:s1], [sflag:$0x4], $0x1, s28, s28, $0xb8;
	[tilespmem:$0x9600] =	vst v63  }
0x3e: {  	_ =	swait.ge [sflag:s0], $0x1900  }
0x3f: {  	[sflag:s0] =	ssyncset.done $0x0  }
0x40: {  	s10 =	rddreg [dreg:$0x7];
	[sflag:s0] =	ssyncadd.s32 $0xFFFFE700  }
0x41: {  	[tilespmem:s28], [sflag:$0x1] =	stream.strided.gather [hbm4b:s10+s25], $0x1900, s26, s25, $0x38;
	[tilespmem:$0x9600] =	vst v63  }
0x42: {  	_ =	swait.ge [sflag:s23], $0x1900  }
0x43: {  	[sflag:s23] =	ssyncset.done $0x0  }
0x44: {  	[sflag:s23] =	ssyncadd.s32 $0xFFFFE700  }
0x45: {  	[spmem:s2] =	stream.indirect.scatter.add.f32 [tilespmem:s1], [sflag:$0x5], $0x1, s29, s28, $0xb8;
	[tilespmem:$0x9600] =	vst v63  }
0x46: {  	_ =	swait.ge [sflag:s5], $0x1900  }
0x47: {  	[sflag:s5] =	ssyncset.done $0x0  }
0x48: {  	s9 =	rddreg [dreg:$0x8];
	[sflag:s5] =	ssyncadd.s32 $0xFFFFE700  }
0x49: {  	[tilespmem:s29], [sflag:$0x2] =	stream.strided.gather [hbm4b:s9+s25], $0x1900, s26, s25, $0x38;
	[tilespmem:$0x9600] =	vst v63  }
0x4a: {  	_ =	swait.ge [sflag:s6], $0x1900  }
0x4b: {  	[sflag:s6] =	ssyncset.done $0x0  }
0x4c: {  	[sflag:s6] =	ssyncadd.s32 $0xFFFFE700  }
0x4d: {  	[spmem:s2] =	stream.indirect.scatter.add.f32 [tilespmem:s1], [sflag:$0x6], $0x1, s30, s28, $0xb8;
	[tilespmem:$0x9600] =	vst v63  }
0x4e: {  	_ =	swait.ge [sflag:s7], $0x1900  }
0x4f: {  	[sflag:s7] =	ssyncset.done $0x0  }
0x50: {  	s10 =	rddreg [dreg:$0x9];
	[sflag:s7] =	ssyncadd.s32 $0xFFFFE700  }
0x51: {  	[tilespmem:s30], [sflag:$0x3] =	stream.strided.gather [hbm4b:s10+s25], $0x1900, s26, s25, $0x38;
	[tilespmem:$0x9600] =	vst v63  }
0x52: {  	_ =	swait.ge [sflag:s31], $0x1900  }
0x53: {  	[sflag:s31] =	ssyncset.done $0x0  }
0x54: {  	[sflag:s31] =	ssyncadd.s32 $0xFFFFE700  }
0x55: {  	[spmem:s2] =	stream.indirect.scatter.add.f32 [tilespmem:s1], [sflag:$0x4], $0x1, s28, s28, $0xb8;
	[tilespmem:$0x9600] =	vst v63  }
0x56: {  	_ =	swait.ge [sflag:s0], $0x1900  }
0x57: {  	[sflag:s0] =	ssyncset.done $0x0  }
0x58: {  	s9 =	rddreg [dreg:$0xa];
	[sflag:s0] =	ssyncadd.s32 $0xFFFFE700  }
0x59: {  	[tilespmem:s28], [sflag:$0x1] =	stream.strided.gather [hbm4b:s9+s25], $0x1900, s26, s25, $0x38;
	[tilespmem:$0x9600] =	vst v63  }
0x5a: {  	_ =	swait.ge [sflag:s23], $0x1900  }
0x5b: {  	[sflag:s23] =	ssyncset.done $0x0  }
0x5c: {  	[sflag:s23] =	ssyncadd.s32 $0xFFFFE700  }
0x5d: {  	[spmem:s2] =	stream.indirect.scatter.add.f32 [tilespmem:s1], [sflag:$0x5], $0x1, s29, s28, $0xb8;
	[tilespmem:$0x9600] =	vst v63  }
0x5e: {  	_ =	swait.ge [sflag:s5], $0x1900  }
0x5f: {  	[sflag:s5] =	ssyncset.done $0x0  }
0x60: {  	[sflag:s5] =	ssyncadd.s32 $0xFFFFE700  }
0x61: {  	[tilespmem:s29], [sflag:$0x2] =	stream.strided.gather [hbm4b:s12+s25], $0x1900, s26, s25, $0x38;
	[tilespmem:$0x9600] =	vst v63  }
0x62: {  	_ =	swait.ge [sflag:s6], $0x1900  }
0x63: {  	[sflag:s6] =	ssyncset.done $0x0  }
0x64: {  	[sflag:s6] =	ssyncadd.s32 $0xFFFFE700  }
0x65: {  	[spmem:s2] =	stream.indirect.scatter.add.f32 [tilespmem:s1], [sflag:$0x6], $0x1, s30, s28, $0xb8;
	[tilespmem:$0x9600] =	vst v63  }
0x66: {  	_ =	swait.ge [sflag:s7], $0x1900  }
0x67: {  	[sflag:s7] =	ssyncset.done $0x0  }
0x68: {  	[sflag:s7] =	ssyncadd.s32 $0xFFFFE700  }
0x69: {  	[tilespmem:s30], [sflag:$0x3] =	stream.strided.gather [hbm4b:s13+s25], $0x1900, s26, s25, $0x38;
	[tilespmem:$0x9600] =	vst v63  }
0x6a: {  	_ =	swait.ge [sflag:s31], $0x1900  }
0x6b: {  	[sflag:s31] =	ssyncset.done $0x0  }
0x6c: {  	[sflag:s31] =	ssyncadd.s32 $0xFFFFE700  }
0x6d: {  	[spmem:s2] =	stream.indirect.scatter.add.f32 [tilespmem:s1], [sflag:$0x4], $0x1, s28, s28, $0xb8;
	[tilespmem:$0x9600] =	vst v63  }
0x6e: {  	_ =	swait.ge [sflag:s0], $0x1900  }
0x6f: {  	[sflag:s0] =	ssyncset.done $0x0  }
0x70: {  	[sflag:s0] =	ssyncadd.s32 $0xFFFFE700  }
0x71: {  	[tilespmem:s28], [sflag:$0x1] =	stream.strided.gather [hbm4b:s14+s25], $0x1900, s26, s25, $0x38;
	[tilespmem:$0x9600] =	vst v63  }
0x72: {  	_ =	swait.ge [sflag:s23], $0x1900  }
0x73: {  	[sflag:s23] =	ssyncset.done $0x0  }
0x74: {  	[sflag:s23] =	ssyncadd.s32 $0xFFFFE700  }
0x75: {  	[spmem:s2] =	stream.indirect.scatter.add.f32 [tilespmem:s1], [sflag:$0x5], $0x1, s29, s28, $0xb8;
	[tilespmem:$0x9600] =	vst v63  }
0x76: {  	_ =	swait.ge [sflag:s5], $0x1900  }
0x77: {  	[sflag:s5] =	ssyncset.done $0x0  }
0x78: {  	[sflag:s5] =	ssyncadd.s32 $0xFFFFE700  }
0x79: {  	[tilespmem:s29], [sflag:$0x2] =	stream.strided.gather [hbm4b:s15+s25], $0x1900, s26, s25, $0x38;
	[tilespmem:$0x9600] =	vst v63  }
0x7a: {  	_ =	swait.ge [sflag:s6], $0x1900  }
0x7b: {  	[sflag:s6] =	ssyncset.done $0x0  }
0x7c: {  	[sflag:s6] =	ssyncadd.s32 $0xFFFFE700  }
0x7d: {  	[spmem:s2] =	stream.indirect.scatter.add.f32 [tilespmem:s1], [sflag:$0x6], $0x1, s30, s28, $0xb8;
	[tilespmem:$0x9600] =	vst v63  }
0x7e: {  	_ =	swait.ge [sflag:s7], $0x1900  }
0x7f: {  	[sflag:s7] =	ssyncset.done $0x0  }
0x80: {  	[sflag:s7] =	ssyncadd.s32 $0xFFFFE700  }
0x81: {  	[tilespmem:s30], [sflag:$0x3] =	stream.strided.gather [hbm4b:s16+s25], $0x1900, s26, s25, $0x38;
	[tilespmem:$0x9600] =	vst v63  }
0x82: {  	_ =	swait.ge [sflag:s31], $0x1900  }
0x83: {  	[sflag:s31] =	ssyncset.done $0x0  }
0x84: {  	[sflag:s31] =	ssyncadd.s32 $0xFFFFE700  }
0x85: {  	[spmem:s2] =	stream.indirect.scatter.add.f32 [tilespmem:s1], [sflag:$0x4], $0x1, s28, s28, $0xb8;
	[tilespmem:$0x9600] =	vst v63  }
0x86: {  	_ =	swait.ge [sflag:s0], $0x1900  }
0x87: {  	[sflag:s0] =	ssyncset.done $0x0  }
0x88: {  	[sflag:s0] =	ssyncadd.s32 $0xFFFFE700  }
0x89: {  	[tilespmem:s28], [sflag:$0x1] =	stream.strided.gather [hbm4b:s17+s25], $0x1900, s26, s25, $0x38;
	[tilespmem:$0x9600] =	vst v63  }
0x8a: {  	_ =	swait.ge [sflag:s23], $0x1900  }
0x8b: {  	[sflag:s23] =	ssyncset.done $0x0  }
0x8c: {  	[sflag:s23] =	ssyncadd.s32 $0xFFFFE700  }
0x8d: {  	[spmem:s2] =	stream.indirect.scatter.add.f32 [tilespmem:s1], [sflag:$0x5], $0x1, s29, s28, $0xb8;
	[tilespmem:$0x9600] =	vst v63  }
0x8e: {  	_ =	swait.ge [sflag:s5], $0x1900  }
0x8f: {  	[sflag:s5] =	ssyncset.done $0x0  }
0x90: {  	[sflag:s5] =	ssyncadd.s32 $0xFFFFE700  }
0x91: {  	[tilespmem:s29], [sflag:$0x2] =	stream.strided.gather [hbm4b:s18+s25], $0x1900, s26, s25, $0x38;
	[tilespmem:$0x9600] =	vst v63  }
0x92: {  	_ =	swait.ge [sflag:s6], $0x1900  }
0x93: {  	[sflag:s6] =	ssyncset.done $0x0  }
0x94: {  	[sflag:s6] =	ssyncadd.s32 $0xFFFFE700  }
0x95: {  	[spmem:s2] =	stream.indirect.scatter.add.f32 [tilespmem:s1], [sflag:$0x6], $0x1, s30, s28, $0xb8;
	[tilespmem:$0x9600] =	vst v63  }
0x96: {  	_ =	swait.ge [sflag:s7], $0x1900  }
0x97: {  	[sflag:s7] =	ssyncset.done $0x0  }
0x98: {  	[sflag:s7] =	ssyncadd.s32 $0xFFFFE700  }
0x99: {  	[tilespmem:s30], [sflag:$0x3] =	stream.strided.gather [hbm4b:s19+s25], $0x1900, s26, s25, $0x38;
	[tilespmem:$0x9600] =	vst v63  }
0x9a: {  	_ =	swait.ge [sflag:s31], $0x1900  }
0x9b: {  	[sflag:s31] =	ssyncset.done $0x0  }
0x9c: {  	s8 =	simm.s32 @p0 $0x2;
	[sflag:s31] =	ssyncadd.s32 $0xFFFFE700  }
0x9d: {  	[spmem:s2] =	stream.indirect.scatter.add.f32 [tilespmem:s1], [sflag:$0x4], $0x1, s28, s28, $0xb8;
	[tilespmem:$0x9600] =	vst v63  }
0x9e: {  	_ =	swait.ge @p0 [sflag:s8], $0x1900  }
0x9f: {  	s10 =	simm.s32 @p0 $0x6400;
	[sflag:s8] =	ssyncset.done @p0 $0x0  }
0xa0: {  	s9 =	simm.s32 @p0 $0x3200;
	[sflag:s8] =	ssyncadd.s32 @p0 $0xFFFFE700;
	s8 =	simm.s32 @p0 $0x1900  }
0xa1: {  	[spmem:s2] =	stream.indirect.scatter.add.f32 @p0 [tilespmem:s10], [sflag:$0x5], $0x1, s9, s8, $0xb8;
	[tilespmem:$0x9600] =	vst v63  }
0xa2: {  	s9 =	simm.s32 @p0 $0x3  }
0xa3: {  	_ =	swait.ge @p0 [sflag:s9], $0x1900  }
0xa4: {  	[sflag:s9] =	ssyncset.done @p0 $0x0  }
0xa5: {  	[sflag:s9] =	ssyncadd.s32 @p0 $0xFFFFE700;
	s9 =	simm.s32 @p0 $0x4B00  }
0xa6: {  	[spmem:s2] =	stream.indirect.scatter.add.f32 @p0 [tilespmem:s10], [sflag:$0x6], $0x1, s9, s8, $0xb8;
	[tilespmem:$0x9600] =	vst v63  }
0xa7: {  	s8 =	simm.s32 @!p0 $0x4  }
0xa8: {  	_ =	swait.ge @!p0 [sflag:s8], $0x1900  }
0xa9: {  	s9 =	simm.s32 @!p0 $0x100;
	[sflag:s8] =	ssyncset.done @!p0 $0x0  }
0xaa: {  	s10 =	simm.s32 @!p0 $0x1900;
	[sflag:s8] =	ssyncadd.s32 @!p0 $0xFFFFE700;
	s8 =	simm.s32 @!p0 $0x80  }
0xab: {  	[tilespmem:s10], [sflag:$0x1] =	stream.strided.gather @!p0 [hbm4b:s20+s8], $0x1900, s9, s8, $0x38;
	[tilespmem:$0x9600] =	vst v63  }
0xac: {  	s8 =	simm.s32 @!p0 $0x2  }
0xad: {  	_ =	swait.ge @!p0 [sflag:s8], $0x1900  }
0xae: {  	[sflag:s8] =	ssyncset.done @!p0 $0x0  }
0xaf: {  	s9 =	simm.s32 @!p0 $0x6400;
	[sflag:s8] =	ssyncadd.s32 @!p0 $0xFFFFE700;
	s8 =	simm.s32 @!p0 $0x3200  }
0xb0: {  	[spmem:s2] =	stream.indirect.scatter.add.f32 @!p0 [tilespmem:s9], [sflag:$0x5], $0x1, s8, s10, $0xb8;
	[tilespmem:$0x9600] =	vst v63  }
0xb1: {  	s8 =	simm.s32 @!p0 $0x3  }
0xb2: {  	_ =	swait.ge @!p0 [sflag:s8], $0x1900  }
0xb3: {  	[sflag:s8] =	ssyncset.done @!p0 $0x0  }
0xb4: {  	[sflag:s8] =	ssyncadd.s32 @!p0 $0xFFFFE700;
	s8 =	simm.s32 @!p0 $0x4B00  }
0xb5: {  	[spmem:s2] =	stream.indirect.scatter.add.f32 @!p0 [tilespmem:s9], [sflag:$0x6], $0x1, s8, s10, $0xb8;
	[tilespmem:$0x9600] =	vst v63  }
0xb6: {  	s8 =	simm.s32 @!p0 $0x1  }
0xb7: {  	_ =	swait.ge @!p0 [sflag:s8], $0x1900  }
0xb8: {  	[sflag:s8] =	ssyncset.done @!p0 $0x0  }
0xb9: {  	[sflag:s8] =	ssyncadd.s32 @!p0 $0xFFFFE700  }
0xba: {  	[spmem:s2] =	stream.indirect.scatter.add.f32 @!p0 [tilespmem:s9], [sflag:$0x4], $0x1, s10, s10, $0xb8;
	[tilespmem:$0x9600] =	vst v63  }
0xbb: {  	_ =	swait.ge [sflag:s0], $0x1900  }
0xbc: {  	[sflag:s0] =	ssyncset.done $0x0  }
0xbd: {  	[sflag:s0] =	ssyncadd.s32 $0xFFFFE700  }
0xbe: {  	_ =	swait.ge [sflag:s5], $0x1900  }
0xbf: {  	[sflag:s5] =	ssyncset.done $0x0  }
0xc0: {  	s3 =	sadd.s32 $0x1, s3;
	[sflag:s5] =	ssyncadd.s32 $0xFFFFE700  }
0xc1: {  	p1 =	sne.s32 s3, s22;
	_ =	swait.ge [sflag:s7], $0x1900  }
0xc2: {  	s10 =	stileid.u32;
	s9 =	sshrl.u32 s4, $0x3;
	[sflag:s7] =	ssyncset.done $0x0  }
0xc3: {  	s8 =	sshll.u32 s10, $0x6;
	s10 =	simm.s32 $0x20;
	[sflag:s7] =	ssyncadd.s32 $0xFFFFE700  }
.Ltmp2:
0xc4: {  	s8 =	sor.u32 $0x1C07, s8;
	[bflag:$0x0] =	sbarrier.arrive $0xFFFF;
	(pc) =	sbr.rel @p1 .LBB2_1-.Ltmp2, $4  }
0xc5: {  	[hbm:s21@s10], [sflag:s8] =	dma.strided [spmem:s9@s11], $0x320, s31, $0x10   }
0xc6: {  	_ =	swait.ge [sflag:s24], $0x320  }
0xc7: {  	[sflag:s24] =	ssyncset.done $0x0  }
0xc8: {  	[sflag:s24] =	ssyncadd.s32 $0xFFFFFCE0  }
0xc9: {  	_ =	sfence.sel $0x180000  }
0xca: {  	[bflag:$0x0] =	sbarrier.arrive $0xFFFF  }
0xcb: {  	_ =	strace $0x90000047  }
0xcc: {  	s0 =	stileid.u32;
	[bflag:$0x2] =	sbarrier.arrive $0xFFFF  }
0xcd: {  	p0 =	sne.s32 s0, $0x0;
	s0 =	rddreg [dreg:$0x3]  }
0xce: {  	s0 =	sadd.s32 @!p0 $0x100000, s0  }
0xcf: {  	[sflag:s0] =	ssyncadd.tile.s32 @!p0 $0x1;
	_ =	shalt  }
.Lfunc_end2:
_tile_overlayer_lowered:
.L_overlay_start_2:
0xd0: {  	(tag) =	ssettag $0x2  }
0xd1: {  	s0 =	rddreg [dreg:$0x0];
	s2 =	stileid.u32  }
0xd2: {  	s1 =	rddreg [dreg:$0x1];
	p0 =	sne.s32 s2, $0x0  }
0xd3: {  	s3 =	rddreg [dreg:$0x2];
	[bflag:$0x3] =	sbarrier.arrive $0xFFFF;
	s2 =	simm.s32 @!p0 $0x1C07  }
0xd4: {  	[timem:s3], [sflag:s2] =	dma.local @!p0 [hbm:s0], s1  }
0xd5: {  	s0 =	simm.s32 @!p0 $0x7  }
0xd6: {  	_ =	swait.ge @!p0 [sflag:s0], s1  }
0xd7: {  	s1 =	ssub.s32 @!p0 $0x0, s1;
	[sflag:s0] =	ssyncset.done @!p0 $0x0  }
0xd8: {  	[sflag:s0] =	ssyncadd.s32 @!p0 s1  }
0xd9: {  	[bflag:$0x3] =	sbarrier.arrive $0xFFFF  }
0xda: {  	_ =	shalt  }

// kernel: kernel.9.cloned.1.call-start
scs
__scs_entry_jumppad:
0x0: {  	(pc) =	sbr.rel $0x88, $3  }
0x1: {  	(tag) =	ssettag $0x0;
	lr =	simm.s32 $0x1  }
0x2: {  	[smem:$0x3F9C] =	sst lr;
	_ =	strace $0xD0000000  }
0x3: {  	_ = 	snop  }
0x4: {  	_ = 	snop  }
0x5: {  	_ = 	snop  }
0x6: {  	_ = 	snop  }
0x7: {  	_ = 	snop  }
__scs_overlays_trampoline_lowered:
0x8: {  	[smem:$0x3FAB] =	sst s0  }
0x9: {  	[smem:$0x3FAC] =	sst s1  }
0xa: {  	[smem:$0x3FAD] =	sst s2  }
0xb: {  	[smem:$0x3FAE] =	sst s3  }
0xc: {  	[smem:$0x3FAF] =	sst s4  }
0xd: {  	[smem:$0x3FB0] =	sst s5  }
0xe: {  	[smem:$0x3FB1] =	sst s6  }
0xf: {  	[smem:$0x3FB2] =	sst s7  }
0x10: {  	[smem:$0x3FB3] =	sst s8  }
0x11: {  	[smem:$0x3FB4] =	sst s9;
	s0 =	simm.s32 @!p0 $0x0  }
0x12: {  	s1 =	sld [smem:$0x3F9A];
	s0 =	simm.s32 @p0 $0x1  }
0x13: {  	[smem:$0x3FB5] =	sst s0;
	s0 =	simm.s32 @!p1 $0x0  }
0x14: {  	s2 =	sld [smem:$0x3F99];
	s0 =	simm.s32 @p1 $0x1  }
0x15: {  	[smem:$0x3FB6] =	sst s0;
	s0 =	simm.s32 @!p2 $0x0  }
0x16: {  	s3 =	sld [smem:$0x3FDB];
	s0 =	simm.s32 @p2 $0x1  }
0x17: {  	s4 =	simm.s32 $0x1BF5;
	[smem:$0x3FB8] =	sst s0  }
0x18: {  	s0 =	sld [smem:$0x3F9B];
	_ =	swait.ge [sflag:s4], $0x0  }
0x19: {  	s7 =	sld [smem:$0x3F9C]  }
0x1a: {  	s8 =	sadd.s32 $0xFFFFE003, lr  }
0x1b: {  	s9 =	sadd.s32 $0xFFFFFEF7, lr;
	s5 =	simm.s32 $0xFFFFFFFF;
	p2 =	slt.u32 s8, $0xFFFFF086  }
0x1c: {  	p1 =	slt.u32 s9, $0xF7A;
	s5 =	simm.s32 @!p2 $0x0  }
0x1d: {  	s5 =	simm.s32 @p1 $0x1;
	p0 =	seq.s32 s7, s2  }
0x1e: {  	s7 =	smul.u32 @!p0 $0xF7A, s2;
	p2 =	seq.s32 @!p0 s5, $0x0  }
0x1f: {  	s9 =	smul.u32 $0xF7A, s1;
	s8 =	simm.s32 @!p0 $0x1BF5;
	p2 =	por !p2, p0  }
0x20: {  	[sflag:s8] =	ssyncset.s32 @!p0 $0xFFFFF086;
	s6 =	sadd.s32 @!p0 s3, s7;
	s7 =	simm.s32 @!p0 $0x108  }
0x21: {  	s3 =	sadd.s32 s3, s9;
	s6 =	sadd.s32 @!p0 $0x88, s6;
	s7 =	simm.s32 @p2 $0x1082  }
0x22: {  	[simem:s7], [sflag:s8] =	dma.local @!p0 [hbm:s6], $0xF7A  }
0x23: {  	s9 =	sor.u32 $0xD0000000, s2;
	s6 =	simm.s32 $0x108;
	_ =	swait.ge @!p0 [sflag:s8], $0x0  }
0x24: {  	s3 =	sadd.s32 $0x88, s3;
	s6 =	simm.s32 @!p1 $0x1082;
	[sflag:s4] =	ssyncset.s32 $0xFFFFF086  }
0x25: {  	[simem:s6], [sflag:s4] =	dma.local [hbm:s3], $0xF7A  }
0x26: {  	[smem:$0x3F9C] =	sst s1;
	(tag) =	ssettag s2;
	_ =	strace s9  }
0x27: {  	s1 =	sld [smem:$0x3FAC]  }
0x28: {  	s2 =	sld [smem:$0x3FAD]  }
0x29: {  	s4 =	sld [smem:$0x3FAF]  }
0x2a: {  	p0 =	seq.s32 s5, $0x0;
	s5 =	sld [smem:$0x3FB0]  }
0x2b: {  	s6 =	sld [smem:$0x3FB1]  }
0x2c: {  	s7 =	sld [smem:$0x3FB2]  }
0x2d: {  	s3 =	simm.s32 $0x108;
	s8 =	sld [smem:$0x3FB3]  }
0x2e: {  	s3 =	simm.s32 @!p0 $0x1082;
	s9 =	sld [smem:$0x3FB4]  }
0x2f: {  	lr =	sadd.s32 s0, s3;
	s0 =	sld [smem:$0x3FAB]  }
0x30: {  	s3 =	sld [smem:$0x3FAE]  }
0x31: {  	[smem:$0x3FB7] =	sst s10  }
0x32: {  	s10 =	sld [smem:$0x3FB5];
	_ =	sdelay $0x3  }
0x33: {  	p0 =	seq.s32 s10, $0x1;
	s10 =	sld [smem:$0x3FB7];
	_ =	sdelay $0x3  }
0x34: {  	[smem:$0x3FB7] =	sst s10  }
0x35: {  	s10 =	sld [smem:$0x3FB6];
	_ =	sdelay $0x3  }
0x36: {  	p1 =	seq.s32 s10, $0x1;
	s10 =	sld [smem:$0x3FB7];
	_ =	sdelay $0x3  }
0x37: {  	[smem:$0x3FB7] =	sst s10  }
0x38: {  	s10 =	sld [smem:$0x3FB8]  }
0x39: {  	_ = 	snop;
	(pc) =	sbr.ind lr, $3  }
0x3a: {  	_ = 	snop  }
0x3b: {  	_ = 	snop  }
0x3c: {  	p2 =	seq.s32 s10, $0x1;
	s10 =	sld [smem:$0x3FB7]  }
0x3d: {  	_ =	shalt  }
0x3e: {  	_ =	shalt  }
0x3f: {  	_ =	shalt  }
0x40: {  	_ =	shalt  }
0x41: {  	_ =	shalt  }
0x42: {  	_ =	shalt  }
0x43: {  	_ =	shalt  }
0x44: {  	_ =	shalt  }
0x45: {  	_ =	shalt  }
0x46: {  	_ =	shalt  }
0x47: {  	_ =	shalt  }
0x48: {  	_ =	shalt  }
0x49: {  	_ =	shalt  }
0x4a: {  	_ =	shalt  }
0x4b: {  	_ =	shalt  }
0x4c: {  	_ =	shalt  }
0x4d: {  	_ =	shalt  }
0x4e: {  	_ =	shalt  }
0x4f: {  	_ =	shalt  }
0x50: {  	_ =	shalt  }
0x51: {  	_ =	shalt  }
0x52: {  	_ =	shalt  }
0x53: {  	_ =	shalt  }
0x54: {  	_ =	shalt  }
0x55: {  	_ =	shalt  }
0x56: {  	_ =	shalt  }
0x57: {  	_ =	shalt  }
0x58: {  	_ =	shalt  }
0x59: {  	_ =	shalt  }
0x5a: {  	_ =	shalt  }
0x5b: {  	_ =	shalt  }
0x5c: {  	_ =	shalt  }
0x5d: {  	_ =	shalt  }
0x5e: {  	_ =	shalt  }
0x5f: {  	_ =	shalt  }
0x60: {  	_ =	shalt  }
0x61: {  	_ =	shalt  }
0x62: {  	_ =	shalt  }
0x63: {  	_ =	shalt  }
0x64: {  	_ =	shalt  }
0x65: {  	_ =	shalt  }
0x66: {  	_ =	shalt  }
0x67: {  	_ =	shalt  }
0x68: {  	_ =	shalt  }
0x69: {  	_ =	shalt  }
0x6a: {  	_ =	shalt  }
0x6b: {  	_ =	shalt  }
0x6c: {  	_ =	shalt  }
0x6d: {  	_ =	shalt  }
0x6e: {  	_ =	shalt  }
0x6f: {  	_ =	shalt  }
0x70: {  	_ =	shalt  }
0x71: {  	_ =	shalt  }
0x72: {  	_ =	shalt  }
0x73: {  	_ =	shalt  }
0x74: {  	_ =	shalt  }
0x75: {  	_ =	shalt  }
0x76: {  	_ =	shalt  }
0x77: {  	_ =	shalt  }
0x78: {  	_ =	shalt  }
0x79: {  	_ =	shalt  }
0x7a: {  	_ =	shalt  }
0x7b: {  	_ =	shalt  }
0x7c: {  	_ =	shalt  }
0x7d: {  	_ =	shalt  }
0x7e: {  	_ =	shalt  }
0x7f: {  	_ =	shalt  }
0x80: {  	_ =	shalt  }
0x81: {  	_ =	shalt  }
0x82: {  	_ =	shalt  }
0x83: {  	_ =	shalt  }
0x84: {  	_ =	shalt  }
0x85: {  	_ =	shalt  }
0x86: {  	_ =	shalt  }
0x87: {  	_ =	shalt  }
.Lfunc_end0:
.L_simem_size_0:
called_computation.1_lowered:
.L_overlay_start_0:
0x88: {  	s2 =	sld [smem:$0x3FD9]  }
0x89: {  	s3 =	sld [smem:$0x3FFE];
	_ =	sdelay $0x1  }
0x8a: {  	s1 =	srdreg.scid  }
0x8b: {  	s0 =	sand.u32 $0x1, s1  }
0x8c: {  	s17 =	sshll.u32 s0, $0xA;
	s2 =	sadd.s32 s3, s2  }
0x8d: {  	s2 =	sadd.s32 s2, s17  }
0x8e: {  	[smem:$0x3FC3] =	sst s2  }
0x8f: {  	_ = 	snop  }
0x90: {  	s2 =	sld [smem:$0x3FC8];
	(tm) =	ssettm $0x1  }
0x91: {  	s18 =	sld [smem:$0x3FFB];
	_ =	sdelay $0x3  }
0x92: {  	_ =	strace s18  }
0x93: {  	s3 =	sld [smem:$0x3FFC];
	_ =	sdelay $0x3  }
0x94: {  	_ =	strace s3  }
0x95: {  	s3 =	sld [smem:$0x3FFD];
	_ =	sdelay $0x3  }
0x96: {  	_ =	strace s3  }
0x97: {  	_ =	strace $0x8FFFFFFF  }
0x98: {  	s19 =	sld [smem:$0x3FDB];
	_ =	sdelay $0x1  }
0x99: {  	s4 =	simm.s32 $_scs_section_size  }
0x9a: {  	s5 =	simm.s32 $_size__tile_overlayer_lowered;
	s6 =	simm.s32 $_tile_overlayer_lowered  }
0x9b: {  	s22 =	simm.s32 $0x1BFF;
	s21 =	sshll.u32 s6, $0x1;
	s3 =	sadd.s32 s4, s19  }
0x9c: {  	s7 =	simm.s32 $0x0;
	s20 =	sshll.u32 s5, $0x1;
	s5 =	sadd.s32 s21, s3  }
0x9d: {  	[timem:s7], [sflag:s22] =	dma.local [hbm:s5], s20  }
0x9e: {  	_ =	swait.ge [sflag:s22], s20  }
0x9f: {  	s4 =	ssub.s32 $0x0, s20;
	[sflag:s22] =	ssyncset.done $0x0  }
0xa0: {  	[sflag:s22] =	ssyncadd.s32 s4;
	_ =	sdelay $0x1  }
0xa1: {  	s23 =	simm.s32 $0x1B8B  }
0xa2: {  	_ =	swait.ge [sflag:s23], $0x1  }
0xa3: {  	[sflag:s23] =	ssyncset.done $0x0  }
0xa4: {  	s25 =	simm.s32 $0x1B8E;
	s24 =	sld [smem:$0x3FFE];
	[sflag:s23] =	ssyncadd.s32 $0xFFFFFFFF  }
0xa5: {  	s26 =	simm.s32 $execute0_lowered;
	[smem:$0x3FD2] =	sst s25  }
0xa6: {  	s5 =	sshll.u32 s26, $0x1;
	_ =	strace $0x80000049;
	[dreg:$0x1] =	wrdreg $0xFFFFFFFF  }
0xa7: {  	s28 =	simm.s32 $_size_execute0_lowered;
	s3 =	sadd.s32 s3, s5;
	[dreg:$0x0] =	wrdreg $0x0  }
0xa8: {  	s5 =	sshll.u32 s28, $0x1;
	[dreg:$0x2] =	wrdreg s3  }
0xa9: {  	[dreg:$0x3] =	wrdreg s5  }
0xaa: {  	[dreg:$0x4] =	wrdreg $0xC0  }
0xab: {  	_ =	task [dreg:s7], $0x5FFFF  }
0xac: {  	[dreg:$0x1] =	wrdreg $0xFFFFFFFF  }
0xad: {  	[dreg:$0x0] =	wrdreg $0x60  }
0xae: {  	[dreg:$0x2] =	wrdreg s2  }
0xaf: {  	[dreg:$0x3] =	wrdreg s24  }
0xb0: {  	[dreg:$0x4] =	wrdreg $0xFA000  }
0xb1: {  	[dreg:$0x5] =	wrdreg $0x0  }
0xb2: {  	[dreg:$0x6] =	wrdreg $0x9  }
0xb3: {  	_ =	task.clear_ibuf [dreg:s7], $0x7FFFF;
	_ =	strace $0x90000049  }
0xb4: {  	s29 =	simm.s32 $0x9;
	_ =	strace $0x8000004B  }
0xb5: {  	_ =	swait.ge [sflag:s29], $0x1  }
0xb6: {  	[sflag:s29] =	ssyncadd.s32 $0xFFFFFFFF  }
0xb7: {  	_ =	strace $0x9000004B  }
0xb8: {  	_ =	sfence  }
0xb9: {  	s30 =	sld [smem:$0x0];
	_ =	sdelay $0x2  }
0xba: {  	s31 =	sshll.u32 s1, $0xD;
	s1 =	sshrl.u32 s1, $0x2  }
0xbb: {  	s3 =	sand.u32 $0x4000, s31;
	s1 =	sadd.s32 s1, s30  }
0xbc: {  	s0 =	sor.u32 s3, s0;
	s1 =	sshll.u32 s1, $0x11  }
0xbd: {  	s0 =	sor.u32 s1, s0  }
0xbe: {  	s0 =	sadd.s32 $0x8F2B, s0  }
0xbf: {  	[sflag:s0] =	ssyncadd.remote.s32 $0x1  }
0xc0: {  	_ =	sfence.sel $0xFFFF  }
0xc1: {  	[dreg:$0x0] =	wrdreg $0xFFFFFFFF;
	(pc) =	sbr.abs _section_cstart, $3  }
0xc2: {  	[dreg:$0x1] =	wrdreg $0xFFFFFFFF  }
0xc3: {  	_ =	task.clear_ibuf [dreg:s7], $0x2FFFF;
	_ =	strace $0x9FFFFFFF  }
0xc4: {  	(tm) =	ssettm $0x7FFFFFFF  }
0xc5: {  	_ =	shalt  }
tec
execute0_lowered:
.L_overlay_start_1:
0x0: {  	(tag) =	ssettag $0x1  }
0x1: {  	s0 =	rddreg [dreg:$0x0]  }
0x2: {  	s1 =	rddreg [dreg:$0x1]  }
0x3: {  	s2 =	rddreg [dreg:$0x2]  }
0x4: {  	s3 =	rddreg [dreg:$0x3];
	s13 =	stileid.u32  }
0x5: {  	s4 =	simm.s32 $0x0;
	s7 =	srdreg.scid;
	s5 =	smul.u32 $0x1900, s13  }
0x6: {  	[smem:$0x7FF] =	sst s4;
	s8 =	smul.u32 $0x1F400, s13  }
0x7: {  	s7 =	sand.u32 $0x1, s7;
	s9 =	sshll.u32 s13, $0x1;
	s12 =	smul.u32 $0x3E800, s13  }
0x8: {  	_ =	strace $0x8000004A;
	s10 =	sshll.u32 s7, $0x7;
	s9 =	sor.u32 s7, s9  }
0x9: {  	s7 =	ssub.s32 $0x2, s7;
	s6 =	sshrl.u32 s5, $0x3;
	s8 =	sor.u32 s10, s8  }
0xa: {  	s19 =	smul.u32 $0xF, s9;
	s11 =	sshrl.u32 s7, $0x1;
	s21 =	smin.u32 s9, $0x14  }
0xb: {  	s5 =	sadd.s32 s5, s2;
	s22 =	sshrl.u32 s12, $0x2;
	s6 =	sadd.s32 s6, s1  }
0xc: {  	s8 =	sshrl.u32 s8, $0x3;
	s20 =	ssub.s32 s7, s11;
	s6 =	sadd.s32 $0x1400, s6  }
0xd: {  	s1 =	sadd.s32 s8, s1;
	s20 =	smax.u32 s20, $0x1;
	[dreg:$0x5] =	wrdreg s6  }
0xe: {  	s9 =	sadd.s32 s21, s19;
	s19 =	sadd.s32 $0x4600, s1;
	[dreg:$0x15] =	wrdreg s20  }
0xf: {  	s6 =	sadd.s32 s22, s3;
	s22 =	sshrl.u32 s5, $0x3;
	[dreg:$0x14] =	wrdreg s19  }
0x10: {  	s24 =	sadd.s32 $0xFA0, s6;
	[dreg:$0x16] =	wrdreg s22  }
0x11: {  	s25 =	sadd.s32 $0x1F40, s6;
	[dreg:$0x6] =	wrdreg s24  }
0x12: {  	s26 =	sadd.s32 $0x2EE0, s6;
	[dreg:$0x7] =	wrdreg s25  }
0x13: {  	s28 =	sadd.s32 $0x3E80, s6;
	[dreg:$0x8] =	wrdreg s26  }
0x14: {  	s29 =	sadd.s32 $0x4E20, s6;
	[dreg:$0x9] =	wrdreg s28  }
0x15: {  	s30 =	sadd.s32 $0x5DC0, s6;
	[dreg:$0xa] =	wrdreg s29  }
0x16: {  	s31 =	sadd.s32 $0x6D60, s6;
	[dreg:$0xb] =	wrdreg s30  }
0x17: {  	s11 =	sadd.s32 $0x7D00, s6;
	[dreg:$0xc] =	wrdreg s31  }
0x18: {  	s12 =	sadd.s32 $0x8CA0, s6;
	[dreg:$0xd] =	wrdreg s11  }
0x19: {  	s14 =	sadd.s32 $0x9C40, s6;
	[dreg:$0xe] =	wrdreg s12  }
0x1a: {  	s23 =	sshll.u32 s13, $0x6;
	s15 =	sadd.s32 $0xABE0, s6;
	[dreg:$0xf] =	wrdreg s14  }
0x1b: {  	s9 =	smul.u32 $0x3200, s9;
	s16 =	sadd.s32 $0xBB80, s6;
	[dreg:$0x10] =	wrdreg s15  }
0x1c: {  	s7 =	sor.u32 $0x1C07, s23;
	s17 =	sadd.s32 $0xCB20, s6;
	[dreg:$0x11] =	wrdreg s16  }
0x1d: {  	s18 =	sadd.s32 $0xDAC0, s6;
	s9 =	sshrl.u32 s9, $0x3;
	[dreg:$0x12] =	wrdreg s17  }
0x1e: {  	s23 =	sadd.s32 $0xEA60, s6;
	[dreg:$0x13] =	wrdreg s18;
	s21 =	sadd.s32 s0, s9  }
0x1f: {  	[dreg:$0x17] =	wrdreg s23;
	s24 =	sadd.s32 $0x10, s21  }
0x20: {  	s25 =	sadd.s32 $0x640, s21;
	[dreg:$0x18] =	wrdreg s24  }
0x21: {  	s26 =	sadd.s32 $0x650, s21;
	[dreg:$0x19] =	wrdreg s25  }
0x22: {  	s28 =	sadd.s32 $0xC80, s21;
	[dreg:$0x1a] =	wrdreg s26  }
0x23: {  	s29 =	sadd.s32 $0xC90, s21;
	[dreg:$0x1b] =	wrdreg s28  }
0x24: {  	s30 =	sadd.s32 $0x12C0, s21;
	[dreg:$0x1c] =	wrdreg s29  }
0x25: {  	s31 =	sadd.s32 $0x12D0, s21;
	[dreg:$0x1d] =	wrdreg s30  }
0x26: {  	s1 =	sadd.s32 $0x1900, s21;
	[dreg:$0x1e] =	wrdreg s31  }
0x27: {  	s5 =	sadd.s32 $0x1910, s21;
	[dreg:$0x1f] =	wrdreg s1  }
0x28: {  	s8 =	sadd.s32 $0x1F40, s21;
	[smem:$0x7E7] =	sst s5  }
0x29: {  	s9 =	sadd.s32 $0x1F50, s21;
	[smem:$0x7E8] =	sst s8  }
0x2a: {  	s10 =	sadd.s32 $0x2580, s21;
	[smem:$0x7E9] =	sst s9  }
0x2b: {  	s11 =	sadd.s32 $0x2590, s21;
	[smem:$0x7EA] =	sst s10  }
0x2c: {  	s12 =	sadd.s32 $0x2BC0, s21;
	[smem:$0x7EB] =	sst s11  }
0x2d: {  	p0 =	sgt.u32 s13, $0x9;
	s13 =	sadd.s32 $0x2BD0, s21;
	[smem:$0x7EC] =	sst s12  }
0x2e: {  	s14 =	sadd.s32 $0x3200, s21;
	[smem:$0x7ED] =	sst s13  }
0x2f: {  	s15 =	sadd.s32 $0x3210, s21;
	[smem:$0x7EE] =	sst s14  }
0x30: {  	s16 =	sadd.s32 $0x3840, s21;
	[smem:$0x7EF] =	sst s15  }
0x31: {  	s17 =	sadd.s32 $0x3850, s21;
	[smem:$0x7F0] =	sst s16  }
0x32: {  	s18 =	sadd.s32 $0x3E80, s21;
	[smem:$0x7F1] =	sst s17  }
0x33: {  	s19 =	sadd.s32 $0x3E90, s21;
	[smem:$0x7F2] =	sst s18  }
0x34: {  	s20 =	sadd.s32 $0x44C0, s21;
	[smem:$0x7F3] =	sst s19  }
0x35: {  	s22 =	sadd.s32 $0x44D0, s21;
	[smem:$0x7F4] =	sst s20  }
0x36: {  	s23 =	sadd.s32 $0x4B00, s21;
	[smem:$0x7F5] =	sst s22  }
0x37: {  	[smem:$0x7F6] =	sst s23;
	s24 =	sadd.s32 $0x4B10, s21  }
0x38: {  	s25 =	sadd.s32 $0x5140, s21;
	s26 =	sadd.s32 $0x5150, s21;
	s28 =	sadd.s32 $0x5780, s21  }
0x39: {  	s29 =	sadd.s32 $0x5790, s21;
	s30 =	sadd.s32 $0x5DC0, s21;
	s31 =	sadd.s32 $0x5DD0, s21  }
0x3a: {  	s5 =	simm.s32 $0x7;
	s8 =	simm.s32 $0x1DB00;
	s9 =	simm.s32 $0x80  }
0x3b: {  	s10 =	simm.s32 $0x100;
	s11 =	simm.s32 $0x11300;
	[smem:$0x7F7] =	sst s24  }
0x3c: {  	s12 =	simm.s32 $0x14500;
	s13 =	simm.s32 $0x12C00;
	[smem:$0x7F8] =	sst s25  }
0x3d: {  	s14 =	simm.s32 $0x15E00;
	s15 =	simm.s32 $0x1;
	[smem:$0x7F9] =	sst s26  }
.Ltmp0:
0x3e: {  	s16 =	simm.s32 $0x3;
	[smem:$0x7FA] =	sst s28;
	(pc) =	sbr.rel .LBB2_1-.Ltmp0, $4  }
0x3f: {  	s17 =	simm.s32 $0x1900;
	s18 =	simm.s32 $0x1A900;
	[smem:$0x7FB] =	sst s29  }
0x40: {  	s19 =	simm.s32 $0x17700;
	s20 =	simm.s32 $0x2;
	[smem:$0x7FC] =	sst s30  }
0x41: {  	s22 =	simm.s32 $0x4;
	s23 =	simm.s32 $0x1C200;
	[smem:$0x7FD] =	sst s31  }
0x42: {  	v0 =	vimm.f32 $0.0e+00;
	s24 =	simm.s32 $0x19000;
	s25 =	simm.s32 $0x5;
	s26 =	simm.s32 $0x6  }
.LBB2_38:
0x43: {  	v9 =	vadd.s32 v9, v19;
	[tilespmem:s30+$0xFFFFFFD0] =	vst v20  }
0x44: {  	[tilespmem:s30+$0xFFFFFFC0] =	vst v9  }
0x45: {  	v7 =	vadd.s32 v12, v7;
	[tilespmem:s28+$0xFFFFFFD0] =	vst v3  }
0x46: {  	[tilespmem:s30+$0xFFFFFFE0] =	vst v7  }
0x47: {  	[tilespmem:s28+$0xFFFFFFC0] =	vst v18  }
0x48: {  	v3 =	vadd.s32 v14, v8;
	[tilespmem:s28+$0xFFFFFFE0] =	vst v4  }
0x49: {  	[tilespmem:s30+$0xFFFFFFF0] =	vst v3  }
0x4a: {  	v3 =	vadd.s32 v15, v10;
	[tilespmem:s28+$0xFFFFFFF0] =	vst v6  }
0x4b: {  	[tilespmem:s31+$0x0] =	vst v3  }
0x4c: {  	v3 =	vadd.s32 v16, v11;
	[tilespmem:s28+$0x0] =	vst v1  }
0x4d: {  	[tilespmem:s31+$0x10] =	vst v3  }
0x4e: {  	v1 =	vadd.s32 v17, v13;
	[tilespmem:s28+$0x10] =	vst v2  }
0x4f: {  	[tilespmem:s31+$0x20] =	vst v1  }
0x50: {  	[tilespmem:s28+$0x20] =	vst v5  }
0x51: {  	[spmem:s3] =	stream.indirect.scatter.add.f32 [tilespmem:s23], [sflag:$0x6], $0x1, s24, s17, $0xb8;
	[tilespmem:$0x1EB00] =	vst v63  }
.LBB2_39:
0x52: {  	_ =	swait.ge [sflag:s25], $0x1900  }
0x53: {  	[sflag:s25] =	ssyncset.done $0x0  }
0x54: {  	[sflag:s25] =	ssyncadd.s32 $0xFFFFE700  }
0x55: {  	_ =	swait.ge [sflag:s26], $0x1900  }
0x56: {  	[sflag:s26] =	ssyncset.done $0x0  }
0x57: {  	[sflag:s26] =	ssyncadd.s32 $0xFFFFE700  }
0x58: {  	s0 =	sshrl.u32 s6, $0x3;
	[bflag:$0x0] =	sbarrier.arrive $0xFFFF  }
0x59: {  	s28 =	simm.s32 $0x20;
	s29 =	simm.s32 $0x10;
	s1 =	rddreg [dreg:$0x14]  }
0x5a: {  	[hbm:s1@s28], [sflag:s7] =	dma.strided [spmem:s0@s29], $0x1F40, s15, $0x10   }
0x5b: {  	_ =	swait.ge [sflag:s5], $0x1F40  }
0x5c: {  	s4 =	sadd.s32 $0x1, s4;
	s31 =	rddreg [dreg:$0x15]  }
0x5d: {  	p1 =	sne.s32 s4, s31  }
.Ltmp1:
0x5e: {  	_ = 	snop;
	(pc) =	sbr.rel @!p1 .LBB2_40-.Ltmp1, $3  }
0x5f: {  	_ =	sdelay $0x1  }
0x60: {  	[sflag:s5] =	ssyncset.done $0x0  }
0x61: {  	[sflag:s5] =	ssyncadd.s32 $0xFFFFE0C0  }
.LBB2_1:
0x62: {  	s0 =	rddreg [dreg:$0x5]  }
0x63: {  	s1 =	rddreg [dreg:$0x16]  }
0x64: {  	[spmem:s1], [sflag:s7] =	dma.local [hbm:s0], $0x320  }
0x65: {  	_ =	swait.ge [sflag:s5], $0x320  }
0x66: {  	[sflag:s5] =	ssyncset.done $0x0  }
0x67: {  	s1 =	simm.s32 $0x1DB20;
	[sflag:s5] =	ssyncadd.s32 $0xFFFFFCE0  }
0x68: {  	[tilespmem:s1+$0xFFFFFFE0] =	vst v0  }
0x69: {  	[tilespmem:s1+$0x10] =	vst v0  }
0x6a: {  	s29 =	simm.s32 $0x0;
	s0 =	simm.s32 $0x1EA80;
	[tilespmem:s1+$0x0] =	vst v0  }
.LBB2_2:
0x6b: {  	s29 =	sadd.s32 $0x40, s29  }
0x6c: {  	[tilespmem:s1+$0xFFFFFFF0] =	vst v0;
	s1 =	sadd.s32 $0x40, s1;
	s28 =	simm.s32 $0xF70;
	p1 =	slt.u32 s29, $0xF40  }
.Ltmp2:
0x6d: {  	[tilespmem:s1+$0xFFFFFFE0] =	vst v0;
	(pc) =	sbr.rel @p1 .LBB2_2-.Ltmp2, $3  }
0x6e: {  	_ =	sdelay $0x1  }
0x6f: {  	[tilespmem:s1+$0x10] =	vst v0  }
0x70: {  	[tilespmem:s1+$0x0] =	vst v0  }
0x71: {  	[tilespmem:s1+$0xFFFFFFF0] =	vst v0  }
.LBB2_4:
0x72: {  	s28 =	sadd.s32 $0x10, s28  }
0x73: {  	p1 =	slt.u32 s28, $0xF90  }
.Ltmp3:
0x74: {  	_ = 	snop;
	(pc) =	sbr.rel @p1 .LBB2_4-.Ltmp3, $2  }
0x75: {  	_ =	sdelay $0x2  }
0x76: {  	[tilespmem:s0+$0x0] =	vst v0;
	s0 =	sadd.s32 $0x10, s0  }
0x77: {  	[spmem:s6] =	stream.linear.scatter [tilespmem:s8], [sflag:$0x7], $0xFA0, $0x38;
	[tilespmem:$0x1EB00] =	vst v63  }
0x78: {  	_ =	swait.ge [sflag:s5], $0xFA0  }
0x79: {  	[sflag:s5] =	ssyncset.done $0x0  }
0x7a: {  	s0 =	rddreg [dreg:$0x6];
	[sflag:s5] =	ssyncadd.s32 $0xFFFFF060  }
0x7b: {  	[spmem:s0] =	stream.linear.scatter [tilespmem:s8], [sflag:$0x7], $0xFA0, $0x38;
	[tilespmem:$0x1EB00] =	vst v63  }
0x7c: {  	_ =	swait.ge [sflag:s5], $0xFA0  }
0x7d: {  	[sflag:s5] =	ssyncset.done $0x0  }
0x7e: {  	s1 =	rddreg [dreg:$0x7];
	[sflag:s5] =	ssyncadd.s32 $0xFFFFF060  }
0x7f: {  	[spmem:s1] =	stream.linear.scatter [tilespmem:s8], [sflag:$0x7], $0xFA0, $0x38;
	[tilespmem:$0x1EB00] =	vst v63  }
0x80: {  	_ =	swait.ge [sflag:s5], $0xFA0  }
0x81: {  	[sflag:s5] =	ssyncset.done $0x0  }
0x82: {  	s1 =	rddreg [dreg:$0x8];
	[sflag:s5] =	ssyncadd.s32 $0xFFFFF060  }
0x83: {  	[spmem:s1] =	stream.linear.scatter [tilespmem:s8], [sflag:$0x7], $0xFA0, $0x38;
	[tilespmem:$0x1EB00] =	vst v63  }
0x84: {  	_ =	swait.ge [sflag:s5], $0xFA0  }
0x85: {  	[sflag:s5] =	ssyncset.done $0x0  }
0x86: {  	s1 =	rddreg [dreg:$0x9];
	[sflag:s5] =	ssyncadd.s32 $0xFFFFF060  }
0x87: {  	[spmem:s1] =	stream.linear.scatter [tilespmem:s8], [sflag:$0x7], $0xFA0, $0x38;
	[tilespmem:$0x1EB00] =	vst v63  }
0x88: {  	_ =	swait.ge [sflag:s5], $0xFA0  }
0x89: {  	[sflag:s5] =	ssyncset.done $0x0  }
0x8a: {  	s1 =	rddreg [dreg:$0xa];
	[sflag:s5] =	ssyncadd.s32 $0xFFFFF060  }
0x8b: {  	[spmem:s1] =	stream.linear.scatter [tilespmem:s8], [sflag:$0x7], $0xFA0, $0x38;
	[tilespmem:$0x1EB00] =	vst v63  }
0x8c: {  	_ =	swait.ge [sflag:s5], $0xFA0  }
0x8d: {  	[sflag:s5] =	ssyncset.done $0x0  }
0x8e: {  	s1 =	rddreg [dreg:$0xb];
	[sflag:s5] =	ssyncadd.s32 $0xFFFFF060  }
0x8f: {  	[spmem:s1] =	stream.linear.scatter [tilespmem:s8], [sflag:$0x7], $0xFA0, $0x38;
	[tilespmem:$0x1EB00] =	vst v63  }
0x90: {  	_ =	swait.ge [sflag:s5], $0xFA0  }
0x91: {  	[sflag:s5] =	ssyncset.done $0x0  }
0x92: {  	s1 =	rddreg [dreg:$0xc];
	[sflag:s5] =	ssyncadd.s32 $0xFFFFF060  }
0x93: {  	[spmem:s1] =	stream.linear.scatter [tilespmem:s8], [sflag:$0x7], $0xFA0, $0x38;
	[tilespmem:$0x1EB00] =	vst v63  }
0x94: {  	_ =	swait.ge [sflag:s5], $0xFA0  }
0x95: {  	[sflag:s5] =	ssyncset.done $0x0  }
0x96: {  	s1 =	rddreg [dreg:$0xd];
	[sflag:s5] =	ssyncadd.s32 $0xFFFFF060  }
0x97: {  	[spmem:s1] =	stream.linear.scatter [tilespmem:s8], [sflag:$0x7], $0xFA0, $0x38;
	[tilespmem:$0x1EB00] =	vst v63  }
0x98: {  	_ =	swait.ge [sflag:s5], $0xFA0  }
0x99: {  	[sflag:s5] =	ssyncset.done $0x0  }
0x9a: {  	s1 =	rddreg [dreg:$0xe];
	[sflag:s5] =	ssyncadd.s32 $0xFFFFF060  }
0x9b: {  	[spmem:s1] =	stream.linear.scatter [tilespmem:s8], [sflag:$0x7], $0xFA0, $0x38;
	[tilespmem:$0x1EB00] =	vst v63  }
0x9c: {  	_ =	swait.ge [sflag:s5], $0xFA0  }
0x9d: {  	[sflag:s5] =	ssyncset.done $0x0  }
0x9e: {  	s1 =	rddreg [dreg:$0xf];
	[sflag:s5] =	ssyncadd.s32 $0xFFFFF060  }
0x9f: {  	[spmem:s1] =	stream.linear.scatter [tilespmem:s8], [sflag:$0x7], $0xFA0, $0x38;
	[tilespmem:$0x1EB00] =	vst v63  }
0xa0: {  	_ =	swait.ge [sflag:s5], $0xFA0  }
0xa1: {  	[sflag:s5] =	ssyncset.done $0x0  }
0xa2: {  	s1 =	rddreg [dreg:$0x10];
	[sflag:s5] =	ssyncadd.s32 $0xFFFFF060  }
0xa3: {  	[spmem:s1] =	stream.linear.scatter [tilespmem:s8], [sflag:$0x7], $0xFA0, $0x38;
	[tilespmem:$0x1EB00] =	vst v63  }
0xa4: {  	_ =	swait.ge [sflag:s5], $0xFA0  }
0xa5: {  	[sflag:s5] =	ssyncset.done $0x0  }
0xa6: {  	s1 =	rddreg [dreg:$0x11];
	[sflag:s5] =	ssyncadd.s32 $0xFFFFF060  }
0xa7: {  	[spmem:s1] =	stream.linear.scatter [tilespmem:s8], [sflag:$0x7], $0xFA0, $0x38;
	[tilespmem:$0x1EB00] =	vst v63  }
0xa8: {  	_ =	swait.ge [sflag:s5], $0xFA0  }
0xa9: {  	[sflag:s5] =	ssyncset.done $0x0  }
0xaa: {  	s1 =	rddreg [dreg:$0x12];
	[sflag:s5] =	ssyncadd.s32 $0xFFFFF060  }
0xab: {  	[spmem:s1] =	stream.linear.scatter [tilespmem:s8], [sflag:$0x7], $0xFA0, $0x38;
	[tilespmem:$0x1EB00] =	vst v63  }
0xac: {  	_ =	swait.ge [sflag:s5], $0xFA0  }
0xad: {  	[sflag:s5] =	ssyncset.done $0x0  }
0xae: {  	s1 =	rddreg [dreg:$0x13];
	[sflag:s5] =	ssyncadd.s32 $0xFFFFF060  }
0xaf: {  	[spmem:s1] =	stream.linear.scatter [tilespmem:s8], [sflag:$0x7], $0xFA0, $0x38;
	[tilespmem:$0x1EB00] =	vst v63  }
0xb0: {  	_ =	swait.ge [sflag:s5], $0xFA0  }
0xb1: {  	[sflag:s5] =	ssyncset.done $0x0  }
0xb2: {  	s1 =	rddreg [dreg:$0x17];
	[sflag:s5] =	ssyncadd.s32 $0xFFFFF060  }
0xb3: {  	[spmem:s1] =	stream.linear.scatter [tilespmem:s8], [sflag:$0x7], $0xFA0, $0x38;
	[tilespmem:$0x1EB00] =	vst v63  }
0xb4: {  	_ =	swait.ge [sflag:s5], $0xFA0  }
0xb5: {  	[sflag:s5] =	ssyncset.done $0x0  }
0xb6: {  	[sflag:s5] =	ssyncadd.s32 $0xFFFFF060  }
0xb7: {  	[bflag:$0x0] =	sbarrier.arrive $0xFFFF  }
0xb8: {  	[tilespmem:s11], [sflag:$0x1] =	stream.strided.gather [hbm4b:s21+s9], $0x1900, s10, s9, $0x38;
	[tilespmem:$0x1EB00] =	vst v63  }
0xb9: {  	s1 =	rddreg [dreg:$0x18]  }
0xba: {  	[tilespmem:s12], [sflag:$0x3] =	stream.strided.gather [hbm4b:s1+s9], $0x1900, s10, s9, $0x38;
	[tilespmem:$0x1EB00] =	vst v63  }
0xbb: {  	s1 =	rddreg [dreg:$0x19]  }
0xbc: {  	[tilespmem:s13], [sflag:$0x2] =	stream.strided.gather [hbm4b:s1+s9], $0x1900, s10, s9, $0x38;
	[tilespmem:$0x1EB00] =	vst v63  }
0xbd: {  	s1 =	rddreg [dreg:$0x1a]  }
0xbe: {  	[tilespmem:s14], [sflag:$0x4] =	stream.strided.gather [hbm4b:s1+s9], $0x1900, s10, s9, $0x38;
	[tilespmem:$0x1EB00] =	vst v63  }
0xbf: {  	_ =	swait.ge [sflag:s15], $0x1900  }
0xc0: {  	[sflag:s15] =	ssyncset.done $0x0  }
0xc1: {  	[sflag:s15] =	ssyncadd.s32 $0xFFFFE700  }
0xc2: {  	_ =	swait.ge [sflag:s16], $0x1900  }
0xc3: {  	[sflag:s16] =	ssyncset.done $0x0  }
0xc4: {  	[sflag:s16] =	ssyncadd.s32 $0xFFFFE700  }
0xc5: {  	[tilespmem:s18], [sflag:$0x7] =	stream.indirect.gather [spmem:s2], $0x1, s11, s17, $0xb8;
	[tilespmem:$0x1EB00] =	vst v63  }
0xc6: {  	_ =	swait.ge [sflag:s5], $0x1900  }
0xc7: {  	[sflag:s5] =	ssyncset.done $0x0  }
0xc8: {  	s28 =	simm.s32 $0x1A940;
	[sflag:s5] =	ssyncadd.s32 $0xFFFFE700  }
0xc9: {  	v1 =	vld [tilespmem:s28+$0x30]  }
0xca: {  	v2 =	vld [tilespmem:s28+$0xFFFFFFD0]  }
0xcb: {  	s29 =	simm.s32 $0x14540;
	v4 =	vld [tilespmem:s28+$0xFFFFFFE0]  }
0xcc: {  	v5 =	vld [tilespmem:s29+$0x30]  }
0xcd: {  	v10 =	vld [tilespmem:s28+$0x0]  }
0xce: {  	v11 =	vld [tilespmem:s28+$0x10]  }
0xcf: {  	v13 =	vld [tilespmem:s28+$0x20]  }
0xd0: {  	v16 =	vld [tilespmem:s28+$0xFFFFFFC0]  }
0xd1: {  	v6 =	vld [tilespmem:s28+$0xFFFFFFF0]  }
0xd2: {  	v7 =	vand.u32 $0xF, v1;
	v8 =	vand.u32 $0xF, v2  }
0xd3: {  	v3 =	vand.u32 $0xFFFFFFF0, v2;
	v19 =	vand.u32 $0xFFFFFFF0, v1;
	v1 =	vand.u32 $0xFFFFFFF0, v10  }
0xd4: {  	v9 =	vld [tilespmem:s29+$0xFFFFFFC0];
	v15 =	vand.u32 $0xF, v11;
	v21 =	vand.u32 $0xF, v13;
	v2 =	vmul.u32 $0x19000, v7  }
0xd5: {  	v20 =	vld [tilespmem:s29+$0xFFFFFFD0];
	v22 =	vand.u32 $0xF, v16;
	v18 =	vand.u32 $0xFFFFFFF0, v16;
	v7 =	vand.u32 $0xF, v4  }
0xd6: {  	v12 =	vld [tilespmem:s29+$0xFFFFFFE0];
	v17 =	vmul.u32 $0x19000, v8;
	v5 =	vadd.s32 v5, v2;
	v2 =	vand.u32 $0xF, v6  }
0xd7: {  	s30 =	simm.s32 $0x17740;
	v14 =	vld [tilespmem:s29+$0xFFFFFFF0];
	v4 =	vand.u32 $0xFFFFFFF0, v4;
	v8 =	vmul.u32 $0x19000, v2;
	v2 =	vand.u32 $0xF, v10  }
0xd8: {  	[tilespmem:s30+$0x30] =	vst v5;
	v10 =	vmul.u32 $0x19000, v2;
	v2 =	vand.u32 $0xFFFFFFF0, v11;
	v11 =	vmul.u32 $0x19000, v15;
	v15 =	vld [tilespmem:s29+$0x0]  }
0xd9: {  	v16 =	vld [tilespmem:s29+$0x10];
	v7 =	vmul.u32 $0x19000, v7;
	v6 =	vand.u32 $0xFFFFFFF0, v6;
	[tilespmem:s28+$0x30] =	vst v19;
	v19 =	vmul.u32 $0x19000, v22  }
0xda: {  	s31 =	simm.s32 $0x17740;
	s0 =	simm.s32 $0x0;
	s1 =	simm.s32 $0x1A9C0;
	v20 =	vadd.s32 v20, v17;
	v17 =	vld [tilespmem:s29+$0x20];
	v5 =	vand.u32 $0xFFFFFFF0, v13;
	v13 =	vmul.u32 $0x19000, v21  }
.LBB2_6:
0xdb: {  	v21 =	vld [tilespmem:s1+$0x30];
	v9 =	vadd.s32 v9, v19;
	[tilespmem:s30+$0xFFFFFFD0] =	vst v20;
	v7 =	vadd.s32 v12, v7  }
0xdc: {  	s0 =	sadd.s32 $0x80, s0;
	v12 =	vld [tilespmem:s1+$0xFFFFFFD0];
	[tilespmem:s30+$0xFFFFFFC0] =	vst v9;
	v8 =	vadd.s32 v14, v8  }
0xdd: {  	s29 =	sadd.s32 $0x80, s29;
	p1 =	slt.u32 s0, $0x1880;
	v9 =	vld [tilespmem:s1+$0xFFFFFFE0];
	[tilespmem:s28+$0xFFFFFFC0] =	vst v18;
	v10 =	vadd.s32 v15, v10  }
0xde: {  	v14 =	vld [tilespmem:s29+$0x30];
	[tilespmem:s28+$0xFFFFFFD0] =	vst v3;
	v15 =	vadd.s32 v16, v11  }
0xdf: {  	v11 =	vld [tilespmem:s1+$0xFFFFFFF0];
	[tilespmem:s30+$0xFFFFFFE0] =	vst v7;
	v17 =	vadd.s32 v17, v13  }
0xe0: {  	v13 =	vld [tilespmem:s1+$0x0];
	v7 =	vand.u32 $0xF, v21;
	[tilespmem:s28+$0xFFFFFFE0] =	vst v4  }
0xe1: {  	v4 =	vand.u32 $0xF, v12;
	v3 =	vand.u32 $0xFFFFFFF0, v12;
	v16 =	vld [tilespmem:s1+$0x10];
	v12 =	vmul.u32 $0x19000, v7;
	[tilespmem:s30+$0xFFFFFFF0] =	vst v8  }
0xe2: {  	v20 =	vmul.u32 $0x19000, v4;
	v7 =	vand.u32 $0xF, v9;
	v4 =	vand.u32 $0xFFFFFFF0, v9;
	v18 =	vld [tilespmem:s1+$0x20];
	[tilespmem:s28+$0xFFFFFFF0] =	vst v6  }
0xe3: {  	s30 =	sadd.s32 $0x80, s30;
	v19 =	vld [tilespmem:s1+$0xFFFFFFC0];
	v7 =	vmul.u32 $0x19000, v7;
	v8 =	vadd.s32 v14, v12;
	[tilespmem:s31+$0x0] =	vst v10  }
0xe4: {  	v9 =	vld [tilespmem:s29+$0xFFFFFFC0];
	v10 =	vand.u32 $0xF, v11;
	v6 =	vand.u32 $0xFFFFFFF0, v11;
	[tilespmem:s30+$0x30] =	vst v8;
	v11 =	vand.u32 $0xFFFFFFF0, v21  }
0xe5: {  	v21 =	vld [tilespmem:s29+$0xFFFFFFD0];
	v8 =	vmul.u32 $0x19000, v10;
	v10 =	vand.u32 $0xF, v13;
	v13 =	vand.u32 $0xFFFFFFF0, v13;
	[tilespmem:s1+$0x30] =	vst v11  }
.Ltmp4:
0xe6: {  	v12 =	vld [tilespmem:s29+$0xFFFFFFE0];
	v10 =	vmul.u32 $0x19000, v10;
	v11 =	vand.u32 $0xF, v16;
	v16 =	vand.u32 $0xFFFFFFF0, v16;
	[tilespmem:s28+$0x0] =	vst v1;
	v1 =	vmovc v13;
	(pc) =	sbr.rel @p1 .LBB2_6-.Ltmp4, $4  }
0xe7: {  	v14 =	vld [tilespmem:s29+$0xFFFFFFF0];
	v11 =	vmul.u32 $0x19000, v11;
	v13 =	vand.u32 $0xF, v18;
	v22 =	vand.u32 $0xFFFFFFF0, v18;
	[tilespmem:s31+$0x10] =	vst v15  }
0xe8: {  	v23 =	vand.u32 $0xF, v19;
	v18 =	vand.u32 $0xFFFFFFF0, v19;
	v15 =	vld [tilespmem:s29+$0x0];
	v13 =	vmul.u32 $0x19000, v13;
	[tilespmem:s28+$0x10] =	vst v2;
	v2 =	vmovc v16  }
0xe9: {  	v19 =	vmul.u32 $0x19000, v23;
	v16 =	vld [tilespmem:s29+$0x10];
	[tilespmem:s31+$0x20] =	vst v17;
	s31 =	smov.u32 s30  }
0xea: {  	v20 =	vadd.s32 v21, v20;
	v17 =	vld [tilespmem:s29+$0x20];
	[tilespmem:s28+$0x20] =	vst v5;
	v5 =	vmov v22;
	s28 =	smov.u32 s1;
	s1 =	sadd.s32 $0x80, s1  }
0xeb: {  	v9 =	vadd.s32 v9, v19;
	[tilespmem:s30+$0xFFFFFFD0] =	vst v20  }
0xec: {  	[tilespmem:s30+$0xFFFFFFC0] =	vst v9  }
0xed: {  	v7 =	vadd.s32 v12, v7;
	[tilespmem:s28+$0xFFFFFFD0] =	vst v3  }
0xee: {  	[tilespmem:s30+$0xFFFFFFE0] =	vst v7  }
0xef: {  	[tilespmem:s28+$0xFFFFFFC0] =	vst v18  }
0xf0: {  	v3 =	vadd.s32 v14, v8;
	[tilespmem:s28+$0xFFFFFFE0] =	vst v4  }
0xf1: {  	[tilespmem:s30+$0xFFFFFFF0] =	vst v3  }
0xf2: {  	v3 =	vadd.s32 v15, v10;
	[tilespmem:s28+$0xFFFFFFF0] =	vst v6  }
0xf3: {  	[tilespmem:s31+$0x0] =	vst v3  }
0xf4: {  	v3 =	vadd.s32 v16, v11;
	[tilespmem:s28+$0x0] =	vst v1  }
0xf5: {  	[tilespmem:s31+$0x10] =	vst v3  }
0xf6: {  	v1 =	vadd.s32 v17, v13;
	[tilespmem:s28+$0x10] =	vst v2  }
0xf7: {  	[tilespmem:s31+$0x20] =	vst v1  }
0xf8: {  	[tilespmem:s28+$0x20] =	vst v5  }
0xf9: {  	s0 =	rddreg [dreg:$0x1b]  }
0xfa: {  	[tilespmem:s11], [sflag:$0x1] =	stream.strided.gather [hbm4b:s0+s9], $0x1900, s10, s9, $0x38;
	[tilespmem:$0x1EB00] =	vst v63  }
0xfb: {  	s1 =	rddreg [dreg:$0x1c]  }
0xfc: {  	[tilespmem:s12], [sflag:$0x3] =	stream.strided.gather [hbm4b:s1+s9], $0x1900, s10, s9, $0x38;
	[tilespmem:$0x1EB00] =	vst v63  }
0xfd: {  	_ = 	snop  }
0xfe: {  	[spmem:s3] =	stream.indirect.scatter.add.f32 [tilespmem:s18], [sflag:$0x5], $0x1, s19, s17, $0xb8;
	[tilespmem:$0x1EB00] =	vst v63  }
0xff: {  	_ =	swait.ge [sflag:s20], $0x1900  }
0x100: {  	[sflag:s20] =	ssyncset.done $0x0  }
0x101: {  	[sflag:s20] =	ssyncadd.s32 $0xFFFFE700  }
0x102: {  	_ =	swait.ge [sflag:s22], $0x1900  }
0x103: {  	[sflag:s22] =	ssyncset.done $0x0  }
0x104: {  	[sflag:s22] =	ssyncadd.s32 $0xFFFFE700  }
0x105: {  	[tilespmem:s23], [sflag:$0x7] =	stream.indirect.gather [spmem:s2], $0x1, s13, s17, $0xb8;
	[tilespmem:$0x1EB00] =	vst v63  }
0x106: {  	_ =	swait.ge [sflag:s5], $0x1900  }
0x107: {  	[sflag:s5] =	ssyncset.done $0x0  }
0x108: {  	s28 =	simm.s32 $0x1C240;
	[sflag:s5] =	ssyncadd.s32 $0xFFFFE700  }
0x109: {  	v1 =	vld [tilespmem:s28+$0x30]  }
0x10a: {  	v2 =	vld [tilespmem:s28+$0xFFFFFFD0]  }
0x10b: {  	s29 =	simm.s32 $0x15E40;
	v4 =	vld [tilespmem:s28+$0xFFFFFFE0]  }
0x10c: {  	v5 =	vld [tilespmem:s29+$0x30]  }
0x10d: {  	v10 =	vld [tilespmem:s28+$0x0]  }
0x10e: {  	v11 =	vld [tilespmem:s28+$0x10]  }
0x10f: {  	v13 =	vld [tilespmem:s28+$0x20]  }
0x110: {  	v16 =	vld [tilespmem:s28+$0xFFFFFFC0]  }
0x111: {  	v6 =	vld [tilespmem:s28+$0xFFFFFFF0]  }
0x112: {  	v7 =	vand.u32 $0xF, v1;
	v8 =	vand.u32 $0xF, v2  }
0x113: {  	v3 =	vand.u32 $0xFFFFFFF0, v2;
	v19 =	vand.u32 $0xFFFFFFF0, v1;
	v1 =	vand.u32 $0xFFFFFFF0, v10  }
0x114: {  	v9 =	vld [tilespmem:s29+$0xFFFFFFC0];
	v15 =	vand.u32 $0xF, v11;
	v21 =	vand.u32 $0xF, v13;
	v2 =	vmul.u32 $0x19000, v7  }
0x115: {  	v20 =	vld [tilespmem:s29+$0xFFFFFFD0];
	v22 =	vand.u32 $0xF, v16;
	v18 =	vand.u32 $0xFFFFFFF0, v16;
	v7 =	vand.u32 $0xF, v4  }
0x116: {  	v12 =	vld [tilespmem:s29+$0xFFFFFFE0];
	v17 =	vmul.u32 $0x19000, v8;
	v5 =	vadd.s32 v5, v2;
	v2 =	vand.u32 $0xF, v6  }
0x117: {  	s30 =	simm.s32 $0x19040;
	v14 =	vld [tilespmem:s29+$0xFFFFFFF0];
	v4 =	vand.u32 $0xFFFFFFF0, v4;
	v8 =	vmul.u32 $0x19000, v2;
	v2 =	vand.u32 $0xF, v10  }
0x118: {  	[tilespmem:s30+$0x30] =	vst v5;
	v10 =	vmul.u32 $0x19000, v2;
	v2 =	vand.u32 $0xFFFFFFF0, v11;
	v11 =	vmul.u32 $0x19000, v15;
	v15 =	vld [tilespmem:s29+$0x0]  }
0x119: {  	v16 =	vld [tilespmem:s29+$0x10];
	v7 =	vmul.u32 $0x19000, v7;
	v6 =	vand.u32 $0xFFFFFFF0, v6;
	[tilespmem:s28+$0x30] =	vst v19;
	v19 =	vmul.u32 $0x19000, v22  }
0x11a: {  	s31 =	simm.s32 $0x19040;
	s0 =	simm.s32 $0x0;
	s1 =	simm.s32 $0x1C2C0;
	v20 =	vadd.s32 v20, v17;
	v17 =	vld [tilespmem:s29+$0x20];
	v5 =	vand.u32 $0xFFFFFFF0, v13;
	v13 =	vmul.u32 $0x19000, v21  }
.LBB2_8:
0x11b: {  	v21 =	vld [tilespmem:s1+$0x30];
	v9 =	vadd.s32 v9, v19;
	[tilespmem:s30+$0xFFFFFFD0] =	vst v20;
	v7 =	vadd.s32 v12, v7  }
0x11c: {  	s0 =	sadd.s32 $0x80, s0;
	v12 =	vld [tilespmem:s1+$0xFFFFFFD0];
	[tilespmem:s30+$0xFFFFFFC0] =	vst v9;
	v8 =	vadd.s32 v14, v8  }
0x11d: {  	s29 =	sadd.s32 $0x80, s29;
	p1 =	slt.u32 s0, $0x1880;
	v9 =	vld [tilespmem:s1+$0xFFFFFFE0];
	[tilespmem:s28+$0xFFFFFFC0] =	vst v18;
	v10 =	vadd.s32 v15, v10  }
0x11e: {  	v14 =	vld [tilespmem:s29+$0x30];
	[tilespmem:s28+$0xFFFFFFD0] =	vst v3;
	v15 =	vadd.s32 v16, v11  }
0x11f: {  	v11 =	vld [tilespmem:s1+$0xFFFFFFF0];
	[tilespmem:s30+$0xFFFFFFE0] =	vst v7;
	v17 =	vadd.s32 v17, v13  }
0x120: {  	v13 =	vld [tilespmem:s1+$0x0];
	v7 =	vand.u32 $0xF, v21;
	[tilespmem:s28+$0xFFFFFFE0] =	vst v4  }
0x121: {  	v4 =	vand.u32 $0xF, v12;
	v3 =	vand.u32 $0xFFFFFFF0, v12;
	v16 =	vld [tilespmem:s1+$0x10];
	v12 =	vmul.u32 $0x19000, v7;
	[tilespmem:s30+$0xFFFFFFF0] =	vst v8  }
0x122: {  	v20 =	vmul.u32 $0x19000, v4;
	v7 =	vand.u32 $0xF, v9;
	v4 =	vand.u32 $0xFFFFFFF0, v9;
	v18 =	vld [tilespmem:s1+$0x20];
	[tilespmem:s28+$0xFFFFFFF0] =	vst v6  }
0x123: {  	s30 =	sadd.s32 $0x80, s30;
	v19 =	vld [tilespmem:s1+$0xFFFFFFC0];
	v7 =	vmul.u32 $0x19000, v7;
	v8 =	vadd.s32 v14, v12;
	[tilespmem:s31+$0x0] =	vst v10  }
0x124: {  	v9 =	vld [tilespmem:s29+$0xFFFFFFC0];
	v10 =	vand.u32 $0xF, v11;
	v6 =	vand.u32 $0xFFFFFFF0, v11;
	[tilespmem:s30+$0x30] =	vst v8;
	v11 =	vand.u32 $0xFFFFFFF0, v21  }
0x125: {  	v21 =	vld [tilespmem:s29+$0xFFFFFFD0];
	v8 =	vmul.u32 $0x19000, v10;
	v10 =	vand.u32 $0xF, v13;
	v13 =	vand.u32 $0xFFFFFFF0, v13;
	[tilespmem:s1+$0x30] =	vst v11  }
.Ltmp5:
0x126: {  	v12 =	vld [tilespmem:s29+$0xFFFFFFE0];
	v10 =	vmul.u32 $0x19000, v10;
	v11 =	vand.u32 $0xF, v16;
	v16 =	vand.u32 $0xFFFFFFF0, v16;
	[tilespmem:s28+$0x0] =	vst v1;
	v1 =	vmovc v13;
	(pc) =	sbr.rel @p1 .LBB2_8-.Ltmp5, $4  }
0x127: {  	v14 =	vld [tilespmem:s29+$0xFFFFFFF0];
	v11 =	vmul.u32 $0x19000, v11;
	v13 =	vand.u32 $0xF, v18;
	v22 =	vand.u32 $0xFFFFFFF0, v18;
	[tilespmem:s31+$0x10] =	vst v15  }
0x128: {  	v23 =	vand.u32 $0xF, v19;
	v18 =	vand.u32 $0xFFFFFFF0, v19;
	v15 =	vld [tilespmem:s29+$0x0];
	v13 =	vmul.u32 $0x19000, v13;
	[tilespmem:s28+$0x10] =	vst v2;
	v2 =	vmovc v16  }
0x129: {  	v19 =	vmul.u32 $0x19000, v23;
	v16 =	vld [tilespmem:s29+$0x10];
	[tilespmem:s31+$0x20] =	vst v17;
	s31 =	smov.u32 s30  }
0x12a: {  	v20 =	vadd.s32 v21, v20;
	v17 =	vld [tilespmem:s29+$0x20];
	[tilespmem:s28+$0x20] =	vst v5;
	v5 =	vmov v22;
	s28 =	smov.u32 s1;
	s1 =	sadd.s32 $0x80, s1  }
0x12b: {  	v9 =	vadd.s32 v9, v19;
	[tilespmem:s30+$0xFFFFFFD0] =	vst v20  }
0x12c: {  	[tilespmem:s30+$0xFFFFFFC0] =	vst v9  }
0x12d: {  	v7 =	vadd.s32 v12, v7;
	[tilespmem:s28+$0xFFFFFFD0] =	vst v3  }
0x12e: {  	[tilespmem:s30+$0xFFFFFFE0] =	vst v7  }
0x12f: {  	[tilespmem:s28+$0xFFFFFFC0] =	vst v18  }
0x130: {  	v3 =	vadd.s32 v14, v8;
	[tilespmem:s28+$0xFFFFFFE0] =	vst v4  }
0x131: {  	[tilespmem:s30+$0xFFFFFFF0] =	vst v3  }
0x132: {  	v3 =	vadd.s32 v15, v10;
	[tilespmem:s28+$0xFFFFFFF0] =	vst v6  }
0x133: {  	[tilespmem:s31+$0x0] =	vst v3  }
0x134: {  	v3 =	vadd.s32 v16, v11;
	[tilespmem:s28+$0x0] =	vst v1  }
0x135: {  	[tilespmem:s31+$0x10] =	vst v3  }
0x136: {  	v1 =	vadd.s32 v17, v13;
	[tilespmem:s28+$0x10] =	vst v2  }
0x137: {  	[tilespmem:s31+$0x20] =	vst v1  }
0x138: {  	[tilespmem:s28+$0x20] =	vst v5  }
0x139: {  	s0 =	rddreg [dreg:$0x1d]  }
0x13a: {  	[tilespmem:s13], [sflag:$0x2] =	stream.strided.gather [hbm4b:s0+s9], $0x1900, s10, s9, $0x38;
	[tilespmem:$0x1EB00] =	vst v63  }
0x13b: {  	s1 =	rddreg [dreg:$0x1e]  }
0x13c: {  	[tilespmem:s14], [sflag:$0x4] =	stream.strided.gather [hbm4b:s1+s9], $0x1900, s10, s9, $0x38;
	[tilespmem:$0x1EB00] =	vst v63  }
0x13d: {  	_ = 	snop  }
0x13e: {  	[spmem:s3] =	stream.indirect.scatter.add.f32 [tilespmem:s23], [sflag:$0x6], $0x1, s24, s17, $0xb8;
	[tilespmem:$0x1EB00] =	vst v63  }
0x13f: {  	_ =	swait.ge [sflag:s15], $0x1900  }
0x140: {  	[sflag:s15] =	ssyncset.done $0x0  }
0x141: {  	[sflag:s15] =	ssyncadd.s32 $0xFFFFE700  }
0x142: {  	_ =	swait.ge [sflag:s16], $0x1900  }
0x143: {  	[sflag:s16] =	ssyncset.done $0x0  }
0x144: {  	[sflag:s16] =	ssyncadd.s32 $0xFFFFE700  }
0x145: {  	_ =	swait.ge [sflag:s25], $0x1900  }
0x146: {  	[sflag:s25] =	ssyncset.done $0x0  }
0x147: {  	[sflag:s25] =	ssyncadd.s32 $0xFFFFE700  }
0x148: {  	[tilespmem:s18], [sflag:$0x7] =	stream.indirect.gather [spmem:s2], $0x1, s11, s17, $0xb8;
	[tilespmem:$0x1EB00] =	vst v63  }
0x149: {  	_ =	swait.ge [sflag:s5], $0x1900  }
0x14a: {  	[sflag:s5] =	ssyncset.done $0x0  }
0x14b: {  	s28 =	simm.s32 $0x1A940;
	[sflag:s5] =	ssyncadd.s32 $0xFFFFE700  }
0x14c: {  	v1 =	vld [tilespmem:s28+$0x30]  }
0x14d: {  	v2 =	vld [tilespmem:s28+$0xFFFFFFD0]  }
0x14e: {  	s29 =	simm.s32 $0x14540;
	v4 =	vld [tilespmem:s28+$0xFFFFFFE0]  }
0x14f: {  	v5 =	vld [tilespmem:s29+$0x30]  }
0x150: {  	v10 =	vld [tilespmem:s28+$0x0]  }
0x151: {  	v11 =	vld [tilespmem:s28+$0x10]  }
0x152: {  	v13 =	vld [tilespmem:s28+$0x20]  }
0x153: {  	v16 =	vld [tilespmem:s28+$0xFFFFFFC0]  }
0x154: {  	v6 =	vld [tilespmem:s28+$0xFFFFFFF0]  }
0x155: {  	v7 =	vand.u32 $0xF, v1;
	v8 =	vand.u32 $0xF, v2  }
0x156: {  	v3 =	vand.u32 $0xFFFFFFF0, v2;
	v19 =	vand.u32 $0xFFFFFFF0, v1;
	v1 =	vand.u32 $0xFFFFFFF0, v10  }
0x157: {  	v9 =	vld [tilespmem:s29+$0xFFFFFFC0];
	v15 =	vand.u32 $0xF, v11;
	v21 =	vand.u32 $0xF, v13;
	v2 =	vmul.u32 $0x19000, v7  }
0x158: {  	v20 =	vld [tilespmem:s29+$0xFFFFFFD0];
	v22 =	vand.u32 $0xF, v16;
	v18 =	vand.u32 $0xFFFFFFF0, v16;
	v7 =	vand.u32 $0xF, v4  }
0x159: {  	v12 =	vld [tilespmem:s29+$0xFFFFFFE0];
	v17 =	vmul.u32 $0x19000, v8;
	v5 =	vadd.s32 v5, v2;
	v2 =	vand.u32 $0xF, v6  }
0x15a: {  	s30 =	simm.s32 $0x17740;
	v14 =	vld [tilespmem:s29+$0xFFFFFFF0];
	v4 =	vand.u32 $0xFFFFFFF0, v4;
	v8 =	vmul.u32 $0x19000, v2;
	v2 =	vand.u32 $0xF, v10  }
0x15b: {  	[tilespmem:s30+$0x30] =	vst v5;
	v10 =	vmul.u32 $0x19000, v2;
	v2 =	vand.u32 $0xFFFFFFF0, v11;
	v11 =	vmul.u32 $0x19000, v15;
	v15 =	vld [tilespmem:s29+$0x0]  }
0x15c: {  	v16 =	vld [tilespmem:s29+$0x10];
	v7 =	vmul.u32 $0x19000, v7;
	v6 =	vand.u32 $0xFFFFFFF0, v6;
	[tilespmem:s28+$0x30] =	vst v19;
	v19 =	vmul.u32 $0x19000, v22  }
0x15d: {  	s31 =	simm.s32 $0x17740;
	s0 =	simm.s32 $0x0;
	s1 =	simm.s32 $0x1A9C0;
	v20 =	vadd.s32 v20, v17;
	v17 =	vld [tilespmem:s29+$0x20];
	v5 =	vand.u32 $0xFFFFFFF0, v13;
	v13 =	vmul.u32 $0x19000, v21  }
.LBB2_10:
0x15e: {  	v21 =	vld [tilespmem:s1+$0x30];
	v9 =	vadd.s32 v9, v19;
	[tilespmem:s30+$0xFFFFFFD0] =	vst v20;
	v7 =	vadd.s32 v12, v7  }
0x15f: {  	s0 =	sadd.s32 $0x80, s0;
	v12 =	vld [tilespmem:s1+$0xFFFFFFD0];
	[tilespmem:s30+$0xFFFFFFC0] =	vst v9;
	v8 =	vadd.s32 v14, v8  }
0x160: {  	s29 =	sadd.s32 $0x80, s29;
	p1 =	slt.u32 s0, $0x1880;
	v9 =	vld [tilespmem:s1+$0xFFFFFFE0];
	[tilespmem:s28+$0xFFFFFFC0] =	vst v18;
	v10 =	vadd.s32 v15, v10  }
0x161: {  	v14 =	vld [tilespmem:s29+$0x30];
	[tilespmem:s28+$0xFFFFFFD0] =	vst v3;
	v15 =	vadd.s32 v16, v11  }
0x162: {  	v11 =	vld [tilespmem:s1+$0xFFFFFFF0];
	[tilespmem:s30+$0xFFFFFFE0] =	vst v7;
	v17 =	vadd.s32 v17, v13  }
0x163: {  	v13 =	vld [tilespmem:s1+$0x0];
	v7 =	vand.u32 $0xF, v21;
	[tilespmem:s28+$0xFFFFFFE0] =	vst v4  }
0x164: {  	v4 =	vand.u32 $0xF, v12;
	v3 =	vand.u32 $0xFFFFFFF0, v12;
	v16 =	vld [tilespmem:s1+$0x10];
	v12 =	vmul.u32 $0x19000, v7;
	[tilespmem:s30+$0xFFFFFFF0] =	vst v8  }
0x165: {  	v20 =	vmul.u32 $0x19000, v4;
	v7 =	vand.u32 $0xF, v9;
	v4 =	vand.u32 $0xFFFFFFF0, v9;
	v18 =	vld [tilespmem:s1+$0x20];
	[tilespmem:s28+$0xFFFFFFF0] =	vst v6  }
0x166: {  	s30 =	sadd.s32 $0x80, s30;
	v19 =	vld [tilespmem:s1+$0xFFFFFFC0];
	v7 =	vmul.u32 $0x19000, v7;
	v8 =	vadd.s32 v14, v12;
	[tilespmem:s31+$0x0] =	vst v10  }
0x167: {  	v9 =	vld [tilespmem:s29+$0xFFFFFFC0];
	v10 =	vand.u32 $0xF, v11;
	v6 =	vand.u32 $0xFFFFFFF0, v11;
	[tilespmem:s30+$0x30] =	vst v8;
	v11 =	vand.u32 $0xFFFFFFF0, v21  }
0x168: {  	v21 =	vld [tilespmem:s29+$0xFFFFFFD0];
	v8 =	vmul.u32 $0x19000, v10;
	v10 =	vand.u32 $0xF, v13;
	v13 =	vand.u32 $0xFFFFFFF0, v13;
	[tilespmem:s1+$0x30] =	vst v11  }
.Ltmp6:
0x169: {  	v12 =	vld [tilespmem:s29+$0xFFFFFFE0];
	v10 =	vmul.u32 $0x19000, v10;
	v11 =	vand.u32 $0xF, v16;
	v16 =	vand.u32 $0xFFFFFFF0, v16;
	[tilespmem:s28+$0x0] =	vst v1;
	v1 =	vmovc v13;
	(pc) =	sbr.rel @p1 .LBB2_10-.Ltmp6, $4  }
0x16a: {  	v14 =	vld [tilespmem:s29+$0xFFFFFFF0];
	v11 =	vmul.u32 $0x19000, v11;
	v13 =	vand.u32 $0xF, v18;
	v22 =	vand.u32 $0xFFFFFFF0, v18;
	[tilespmem:s31+$0x10] =	vst v15  }
0x16b: {  	v23 =	vand.u32 $0xF, v19;
	v18 =	vand.u32 $0xFFFFFFF0, v19;
	v15 =	vld [tilespmem:s29+$0x0];
	v13 =	vmul.u32 $0x19000, v13;
	[tilespmem:s28+$0x10] =	vst v2;
	v2 =	vmovc v16  }
0x16c: {  	v19 =	vmul.u32 $0x19000, v23;
	v16 =	vld [tilespmem:s29+$0x10];
	[tilespmem:s31+$0x20] =	vst v17;
	s31 =	smov.u32 s30  }
0x16d: {  	v20 =	vadd.s32 v21, v20;
	v17 =	vld [tilespmem:s29+$0x20];
	[tilespmem:s28+$0x20] =	vst v5;
	v5 =	vmov v22;
	s28 =	smov.u32 s1;
	s1 =	sadd.s32 $0x80, s1  }
0x16e: {  	v9 =	vadd.s32 v9, v19;
	[tilespmem:s30+$0xFFFFFFD0] =	vst v20  }
0x16f: {  	[tilespmem:s30+$0xFFFFFFC0] =	vst v9  }
0x170: {  	v7 =	vadd.s32 v12, v7;
	[tilespmem:s28+$0xFFFFFFD0] =	vst v3  }
0x171: {  	[tilespmem:s30+$0xFFFFFFE0] =	vst v7  }
0x172: {  	[tilespmem:s28+$0xFFFFFFC0] =	vst v18  }
0x173: {  	v3 =	vadd.s32 v14, v8;
	[tilespmem:s28+$0xFFFFFFE0] =	vst v4  }
0x174: {  	[tilespmem:s30+$0xFFFFFFF0] =	vst v3  }
0x175: {  	v3 =	vadd.s32 v15, v10;
	[tilespmem:s28+$0xFFFFFFF0] =	vst v6  }
0x176: {  	[tilespmem:s31+$0x0] =	vst v3  }
0x177: {  	v3 =	vadd.s32 v16, v11;
	[tilespmem:s28+$0x0] =	vst v1  }
0x178: {  	[tilespmem:s31+$0x10] =	vst v3  }
0x179: {  	v1 =	vadd.s32 v17, v13;
	[tilespmem:s28+$0x10] =	vst v2  }
0x17a: {  	[tilespmem:s31+$0x20] =	vst v1  }
0x17b: {  	[tilespmem:s28+$0x20] =	vst v5  }
0x17c: {  	s0 =	rddreg [dreg:$0x1f]  }
0x17d: {  	s1 =	sld [smem:$0x7E7]  }
0x17e: {  	[tilespmem:s11], [sflag:$0x1] =	stream.strided.gather [hbm4b:s0+s9], $0x1900, s10, s9, $0x38;
	[tilespmem:$0x1EB00] =	vst v63  }
0x17f: {  	_ = 	snop  }
0x180: {  	[tilespmem:s12], [sflag:$0x3] =	stream.strided.gather [hbm4b:s1+s9], $0x1900, s10, s9, $0x38;
	[tilespmem:$0x1EB00] =	vst v63  }
0x181: {  	_ = 	snop  }
0x182: {  	[spmem:s3] =	stream.indirect.scatter.add.f32 [tilespmem:s18], [sflag:$0x5], $0x1, s19, s17, $0xb8;
	[tilespmem:$0x1EB00] =	vst v63  }
0x183: {  	_ =	swait.ge [sflag:s20], $0x1900  }
0x184: {  	[sflag:s20] =	ssyncset.done $0x0  }
0x185: {  	[sflag:s20] =	ssyncadd.s32 $0xFFFFE700  }
0x186: {  	_ =	swait.ge [sflag:s22], $0x1900  }
0x187: {  	[sflag:s22] =	ssyncset.done $0x0  }
0x188: {  	[sflag:s22] =	ssyncadd.s32 $0xFFFFE700  }
0x189: {  	_ =	swait.ge [sflag:s26], $0x1900  }
0x18a: {  	[sflag:s26] =	ssyncset.done $0x0  }
0x18b: {  	[sflag:s26] =	ssyncadd.s32 $0xFFFFE700  }
0x18c: {  	[tilespmem:s23], [sflag:$0x7] =	stream.indirect.gather [spmem:s2], $0x1, s13, s17, $0xb8;
	[tilespmem:$0x1EB00] =	vst v63  }
0x18d: {  	_ =	swait.ge [sflag:s5], $0x1900  }
0x18e: {  	[sflag:s5] =	ssyncset.done $0x0  }
0x18f: {  	s28 =	simm.s32 $0x1C240;
	[sflag:s5] =	ssyncadd.s32 $0xFFFFE700  }
0x190: {  	v1 =	vld [tilespmem:s28+$0x30]  }
0x191: {  	v2 =	vld [tilespmem:s28+$0xFFFFFFD0]  }
0x192: {  	s29 =	simm.s32 $0x15E40;
	v4 =	vld [tilespmem:s28+$0xFFFFFFE0]  }
0x193: {  	v5 =	vld [tilespmem:s29+$0x30]  }
0x194: {  	v10 =	vld [tilespmem:s28+$0x0]  }
0x195: {  	v11 =	vld [tilespmem:s28+$0x10]  }
0x196: {  	v13 =	vld [tilespmem:s28+$0x20]  }
0x197: {  	v16 =	vld [tilespmem:s28+$0xFFFFFFC0]  }
0x198: {  	v6 =	vld [tilespmem:s28+$0xFFFFFFF0]  }
0x199: {  	v7 =	vand.u32 $0xF, v1;
	v8 =	vand.u32 $0xF, v2  }
0x19a: {  	v3 =	vand.u32 $0xFFFFFFF0, v2;
	v19 =	vand.u32 $0xFFFFFFF0, v1;
	v1 =	vand.u32 $0xFFFFFFF0, v10  }
0x19b: {  	v9 =	vld [tilespmem:s29+$0xFFFFFFC0];
	v15 =	vand.u32 $0xF, v11;
	v21 =	vand.u32 $0xF, v13;
	v2 =	vmul.u32 $0x19000, v7  }
0x19c: {  	v20 =	vld [tilespmem:s29+$0xFFFFFFD0];
	v22 =	vand.u32 $0xF, v16;
	v18 =	vand.u32 $0xFFFFFFF0, v16;
	v7 =	vand.u32 $0xF, v4  }
0x19d: {  	v12 =	vld [tilespmem:s29+$0xFFFFFFE0];
	v17 =	vmul.u32 $0x19000, v8;
	v5 =	vadd.s32 v5, v2;
	v2 =	vand.u32 $0xF, v6  }
0x19e: {  	s30 =	simm.s32 $0x19040;
	v14 =	vld [tilespmem:s29+$0xFFFFFFF0];
	v4 =	vand.u32 $0xFFFFFFF0, v4;
	v8 =	vmul.u32 $0x19000, v2;
	v2 =	vand.u32 $0xF, v10  }
0x19f: {  	[tilespmem:s30+$0x30] =	vst v5;
	v10 =	vmul.u32 $0x19000, v2;
	v2 =	vand.u32 $0xFFFFFFF0, v11;
	v11 =	vmul.u32 $0x19000, v15;
	v15 =	vld [tilespmem:s29+$0x0]  }
0x1a0: {  	v16 =	vld [tilespmem:s29+$0x10];
	v7 =	vmul.u32 $0x19000, v7;
	v6 =	vand.u32 $0xFFFFFFF0, v6;
	[tilespmem:s28+$0x30] =	vst v19;
	v19 =	vmul.u32 $0x19000, v22  }
0x1a1: {  	s31 =	simm.s32 $0x19040;
	s0 =	simm.s32 $0x0;
	s1 =	simm.s32 $0x1C2C0;
	v20 =	vadd.s32 v20, v17;
	v17 =	vld [tilespmem:s29+$0x20];
	v5 =	vand.u32 $0xFFFFFFF0, v13;
	v13 =	vmul.u32 $0x19000, v21  }
.LBB2_12:
0x1a2: {  	v21 =	vld [tilespmem:s1+$0x30];
	v9 =	vadd.s32 v9, v19;
	[tilespmem:s30+$0xFFFFFFD0] =	vst v20;
	v7 =	vadd.s32 v12, v7  }
0x1a3: {  	s0 =	sadd.s32 $0x80, s0;
	v12 =	vld [tilespmem:s1+$0xFFFFFFD0];
	[tilespmem:s30+$0xFFFFFFC0] =	vst v9;
	v8 =	vadd.s32 v14, v8  }
0x1a4: {  	s29 =	sadd.s32 $0x80, s29;
	p1 =	slt.u32 s0, $0x1880;
	v9 =	vld [tilespmem:s1+$0xFFFFFFE0];
	[tilespmem:s28+$0xFFFFFFC0] =	vst v18;
	v10 =	vadd.s32 v15, v10  }
0x1a5: {  	v14 =	vld [tilespmem:s29+$0x30];
	[tilespmem:s28+$0xFFFFFFD0] =	vst v3;
	v15 =	vadd.s32 v16, v11  }
0x1a6: {  	v11 =	vld [tilespmem:s1+$0xFFFFFFF0];
	[tilespmem:s30+$0xFFFFFFE0] =	vst v7;
	v17 =	vadd.s32 v17, v13  }
0x1a7: {  	v13 =	vld [tilespmem:s1+$0x0];
	v7 =	vand.u32 $0xF, v21;
	[tilespmem:s28+$0xFFFFFFE0] =	vst v4  }
0x1a8: {  	v4 =	vand.u32 $0xF, v12;
	v3 =	vand.u32 $0xFFFFFFF0, v12;
	v16 =	vld [tilespmem:s1+$0x10];
	v12 =	vmul.u32 $0x19000, v7;
	[tilespmem:s30+$0xFFFFFFF0] =	vst v8  }
0x1a9: {  	v20 =	vmul.u32 $0x19000, v4;
	v7 =	vand.u32 $0xF, v9;
	v4 =	vand.u32 $0xFFFFFFF0, v9;
	v18 =	vld [tilespmem:s1+$0x20];
	[tilespmem:s28+$0xFFFFFFF0] =	vst v6  }
0x1aa: {  	s30 =	sadd.s32 $0x80, s30;
	v19 =	vld [tilespmem:s1+$0xFFFFFFC0];
	v7 =	vmul.u32 $0x19000, v7;
	v8 =	vadd.s32 v14, v12;
	[tilespmem:s31+$0x0] =	vst v10  }
0x1ab: {  	v9 =	vld [tilespmem:s29+$0xFFFFFFC0];
	v10 =	vand.u32 $0xF, v11;
	v6 =	vand.u32 $0xFFFFFFF0, v11;
	[tilespmem:s30+$0x30] =	vst v8;
	v11 =	vand.u32 $0xFFFFFFF0, v21  }
0x1ac: {  	v21 =	vld [tilespmem:s29+$0xFFFFFFD0];
	v8 =	vmul.u32 $0x19000, v10;
	v10 =	vand.u32 $0xF, v13;
	v13 =	vand.u32 $0xFFFFFFF0, v13;
	[tilespmem:s1+$0x30] =	vst v11  }
.Ltmp7:
0x1ad: {  	v12 =	vld [tilespmem:s29+$0xFFFFFFE0];
	v10 =	vmul.u32 $0x19000, v10;
	v11 =	vand.u32 $0xF, v16;
	v16 =	vand.u32 $0xFFFFFFF0, v16;
	[tilespmem:s28+$0x0] =	vst v1;
	v1 =	vmovc v13;
	(pc) =	sbr.rel @p1 .LBB2_12-.Ltmp7, $4  }
0x1ae: {  	v14 =	vld [tilespmem:s29+$0xFFFFFFF0];
	v11 =	vmul.u32 $0x19000, v11;
	v13 =	vand.u32 $0xF, v18;
	v22 =	vand.u32 $0xFFFFFFF0, v18;
	[tilespmem:s31+$0x10] =	vst v15  }
0x1af: {  	v23 =	vand.u32 $0xF, v19;
	v18 =	vand.u32 $0xFFFFFFF0, v19;
	v15 =	vld [tilespmem:s29+$0x0];
	v13 =	vmul.u32 $0x19000, v13;
	[tilespmem:s28+$0x10] =	vst v2;
	v2 =	vmovc v16  }
0x1b0: {  	v19 =	vmul.u32 $0x19000, v23;
	v16 =	vld [tilespmem:s29+$0x10];
	[tilespmem:s31+$0x20] =	vst v17;
	s31 =	smov.u32 s30  }
0x1b1: {  	v20 =	vadd.s32 v21, v20;
	v17 =	vld [tilespmem:s29+$0x20];
	[tilespmem:s28+$0x20] =	vst v5;
	v5 =	vmov v22;
	s28 =	smov.u32 s1;
	s1 =	sadd.s32 $0x80, s1  }
0x1b2: {  	v9 =	vadd.s32 v9, v19;
	[tilespmem:s30+$0xFFFFFFD0] =	vst v20  }
0x1b3: {  	[tilespmem:s30+$0xFFFFFFC0] =	vst v9  }
0x1b4: {  	v7 =	vadd.s32 v12, v7;
	[tilespmem:s28+$0xFFFFFFD0] =	vst v3  }
0x1b5: {  	[tilespmem:s30+$0xFFFFFFE0] =	vst v7  }
0x1b6: {  	[tilespmem:s28+$0xFFFFFFC0] =	vst v18  }
0x1b7: {  	v3 =	vadd.s32 v14, v8;
	[tilespmem:s28+$0xFFFFFFE0] =	vst v4  }
0x1b8: {  	[tilespmem:s30+$0xFFFFFFF0] =	vst v3  }
0x1b9: {  	v3 =	vadd.s32 v15, v10;
	[tilespmem:s28+$0xFFFFFFF0] =	vst v6  }
0x1ba: {  	[tilespmem:s31+$0x0] =	vst v3  }
0x1bb: {  	v3 =	vadd.s32 v16, v11;
	[tilespmem:s28+$0x0] =	vst v1  }
0x1bc: {  	[tilespmem:s31+$0x10] =	vst v3  }
0x1bd: {  	v1 =	vadd.s32 v17, v13;
	[tilespmem:s28+$0x10] =	vst v2  }
0x1be: {  	[tilespmem:s31+$0x20] =	vst v1  }
0x1bf: {  	[tilespmem:s28+$0x20] =	vst v5  }
0x1c0: {  	s0 =	sld [smem:$0x7E8];
	_ =	sdelay $0x1  }
0x1c1: {  	s1 =	sld [smem:$0x7E9]  }
0x1c2: {  	[tilespmem:s13], [sflag:$0x2] =	stream.strided.gather [hbm4b:s0+s9], $0x1900, s10, s9, $0x38;
	[tilespmem:$0x1EB00] =	vst v63  }
0x1c3: {  	_ = 	snop  }
0x1c4: {  	[tilespmem:s14], [sflag:$0x4] =	stream.strided.gather [hbm4b:s1+s9], $0x1900, s10, s9, $0x38;
	[tilespmem:$0x1EB00] =	vst v63  }
0x1c5: {  	_ = 	snop  }
0x1c6: {  	[spmem:s3] =	stream.indirect.scatter.add.f32 [tilespmem:s23], [sflag:$0x6], $0x1, s24, s17, $0xb8;
	[tilespmem:$0x1EB00] =	vst v63  }
0x1c7: {  	_ =	swait.ge [sflag:s15], $0x1900  }
0x1c8: {  	[sflag:s15] =	ssyncset.done $0x0  }
0x1c9: {  	[sflag:s15] =	ssyncadd.s32 $0xFFFFE700  }
0x1ca: {  	_ =	swait.ge [sflag:s16], $0x1900  }
0x1cb: {  	[sflag:s16] =	ssyncset.done $0x0  }
0x1cc: {  	[sflag:s16] =	ssyncadd.s32 $0xFFFFE700  }
0x1cd: {  	_ =	swait.ge [sflag:s25], $0x1900  }
0x1ce: {  	[sflag:s25] =	ssyncset.done $0x0  }
0x1cf: {  	[sflag:s25] =	ssyncadd.s32 $0xFFFFE700  }
0x1d0: {  	[tilespmem:s18], [sflag:$0x7] =	stream.indirect.gather [spmem:s2], $0x1, s11, s17, $0xb8;
	[tilespmem:$0x1EB00] =	vst v63  }
0x1d1: {  	_ =	swait.ge [sflag:s5], $0x1900  }
0x1d2: {  	[sflag:s5] =	ssyncset.done $0x0  }
0x1d3: {  	s28 =	simm.s32 $0x1A940;
	[sflag:s5] =	ssyncadd.s32 $0xFFFFE700  }
0x1d4: {  	v1 =	vld [tilespmem:s28+$0x30]  }
0x1d5: {  	v2 =	vld [tilespmem:s28+$0xFFFFFFD0]  }
0x1d6: {  	s29 =	simm.s32 $0x14540;
	v4 =	vld [tilespmem:s28+$0xFFFFFFE0]  }
0x1d7: {  	v5 =	vld [tilespmem:s29+$0x30]  }
0x1d8: {  	v10 =	vld [tilespmem:s28+$0x0]  }
0x1d9: {  	v11 =	vld [tilespmem:s28+$0x10]  }
0x1da: {  	v13 =	vld [tilespmem:s28+$0x20]  }
0x1db: {  	v16 =	vld [tilespmem:s28+$0xFFFFFFC0]  }
0x1dc: {  	v6 =	vld [tilespmem:s28+$0xFFFFFFF0]  }
0x1dd: {  	v7 =	vand.u32 $0xF, v1;
	v8 =	vand.u32 $0xF, v2  }
0x1de: {  	v3 =	vand.u32 $0xFFFFFFF0, v2;
	v19 =	vand.u32 $0xFFFFFFF0, v1;
	v1 =	vand.u32 $0xFFFFFFF0, v10  }
0x1df: {  	v9 =	vld [tilespmem:s29+$0xFFFFFFC0];
	v15 =	vand.u32 $0xF, v11;
	v21 =	vand.u32 $0xF, v13;
	v2 =	vmul.u32 $0x19000, v7  }
0x1e0: {  	v20 =	vld [tilespmem:s29+$0xFFFFFFD0];
	v22 =	vand.u32 $0xF, v16;
	v18 =	vand.u32 $0xFFFFFFF0, v16;
	v7 =	vand.u32 $0xF, v4  }
0x1e1: {  	v12 =	vld [tilespmem:s29+$0xFFFFFFE0];
	v17 =	vmul.u32 $0x19000, v8;
	v5 =	vadd.s32 v5, v2;
	v2 =	vand.u32 $0xF, v6  }
0x1e2: {  	s30 =	simm.s32 $0x17740;
	v14 =	vld [tilespmem:s29+$0xFFFFFFF0];
	v4 =	vand.u32 $0xFFFFFFF0, v4;
	v8 =	vmul.u32 $0x19000, v2;
	v2 =	vand.u32 $0xF, v10  }
0x1e3: {  	[tilespmem:s30+$0x30] =	vst v5;
	v10 =	vmul.u32 $0x19000, v2;
	v2 =	vand.u32 $0xFFFFFFF0, v11;
	v11 =	vmul.u32 $0x19000, v15;
	v15 =	vld [tilespmem:s29+$0x0]  }
0x1e4: {  	v16 =	vld [tilespmem:s29+$0x10];
	v7 =	vmul.u32 $0x19000, v7;
	v6 =	vand.u32 $0xFFFFFFF0, v6;
	[tilespmem:s28+$0x30] =	vst v19;
	v19 =	vmul.u32 $0x19000, v22  }
0x1e5: {  	s31 =	simm.s32 $0x17740;
	s0 =	simm.s32 $0x0;
	s1 =	simm.s32 $0x1A9C0;
	v20 =	vadd.s32 v20, v17;
	v17 =	vld [tilespmem:s29+$0x20];
	v5 =	vand.u32 $0xFFFFFFF0, v13;
	v13 =	vmul.u32 $0x19000, v21  }
.LBB2_14:
0x1e6: {  	v21 =	vld [tilespmem:s1+$0x30];
	v9 =	vadd.s32 v9, v19;
	[tilespmem:s30+$0xFFFFFFD0] =	vst v20;
	v7 =	vadd.s32 v12, v7  }
0x1e7: {  	s0 =	sadd.s32 $0x80, s0;
	v12 =	vld [tilespmem:s1+$0xFFFFFFD0];
	[tilespmem:s30+$0xFFFFFFC0] =	vst v9;
	v8 =	vadd.s32 v14, v8  }
0x1e8: {  	s29 =	sadd.s32 $0x80, s29;
	p1 =	slt.u32 s0, $0x1880;
	v9 =	vld [tilespmem:s1+$0xFFFFFFE0];
	[tilespmem:s28+$0xFFFFFFC0] =	vst v18;
	v10 =	vadd.s32 v15, v10  }
0x1e9: {  	v14 =	vld [tilespmem:s29+$0x30];
	[tilespmem:s28+$0xFFFFFFD0] =	vst v3;
	v15 =	vadd.s32 v16, v11  }
0x1ea: {  	v11 =	vld [tilespmem:s1+$0xFFFFFFF0];
	[tilespmem:s30+$0xFFFFFFE0] =	vst v7;
	v17 =	vadd.s32 v17, v13  }
0x1eb: {  	v13 =	vld [tilespmem:s1+$0x0];
	v7 =	vand.u32 $0xF, v21;
	[tilespmem:s28+$0xFFFFFFE0] =	vst v4  }
0x1ec: {  	v4 =	vand.u32 $0xF, v12;
	v3 =	vand.u32 $0xFFFFFFF0, v12;
	v16 =	vld [tilespmem:s1+$0x10];
	v12 =	vmul.u32 $0x19000, v7;
	[tilespmem:s30+$0xFFFFFFF0] =	vst v8  }
0x1ed: {  	v20 =	vmul.u32 $0x19000, v4;
	v7 =	vand.u32 $0xF, v9;
	v4 =	vand.u32 $0xFFFFFFF0, v9;
	v18 =	vld [tilespmem:s1+$0x20];
	[tilespmem:s28+$0xFFFFFFF0] =	vst v6  }
0x1ee: {  	s30 =	sadd.s32 $0x80, s30;
	v19 =	vld [tilespmem:s1+$0xFFFFFFC0];
	v7 =	vmul.u32 $0x19000, v7;
	v8 =	vadd.s32 v14, v12;
	[tilespmem:s31+$0x0] =	vst v10  }
0x1ef: {  	v9 =	vld [tilespmem:s29+$0xFFFFFFC0];
	v10 =	vand.u32 $0xF, v11;
	v6 =	vand.u32 $0xFFFFFFF0, v11;
	[tilespmem:s30+$0x30] =	vst v8;
	v11 =	vand.u32 $0xFFFFFFF0, v21  }
0x1f0: {  	v21 =	vld [tilespmem:s29+$0xFFFFFFD0];
	v8 =	vmul.u32 $0x19000, v10;
	v10 =	vand.u32 $0xF, v13;
	v13 =	vand.u32 $0xFFFFFFF0, v13;
	[tilespmem:s1+$0x30] =	vst v11  }
.Ltmp8:
0x1f1: {  	v12 =	vld [tilespmem:s29+$0xFFFFFFE0];
	v10 =	vmul.u32 $0x19000, v10;
	v11 =	vand.u32 $0xF, v16;
	v16 =	vand.u32 $0xFFFFFFF0, v16;
	[tilespmem:s28+$0x0] =	vst v1;
	v1 =	vmovc v13;
	(pc) =	sbr.rel @p1 .LBB2_14-.Ltmp8, $4  }
0x1f2: {  	v14 =	vld [tilespmem:s29+$0xFFFFFFF0];
	v11 =	vmul.u32 $0x19000, v11;
	v13 =	vand.u32 $0xF, v18;
	v22 =	vand.u32 $0xFFFFFFF0, v18;
	[tilespmem:s31+$0x10] =	vst v15  }
0x1f3: {  	v23 =	vand.u32 $0xF, v19;
	v18 =	vand.u32 $0xFFFFFFF0, v19;
	v15 =	vld [tilespmem:s29+$0x0];
	v13 =	vmul.u32 $0x19000, v13;
	[tilespmem:s28+$0x10] =	vst v2;
	v2 =	vmovc v16  }
0x1f4: {  	v19 =	vmul.u32 $0x19000, v23;
	v16 =	vld [tilespmem:s29+$0x10];
	[tilespmem:s31+$0x20] =	vst v17;
	s31 =	smov.u32 s30  }
0x1f5: {  	v20 =	vadd.s32 v21, v20;
	v17 =	vld [tilespmem:s29+$0x20];
	[tilespmem:s28+$0x20] =	vst v5;
	v5 =	vmov v22;
	s28 =	smov.u32 s1;
	s1 =	sadd.s32 $0x80, s1  }
0x1f6: {  	v9 =	vadd.s32 v9, v19;
	[tilespmem:s30+$0xFFFFFFD0] =	vst v20  }
0x1f7: {  	[tilespmem:s30+$0xFFFFFFC0] =	vst v9  }
0x1f8: {  	v7 =	vadd.s32 v12, v7;
	[tilespmem:s28+$0xFFFFFFD0] =	vst v3  }
0x1f9: {  	[tilespmem:s30+$0xFFFFFFE0] =	vst v7  }
0x1fa: {  	[tilespmem:s28+$0xFFFFFFC0] =	vst v18  }
0x1fb: {  	v3 =	vadd.s32 v14, v8;
	[tilespmem:s28+$0xFFFFFFE0] =	vst v4  }
0x1fc: {  	[tilespmem:s30+$0xFFFFFFF0] =	vst v3  }
0x1fd: {  	v3 =	vadd.s32 v15, v10;
	[tilespmem:s28+$0xFFFFFFF0] =	vst v6  }
0x1fe: {  	[tilespmem:s31+$0x0] =	vst v3  }
0x1ff: {  	v3 =	vadd.s32 v16, v11;
	[tilespmem:s28+$0x0] =	vst v1  }
0x200: {  	[tilespmem:s31+$0x10] =	vst v3  }
0x201: {  	v1 =	vadd.s32 v17, v13;
	[tilespmem:s28+$0x10] =	vst v2  }
0x202: {  	[tilespmem:s31+$0x20] =	vst v1  }
0x203: {  	[tilespmem:s28+$0x20] =	vst v5  }
0x204: {  	s0 =	sld [smem:$0x7EA];
	_ =	sdelay $0x1  }
0x205: {  	s1 =	sld [smem:$0x7EB]  }
0x206: {  	[tilespmem:s11], [sflag:$0x1] =	stream.strided.gather [hbm4b:s0+s9], $0x1900, s10, s9, $0x38;
	[tilespmem:$0x1EB00] =	vst v63  }
0x207: {  	_ = 	snop  }
0x208: {  	[tilespmem:s12], [sflag:$0x3] =	stream.strided.gather [hbm4b:s1+s9], $0x1900, s10, s9, $0x38;
	[tilespmem:$0x1EB00] =	vst v63  }
0x209: {  	_ = 	snop  }
0x20a: {  	[spmem:s3] =	stream.indirect.scatter.add.f32 [tilespmem:s18], [sflag:$0x5], $0x1, s19, s17, $0xb8;
	[tilespmem:$0x1EB00] =	vst v63  }
0x20b: {  	_ =	swait.ge [sflag:s20], $0x1900  }
0x20c: {  	[sflag:s20] =	ssyncset.done $0x0  }
0x20d: {  	[sflag:s20] =	ssyncadd.s32 $0xFFFFE700  }
0x20e: {  	_ =	swait.ge [sflag:s22], $0x1900  }
0x20f: {  	[sflag:s22] =	ssyncset.done $0x0  }
0x210: {  	[sflag:s22] =	ssyncadd.s32 $0xFFFFE700  }
0x211: {  	_ =	swait.ge [sflag:s26], $0x1900  }
0x212: {  	[sflag:s26] =	ssyncset.done $0x0  }
0x213: {  	[sflag:s26] =	ssyncadd.s32 $0xFFFFE700  }
0x214: {  	[tilespmem:s23], [sflag:$0x7] =	stream.indirect.gather [spmem:s2], $0x1, s13, s17, $0xb8;
	[tilespmem:$0x1EB00] =	vst v63  }
0x215: {  	_ =	swait.ge [sflag:s5], $0x1900  }
0x216: {  	[sflag:s5] =	ssyncset.done $0x0  }
0x217: {  	s28 =	simm.s32 $0x1C240;
	[sflag:s5] =	ssyncadd.s32 $0xFFFFE700  }
0x218: {  	v1 =	vld [tilespmem:s28+$0x30]  }
0x219: {  	v2 =	vld [tilespmem:s28+$0xFFFFFFD0]  }
0x21a: {  	s29 =	simm.s32 $0x15E40;
	v4 =	vld [tilespmem:s28+$0xFFFFFFE0]  }
0x21b: {  	v5 =	vld [tilespmem:s29+$0x30]  }
0x21c: {  	v10 =	vld [tilespmem:s28+$0x0]  }
0x21d: {  	v11 =	vld [tilespmem:s28+$0x10]  }
0x21e: {  	v13 =	vld [tilespmem:s28+$0x20]  }
0x21f: {  	v16 =	vld [tilespmem:s28+$0xFFFFFFC0]  }
0x220: {  	v6 =	vld [tilespmem:s28+$0xFFFFFFF0]  }
0x221: {  	v7 =	vand.u32 $0xF, v1;
	v8 =	vand.u32 $0xF, v2  }
0x222: {  	v3 =	vand.u32 $0xFFFFFFF0, v2;
	v19 =	vand.u32 $0xFFFFFFF0, v1;
	v1 =	vand.u32 $0xFFFFFFF0, v10  }
0x223: {  	v9 =	vld [tilespmem:s29+$0xFFFFFFC0];
	v15 =	vand.u32 $0xF, v11;
	v21 =	vand.u32 $0xF, v13;
	v2 =	vmul.u32 $0x19000, v7  }
0x224: {  	v20 =	vld [tilespmem:s29+$0xFFFFFFD0];
	v22 =	vand.u32 $0xF, v16;
	v18 =	vand.u32 $0xFFFFFFF0, v16;
	v7 =	vand.u32 $0xF, v4  }
0x225: {  	v12 =	vld [tilespmem:s29+$0xFFFFFFE0];
	v17 =	vmul.u32 $0x19000, v8;
	v5 =	vadd.s32 v5, v2;
	v2 =	vand.u32 $0xF, v6  }
0x226: {  	s30 =	simm.s32 $0x19040;
	v14 =	vld [tilespmem:s29+$0xFFFFFFF0];
	v4 =	vand.u32 $0xFFFFFFF0, v4;
	v8 =	vmul.u32 $0x19000, v2;
	v2 =	vand.u32 $0xF, v10  }
0x227: {  	[tilespmem:s30+$0x30] =	vst v5;
	v10 =	vmul.u32 $0x19000, v2;
	v2 =	vand.u32 $0xFFFFFFF0, v11;
	v11 =	vmul.u32 $0x19000, v15;
	v15 =	vld [tilespmem:s29+$0x0]  }
0x228: {  	v16 =	vld [tilespmem:s29+$0x10];
	v7 =	vmul.u32 $0x19000, v7;
	v6 =	vand.u32 $0xFFFFFFF0, v6;
	[tilespmem:s28+$0x30] =	vst v19;
	v19 =	vmul.u32 $0x19000, v22  }
0x229: {  	s31 =	simm.s32 $0x19040;
	s0 =	simm.s32 $0x0;
	s1 =	simm.s32 $0x1C2C0;
	v20 =	vadd.s32 v20, v17;
	v17 =	vld [tilespmem:s29+$0x20];
	v5 =	vand.u32 $0xFFFFFFF0, v13;
	v13 =	vmul.u32 $0x19000, v21  }
.LBB2_16:
0x22a: {  	v21 =	vld [tilespmem:s1+$0x30];
	v9 =	vadd.s32 v9, v19;
	[tilespmem:s30+$0xFFFFFFD0] =	vst v20;
	v7 =	vadd.s32 v12, v7  }
0x22b: {  	s0 =	sadd.s32 $0x80, s0;
	v12 =	vld [tilespmem:s1+$0xFFFFFFD0];
	[tilespmem:s30+$0xFFFFFFC0] =	vst v9;
	v8 =	vadd.s32 v14, v8  }
0x22c: {  	s29 =	sadd.s32 $0x80, s29;
	p1 =	slt.u32 s0, $0x1880;
	v9 =	vld [tilespmem:s1+$0xFFFFFFE0];
	[tilespmem:s28+$0xFFFFFFC0] =	vst v18;
	v10 =	vadd.s32 v15, v10  }
0x22d: {  	v14 =	vld [tilespmem:s29+$0x30];
	[tilespmem:s28+$0xFFFFFFD0] =	vst v3;
	v15 =	vadd.s32 v16, v11  }
0x22e: {  	v11 =	vld [tilespmem:s1+$0xFFFFFFF0];
	[tilespmem:s30+$0xFFFFFFE0] =	vst v7;
	v17 =	vadd.s32 v17, v13  }
0x22f: {  	v13 =	vld [tilespmem:s1+$0x0];
	v7 =	vand.u32 $0xF, v21;
	[tilespmem:s28+$0xFFFFFFE0] =	vst v4  }
0x230: {  	v4 =	vand.u32 $0xF, v12;
	v3 =	vand.u32 $0xFFFFFFF0, v12;
	v16 =	vld [tilespmem:s1+$0x10];
	v12 =	vmul.u32 $0x19000, v7;
	[tilespmem:s30+$0xFFFFFFF0] =	vst v8  }
0x231: {  	v20 =	vmul.u32 $0x19000, v4;
	v7 =	vand.u32 $0xF, v9;
	v4 =	vand.u32 $0xFFFFFFF0, v9;
	v18 =	vld [tilespmem:s1+$0x20];
	[tilespmem:s28+$0xFFFFFFF0] =	vst v6  }
0x232: {  	s30 =	sadd.s32 $0x80, s30;
	v19 =	vld [tilespmem:s1+$0xFFFFFFC0];
	v7 =	vmul.u32 $0x19000, v7;
	v8 =	vadd.s32 v14, v12;
	[tilespmem:s31+$0x0] =	vst v10  }
0x233: {  	v9 =	vld [tilespmem:s29+$0xFFFFFFC0];
	v10 =	vand.u32 $0xF, v11;
	v6 =	vand.u32 $0xFFFFFFF0, v11;
	[tilespmem:s30+$0x30] =	vst v8;
	v11 =	vand.u32 $0xFFFFFFF0, v21  }
0x234: {  	v21 =	vld [tilespmem:s29+$0xFFFFFFD0];
	v8 =	vmul.u32 $0x19000, v10;
	v10 =	vand.u32 $0xF, v13;
	v13 =	vand.u32 $0xFFFFFFF0, v13;
	[tilespmem:s1+$0x30] =	vst v11  }
.Ltmp9:
0x235: {  	v12 =	vld [tilespmem:s29+$0xFFFFFFE0];
	v10 =	vmul.u32 $0x19000, v10;
	v11 =	vand.u32 $0xF, v16;
	v16 =	vand.u32 $0xFFFFFFF0, v16;
	[tilespmem:s28+$0x0] =	vst v1;
	v1 =	vmovc v13;
	(pc) =	sbr.rel @p1 .LBB2_16-.Ltmp9, $4  }
0x236: {  	v14 =	vld [tilespmem:s29+$0xFFFFFFF0];
	v11 =	vmul.u32 $0x19000, v11;
	v13 =	vand.u32 $0xF, v18;
	v22 =	vand.u32 $0xFFFFFFF0, v18;
	[tilespmem:s31+$0x10] =	vst v15  }
0x237: {  	v23 =	vand.u32 $0xF, v19;
	v18 =	vand.u32 $0xFFFFFFF0, v19;
	v15 =	vld [tilespmem:s29+$0x0];
	v13 =	vmul.u32 $0x19000, v13;
	[tilespmem:s28+$0x10] =	vst v2;
	v2 =	vmovc v16  }
0x238: {  	v19 =	vmul.u32 $0x19000, v23;
	v16 =	vld [tilespmem:s29+$0x10];
	[tilespmem:s31+$0x20] =	vst v17;
	s31 =	smov.u32 s30  }
0x239: {  	v20 =	vadd.s32 v21, v20;
	v17 =	vld [tilespmem:s29+$0x20];
	[tilespmem:s28+$0x20] =	vst v5;
	v5 =	vmov v22;
	s28 =	smov.u32 s1;
	s1 =	sadd.s32 $0x80, s1  }
0x23a: {  	v9 =	vadd.s32 v9, v19;
	[tilespmem:s30+$0xFFFFFFD0] =	vst v20  }
0x23b: {  	[tilespmem:s30+$0xFFFFFFC0] =	vst v9  }
0x23c: {  	v7 =	vadd.s32 v12, v7;
	[tilespmem:s28+$0xFFFFFFD0] =	vst v3  }
0x23d: {  	[tilespmem:s30+$0xFFFFFFE0] =	vst v7  }
0x23e: {  	[tilespmem:s28+$0xFFFFFFC0] =	vst v18  }
0x23f: {  	v3 =	vadd.s32 v14, v8;
	[tilespmem:s28+$0xFFFFFFE0] =	vst v4  }
0x240: {  	[tilespmem:s30+$0xFFFFFFF0] =	vst v3  }
0x241: {  	v3 =	vadd.s32 v15, v10;
	[tilespmem:s28+$0xFFFFFFF0] =	vst v6  }
0x242: {  	[tilespmem:s31+$0x0] =	vst v3  }
0x243: {  	v3 =	vadd.s32 v16, v11;
	[tilespmem:s28+$0x0] =	vst v1  }
0x244: {  	[tilespmem:s31+$0x10] =	vst v3  }
0x245: {  	v1 =	vadd.s32 v17, v13;
	[tilespmem:s28+$0x10] =	vst v2  }
0x246: {  	[tilespmem:s31+$0x20] =	vst v1  }
0x247: {  	[tilespmem:s28+$0x20] =	vst v5  }
0x248: {  	s0 =	sld [smem:$0x7EC];
	_ =	sdelay $0x1  }
0x249: {  	s1 =	sld [smem:$0x7ED]  }
0x24a: {  	[tilespmem:s13], [sflag:$0x2] =	stream.strided.gather [hbm4b:s0+s9], $0x1900, s10, s9, $0x38;
	[tilespmem:$0x1EB00] =	vst v63  }
0x24b: {  	_ = 	snop  }
0x24c: {  	[tilespmem:s14], [sflag:$0x4] =	stream.strided.gather [hbm4b:s1+s9], $0x1900, s10, s9, $0x38;
	[tilespmem:$0x1EB00] =	vst v63  }
0x24d: {  	_ = 	snop  }
0x24e: {  	[spmem:s3] =	stream.indirect.scatter.add.f32 [tilespmem:s23], [sflag:$0x6], $0x1, s24, s17, $0xb8;
	[tilespmem:$0x1EB00] =	vst v63  }
0x24f: {  	_ =	swait.ge [sflag:s15], $0x1900  }
0x250: {  	[sflag:s15] =	ssyncset.done $0x0  }
0x251: {  	[sflag:s15] =	ssyncadd.s32 $0xFFFFE700  }
0x252: {  	_ =	swait.ge [sflag:s16], $0x1900  }
0x253: {  	[sflag:s16] =	ssyncset.done $0x0  }
0x254: {  	[sflag:s16] =	ssyncadd.s32 $0xFFFFE700  }
0x255: {  	_ =	swait.ge [sflag:s25], $0x1900  }
0x256: {  	[sflag:s25] =	ssyncset.done $0x0  }
0x257: {  	[sflag:s25] =	ssyncadd.s32 $0xFFFFE700  }
0x258: {  	[tilespmem:s18], [sflag:$0x7] =	stream.indirect.gather [spmem:s2], $0x1, s11, s17, $0xb8;
	[tilespmem:$0x1EB00] =	vst v63  }
0x259: {  	_ =	swait.ge [sflag:s5], $0x1900  }
0x25a: {  	[sflag:s5] =	ssyncset.done $0x0  }
0x25b: {  	s28 =	simm.s32 $0x1A940;
	[sflag:s5] =	ssyncadd.s32 $0xFFFFE700  }
0x25c: {  	v1 =	vld [tilespmem:s28+$0x30]  }
0x25d: {  	v2 =	vld [tilespmem:s28+$0xFFFFFFD0]  }
0x25e: {  	s29 =	simm.s32 $0x14540;
	v4 =	vld [tilespmem:s28+$0xFFFFFFE0]  }
0x25f: {  	v5 =	vld [tilespmem:s29+$0x30]  }
0x260: {  	v10 =	vld [tilespmem:s28+$0x0]  }
0x261: {  	v11 =	vld [tilespmem:s28+$0x10]  }
0x262: {  	v13 =	vld [tilespmem:s28+$0x20]  }
0x263: {  	v16 =	vld [tilespmem:s28+$0xFFFFFFC0]  }
0x264: {  	v6 =	vld [tilespmem:s28+$0xFFFFFFF0]  }
0x265: {  	v7 =	vand.u32 $0xF, v1;
	v8 =	vand.u32 $0xF, v2  }
0x266: {  	v3 =	vand.u32 $0xFFFFFFF0, v2;
	v19 =	vand.u32 $0xFFFFFFF0, v1;
	v1 =	vand.u32 $0xFFFFFFF0, v10  }
0x267: {  	v9 =	vld [tilespmem:s29+$0xFFFFFFC0];
	v15 =	vand.u32 $0xF, v11;
	v21 =	vand.u32 $0xF, v13;
	v2 =	vmul.u32 $0x19000, v7  }
0x268: {  	v20 =	vld [tilespmem:s29+$0xFFFFFFD0];
	v22 =	vand.u32 $0xF, v16;
	v18 =	vand.u32 $0xFFFFFFF0, v16;
	v7 =	vand.u32 $0xF, v4  }
0x269: {  	v12 =	vld [tilespmem:s29+$0xFFFFFFE0];
	v17 =	vmul.u32 $0x19000, v8;
	v5 =	vadd.s32 v5, v2;
	v2 =	vand.u32 $0xF, v6  }
0x26a: {  	s30 =	simm.s32 $0x17740;
	v14 =	vld [tilespmem:s29+$0xFFFFFFF0];
	v4 =	vand.u32 $0xFFFFFFF0, v4;
	v8 =	vmul.u32 $0x19000, v2;
	v2 =	vand.u32 $0xF, v10  }
0x26b: {  	[tilespmem:s30+$0x30] =	vst v5;
	v10 =	vmul.u32 $0x19000, v2;
	v2 =	vand.u32 $0xFFFFFFF0, v11;
	v11 =	vmul.u32 $0x19000, v15;
	v15 =	vld [tilespmem:s29+$0x0]  }
0x26c: {  	v16 =	vld [tilespmem:s29+$0x10];
	v7 =	vmul.u32 $0x19000, v7;
	v6 =	vand.u32 $0xFFFFFFF0, v6;
	[tilespmem:s28+$0x30] =	vst v19;
	v19 =	vmul.u32 $0x19000, v22  }
0x26d: {  	s31 =	simm.s32 $0x17740;
	s0 =	simm.s32 $0x0;
	s1 =	simm.s32 $0x1A9C0;
	v20 =	vadd.s32 v20, v17;
	v17 =	vld [tilespmem:s29+$0x20];
	v5 =	vand.u32 $0xFFFFFFF0, v13;
	v13 =	vmul.u32 $0x19000, v21  }
.LBB2_18:
0x26e: {  	v21 =	vld [tilespmem:s1+$0x30];
	v9 =	vadd.s32 v9, v19;
	[tilespmem:s30+$0xFFFFFFD0] =	vst v20;
	v7 =	vadd.s32 v12, v7  }
0x26f: {  	s0 =	sadd.s32 $0x80, s0;
	v12 =	vld [tilespmem:s1+$0xFFFFFFD0];
	[tilespmem:s30+$0xFFFFFFC0] =	vst v9;
	v8 =	vadd.s32 v14, v8  }
0x270: {  	s29 =	sadd.s32 $0x80, s29;
	p1 =	slt.u32 s0, $0x1880;
	v9 =	vld [tilespmem:s1+$0xFFFFFFE0];
	[tilespmem:s28+$0xFFFFFFC0] =	vst v18;
	v10 =	vadd.s32 v15, v10  }
0x271: {  	v14 =	vld [tilespmem:s29+$0x30];
	[tilespmem:s28+$0xFFFFFFD0] =	vst v3;
	v15 =	vadd.s32 v16, v11  }
0x272: {  	v11 =	vld [tilespmem:s1+$0xFFFFFFF0];
	[tilespmem:s30+$0xFFFFFFE0] =	vst v7;
	v17 =	vadd.s32 v17, v13  }
0x273: {  	v13 =	vld [tilespmem:s1+$0x0];
	v7 =	vand.u32 $0xF, v21;
	[tilespmem:s28+$0xFFFFFFE0] =	vst v4  }
0x274: {  	v4 =	vand.u32 $0xF, v12;
	v3 =	vand.u32 $0xFFFFFFF0, v12;
	v16 =	vld [tilespmem:s1+$0x10];
	v12 =	vmul.u32 $0x19000, v7;
	[tilespmem:s30+$0xFFFFFFF0] =	vst v8  }
0x275: {  	v20 =	vmul.u32 $0x19000, v4;
	v7 =	vand.u32 $0xF, v9;
	v4 =	vand.u32 $0xFFFFFFF0, v9;
	v18 =	vld [tilespmem:s1+$0x20];
	[tilespmem:s28+$0xFFFFFFF0] =	vst v6  }
0x276: {  	s30 =	sadd.s32 $0x80, s30;
	v19 =	vld [tilespmem:s1+$0xFFFFFFC0];
	v7 =	vmul.u32 $0x19000, v7;
	v8 =	vadd.s32 v14, v12;
	[tilespmem:s31+$0x0] =	vst v10  }
0x277: {  	v9 =	vld [tilespmem:s29+$0xFFFFFFC0];
	v10 =	vand.u32 $0xF, v11;
	v6 =	vand.u32 $0xFFFFFFF0, v11;
	[tilespmem:s30+$0x30] =	vst v8;
	v11 =	vand.u32 $0xFFFFFFF0, v21  }
0x278: {  	v21 =	vld [tilespmem:s29+$0xFFFFFFD0];
	v8 =	vmul.u32 $0x19000, v10;
	v10 =	vand.u32 $0xF, v13;
	v13 =	vand.u32 $0xFFFFFFF0, v13;
	[tilespmem:s1+$0x30] =	vst v11  }
.Ltmp10:
0x279: {  	v12 =	vld [tilespmem:s29+$0xFFFFFFE0];
	v10 =	vmul.u32 $0x19000, v10;
	v11 =	vand.u32 $0xF, v16;
	v16 =	vand.u32 $0xFFFFFFF0, v16;
	[tilespmem:s28+$0x0] =	vst v1;
	v1 =	vmovc v13;
	(pc) =	sbr.rel @p1 .LBB2_18-.Ltmp10, $4  }
0x27a: {  	v14 =	vld [tilespmem:s29+$0xFFFFFFF0];
	v11 =	vmul.u32 $0x19000, v11;
	v13 =	vand.u32 $0xF, v18;
	v22 =	vand.u32 $0xFFFFFFF0, v18;
	[tilespmem:s31+$0x10] =	vst v15  }
0x27b: {  	v23 =	vand.u32 $0xF, v19;
	v18 =	vand.u32 $0xFFFFFFF0, v19;
	v15 =	vld [tilespmem:s29+$0x0];
	v13 =	vmul.u32 $0x19000, v13;
	[tilespmem:s28+$0x10] =	vst v2;
	v2 =	vmovc v16  }
0x27c: {  	v19 =	vmul.u32 $0x19000, v23;
	v16 =	vld [tilespmem:s29+$0x10];
	[tilespmem:s31+$0x20] =	vst v17;
	s31 =	smov.u32 s30  }
0x27d: {  	v20 =	vadd.s32 v21, v20;
	v17 =	vld [tilespmem:s29+$0x20];
	[tilespmem:s28+$0x20] =	vst v5;
	v5 =	vmov v22;
	s28 =	smov.u32 s1;
	s1 =	sadd.s32 $0x80, s1  }
0x27e: {  	v9 =	vadd.s32 v9, v19;
	[tilespmem:s30+$0xFFFFFFD0] =	vst v20  }
0x27f: {  	[tilespmem:s30+$0xFFFFFFC0] =	vst v9  }
0x280: {  	v7 =	vadd.s32 v12, v7;
	[tilespmem:s28+$0xFFFFFFD0] =	vst v3  }
0x281: {  	[tilespmem:s30+$0xFFFFFFE0] =	vst v7  }
0x282: {  	[tilespmem:s28+$0xFFFFFFC0] =	vst v18  }
0x283: {  	v3 =	vadd.s32 v14, v8;
	[tilespmem:s28+$0xFFFFFFE0] =	vst v4  }
0x284: {  	[tilespmem:s30+$0xFFFFFFF0] =	vst v3  }
0x285: {  	v3 =	vadd.s32 v15, v10;
	[tilespmem:s28+$0xFFFFFFF0] =	vst v6  }
0x286: {  	[tilespmem:s31+$0x0] =	vst v3  }
0x287: {  	v3 =	vadd.s32 v16, v11;
	[tilespmem:s28+$0x0] =	vst v1  }
0x288: {  	[tilespmem:s31+$0x10] =	vst v3  }
0x289: {  	v1 =	vadd.s32 v17, v13;
	[tilespmem:s28+$0x10] =	vst v2  }
0x28a: {  	[tilespmem:s31+$0x20] =	vst v1  }
0x28b: {  	[tilespmem:s28+$0x20] =	vst v5  }
0x28c: {  	s0 =	sld [smem:$0x7EE];
	_ =	sdelay $0x1  }
0x28d: {  	s1 =	sld [smem:$0x7EF]  }
0x28e: {  	[tilespmem:s11], [sflag:$0x1] =	stream.strided.gather [hbm4b:s0+s9], $0x1900, s10, s9, $0x38;
	[tilespmem:$0x1EB00] =	vst v63  }
0x28f: {  	_ = 	snop  }
0x290: {  	[tilespmem:s12], [sflag:$0x3] =	stream.strided.gather [hbm4b:s1+s9], $0x1900, s10, s9, $0x38;
	[tilespmem:$0x1EB00] =	vst v63  }
0x291: {  	_ = 	snop  }
0x292: {  	[spmem:s3] =	stream.indirect.scatter.add.f32 [tilespmem:s18], [sflag:$0x5], $0x1, s19, s17, $0xb8;
	[tilespmem:$0x1EB00] =	vst v63  }
0x293: {  	_ =	swait.ge [sflag:s20], $0x1900  }
0x294: {  	[sflag:s20] =	ssyncset.done $0x0  }
0x295: {  	[sflag:s20] =	ssyncadd.s32 $0xFFFFE700  }
0x296: {  	_ =	swait.ge [sflag:s22], $0x1900  }
0x297: {  	[sflag:s22] =	ssyncset.done $0x0  }
0x298: {  	[sflag:s22] =	ssyncadd.s32 $0xFFFFE700  }
0x299: {  	_ =	swait.ge [sflag:s26], $0x1900  }
0x29a: {  	[sflag:s26] =	ssyncset.done $0x0  }
0x29b: {  	[sflag:s26] =	ssyncadd.s32 $0xFFFFE700  }
0x29c: {  	[tilespmem:s23], [sflag:$0x7] =	stream.indirect.gather [spmem:s2], $0x1, s13, s17, $0xb8;
	[tilespmem:$0x1EB00] =	vst v63  }
0x29d: {  	_ =	swait.ge [sflag:s5], $0x1900  }
0x29e: {  	[sflag:s5] =	ssyncset.done $0x0  }
0x29f: {  	s28 =	simm.s32 $0x1C240;
	[sflag:s5] =	ssyncadd.s32 $0xFFFFE700  }
0x2a0: {  	v1 =	vld [tilespmem:s28+$0x30]  }
0x2a1: {  	v2 =	vld [tilespmem:s28+$0xFFFFFFD0]  }
0x2a2: {  	s29 =	simm.s32 $0x15E40;
	v4 =	vld [tilespmem:s28+$0xFFFFFFE0]  }
0x2a3: {  	v5 =	vld [tilespmem:s29+$0x30]  }
0x2a4: {  	v10 =	vld [tilespmem:s28+$0x0]  }
0x2a5: {  	v11 =	vld [tilespmem:s28+$0x10]  }
0x2a6: {  	v13 =	vld [tilespmem:s28+$0x20]  }
0x2a7: {  	v16 =	vld [tilespmem:s28+$0xFFFFFFC0]  }
0x2a8: {  	v6 =	vld [tilespmem:s28+$0xFFFFFFF0]  }
0x2a9: {  	v7 =	vand.u32 $0xF, v1;
	v8 =	vand.u32 $0xF, v2  }
0x2aa: {  	v3 =	vand.u32 $0xFFFFFFF0, v2;
	v19 =	vand.u32 $0xFFFFFFF0, v1;
	v1 =	vand.u32 $0xFFFFFFF0, v10  }
0x2ab: {  	v9 =	vld [tilespmem:s29+$0xFFFFFFC0];
	v15 =	vand.u32 $0xF, v11;
	v21 =	vand.u32 $0xF, v13;
	v2 =	vmul.u32 $0x19000, v7  }
0x2ac: {  	v20 =	vld [tilespmem:s29+$0xFFFFFFD0];
	v22 =	vand.u32 $0xF, v16;
	v18 =	vand.u32 $0xFFFFFFF0, v16;
	v7 =	vand.u32 $0xF, v4  }
0x2ad: {  	v12 =	vld [tilespmem:s29+$0xFFFFFFE0];
	v17 =	vmul.u32 $0x19000, v8;
	v5 =	vadd.s32 v5, v2;
	v2 =	vand.u32 $0xF, v6  }
0x2ae: {  	s30 =	simm.s32 $0x19040;
	v14 =	vld [tilespmem:s29+$0xFFFFFFF0];
	v4 =	vand.u32 $0xFFFFFFF0, v4;
	v8 =	vmul.u32 $0x19000, v2;
	v2 =	vand.u32 $0xF, v10  }
0x2af: {  	[tilespmem:s30+$0x30] =	vst v5;
	v10 =	vmul.u32 $0x19000, v2;
	v2 =	vand.u32 $0xFFFFFFF0, v11;
	v11 =	vmul.u32 $0x19000, v15;
	v15 =	vld [tilespmem:s29+$0x0]  }
0x2b0: {  	v16 =	vld [tilespmem:s29+$0x10];
	v7 =	vmul.u32 $0x19000, v7;
	v6 =	vand.u32 $0xFFFFFFF0, v6;
	[tilespmem:s28+$0x30] =	vst v19;
	v19 =	vmul.u32 $0x19000, v22  }
0x2b1: {  	s31 =	simm.s32 $0x19040;
	s0 =	simm.s32 $0x0;
	s1 =	simm.s32 $0x1C2C0;
	v20 =	vadd.s32 v20, v17;
	v17 =	vld [tilespmem:s29+$0x20];
	v5 =	vand.u32 $0xFFFFFFF0, v13;
	v13 =	vmul.u32 $0x19000, v21  }
.LBB2_20:
0x2b2: {  	v21 =	vld [tilespmem:s1+$0x30];
	v9 =	vadd.s32 v9, v19;
	[tilespmem:s30+$0xFFFFFFD0] =	vst v20;
	v7 =	vadd.s32 v12, v7  }
0x2b3: {  	s0 =	sadd.s32 $0x80, s0;
	v12 =	vld [tilespmem:s1+$0xFFFFFFD0];
	[tilespmem:s30+$0xFFFFFFC0] =	vst v9;
	v8 =	vadd.s32 v14, v8  }
0x2b4: {  	s29 =	sadd.s32 $0x80, s29;
	p1 =	slt.u32 s0, $0x1880;
	v9 =	vld [tilespmem:s1+$0xFFFFFFE0];
	[tilespmem:s28+$0xFFFFFFC0] =	vst v18;
	v10 =	vadd.s32 v15, v10  }
0x2b5: {  	v14 =	vld [tilespmem:s29+$0x30];
	[tilespmem:s28+$0xFFFFFFD0] =	vst v3;
	v15 =	vadd.s32 v16, v11  }
0x2b6: {  	v11 =	vld [tilespmem:s1+$0xFFFFFFF0];
	[tilespmem:s30+$0xFFFFFFE0] =	vst v7;
	v17 =	vadd.s32 v17, v13  }
0x2b7: {  	v13 =	vld [tilespmem:s1+$0x0];
	v7 =	vand.u32 $0xF, v21;
	[tilespmem:s28+$0xFFFFFFE0] =	vst v4  }
0x2b8: {  	v4 =	vand.u32 $0xF, v12;
	v3 =	vand.u32 $0xFFFFFFF0, v12;
	v16 =	vld [tilespmem:s1+$0x10];
	v12 =	vmul.u32 $0x19000, v7;
	[tilespmem:s30+$0xFFFFFFF0] =	vst v8  }
0x2b9: {  	v20 =	vmul.u32 $0x19000, v4;
	v7 =	vand.u32 $0xF, v9;
	v4 =	vand.u32 $0xFFFFFFF0, v9;
	v18 =	vld [tilespmem:s1+$0x20];
	[tilespmem:s28+$0xFFFFFFF0] =	vst v6  }
0x2ba: {  	s30 =	sadd.s32 $0x80, s30;
	v19 =	vld [tilespmem:s1+$0xFFFFFFC0];
	v7 =	vmul.u32 $0x19000, v7;
	v8 =	vadd.s32 v14, v12;
	[tilespmem:s31+$0x0] =	vst v10  }
0x2bb: {  	v9 =	vld [tilespmem:s29+$0xFFFFFFC0];
	v10 =	vand.u32 $0xF, v11;
	v6 =	vand.u32 $0xFFFFFFF0, v11;
	[tilespmem:s30+$0x30] =	vst v8;
	v11 =	vand.u32 $0xFFFFFFF0, v21  }
0x2bc: {  	v21 =	vld [tilespmem:s29+$0xFFFFFFD0];
	v8 =	vmul.u32 $0x19000, v10;
	v10 =	vand.u32 $0xF, v13;
	v13 =	vand.u32 $0xFFFFFFF0, v13;
	[tilespmem:s1+$0x30] =	vst v11  }
.Ltmp11:
0x2bd: {  	v12 =	vld [tilespmem:s29+$0xFFFFFFE0];
	v10 =	vmul.u32 $0x19000, v10;
	v11 =	vand.u32 $0xF, v16;
	v16 =	vand.u32 $0xFFFFFFF0, v16;
	[tilespmem:s28+$0x0] =	vst v1;
	v1 =	vmovc v13;
	(pc) =	sbr.rel @p1 .LBB2_20-.Ltmp11, $4  }
0x2be: {  	v14 =	vld [tilespmem:s29+$0xFFFFFFF0];
	v11 =	vmul.u32 $0x19000, v11;
	v13 =	vand.u32 $0xF, v18;
	v22 =	vand.u32 $0xFFFFFFF0, v18;
	[tilespmem:s31+$0x10] =	vst v15  }
0x2bf: {  	v23 =	vand.u32 $0xF, v19;
	v18 =	vand.u32 $0xFFFFFFF0, v19;
	v15 =	vld [tilespmem:s29+$0x0];
	v13 =	vmul.u32 $0x19000, v13;
	[tilespmem:s28+$0x10] =	vst v2;
	v2 =	vmovc v16  }
0x2c0: {  	v19 =	vmul.u32 $0x19000, v23;
	v16 =	vld [tilespmem:s29+$0x10];
	[tilespmem:s31+$0x20] =	vst v17;
	s31 =	smov.u32 s30  }
0x2c1: {  	v20 =	vadd.s32 v21, v20;
	v17 =	vld [tilespmem:s29+$0x20];
	[tilespmem:s28+$0x20] =	vst v5;
	v5 =	vmov v22;
	s28 =	smov.u32 s1;
	s1 =	sadd.s32 $0x80, s1  }
0x2c2: {  	v9 =	vadd.s32 v9, v19;
	[tilespmem:s30+$0xFFFFFFD0] =	vst v20  }
0x2c3: {  	[tilespmem:s30+$0xFFFFFFC0] =	vst v9  }
0x2c4: {  	v7 =	vadd.s32 v12, v7;
	[tilespmem:s28+$0xFFFFFFD0] =	vst v3  }
0x2c5: {  	[tilespmem:s30+$0xFFFFFFE0] =	vst v7  }
0x2c6: {  	[tilespmem:s28+$0xFFFFFFC0] =	vst v18  }
0x2c7: {  	v3 =	vadd.s32 v14, v8;
	[tilespmem:s28+$0xFFFFFFE0] =	vst v4  }
0x2c8: {  	[tilespmem:s30+$0xFFFFFFF0] =	vst v3  }
0x2c9: {  	v3 =	vadd.s32 v15, v10;
	[tilespmem:s28+$0xFFFFFFF0] =	vst v6  }
0x2ca: {  	[tilespmem:s31+$0x0] =	vst v3  }
0x2cb: {  	v3 =	vadd.s32 v16, v11;
	[tilespmem:s28+$0x0] =	vst v1  }
0x2cc: {  	[tilespmem:s31+$0x10] =	vst v3  }
0x2cd: {  	v1 =	vadd.s32 v17, v13;
	[tilespmem:s28+$0x10] =	vst v2  }
0x2ce: {  	[tilespmem:s31+$0x20] =	vst v1  }
0x2cf: {  	[tilespmem:s28+$0x20] =	vst v5  }
0x2d0: {  	s0 =	sld [smem:$0x7F0];
	_ =	sdelay $0x1  }
0x2d1: {  	s1 =	sld [smem:$0x7F1]  }
0x2d2: {  	[tilespmem:s13], [sflag:$0x2] =	stream.strided.gather [hbm4b:s0+s9], $0x1900, s10, s9, $0x38;
	[tilespmem:$0x1EB00] =	vst v63  }
0x2d3: {  	_ = 	snop  }
0x2d4: {  	[tilespmem:s14], [sflag:$0x4] =	stream.strided.gather [hbm4b:s1+s9], $0x1900, s10, s9, $0x38;
	[tilespmem:$0x1EB00] =	vst v63  }
0x2d5: {  	_ = 	snop  }
0x2d6: {  	[spmem:s3] =	stream.indirect.scatter.add.f32 [tilespmem:s23], [sflag:$0x6], $0x1, s24, s17, $0xb8;
	[tilespmem:$0x1EB00] =	vst v63  }
0x2d7: {  	_ =	swait.ge [sflag:s15], $0x1900  }
0x2d8: {  	[sflag:s15] =	ssyncset.done $0x0  }
0x2d9: {  	[sflag:s15] =	ssyncadd.s32 $0xFFFFE700  }
0x2da: {  	_ =	swait.ge [sflag:s16], $0x1900  }
0x2db: {  	[sflag:s16] =	ssyncset.done $0x0  }
0x2dc: {  	[sflag:s16] =	ssyncadd.s32 $0xFFFFE700  }
0x2dd: {  	_ =	swait.ge [sflag:s25], $0x1900  }
0x2de: {  	[sflag:s25] =	ssyncset.done $0x0  }
0x2df: {  	[sflag:s25] =	ssyncadd.s32 $0xFFFFE700  }
0x2e0: {  	[tilespmem:s18], [sflag:$0x7] =	stream.indirect.gather [spmem:s2], $0x1, s11, s17, $0xb8;
	[tilespmem:$0x1EB00] =	vst v63  }
0x2e1: {  	_ =	swait.ge [sflag:s5], $0x1900  }
0x2e2: {  	[sflag:s5] =	ssyncset.done $0x0  }
0x2e3: {  	s28 =	simm.s32 $0x1A940;
	[sflag:s5] =	ssyncadd.s32 $0xFFFFE700  }
0x2e4: {  	v1 =	vld [tilespmem:s28+$0x30]  }
0x2e5: {  	v2 =	vld [tilespmem:s28+$0xFFFFFFD0]  }
0x2e6: {  	s29 =	simm.s32 $0x14540;
	v4 =	vld [tilespmem:s28+$0xFFFFFFE0]  }
0x2e7: {  	v5 =	vld [tilespmem:s29+$0x30]  }
0x2e8: {  	v10 =	vld [tilespmem:s28+$0x0]  }
0x2e9: {  	v11 =	vld [tilespmem:s28+$0x10]  }
0x2ea: {  	v13 =	vld [tilespmem:s28+$0x20]  }
0x2eb: {  	v16 =	vld [tilespmem:s28+$0xFFFFFFC0]  }
0x2ec: {  	v6 =	vld [tilespmem:s28+$0xFFFFFFF0]  }
0x2ed: {  	v7 =	vand.u32 $0xF, v1;
	v8 =	vand.u32 $0xF, v2  }
0x2ee: {  	v3 =	vand.u32 $0xFFFFFFF0, v2;
	v19 =	vand.u32 $0xFFFFFFF0, v1;
	v1 =	vand.u32 $0xFFFFFFF0, v10  }
0x2ef: {  	v9 =	vld [tilespmem:s29+$0xFFFFFFC0];
	v15 =	vand.u32 $0xF, v11;
	v21 =	vand.u32 $0xF, v13;
	v2 =	vmul.u32 $0x19000, v7  }
0x2f0: {  	v20 =	vld [tilespmem:s29+$0xFFFFFFD0];
	v22 =	vand.u32 $0xF, v16;
	v18 =	vand.u32 $0xFFFFFFF0, v16;
	v7 =	vand.u32 $0xF, v4  }
0x2f1: {  	v12 =	vld [tilespmem:s29+$0xFFFFFFE0];
	v17 =	vmul.u32 $0x19000, v8;
	v5 =	vadd.s32 v5, v2;
	v2 =	vand.u32 $0xF, v6  }
0x2f2: {  	s30 =	simm.s32 $0x17740;
	v14 =	vld [tilespmem:s29+$0xFFFFFFF0];
	v4 =	vand.u32 $0xFFFFFFF0, v4;
	v8 =	vmul.u32 $0x19000, v2;
	v2 =	vand.u32 $0xF, v10  }
0x2f3: {  	[tilespmem:s30+$0x30] =	vst v5;
	v10 =	vmul.u32 $0x19000, v2;
	v2 =	vand.u32 $0xFFFFFFF0, v11;
	v11 =	vmul.u32 $0x19000, v15;
	v15 =	vld [tilespmem:s29+$0x0]  }
0x2f4: {  	v16 =	vld [tilespmem:s29+$0x10];
	v7 =	vmul.u32 $0x19000, v7;
	v6 =	vand.u32 $0xFFFFFFF0, v6;
	[tilespmem:s28+$0x30] =	vst v19;
	v19 =	vmul.u32 $0x19000, v22  }
0x2f5: {  	s31 =	simm.s32 $0x17740;
	s0 =	simm.s32 $0x0;
	s1 =	simm.s32 $0x1A9C0;
	v20 =	vadd.s32 v20, v17;
	v17 =	vld [tilespmem:s29+$0x20];
	v5 =	vand.u32 $0xFFFFFFF0, v13;
	v13 =	vmul.u32 $0x19000, v21  }
.LBB2_22:
0x2f6: {  	v21 =	vld [tilespmem:s1+$0x30];
	v9 =	vadd.s32 v9, v19;
	[tilespmem:s30+$0xFFFFFFD0] =	vst v20;
	v7 =	vadd.s32 v12, v7  }
0x2f7: {  	s0 =	sadd.s32 $0x80, s0;
	v12 =	vld [tilespmem:s1+$0xFFFFFFD0];
	[tilespmem:s30+$0xFFFFFFC0] =	vst v9;
	v8 =	vadd.s32 v14, v8  }
0x2f8: {  	s29 =	sadd.s32 $0x80, s29;
	p1 =	slt.u32 s0, $0x1880;
	v9 =	vld [tilespmem:s1+$0xFFFFFFE0];
	[tilespmem:s28+$0xFFFFFFC0] =	vst v18;
	v10 =	vadd.s32 v15, v10  }
0x2f9: {  	v14 =	vld [tilespmem:s29+$0x30];
	[tilespmem:s28+$0xFFFFFFD0] =	vst v3;
	v15 =	vadd.s32 v16, v11  }
0x2fa: {  	v11 =	vld [tilespmem:s1+$0xFFFFFFF0];
	[tilespmem:s30+$0xFFFFFFE0] =	vst v7;
	v17 =	vadd.s32 v17, v13  }
0x2fb: {  	v13 =	vld [tilespmem:s1+$0x0];
	v7 =	vand.u32 $0xF, v21;
	[tilespmem:s28+$0xFFFFFFE0] =	vst v4  }
0x2fc: {  	v4 =	vand.u32 $0xF, v12;
	v3 =	vand.u32 $0xFFFFFFF0, v12;
	v16 =	vld [tilespmem:s1+$0x10];
	v12 =	vmul.u32 $0x19000, v7;
	[tilespmem:s30+$0xFFFFFFF0] =	vst v8  }
0x2fd: {  	v20 =	vmul.u32 $0x19000, v4;
	v7 =	vand.u32 $0xF, v9;
	v4 =	vand.u32 $0xFFFFFFF0, v9;
	v18 =	vld [tilespmem:s1+$0x20];
	[tilespmem:s28+$0xFFFFFFF0] =	vst v6  }
0x2fe: {  	s30 =	sadd.s32 $0x80, s30;
	v19 =	vld [tilespmem:s1+$0xFFFFFFC0];
	v7 =	vmul.u32 $0x19000, v7;
	v8 =	vadd.s32 v14, v12;
	[tilespmem:s31+$0x0] =	vst v10  }
0x2ff: {  	v9 =	vld [tilespmem:s29+$0xFFFFFFC0];
	v10 =	vand.u32 $0xF, v11;
	v6 =	vand.u32 $0xFFFFFFF0, v11;
	[tilespmem:s30+$0x30] =	vst v8;
	v11 =	vand.u32 $0xFFFFFFF0, v21  }
0x300: {  	v21 =	vld [tilespmem:s29+$0xFFFFFFD0];
	v8 =	vmul.u32 $0x19000, v10;
	v10 =	vand.u32 $0xF, v13;
	v13 =	vand.u32 $0xFFFFFFF0, v13;
	[tilespmem:s1+$0x30] =	vst v11  }
.Ltmp12:
0x301: {  	v12 =	vld [tilespmem:s29+$0xFFFFFFE0];
	v10 =	vmul.u32 $0x19000, v10;
	v11 =	vand.u32 $0xF, v16;
	v16 =	vand.u32 $0xFFFFFFF0, v16;
	[tilespmem:s28+$0x0] =	vst v1;
	v1 =	vmovc v13;
	(pc) =	sbr.rel @p1 .LBB2_22-.Ltmp12, $4  }
0x302: {  	v14 =	vld [tilespmem:s29+$0xFFFFFFF0];
	v11 =	vmul.u32 $0x19000, v11;
	v13 =	vand.u32 $0xF, v18;
	v22 =	vand.u32 $0xFFFFFFF0, v18;
	[tilespmem:s31+$0x10] =	vst v15  }
0x303: {  	v23 =	vand.u32 $0xF, v19;
	v18 =	vand.u32 $0xFFFFFFF0, v19;
	v15 =	vld [tilespmem:s29+$0x0];
	v13 =	vmul.u32 $0x19000, v13;
	[tilespmem:s28+$0x10] =	vst v2;
	v2 =	vmovc v16  }
0x304: {  	v19 =	vmul.u32 $0x19000, v23;
	v16 =	vld [tilespmem:s29+$0x10];
	[tilespmem:s31+$0x20] =	vst v17;
	s31 =	smov.u32 s30  }
0x305: {  	v20 =	vadd.s32 v21, v20;
	v17 =	vld [tilespmem:s29+$0x20];
	[tilespmem:s28+$0x20] =	vst v5;
	v5 =	vmov v22;
	s28 =	smov.u32 s1;
	s1 =	sadd.s32 $0x80, s1  }
0x306: {  	v9 =	vadd.s32 v9, v19;
	[tilespmem:s30+$0xFFFFFFD0] =	vst v20  }
0x307: {  	[tilespmem:s30+$0xFFFFFFC0] =	vst v9  }
0x308: {  	v7 =	vadd.s32 v12, v7;
	[tilespmem:s28+$0xFFFFFFD0] =	vst v3  }
0x309: {  	[tilespmem:s30+$0xFFFFFFE0] =	vst v7  }
0x30a: {  	[tilespmem:s28+$0xFFFFFFC0] =	vst v18  }
0x30b: {  	v3 =	vadd.s32 v14, v8;
	[tilespmem:s28+$0xFFFFFFE0] =	vst v4  }
0x30c: {  	[tilespmem:s30+$0xFFFFFFF0] =	vst v3  }
0x30d: {  	v3 =	vadd.s32 v15, v10;
	[tilespmem:s28+$0xFFFFFFF0] =	vst v6  }
0x30e: {  	[tilespmem:s31+$0x0] =	vst v3  }
0x30f: {  	v3 =	vadd.s32 v16, v11;
	[tilespmem:s28+$0x0] =	vst v1  }
0x310: {  	[tilespmem:s31+$0x10] =	vst v3  }
0x311: {  	v1 =	vadd.s32 v17, v13;
	[tilespmem:s28+$0x10] =	vst v2  }
0x312: {  	[tilespmem:s31+$0x20] =	vst v1  }
0x313: {  	[tilespmem:s28+$0x20] =	vst v5  }
0x314: {  	s0 =	sld [smem:$0x7F2];
	_ =	sdelay $0x1  }
0x315: {  	s1 =	sld [smem:$0x7F3]  }
0x316: {  	[tilespmem:s11], [sflag:$0x1] =	stream.strided.gather [hbm4b:s0+s9], $0x1900, s10, s9, $0x38;
	[tilespmem:$0x1EB00] =	vst v63  }
0x317: {  	_ = 	snop  }
0x318: {  	[tilespmem:s12], [sflag:$0x3] =	stream.strided.gather [hbm4b:s1+s9], $0x1900, s10, s9, $0x38;
	[tilespmem:$0x1EB00] =	vst v63  }
0x319: {  	_ = 	snop  }
0x31a: {  	[spmem:s3] =	stream.indirect.scatter.add.f32 [tilespmem:s18], [sflag:$0x5], $0x1, s19, s17, $0xb8;
	[tilespmem:$0x1EB00] =	vst v63  }
0x31b: {  	_ =	swait.ge [sflag:s20], $0x1900  }
0x31c: {  	[sflag:s20] =	ssyncset.done $0x0  }
0x31d: {  	[sflag:s20] =	ssyncadd.s32 $0xFFFFE700  }
0x31e: {  	_ =	swait.ge [sflag:s22], $0x1900  }
0x31f: {  	[sflag:s22] =	ssyncset.done $0x0  }
0x320: {  	[sflag:s22] =	ssyncadd.s32 $0xFFFFE700  }
0x321: {  	_ =	swait.ge [sflag:s26], $0x1900  }
0x322: {  	[sflag:s26] =	ssyncset.done $0x0  }
0x323: {  	[sflag:s26] =	ssyncadd.s32 $0xFFFFE700  }
0x324: {  	[tilespmem:s23], [sflag:$0x7] =	stream.indirect.gather [spmem:s2], $0x1, s13, s17, $0xb8;
	[tilespmem:$0x1EB00] =	vst v63  }
0x325: {  	_ =	swait.ge [sflag:s5], $0x1900  }
0x326: {  	[sflag:s5] =	ssyncset.done $0x0  }
0x327: {  	s28 =	simm.s32 $0x1C240;
	[sflag:s5] =	ssyncadd.s32 $0xFFFFE700  }
0x328: {  	v1 =	vld [tilespmem:s28+$0x30]  }
0x329: {  	v2 =	vld [tilespmem:s28+$0xFFFFFFD0]  }
0x32a: {  	s29 =	simm.s32 $0x15E40;
	v4 =	vld [tilespmem:s28+$0xFFFFFFE0]  }
0x32b: {  	v5 =	vld [tilespmem:s29+$0x30]  }
0x32c: {  	v10 =	vld [tilespmem:s28+$0x0]  }
0x32d: {  	v11 =	vld [tilespmem:s28+$0x10]  }
0x32e: {  	v13 =	vld [tilespmem:s28+$0x20]  }
0x32f: {  	v16 =	vld [tilespmem:s28+$0xFFFFFFC0]  }
0x330: {  	v6 =	vld [tilespmem:s28+$0xFFFFFFF0]  }
0x331: {  	v7 =	vand.u32 $0xF, v1;
	v8 =	vand.u32 $0xF, v2  }
0x332: {  	v3 =	vand.u32 $0xFFFFFFF0, v2;
	v19 =	vand.u32 $0xFFFFFFF0, v1;
	v1 =	vand.u32 $0xFFFFFFF0, v10  }
0x333: {  	v9 =	vld [tilespmem:s29+$0xFFFFFFC0];
	v15 =	vand.u32 $0xF, v11;
	v21 =	vand.u32 $0xF, v13;
	v2 =	vmul.u32 $0x19000, v7  }
0x334: {  	v20 =	vld [tilespmem:s29+$0xFFFFFFD0];
	v22 =	vand.u32 $0xF, v16;
	v18 =	vand.u32 $0xFFFFFFF0, v16;
	v7 =	vand.u32 $0xF, v4  }
0x335: {  	v12 =	vld [tilespmem:s29+$0xFFFFFFE0];
	v17 =	vmul.u32 $0x19000, v8;
	v5 =	vadd.s32 v5, v2;
	v2 =	vand.u32 $0xF, v6  }
0x336: {  	s30 =	simm.s32 $0x19040;
	v14 =	vld [tilespmem:s29+$0xFFFFFFF0];
	v4 =	vand.u32 $0xFFFFFFF0, v4;
	v8 =	vmul.u32 $0x19000, v2;
	v2 =	vand.u32 $0xF, v10  }
0x337: {  	[tilespmem:s30+$0x30] =	vst v5;
	v10 =	vmul.u32 $0x19000, v2;
	v2 =	vand.u32 $0xFFFFFFF0, v11;
	v11 =	vmul.u32 $0x19000, v15;
	v15 =	vld [tilespmem:s29+$0x0]  }
0x338: {  	v16 =	vld [tilespmem:s29+$0x10];
	v7 =	vmul.u32 $0x19000, v7;
	v6 =	vand.u32 $0xFFFFFFF0, v6;
	[tilespmem:s28+$0x30] =	vst v19;
	v19 =	vmul.u32 $0x19000, v22  }
0x339: {  	s31 =	simm.s32 $0x19040;
	s0 =	simm.s32 $0x0;
	s1 =	simm.s32 $0x1C2C0;
	v20 =	vadd.s32 v20, v17;
	v17 =	vld [tilespmem:s29+$0x20];
	v5 =	vand.u32 $0xFFFFFFF0, v13;
	v13 =	vmul.u32 $0x19000, v21  }
.LBB2_24:
0x33a: {  	v21 =	vld [tilespmem:s1+$0x30];
	v9 =	vadd.s32 v9, v19;
	[tilespmem:s30+$0xFFFFFFD0] =	vst v20;
	v7 =	vadd.s32 v12, v7  }
0x33b: {  	s0 =	sadd.s32 $0x80, s0;
	v12 =	vld [tilespmem:s1+$0xFFFFFFD0];
	[tilespmem:s30+$0xFFFFFFC0] =	vst v9;
	v8 =	vadd.s32 v14, v8  }
0x33c: {  	s29 =	sadd.s32 $0x80, s29;
	p1 =	slt.u32 s0, $0x1880;
	v9 =	vld [tilespmem:s1+$0xFFFFFFE0];
	[tilespmem:s28+$0xFFFFFFC0] =	vst v18;
	v10 =	vadd.s32 v15, v10  }
0x33d: {  	v14 =	vld [tilespmem:s29+$0x30];
	[tilespmem:s28+$0xFFFFFFD0] =	vst v3;
	v15 =	vadd.s32 v16, v11  }
0x33e: {  	v11 =	vld [tilespmem:s1+$0xFFFFFFF0];
	[tilespmem:s30+$0xFFFFFFE0] =	vst v7;
	v17 =	vadd.s32 v17, v13  }
0x33f: {  	v13 =	vld [tilespmem:s1+$0x0];
	v7 =	vand.u32 $0xF, v21;
	[tilespmem:s28+$0xFFFFFFE0] =	vst v4  }
0x340: {  	v4 =	vand.u32 $0xF, v12;
	v3 =	vand.u32 $0xFFFFFFF0, v12;
	v16 =	vld [tilespmem:s1+$0x10];
	v12 =	vmul.u32 $0x19000, v7;
	[tilespmem:s30+$0xFFFFFFF0] =	vst v8  }
0x341: {  	v20 =	vmul.u32 $0x19000, v4;
	v7 =	vand.u32 $0xF, v9;
	v4 =	vand.u32 $0xFFFFFFF0, v9;
	v18 =	vld [tilespmem:s1+$0x20];
	[tilespmem:s28+$0xFFFFFFF0] =	vst v6  }
0x342: {  	s30 =	sadd.s32 $0x80, s30;
	v19 =	vld [tilespmem:s1+$0xFFFFFFC0];
	v7 =	vmul.u32 $0x19000, v7;
	v8 =	vadd.s32 v14, v12;
	[tilespmem:s31+$0x0] =	vst v10  }
0x343: {  	v9 =	vld [tilespmem:s29+$0xFFFFFFC0];
	v10 =	vand.u32 $0xF, v11;
	v6 =	vand.u32 $0xFFFFFFF0, v11;
	[tilespmem:s30+$0x30] =	vst v8;
	v11 =	vand.u32 $0xFFFFFFF0, v21  }
0x344: {  	v21 =	vld [tilespmem:s29+$0xFFFFFFD0];
	v8 =	vmul.u32 $0x19000, v10;
	v10 =	vand.u32 $0xF, v13;
	v13 =	vand.u32 $0xFFFFFFF0, v13;
	[tilespmem:s1+$0x30] =	vst v11  }
.Ltmp13:
0x345: {  	v12 =	vld [tilespmem:s29+$0xFFFFFFE0];
	v10 =	vmul.u32 $0x19000, v10;
	v11 =	vand.u32 $0xF, v16;
	v16 =	vand.u32 $0xFFFFFFF0, v16;
	[tilespmem:s28+$0x0] =	vst v1;
	v1 =	vmovc v13;
	(pc) =	sbr.rel @p1 .LBB2_24-.Ltmp13, $4  }
0x346: {  	v14 =	vld [tilespmem:s29+$0xFFFFFFF0];
	v11 =	vmul.u32 $0x19000, v11;
	v13 =	vand.u32 $0xF, v18;
	v22 =	vand.u32 $0xFFFFFFF0, v18;
	[tilespmem:s31+$0x10] =	vst v15  }
0x347: {  	v23 =	vand.u32 $0xF, v19;
	v18 =	vand.u32 $0xFFFFFFF0, v19;
	v15 =	vld [tilespmem:s29+$0x0];
	v13 =	vmul.u32 $0x19000, v13;
	[tilespmem:s28+$0x10] =	vst v2;
	v2 =	vmovc v16  }
0x348: {  	v19 =	vmul.u32 $0x19000, v23;
	v16 =	vld [tilespmem:s29+$0x10];
	[tilespmem:s31+$0x20] =	vst v17;
	s31 =	smov.u32 s30  }
0x349: {  	v20 =	vadd.s32 v21, v20;
	v17 =	vld [tilespmem:s29+$0x20];
	[tilespmem:s28+$0x20] =	vst v5;
	v5 =	vmov v22;
	s28 =	smov.u32 s1;
	s1 =	sadd.s32 $0x80, s1  }
0x34a: {  	v9 =	vadd.s32 v9, v19;
	[tilespmem:s30+$0xFFFFFFD0] =	vst v20  }
0x34b: {  	[tilespmem:s30+$0xFFFFFFC0] =	vst v9  }
0x34c: {  	v7 =	vadd.s32 v12, v7;
	[tilespmem:s28+$0xFFFFFFD0] =	vst v3  }
0x34d: {  	[tilespmem:s30+$0xFFFFFFE0] =	vst v7  }
0x34e: {  	[tilespmem:s28+$0xFFFFFFC0] =	vst v18  }
0x34f: {  	v3 =	vadd.s32 v14, v8;
	[tilespmem:s28+$0xFFFFFFE0] =	vst v4  }
0x350: {  	[tilespmem:s30+$0xFFFFFFF0] =	vst v3  }
0x351: {  	v3 =	vadd.s32 v15, v10;
	[tilespmem:s28+$0xFFFFFFF0] =	vst v6  }
0x352: {  	[tilespmem:s31+$0x0] =	vst v3  }
0x353: {  	v3 =	vadd.s32 v16, v11;
	[tilespmem:s28+$0x0] =	vst v1  }
0x354: {  	[tilespmem:s31+$0x10] =	vst v3  }
0x355: {  	v1 =	vadd.s32 v17, v13;
	[tilespmem:s28+$0x10] =	vst v2  }
0x356: {  	[tilespmem:s31+$0x20] =	vst v1  }
0x357: {  	[tilespmem:s28+$0x20] =	vst v5  }
0x358: {  	s0 =	sld [smem:$0x7F4];
	_ =	sdelay $0x1  }
0x359: {  	s1 =	sld [smem:$0x7F5]  }
0x35a: {  	[tilespmem:s13], [sflag:$0x2] =	stream.strided.gather [hbm4b:s0+s9], $0x1900, s10, s9, $0x38;
	[tilespmem:$0x1EB00] =	vst v63  }
0x35b: {  	_ = 	snop  }
0x35c: {  	[tilespmem:s14], [sflag:$0x4] =	stream.strided.gather [hbm4b:s1+s9], $0x1900, s10, s9, $0x38;
	[tilespmem:$0x1EB00] =	vst v63  }
0x35d: {  	_ = 	snop  }
0x35e: {  	[spmem:s3] =	stream.indirect.scatter.add.f32 [tilespmem:s23], [sflag:$0x6], $0x1, s24, s17, $0xb8;
	[tilespmem:$0x1EB00] =	vst v63  }
0x35f: {  	_ =	swait.ge [sflag:s15], $0x1900  }
0x360: {  	[sflag:s15] =	ssyncset.done $0x0  }
0x361: {  	[sflag:s15] =	ssyncadd.s32 $0xFFFFE700  }
0x362: {  	_ =	swait.ge [sflag:s16], $0x1900  }
0x363: {  	[sflag:s16] =	ssyncset.done $0x0  }
0x364: {  	[sflag:s16] =	ssyncadd.s32 $0xFFFFE700  }
0x365: {  	_ =	swait.ge [sflag:s25], $0x1900  }
0x366: {  	[sflag:s25] =	ssyncset.done $0x0  }
0x367: {  	[sflag:s25] =	ssyncadd.s32 $0xFFFFE700  }
0x368: {  	[tilespmem:s18], [sflag:$0x7] =	stream.indirect.gather [spmem:s2], $0x1, s11, s17, $0xb8;
	[tilespmem:$0x1EB00] =	vst v63  }
0x369: {  	_ =	swait.ge [sflag:s5], $0x1900  }
0x36a: {  	[sflag:s5] =	ssyncset.done $0x0  }
0x36b: {  	s28 =	simm.s32 $0x1A940;
	[sflag:s5] =	ssyncadd.s32 $0xFFFFE700  }
0x36c: {  	v1 =	vld [tilespmem:s28+$0x30]  }
0x36d: {  	v2 =	vld [tilespmem:s28+$0xFFFFFFD0]  }
0x36e: {  	s29 =	simm.s32 $0x14540;
	v4 =	vld [tilespmem:s28+$0xFFFFFFE0]  }
0x36f: {  	v5 =	vld [tilespmem:s29+$0x30]  }
0x370: {  	v10 =	vld [tilespmem:s28+$0x0]  }
0x371: {  	v11 =	vld [tilespmem:s28+$0x10]  }
0x372: {  	v13 =	vld [tilespmem:s28+$0x20]  }
0x373: {  	v16 =	vld [tilespmem:s28+$0xFFFFFFC0]  }
0x374: {  	v6 =	vld [tilespmem:s28+$0xFFFFFFF0]  }
0x375: {  	v7 =	vand.u32 $0xF, v1;
	v8 =	vand.u32 $0xF, v2  }
0x376: {  	v3 =	vand.u32 $0xFFFFFFF0, v2;
	v19 =	vand.u32 $0xFFFFFFF0, v1;
	v1 =	vand.u32 $0xFFFFFFF0, v10  }
0x377: {  	v9 =	vld [tilespmem:s29+$0xFFFFFFC0];
	v15 =	vand.u32 $0xF, v11;
	v21 =	vand.u32 $0xF, v13;
	v2 =	vmul.u32 $0x19000, v7  }
0x378: {  	v20 =	vld [tilespmem:s29+$0xFFFFFFD0];
	v22 =	vand.u32 $0xF, v16;
	v18 =	vand.u32 $0xFFFFFFF0, v16;
	v7 =	vand.u32 $0xF, v4  }
0x379: {  	v12 =	vld [tilespmem:s29+$0xFFFFFFE0];
	v17 =	vmul.u32 $0x19000, v8;
	v5 =	vadd.s32 v5, v2;
	v2 =	vand.u32 $0xF, v6  }
0x37a: {  	s30 =	simm.s32 $0x17740;
	v14 =	vld [tilespmem:s29+$0xFFFFFFF0];
	v4 =	vand.u32 $0xFFFFFFF0, v4;
	v8 =	vmul.u32 $0x19000, v2;
	v2 =	vand.u32 $0xF, v10  }
0x37b: {  	[tilespmem:s30+$0x30] =	vst v5;
	v10 =	vmul.u32 $0x19000, v2;
	v2 =	vand.u32 $0xFFFFFFF0, v11;
	v11 =	vmul.u32 $0x19000, v15;
	v15 =	vld [tilespmem:s29+$0x0]  }
0x37c: {  	v16 =	vld [tilespmem:s29+$0x10];
	v7 =	vmul.u32 $0x19000, v7;
	v6 =	vand.u32 $0xFFFFFFF0, v6;
	[tilespmem:s28+$0x30] =	vst v19;
	v19 =	vmul.u32 $0x19000, v22  }
0x37d: {  	s31 =	simm.s32 $0x17740;
	s0 =	simm.s32 $0x0;
	s1 =	simm.s32 $0x1A9C0;
	v20 =	vadd.s32 v20, v17;
	v17 =	vld [tilespmem:s29+$0x20];
	v5 =	vand.u32 $0xFFFFFFF0, v13;
	v13 =	vmul.u32 $0x19000, v21  }
.LBB2_26:
0x37e: {  	v21 =	vld [tilespmem:s1+$0x30];
	v9 =	vadd.s32 v9, v19;
	[tilespmem:s30+$0xFFFFFFD0] =	vst v20;
	v7 =	vadd.s32 v12, v7  }
0x37f: {  	s0 =	sadd.s32 $0x80, s0;
	v12 =	vld [tilespmem:s1+$0xFFFFFFD0];
	[tilespmem:s30+$0xFFFFFFC0] =	vst v9;
	v8 =	vadd.s32 v14, v8  }
0x380: {  	s29 =	sadd.s32 $0x80, s29;
	p1 =	slt.u32 s0, $0x1880;
	v9 =	vld [tilespmem:s1+$0xFFFFFFE0];
	[tilespmem:s28+$0xFFFFFFC0] =	vst v18;
	v10 =	vadd.s32 v15, v10  }
0x381: {  	v14 =	vld [tilespmem:s29+$0x30];
	[tilespmem:s28+$0xFFFFFFD0] =	vst v3;
	v15 =	vadd.s32 v16, v11  }
0x382: {  	v11 =	vld [tilespmem:s1+$0xFFFFFFF0];
	[tilespmem:s30+$0xFFFFFFE0] =	vst v7;
	v17 =	vadd.s32 v17, v13  }
0x383: {  	v13 =	vld [tilespmem:s1+$0x0];
	v7 =	vand.u32 $0xF, v21;
	[tilespmem:s28+$0xFFFFFFE0] =	vst v4  }
0x384: {  	v4 =	vand.u32 $0xF, v12;
	v3 =	vand.u32 $0xFFFFFFF0, v12;
	v16 =	vld [tilespmem:s1+$0x10];
	v12 =	vmul.u32 $0x19000, v7;
	[tilespmem:s30+$0xFFFFFFF0] =	vst v8  }
0x385: {  	v20 =	vmul.u32 $0x19000, v4;
	v7 =	vand.u32 $0xF, v9;
	v4 =	vand.u32 $0xFFFFFFF0, v9;
	v18 =	vld [tilespmem:s1+$0x20];
	[tilespmem:s28+$0xFFFFFFF0] =	vst v6  }
0x386: {  	s30 =	sadd.s32 $0x80, s30;
	v19 =	vld [tilespmem:s1+$0xFFFFFFC0];
	v7 =	vmul.u32 $0x19000, v7;
	v8 =	vadd.s32 v14, v12;
	[tilespmem:s31+$0x0] =	vst v10  }
0x387: {  	v9 =	vld [tilespmem:s29+$0xFFFFFFC0];
	v10 =	vand.u32 $0xF, v11;
	v6 =	vand.u32 $0xFFFFFFF0, v11;
	[tilespmem:s30+$0x30] =	vst v8;
	v11 =	vand.u32 $0xFFFFFFF0, v21  }
0x388: {  	v21 =	vld [tilespmem:s29+$0xFFFFFFD0];
	v8 =	vmul.u32 $0x19000, v10;
	v10 =	vand.u32 $0xF, v13;
	v13 =	vand.u32 $0xFFFFFFF0, v13;
	[tilespmem:s1+$0x30] =	vst v11  }
.Ltmp14:
0x389: {  	v12 =	vld [tilespmem:s29+$0xFFFFFFE0];
	v10 =	vmul.u32 $0x19000, v10;
	v11 =	vand.u32 $0xF, v16;
	v16 =	vand.u32 $0xFFFFFFF0, v16;
	[tilespmem:s28+$0x0] =	vst v1;
	v1 =	vmovc v13;
	(pc) =	sbr.rel @p1 .LBB2_26-.Ltmp14, $4  }
0x38a: {  	v14 =	vld [tilespmem:s29+$0xFFFFFFF0];
	v11 =	vmul.u32 $0x19000, v11;
	v13 =	vand.u32 $0xF, v18;
	v22 =	vand.u32 $0xFFFFFFF0, v18;
	[tilespmem:s31+$0x10] =	vst v15  }
0x38b: {  	v23 =	vand.u32 $0xF, v19;
	v18 =	vand.u32 $0xFFFFFFF0, v19;
	v15 =	vld [tilespmem:s29+$0x0];
	v13 =	vmul.u32 $0x19000, v13;
	[tilespmem:s28+$0x10] =	vst v2;
	v2 =	vmovc v16  }
0x38c: {  	v19 =	vmul.u32 $0x19000, v23;
	v16 =	vld [tilespmem:s29+$0x10];
	[tilespmem:s31+$0x20] =	vst v17;
	s31 =	smov.u32 s30  }
0x38d: {  	v20 =	vadd.s32 v21, v20;
	v17 =	vld [tilespmem:s29+$0x20];
	[tilespmem:s28+$0x20] =	vst v5;
	v5 =	vmov v22;
	s28 =	smov.u32 s1;
	s1 =	sadd.s32 $0x80, s1  }
0x38e: {  	v9 =	vadd.s32 v9, v19;
	[tilespmem:s30+$0xFFFFFFD0] =	vst v20  }
0x38f: {  	[tilespmem:s30+$0xFFFFFFC0] =	vst v9  }
0x390: {  	v7 =	vadd.s32 v12, v7;
	[tilespmem:s28+$0xFFFFFFD0] =	vst v3  }
0x391: {  	[tilespmem:s30+$0xFFFFFFE0] =	vst v7  }
0x392: {  	[tilespmem:s28+$0xFFFFFFC0] =	vst v18  }
0x393: {  	v3 =	vadd.s32 v14, v8;
	[tilespmem:s28+$0xFFFFFFE0] =	vst v4  }
0x394: {  	[tilespmem:s30+$0xFFFFFFF0] =	vst v3  }
0x395: {  	v3 =	vadd.s32 v15, v10;
	[tilespmem:s28+$0xFFFFFFF0] =	vst v6  }
0x396: {  	[tilespmem:s31+$0x0] =	vst v3  }
0x397: {  	v3 =	vadd.s32 v16, v11;
	[tilespmem:s28+$0x0] =	vst v1  }
0x398: {  	[tilespmem:s31+$0x10] =	vst v3  }
0x399: {  	v1 =	vadd.s32 v17, v13;
	[tilespmem:s28+$0x10] =	vst v2  }
0x39a: {  	[tilespmem:s31+$0x20] =	vst v1  }
0x39b: {  	[tilespmem:s28+$0x20] =	vst v5  }
0x39c: {  	s0 =	sld [smem:$0x7F6];
	_ =	sdelay $0x1  }
0x39d: {  	s1 =	sld [smem:$0x7F7]  }
0x39e: {  	[tilespmem:s11], [sflag:$0x1] =	stream.strided.gather [hbm4b:s0+s9], $0x1900, s10, s9, $0x38;
	[tilespmem:$0x1EB00] =	vst v63  }
0x39f: {  	_ = 	snop  }
0x3a0: {  	[tilespmem:s12], [sflag:$0x3] =	stream.strided.gather [hbm4b:s1+s9], $0x1900, s10, s9, $0x38;
	[tilespmem:$0x1EB00] =	vst v63  }
0x3a1: {  	_ = 	snop  }
0x3a2: {  	[spmem:s3] =	stream.indirect.scatter.add.f32 [tilespmem:s18], [sflag:$0x5], $0x1, s19, s17, $0xb8;
	[tilespmem:$0x1EB00] =	vst v63  }
0x3a3: {  	_ =	swait.ge [sflag:s20], $0x1900  }
0x3a4: {  	[sflag:s20] =	ssyncset.done $0x0  }
0x3a5: {  	[sflag:s20] =	ssyncadd.s32 $0xFFFFE700  }
0x3a6: {  	_ =	swait.ge [sflag:s22], $0x1900  }
0x3a7: {  	[sflag:s22] =	ssyncset.done $0x0  }
0x3a8: {  	[sflag:s22] =	ssyncadd.s32 $0xFFFFE700  }
0x3a9: {  	_ =	swait.ge [sflag:s26], $0x1900  }
0x3aa: {  	[sflag:s26] =	ssyncset.done $0x0  }
0x3ab: {  	[sflag:s26] =	ssyncadd.s32 $0xFFFFE700  }
0x3ac: {  	[tilespmem:s23], [sflag:$0x7] =	stream.indirect.gather [spmem:s2], $0x1, s13, s17, $0xb8;
	[tilespmem:$0x1EB00] =	vst v63  }
0x3ad: {  	_ =	swait.ge [sflag:s5], $0x1900  }
0x3ae: {  	[sflag:s5] =	ssyncset.done $0x0  }
0x3af: {  	s28 =	simm.s32 $0x1C240;
	[sflag:s5] =	ssyncadd.s32 $0xFFFFE700  }
0x3b0: {  	v1 =	vld [tilespmem:s28+$0x30]  }
0x3b1: {  	v2 =	vld [tilespmem:s28+$0xFFFFFFD0]  }
0x3b2: {  	s29 =	simm.s32 $0x15E40;
	v4 =	vld [tilespmem:s28+$0xFFFFFFE0]  }
0x3b3: {  	v5 =	vld [tilespmem:s29+$0x30]  }
0x3b4: {  	v10 =	vld [tilespmem:s28+$0x0]  }
0x3b5: {  	v11 =	vld [tilespmem:s28+$0x10]  }
0x3b6: {  	v13 =	vld [tilespmem:s28+$0x20]  }
0x3b7: {  	v16 =	vld [tilespmem:s28+$0xFFFFFFC0]  }
0x3b8: {  	v6 =	vld [tilespmem:s28+$0xFFFFFFF0]  }
0x3b9: {  	v7 =	vand.u32 $0xF, v1;
	v8 =	vand.u32 $0xF, v2  }
0x3ba: {  	v3 =	vand.u32 $0xFFFFFFF0, v2;
	v19 =	vand.u32 $0xFFFFFFF0, v1;
	v1 =	vand.u32 $0xFFFFFFF0, v10  }
0x3bb: {  	v9 =	vld [tilespmem:s29+$0xFFFFFFC0];
	v15 =	vand.u32 $0xF, v11;
	v21 =	vand.u32 $0xF, v13;
	v2 =	vmul.u32 $0x19000, v7  }
0x3bc: {  	v20 =	vld [tilespmem:s29+$0xFFFFFFD0];
	v22 =	vand.u32 $0xF, v16;
	v18 =	vand.u32 $0xFFFFFFF0, v16;
	v7 =	vand.u32 $0xF, v4  }
0x3bd: {  	v12 =	vld [tilespmem:s29+$0xFFFFFFE0];
	v17 =	vmul.u32 $0x19000, v8;
	v5 =	vadd.s32 v5, v2;
	v2 =	vand.u32 $0xF, v6  }
0x3be: {  	s30 =	simm.s32 $0x19040;
	v14 =	vld [tilespmem:s29+$0xFFFFFFF0];
	v4 =	vand.u32 $0xFFFFFFF0, v4;
	v8 =	vmul.u32 $0x19000, v2;
	v2 =	vand.u32 $0xF, v10  }
0x3bf: {  	[tilespmem:s30+$0x30] =	vst v5;
	v10 =	vmul.u32 $0x19000, v2;
	v2 =	vand.u32 $0xFFFFFFF0, v11;
	v11 =	vmul.u32 $0x19000, v15;
	v15 =	vld [tilespmem:s29+$0x0]  }
0x3c0: {  	v16 =	vld [tilespmem:s29+$0x10];
	v7 =	vmul.u32 $0x19000, v7;
	v6 =	vand.u32 $0xFFFFFFF0, v6;
	[tilespmem:s28+$0x30] =	vst v19;
	v19 =	vmul.u32 $0x19000, v22  }
0x3c1: {  	s31 =	simm.s32 $0x19040;
	s0 =	simm.s32 $0x0;
	s1 =	simm.s32 $0x1C2C0;
	v20 =	vadd.s32 v20, v17;
	v17 =	vld [tilespmem:s29+$0x20];
	v5 =	vand.u32 $0xFFFFFFF0, v13;
	v13 =	vmul.u32 $0x19000, v21  }
.LBB2_28:
0x3c2: {  	v21 =	vld [tilespmem:s1+$0x30];
	v9 =	vadd.s32 v9, v19;
	[tilespmem:s30+$0xFFFFFFD0] =	vst v20;
	v7 =	vadd.s32 v12, v7  }
0x3c3: {  	s0 =	sadd.s32 $0x80, s0;
	v12 =	vld [tilespmem:s1+$0xFFFFFFD0];
	[tilespmem:s30+$0xFFFFFFC0] =	vst v9;
	v8 =	vadd.s32 v14, v8  }
0x3c4: {  	s29 =	sadd.s32 $0x80, s29;
	p1 =	slt.u32 s0, $0x1880;
	v9 =	vld [tilespmem:s1+$0xFFFFFFE0];
	[tilespmem:s28+$0xFFFFFFC0] =	vst v18;
	v10 =	vadd.s32 v15, v10  }
0x3c5: {  	v14 =	vld [tilespmem:s29+$0x30];
	[tilespmem:s28+$0xFFFFFFD0] =	vst v3;
	v15 =	vadd.s32 v16, v11  }
0x3c6: {  	v11 =	vld [tilespmem:s1+$0xFFFFFFF0];
	[tilespmem:s30+$0xFFFFFFE0] =	vst v7;
	v17 =	vadd.s32 v17, v13  }
0x3c7: {  	v13 =	vld [tilespmem:s1+$0x0];
	v7 =	vand.u32 $0xF, v21;
	[tilespmem:s28+$0xFFFFFFE0] =	vst v4  }
0x3c8: {  	v4 =	vand.u32 $0xF, v12;
	v3 =	vand.u32 $0xFFFFFFF0, v12;
	v16 =	vld [tilespmem:s1+$0x10];
	v12 =	vmul.u32 $0x19000, v7;
	[tilespmem:s30+$0xFFFFFFF0] =	vst v8  }
0x3c9: {  	v20 =	vmul.u32 $0x19000, v4;
	v7 =	vand.u32 $0xF, v9;
	v4 =	vand.u32 $0xFFFFFFF0, v9;
	v18 =	vld [tilespmem:s1+$0x20];
	[tilespmem:s28+$0xFFFFFFF0] =	vst v6  }
0x3ca: {  	s30 =	sadd.s32 $0x80, s30;
	v19 =	vld [tilespmem:s1+$0xFFFFFFC0];
	v7 =	vmul.u32 $0x19000, v7;
	v8 =	vadd.s32 v14, v12;
	[tilespmem:s31+$0x0] =	vst v10  }
0x3cb: {  	v9 =	vld [tilespmem:s29+$0xFFFFFFC0];
	v10 =	vand.u32 $0xF, v11;
	v6 =	vand.u32 $0xFFFFFFF0, v11;
	[tilespmem:s30+$0x30] =	vst v8;
	v11 =	vand.u32 $0xFFFFFFF0, v21  }
0x3cc: {  	v21 =	vld [tilespmem:s29+$0xFFFFFFD0];
	v8 =	vmul.u32 $0x19000, v10;
	v10 =	vand.u32 $0xF, v13;
	v13 =	vand.u32 $0xFFFFFFF0, v13;
	[tilespmem:s1+$0x30] =	vst v11  }
.Ltmp15:
0x3cd: {  	v12 =	vld [tilespmem:s29+$0xFFFFFFE0];
	v10 =	vmul.u32 $0x19000, v10;
	v11 =	vand.u32 $0xF, v16;
	v16 =	vand.u32 $0xFFFFFFF0, v16;
	[tilespmem:s28+$0x0] =	vst v1;
	v1 =	vmovc v13;
	(pc) =	sbr.rel @p1 .LBB2_28-.Ltmp15, $4  }
0x3ce: {  	v14 =	vld [tilespmem:s29+$0xFFFFFFF0];
	v11 =	vmul.u32 $0x19000, v11;
	v13 =	vand.u32 $0xF, v18;
	v22 =	vand.u32 $0xFFFFFFF0, v18;
	[tilespmem:s31+$0x10] =	vst v15  }
0x3cf: {  	v23 =	vand.u32 $0xF, v19;
	v18 =	vand.u32 $0xFFFFFFF0, v19;
	v15 =	vld [tilespmem:s29+$0x0];
	v13 =	vmul.u32 $0x19000, v13;
	[tilespmem:s28+$0x10] =	vst v2;
	v2 =	vmovc v16  }
0x3d0: {  	v19 =	vmul.u32 $0x19000, v23;
	v16 =	vld [tilespmem:s29+$0x10];
	[tilespmem:s31+$0x20] =	vst v17;
	s31 =	smov.u32 s30  }
0x3d1: {  	v20 =	vadd.s32 v21, v20;
	v17 =	vld [tilespmem:s29+$0x20];
	[tilespmem:s28+$0x20] =	vst v5;
	v5 =	vmov v22;
	s28 =	smov.u32 s1;
	s1 =	sadd.s32 $0x80, s1  }
0x3d2: {  	v9 =	vadd.s32 v9, v19;
	[tilespmem:s30+$0xFFFFFFD0] =	vst v20  }
0x3d3: {  	[tilespmem:s30+$0xFFFFFFC0] =	vst v9  }
0x3d4: {  	v7 =	vadd.s32 v12, v7;
	[tilespmem:s28+$0xFFFFFFD0] =	vst v3  }
0x3d5: {  	[tilespmem:s30+$0xFFFFFFE0] =	vst v7  }
0x3d6: {  	[tilespmem:s28+$0xFFFFFFC0] =	vst v18  }
0x3d7: {  	v3 =	vadd.s32 v14, v8;
	[tilespmem:s28+$0xFFFFFFE0] =	vst v4  }
0x3d8: {  	[tilespmem:s30+$0xFFFFFFF0] =	vst v3  }
0x3d9: {  	v3 =	vadd.s32 v15, v10;
	[tilespmem:s28+$0xFFFFFFF0] =	vst v6  }
0x3da: {  	[tilespmem:s31+$0x0] =	vst v3  }
0x3db: {  	v3 =	vadd.s32 v16, v11;
	[tilespmem:s28+$0x0] =	vst v1  }
0x3dc: {  	[tilespmem:s31+$0x10] =	vst v3  }
0x3dd: {  	v1 =	vadd.s32 v17, v13;
	[tilespmem:s28+$0x10] =	vst v2  }
0x3de: {  	[tilespmem:s31+$0x20] =	vst v1  }
0x3df: {  	[tilespmem:s28+$0x20] =	vst v5  }
0x3e0: {  	s0 =	sld [smem:$0x7F8];
	_ =	sdelay $0x1  }
0x3e1: {  	s1 =	sld [smem:$0x7F9]  }
0x3e2: {  	[tilespmem:s13], [sflag:$0x2] =	stream.strided.gather [hbm4b:s0+s9], $0x1900, s10, s9, $0x38;
	[tilespmem:$0x1EB00] =	vst v63  }
0x3e3: {  	_ = 	snop  }
0x3e4: {  	[tilespmem:s14], [sflag:$0x4] =	stream.strided.gather [hbm4b:s1+s9], $0x1900, s10, s9, $0x38;
	[tilespmem:$0x1EB00] =	vst v63  }
0x3e5: {  	_ = 	snop  }
0x3e6: {  	[spmem:s3] =	stream.indirect.scatter.add.f32 [tilespmem:s23], [sflag:$0x6], $0x1, s24, s17, $0xb8;
	[tilespmem:$0x1EB00] =	vst v63  }
0x3e7: {  	_ =	swait.ge [sflag:s15], $0x1900  }
0x3e8: {  	[sflag:s15] =	ssyncset.done $0x0  }
0x3e9: {  	[sflag:s15] =	ssyncadd.s32 $0xFFFFE700  }
0x3ea: {  	_ =	swait.ge [sflag:s16], $0x1900  }
0x3eb: {  	[sflag:s16] =	ssyncset.done $0x0  }
0x3ec: {  	[sflag:s16] =	ssyncadd.s32 $0xFFFFE700  }
0x3ed: {  	_ =	swait.ge [sflag:s25], $0x1900  }
0x3ee: {  	[sflag:s25] =	ssyncset.done $0x0  }
0x3ef: {  	[sflag:s25] =	ssyncadd.s32 $0xFFFFE700  }
0x3f0: {  	[tilespmem:s18], [sflag:$0x7] =	stream.indirect.gather [spmem:s2], $0x1, s11, s17, $0xb8;
	[tilespmem:$0x1EB00] =	vst v63  }
0x3f1: {  	_ =	swait.ge [sflag:s5], $0x1900  }
0x3f2: {  	[sflag:s5] =	ssyncset.done $0x0  }
0x3f3: {  	s28 =	simm.s32 $0x1A940;
	[sflag:s5] =	ssyncadd.s32 $0xFFFFE700  }
0x3f4: {  	v1 =	vld [tilespmem:s28+$0x30]  }
0x3f5: {  	v2 =	vld [tilespmem:s28+$0xFFFFFFD0]  }
0x3f6: {  	s29 =	simm.s32 $0x14540;
	v4 =	vld [tilespmem:s28+$0xFFFFFFE0]  }
0x3f7: {  	v5 =	vld [tilespmem:s29+$0x30]  }
0x3f8: {  	v10 =	vld [tilespmem:s28+$0x0]  }
0x3f9: {  	v11 =	vld [tilespmem:s28+$0x10]  }
0x3fa: {  	v13 =	vld [tilespmem:s28+$0x20]  }
0x3fb: {  	v16 =	vld [tilespmem:s28+$0xFFFFFFC0]  }
0x3fc: {  	v6 =	vld [tilespmem:s28+$0xFFFFFFF0]  }
0x3fd: {  	v7 =	vand.u32 $0xF, v1;
	v8 =	vand.u32 $0xF, v2  }
0x3fe: {  	v3 =	vand.u32 $0xFFFFFFF0, v2;
	v19 =	vand.u32 $0xFFFFFFF0, v1;
	v1 =	vand.u32 $0xFFFFFFF0, v10  }
0x3ff: {  	v9 =	vld [tilespmem:s29+$0xFFFFFFC0];
	v15 =	vand.u32 $0xF, v11;
	v21 =	vand.u32 $0xF, v13;
	v2 =	vmul.u32 $0x19000, v7  }
0x400: {  	v20 =	vld [tilespmem:s29+$0xFFFFFFD0];
	v22 =	vand.u32 $0xF, v16;
	v18 =	vand.u32 $0xFFFFFFF0, v16;
	v7 =	vand.u32 $0xF, v4  }
0x401: {  	v12 =	vld [tilespmem:s29+$0xFFFFFFE0];
	v17 =	vmul.u32 $0x19000, v8;
	v5 =	vadd.s32 v5, v2;
	v2 =	vand.u32 $0xF, v6  }
0x402: {  	s30 =	simm.s32 $0x17740;
	v14 =	vld [tilespmem:s29+$0xFFFFFFF0];
	v4 =	vand.u32 $0xFFFFFFF0, v4;
	v8 =	vmul.u32 $0x19000, v2;
	v2 =	vand.u32 $0xF, v10  }
0x403: {  	[tilespmem:s30+$0x30] =	vst v5;
	v10 =	vmul.u32 $0x19000, v2;
	v2 =	vand.u32 $0xFFFFFFF0, v11;
	v11 =	vmul.u32 $0x19000, v15;
	v15 =	vld [tilespmem:s29+$0x0]  }
0x404: {  	v16 =	vld [tilespmem:s29+$0x10];
	v7 =	vmul.u32 $0x19000, v7;
	v6 =	vand.u32 $0xFFFFFFF0, v6;
	[tilespmem:s28+$0x30] =	vst v19;
	v19 =	vmul.u32 $0x19000, v22  }
0x405: {  	s31 =	simm.s32 $0x17740;
	s0 =	simm.s32 $0x0;
	s1 =	simm.s32 $0x1A9C0;
	v20 =	vadd.s32 v20, v17;
	v17 =	vld [tilespmem:s29+$0x20];
	v5 =	vand.u32 $0xFFFFFFF0, v13;
	v13 =	vmul.u32 $0x19000, v21  }
.LBB2_30:
0x406: {  	v21 =	vld [tilespmem:s1+$0x30];
	v9 =	vadd.s32 v9, v19;
	[tilespmem:s30+$0xFFFFFFD0] =	vst v20;
	v7 =	vadd.s32 v12, v7  }
0x407: {  	s0 =	sadd.s32 $0x80, s0;
	v12 =	vld [tilespmem:s1+$0xFFFFFFD0];
	[tilespmem:s30+$0xFFFFFFC0] =	vst v9;
	v8 =	vadd.s32 v14, v8  }
0x408: {  	s29 =	sadd.s32 $0x80, s29;
	p1 =	slt.u32 s0, $0x1880;
	v9 =	vld [tilespmem:s1+$0xFFFFFFE0];
	[tilespmem:s28+$0xFFFFFFC0] =	vst v18;
	v10 =	vadd.s32 v15, v10  }
0x409: {  	v14 =	vld [tilespmem:s29+$0x30];
	[tilespmem:s28+$0xFFFFFFD0] =	vst v3;
	v15 =	vadd.s32 v16, v11  }
0x40a: {  	v11 =	vld [tilespmem:s1+$0xFFFFFFF0];
	[tilespmem:s30+$0xFFFFFFE0] =	vst v7;
	v17 =	vadd.s32 v17, v13  }
0x40b: {  	v13 =	vld [tilespmem:s1+$0x0];
	v7 =	vand.u32 $0xF, v21;
	[tilespmem:s28+$0xFFFFFFE0] =	vst v4  }
0x40c: {  	v4 =	vand.u32 $0xF, v12;
	v3 =	vand.u32 $0xFFFFFFF0, v12;
	v16 =	vld [tilespmem:s1+$0x10];
	v12 =	vmul.u32 $0x19000, v7;
	[tilespmem:s30+$0xFFFFFFF0] =	vst v8  }
0x40d: {  	v20 =	vmul.u32 $0x19000, v4;
	v7 =	vand.u32 $0xF, v9;
	v4 =	vand.u32 $0xFFFFFFF0, v9;
	v18 =	vld [tilespmem:s1+$0x20];
	[tilespmem:s28+$0xFFFFFFF0] =	vst v6  }
0x40e: {  	s30 =	sadd.s32 $0x80, s30;
	v19 =	vld [tilespmem:s1+$0xFFFFFFC0];
	v7 =	vmul.u32 $0x19000, v7;
	v8 =	vadd.s32 v14, v12;
	[tilespmem:s31+$0x0] =	vst v10  }
0x40f: {  	v9 =	vld [tilespmem:s29+$0xFFFFFFC0];
	v10 =	vand.u32 $0xF, v11;
	v6 =	vand.u32 $0xFFFFFFF0, v11;
	[tilespmem:s30+$0x30] =	vst v8;
	v11 =	vand.u32 $0xFFFFFFF0, v21  }
0x410: {  	v21 =	vld [tilespmem:s29+$0xFFFFFFD0];
	v8 =	vmul.u32 $0x19000, v10;
	v10 =	vand.u32 $0xF, v13;
	v13 =	vand.u32 $0xFFFFFFF0, v13;
	[tilespmem:s1+$0x30] =	vst v11  }
.Ltmp16:
0x411: {  	v12 =	vld [tilespmem:s29+$0xFFFFFFE0];
	v10 =	vmul.u32 $0x19000, v10;
	v11 =	vand.u32 $0xF, v16;
	v16 =	vand.u32 $0xFFFFFFF0, v16;
	[tilespmem:s28+$0x0] =	vst v1;
	v1 =	vmovc v13;
	(pc) =	sbr.rel @p1 .LBB2_30-.Ltmp16, $4  }
0x412: {  	v14 =	vld [tilespmem:s29+$0xFFFFFFF0];
	v11 =	vmul.u32 $0x19000, v11;
	v13 =	vand.u32 $0xF, v18;
	v22 =	vand.u32 $0xFFFFFFF0, v18;
	[tilespmem:s31+$0x10] =	vst v15  }
0x413: {  	v23 =	vand.u32 $0xF, v19;
	v18 =	vand.u32 $0xFFFFFFF0, v19;
	v15 =	vld [tilespmem:s29+$0x0];
	v13 =	vmul.u32 $0x19000, v13;
	[tilespmem:s28+$0x10] =	vst v2;
	v2 =	vmovc v16  }
0x414: {  	v19 =	vmul.u32 $0x19000, v23;
	v16 =	vld [tilespmem:s29+$0x10];
	[tilespmem:s31+$0x20] =	vst v17;
	s31 =	smov.u32 s30  }
0x415: {  	v20 =	vadd.s32 v21, v20;
	v17 =	vld [tilespmem:s29+$0x20];
	[tilespmem:s28+$0x20] =	vst v5;
	v5 =	vmov v22;
	s28 =	smov.u32 s1;
	s1 =	sadd.s32 $0x80, s1  }
0x416: {  	v9 =	vadd.s32 v9, v19;
	[tilespmem:s30+$0xFFFFFFD0] =	vst v20  }
0x417: {  	[tilespmem:s30+$0xFFFFFFC0] =	vst v9  }
0x418: {  	v7 =	vadd.s32 v12, v7;
	[tilespmem:s28+$0xFFFFFFD0] =	vst v3  }
0x419: {  	[tilespmem:s30+$0xFFFFFFE0] =	vst v7  }
0x41a: {  	[tilespmem:s28+$0xFFFFFFC0] =	vst v18  }
0x41b: {  	v3 =	vadd.s32 v14, v8;
	[tilespmem:s28+$0xFFFFFFE0] =	vst v4  }
0x41c: {  	[tilespmem:s30+$0xFFFFFFF0] =	vst v3  }
0x41d: {  	v3 =	vadd.s32 v15, v10;
	[tilespmem:s28+$0xFFFFFFF0] =	vst v6  }
0x41e: {  	[tilespmem:s31+$0x0] =	vst v3  }
0x41f: {  	v3 =	vadd.s32 v16, v11;
	[tilespmem:s28+$0x0] =	vst v1  }
0x420: {  	[tilespmem:s31+$0x10] =	vst v3  }
0x421: {  	v1 =	vadd.s32 v17, v13;
	[tilespmem:s28+$0x10] =	vst v2  }
0x422: {  	[tilespmem:s31+$0x20] =	vst v1  }
0x423: {  	[tilespmem:s28+$0x20] =	vst v5  }
0x424: {  	s0 =	sld [smem:$0x7FA];
	_ =	sdelay $0x1  }
0x425: {  	s1 =	sld [smem:$0x7FB]  }
0x426: {  	[tilespmem:s11], [sflag:$0x1] =	stream.strided.gather [hbm4b:s0+s9], $0x1900, s10, s9, $0x38;
	[tilespmem:$0x1EB00] =	vst v63  }
0x427: {  	_ = 	snop  }
0x428: {  	[tilespmem:s12], [sflag:$0x3] =	stream.strided.gather [hbm4b:s1+s9], $0x1900, s10, s9, $0x38;
	[tilespmem:$0x1EB00] =	vst v63  }
0x429: {  	_ = 	snop  }
0x42a: {  	[spmem:s3] =	stream.indirect.scatter.add.f32 [tilespmem:s18], [sflag:$0x5], $0x1, s19, s17, $0xb8;
	[tilespmem:$0x1EB00] =	vst v63  }
0x42b: {  	_ =	swait.ge [sflag:s20], $0x1900  }
0x42c: {  	[sflag:s20] =	ssyncset.done $0x0  }
0x42d: {  	[sflag:s20] =	ssyncadd.s32 $0xFFFFE700  }
0x42e: {  	_ =	swait.ge [sflag:s22], $0x1900  }
0x42f: {  	[sflag:s22] =	ssyncset.done $0x0  }
0x430: {  	[sflag:s22] =	ssyncadd.s32 $0xFFFFE700  }
0x431: {  	_ =	swait.ge [sflag:s26], $0x1900  }
0x432: {  	[sflag:s26] =	ssyncset.done $0x0  }
0x433: {  	[sflag:s26] =	ssyncadd.s32 $0xFFFFE700  }
0x434: {  	[tilespmem:s23], [sflag:$0x7] =	stream.indirect.gather [spmem:s2], $0x1, s13, s17, $0xb8;
	[tilespmem:$0x1EB00] =	vst v63  }
0x435: {  	_ =	swait.ge [sflag:s5], $0x1900  }
0x436: {  	[sflag:s5] =	ssyncset.done $0x0  }
0x437: {  	s28 =	simm.s32 $0x1C240;
	[sflag:s5] =	ssyncadd.s32 $0xFFFFE700  }
0x438: {  	v1 =	vld [tilespmem:s28+$0x30]  }
0x439: {  	v2 =	vld [tilespmem:s28+$0xFFFFFFD0]  }
0x43a: {  	s29 =	simm.s32 $0x15E40;
	v4 =	vld [tilespmem:s28+$0xFFFFFFE0]  }
0x43b: {  	v5 =	vld [tilespmem:s29+$0x30]  }
0x43c: {  	v10 =	vld [tilespmem:s28+$0x0]  }
0x43d: {  	v11 =	vld [tilespmem:s28+$0x10]  }
0x43e: {  	v13 =	vld [tilespmem:s28+$0x20]  }
0x43f: {  	v16 =	vld [tilespmem:s28+$0xFFFFFFC0]  }
0x440: {  	v6 =	vld [tilespmem:s28+$0xFFFFFFF0]  }
0x441: {  	v7 =	vand.u32 $0xF, v1;
	v8 =	vand.u32 $0xF, v2  }
0x442: {  	v3 =	vand.u32 $0xFFFFFFF0, v2;
	v19 =	vand.u32 $0xFFFFFFF0, v1;
	v1 =	vand.u32 $0xFFFFFFF0, v10  }
0x443: {  	v9 =	vld [tilespmem:s29+$0xFFFFFFC0];
	v15 =	vand.u32 $0xF, v11;
	v21 =	vand.u32 $0xF, v13;
	v2 =	vmul.u32 $0x19000, v7  }
0x444: {  	v20 =	vld [tilespmem:s29+$0xFFFFFFD0];
	v22 =	vand.u32 $0xF, v16;
	v18 =	vand.u32 $0xFFFFFFF0, v16;
	v7 =	vand.u32 $0xF, v4  }
0x445: {  	v12 =	vld [tilespmem:s29+$0xFFFFFFE0];
	v17 =	vmul.u32 $0x19000, v8;
	v5 =	vadd.s32 v5, v2;
	v2 =	vand.u32 $0xF, v6  }
0x446: {  	s30 =	simm.s32 $0x19040;
	v14 =	vld [tilespmem:s29+$0xFFFFFFF0];
	v4 =	vand.u32 $0xFFFFFFF0, v4;
	v8 =	vmul.u32 $0x19000, v2;
	v2 =	vand.u32 $0xF, v10  }
0x447: {  	[tilespmem:s30+$0x30] =	vst v5;
	v10 =	vmul.u32 $0x19000, v2;
	v2 =	vand.u32 $0xFFFFFFF0, v11;
	v11 =	vmul.u32 $0x19000, v15;
	v15 =	vld [tilespmem:s29+$0x0]  }
0x448: {  	v16 =	vld [tilespmem:s29+$0x10];
	v7 =	vmul.u32 $0x19000, v7;
	v6 =	vand.u32 $0xFFFFFFF0, v6;
	[tilespmem:s28+$0x30] =	vst v19;
	v19 =	vmul.u32 $0x19000, v22  }
0x449: {  	s31 =	simm.s32 $0x19040;
	s0 =	simm.s32 $0x0;
	s1 =	simm.s32 $0x1C2C0;
	v20 =	vadd.s32 v20, v17;
	v17 =	vld [tilespmem:s29+$0x20];
	v5 =	vand.u32 $0xFFFFFFF0, v13;
	v13 =	vmul.u32 $0x19000, v21  }
.LBB2_32:
0x44a: {  	v21 =	vld [tilespmem:s1+$0x30];
	v9 =	vadd.s32 v9, v19;
	[tilespmem:s30+$0xFFFFFFD0] =	vst v20;
	v7 =	vadd.s32 v12, v7  }
0x44b: {  	s0 =	sadd.s32 $0x80, s0;
	v12 =	vld [tilespmem:s1+$0xFFFFFFD0];
	[tilespmem:s30+$0xFFFFFFC0] =	vst v9;
	v8 =	vadd.s32 v14, v8  }
0x44c: {  	s29 =	sadd.s32 $0x80, s29;
	p1 =	slt.u32 s0, $0x1880;
	v9 =	vld [tilespmem:s1+$0xFFFFFFE0];
	[tilespmem:s28+$0xFFFFFFC0] =	vst v18;
	v10 =	vadd.s32 v15, v10  }
0x44d: {  	v14 =	vld [tilespmem:s29+$0x30];
	[tilespmem:s28+$0xFFFFFFD0] =	vst v3;
	v15 =	vadd.s32 v16, v11  }
0x44e: {  	v11 =	vld [tilespmem:s1+$0xFFFFFFF0];
	[tilespmem:s30+$0xFFFFFFE0] =	vst v7;
	v17 =	vadd.s32 v17, v13  }
0x44f: {  	v13 =	vld [tilespmem:s1+$0x0];
	v7 =	vand.u32 $0xF, v21;
	[tilespmem:s28+$0xFFFFFFE0] =	vst v4  }
0x450: {  	v4 =	vand.u32 $0xF, v12;
	v3 =	vand.u32 $0xFFFFFFF0, v12;
	v16 =	vld [tilespmem:s1+$0x10];
	v12 =	vmul.u32 $0x19000, v7;
	[tilespmem:s30+$0xFFFFFFF0] =	vst v8  }
0x451: {  	v20 =	vmul.u32 $0x19000, v4;
	v7 =	vand.u32 $0xF, v9;
	v4 =	vand.u32 $0xFFFFFFF0, v9;
	v18 =	vld [tilespmem:s1+$0x20];
	[tilespmem:s28+$0xFFFFFFF0] =	vst v6  }
0x452: {  	s30 =	sadd.s32 $0x80, s30;
	v19 =	vld [tilespmem:s1+$0xFFFFFFC0];
	v7 =	vmul.u32 $0x19000, v7;
	v8 =	vadd.s32 v14, v12;
	[tilespmem:s31+$0x0] =	vst v10  }
0x453: {  	v9 =	vld [tilespmem:s29+$0xFFFFFFC0];
	v10 =	vand.u32 $0xF, v11;
	v6 =	vand.u32 $0xFFFFFFF0, v11;
	[tilespmem:s30+$0x30] =	vst v8;
	v11 =	vand.u32 $0xFFFFFFF0, v21  }
0x454: {  	v21 =	vld [tilespmem:s29+$0xFFFFFFD0];
	v8 =	vmul.u32 $0x19000, v10;
	v10 =	vand.u32 $0xF, v13;
	v13 =	vand.u32 $0xFFFFFFF0, v13;
	[tilespmem:s1+$0x30] =	vst v11  }
.Ltmp17:
0x455: {  	v12 =	vld [tilespmem:s29+$0xFFFFFFE0];
	v10 =	vmul.u32 $0x19000, v10;
	v11 =	vand.u32 $0xF, v16;
	v16 =	vand.u32 $0xFFFFFFF0, v16;
	[tilespmem:s28+$0x0] =	vst v1;
	v1 =	vmovc v13;
	(pc) =	sbr.rel @p1 .LBB2_32-.Ltmp17, $4  }
0x456: {  	v14 =	vld [tilespmem:s29+$0xFFFFFFF0];
	v11 =	vmul.u32 $0x19000, v11;
	v13 =	vand.u32 $0xF, v18;
	v22 =	vand.u32 $0xFFFFFFF0, v18;
	[tilespmem:s31+$0x10] =	vst v15  }
0x457: {  	v23 =	vand.u32 $0xF, v19;
	v18 =	vand.u32 $0xFFFFFFF0, v19;
	v15 =	vld [tilespmem:s29+$0x0];
	v13 =	vmul.u32 $0x19000, v13;
	[tilespmem:s28+$0x10] =	vst v2;
	v2 =	vmovc v16  }
0x458: {  	v19 =	vmul.u32 $0x19000, v23;
	v16 =	vld [tilespmem:s29+$0x10];
	[tilespmem:s31+$0x20] =	vst v17;
	s31 =	smov.u32 s30  }
0x459: {  	v20 =	vadd.s32 v21, v20;
	v17 =	vld [tilespmem:s29+$0x20];
	[tilespmem:s28+$0x20] =	vst v5;
	v5 =	vmov v22;
	s28 =	smov.u32 s1;
	s1 =	sadd.s32 $0x80, s1  }
0x45a: {  	v9 =	vadd.s32 v9, v19;
	[tilespmem:s30+$0xFFFFFFD0] =	vst v20  }
0x45b: {  	[tilespmem:s30+$0xFFFFFFC0] =	vst v9  }
0x45c: {  	v7 =	vadd.s32 v12, v7;
	[tilespmem:s28+$0xFFFFFFD0] =	vst v3  }
0x45d: {  	[tilespmem:s30+$0xFFFFFFE0] =	vst v7  }
0x45e: {  	[tilespmem:s28+$0xFFFFFFC0] =	vst v18  }
0x45f: {  	v3 =	vadd.s32 v14, v8;
	[tilespmem:s28+$0xFFFFFFE0] =	vst v4  }
0x460: {  	[tilespmem:s30+$0xFFFFFFF0] =	vst v3  }
0x461: {  	v3 =	vadd.s32 v15, v10;
	[tilespmem:s28+$0xFFFFFFF0] =	vst v6  }
0x462: {  	[tilespmem:s31+$0x0] =	vst v3  }
0x463: {  	v3 =	vadd.s32 v16, v11;
	[tilespmem:s28+$0x0] =	vst v1  }
0x464: {  	[tilespmem:s31+$0x10] =	vst v3  }
0x465: {  	v1 =	vadd.s32 v17, v13;
	[tilespmem:s28+$0x10] =	vst v2  }
0x466: {  	[tilespmem:s31+$0x20] =	vst v1  }
0x467: {  	[tilespmem:s28+$0x20] =	vst v5  }
0x468: {  	s29 =	sld [smem:$0x7FC];
	_ =	sdelay $0x1  }
0x469: {  	s0 =	simm.s32 @!p0 $0x80;
	s1 =	simm.s32 @!p0 $0x100;
	s28 =	simm.s32 @!p0 $0x12C00  }
0x46a: {  	[tilespmem:s28], [sflag:$0x2] =	stream.strided.gather @!p0 [hbm4b:s29+s0], $0x1900, s1, s0, $0x38;
	[tilespmem:$0x1EB00] =	vst v63  }
0x46b: {  	s29 =	sld [smem:$0x7FD];
	_ =	sdelay $0x1  }
0x46c: {  	s28 =	simm.s32 @!p0 $0x15E00  }
0x46d: {  	[tilespmem:s28], [sflag:$0x4] =	stream.strided.gather @!p0 [hbm4b:s29+s0], $0x1900, s1, s0, $0x38;
	[tilespmem:$0x1EB00] =	vst v63  }
0x46e: {  	_ = 	snop  }
0x46f: {  	[spmem:s3] =	stream.indirect.scatter.add.f32 [tilespmem:s23], [sflag:$0x6], $0x1, s24, s17, $0xb8;
	[tilespmem:$0x1EB00] =	vst v63  }
0x470: {  	_ =	swait.ge [sflag:s15], $0x1900  }
0x471: {  	[sflag:s15] =	ssyncset.done $0x0  }
0x472: {  	[sflag:s15] =	ssyncadd.s32 $0xFFFFE700  }
0x473: {  	_ =	swait.ge [sflag:s16], $0x1900  }
0x474: {  	[sflag:s16] =	ssyncset.done $0x0  }
0x475: {  	[sflag:s16] =	ssyncadd.s32 $0xFFFFE700  }
0x476: {  	_ =	swait.ge [sflag:s25], $0x1900  }
0x477: {  	[sflag:s25] =	ssyncset.done $0x0  }
0x478: {  	[sflag:s25] =	ssyncadd.s32 $0xFFFFE700  }
0x479: {  	[tilespmem:s18], [sflag:$0x7] =	stream.indirect.gather [spmem:s2], $0x1, s11, s17, $0xb8;
	[tilespmem:$0x1EB00] =	vst v63  }
0x47a: {  	_ =	swait.ge [sflag:s5], $0x1900  }
0x47b: {  	[sflag:s5] =	ssyncset.done $0x0  }
0x47c: {  	s28 =	simm.s32 $0x1A940;
	[sflag:s5] =	ssyncadd.s32 $0xFFFFE700  }
0x47d: {  	v1 =	vld [tilespmem:s28+$0x30]  }
0x47e: {  	v2 =	vld [tilespmem:s28+$0xFFFFFFD0]  }
0x47f: {  	s29 =	simm.s32 $0x14540;
	v4 =	vld [tilespmem:s28+$0xFFFFFFE0]  }
0x480: {  	v5 =	vld [tilespmem:s29+$0x30]  }
0x481: {  	v10 =	vld [tilespmem:s28+$0x0]  }
0x482: {  	v11 =	vld [tilespmem:s28+$0x10]  }
0x483: {  	v13 =	vld [tilespmem:s28+$0x20]  }
0x484: {  	v16 =	vld [tilespmem:s28+$0xFFFFFFC0]  }
0x485: {  	v6 =	vld [tilespmem:s28+$0xFFFFFFF0]  }
0x486: {  	v7 =	vand.u32 $0xF, v1;
	v8 =	vand.u32 $0xF, v2  }
0x487: {  	v3 =	vand.u32 $0xFFFFFFF0, v2;
	v19 =	vand.u32 $0xFFFFFFF0, v1;
	v1 =	vand.u32 $0xFFFFFFF0, v10  }
0x488: {  	v9 =	vld [tilespmem:s29+$0xFFFFFFC0];
	v15 =	vand.u32 $0xF, v11;
	v21 =	vand.u32 $0xF, v13;
	v2 =	vmul.u32 $0x19000, v7  }
0x489: {  	v20 =	vld [tilespmem:s29+$0xFFFFFFD0];
	v22 =	vand.u32 $0xF, v16;
	v18 =	vand.u32 $0xFFFFFFF0, v16;
	v7 =	vand.u32 $0xF, v4  }
0x48a: {  	v12 =	vld [tilespmem:s29+$0xFFFFFFE0];
	v17 =	vmul.u32 $0x19000, v8;
	v5 =	vadd.s32 v5, v2;
	v2 =	vand.u32 $0xF, v6  }
0x48b: {  	s30 =	simm.s32 $0x17740;
	v14 =	vld [tilespmem:s29+$0xFFFFFFF0];
	v4 =	vand.u32 $0xFFFFFFF0, v4;
	v8 =	vmul.u32 $0x19000, v2;
	v2 =	vand.u32 $0xF, v10  }
0x48c: {  	[tilespmem:s30+$0x30] =	vst v5;
	v10 =	vmul.u32 $0x19000, v2;
	v2 =	vand.u32 $0xFFFFFFF0, v11;
	v11 =	vmul.u32 $0x19000, v15;
	v15 =	vld [tilespmem:s29+$0x0]  }
0x48d: {  	v16 =	vld [tilespmem:s29+$0x10];
	v7 =	vmul.u32 $0x19000, v7;
	v6 =	vand.u32 $0xFFFFFFF0, v6;
	[tilespmem:s28+$0x30] =	vst v19;
	v19 =	vmul.u32 $0x19000, v22  }
0x48e: {  	s31 =	simm.s32 $0x17740;
	s0 =	simm.s32 $0x0;
	s1 =	simm.s32 $0x1A9C0;
	v20 =	vadd.s32 v20, v17;
	v17 =	vld [tilespmem:s29+$0x20];
	v5 =	vand.u32 $0xFFFFFFF0, v13;
	v13 =	vmul.u32 $0x19000, v21  }
.LBB2_34:
0x48f: {  	v21 =	vld [tilespmem:s1+$0x30];
	v9 =	vadd.s32 v9, v19;
	[tilespmem:s30+$0xFFFFFFD0] =	vst v20;
	v7 =	vadd.s32 v12, v7  }
0x490: {  	s0 =	sadd.s32 $0x80, s0;
	v12 =	vld [tilespmem:s1+$0xFFFFFFD0];
	[tilespmem:s30+$0xFFFFFFC0] =	vst v9;
	v8 =	vadd.s32 v14, v8  }
0x491: {  	s29 =	sadd.s32 $0x80, s29;
	p1 =	slt.u32 s0, $0x1880;
	v9 =	vld [tilespmem:s1+$0xFFFFFFE0];
	[tilespmem:s28+$0xFFFFFFC0] =	vst v18;
	v10 =	vadd.s32 v15, v10  }
0x492: {  	v14 =	vld [tilespmem:s29+$0x30];
	[tilespmem:s28+$0xFFFFFFD0] =	vst v3;
	v15 =	vadd.s32 v16, v11  }
0x493: {  	v11 =	vld [tilespmem:s1+$0xFFFFFFF0];
	[tilespmem:s30+$0xFFFFFFE0] =	vst v7;
	v17 =	vadd.s32 v17, v13  }
0x494: {  	v13 =	vld [tilespmem:s1+$0x0];
	v7 =	vand.u32 $0xF, v21;
	[tilespmem:s28+$0xFFFFFFE0] =	vst v4  }
0x495: {  	v4 =	vand.u32 $0xF, v12;
	v3 =	vand.u32 $0xFFFFFFF0, v12;
	v16 =	vld [tilespmem:s1+$0x10];
	v12 =	vmul.u32 $0x19000, v7;
	[tilespmem:s30+$0xFFFFFFF0] =	vst v8  }
0x496: {  	v20 =	vmul.u32 $0x19000, v4;
	v7 =	vand.u32 $0xF, v9;
	v4 =	vand.u32 $0xFFFFFFF0, v9;
	v18 =	vld [tilespmem:s1+$0x20];
	[tilespmem:s28+$0xFFFFFFF0] =	vst v6  }
0x497: {  	s30 =	sadd.s32 $0x80, s30;
	v19 =	vld [tilespmem:s1+$0xFFFFFFC0];
	v7 =	vmul.u32 $0x19000, v7;
	v8 =	vadd.s32 v14, v12;
	[tilespmem:s31+$0x0] =	vst v10  }
0x498: {  	v9 =	vld [tilespmem:s29+$0xFFFFFFC0];
	v10 =	vand.u32 $0xF, v11;
	v6 =	vand.u32 $0xFFFFFFF0, v11;
	[tilespmem:s30+$0x30] =	vst v8;
	v11 =	vand.u32 $0xFFFFFFF0, v21  }
0x499: {  	v21 =	vld [tilespmem:s29+$0xFFFFFFD0];
	v8 =	vmul.u32 $0x19000, v10;
	v10 =	vand.u32 $0xF, v13;
	v13 =	vand.u32 $0xFFFFFFF0, v13;
	[tilespmem:s1+$0x30] =	vst v11  }
.Ltmp18:
0x49a: {  	v12 =	vld [tilespmem:s29+$0xFFFFFFE0];
	v10 =	vmul.u32 $0x19000, v10;
	v11 =	vand.u32 $0xF, v16;
	v16 =	vand.u32 $0xFFFFFFF0, v16;
	[tilespmem:s28+$0x0] =	vst v1;
	v1 =	vmovc v13;
	(pc) =	sbr.rel @p1 .LBB2_34-.Ltmp18, $4  }
0x49b: {  	v14 =	vld [tilespmem:s29+$0xFFFFFFF0];
	v11 =	vmul.u32 $0x19000, v11;
	v13 =	vand.u32 $0xF, v18;
	v22 =	vand.u32 $0xFFFFFFF0, v18;
	[tilespmem:s31+$0x10] =	vst v15  }
0x49c: {  	v23 =	vand.u32 $0xF, v19;
	v18 =	vand.u32 $0xFFFFFFF0, v19;
	v15 =	vld [tilespmem:s29+$0x0];
	v13 =	vmul.u32 $0x19000, v13;
	[tilespmem:s28+$0x10] =	vst v2;
	v2 =	vmovc v16  }
0x49d: {  	v19 =	vmul.u32 $0x19000, v23;
	v16 =	vld [tilespmem:s29+$0x10];
	[tilespmem:s31+$0x20] =	vst v17;
	s31 =	smov.u32 s30  }
0x49e: {  	v20 =	vadd.s32 v21, v20;
	v17 =	vld [tilespmem:s29+$0x20];
	[tilespmem:s28+$0x20] =	vst v5;
	v5 =	vmov v22;
	s28 =	smov.u32 s1;
	s1 =	sadd.s32 $0x80, s1  }
0x49f: {  	v9 =	vadd.s32 v9, v19;
	[tilespmem:s30+$0xFFFFFFD0] =	vst v20  }
0x4a0: {  	[tilespmem:s30+$0xFFFFFFC0] =	vst v9  }
0x4a1: {  	v7 =	vadd.s32 v12, v7;
	[tilespmem:s28+$0xFFFFFFD0] =	vst v3  }
0x4a2: {  	[tilespmem:s30+$0xFFFFFFE0] =	vst v7  }
0x4a3: {  	[tilespmem:s28+$0xFFFFFFC0] =	vst v18  }
0x4a4: {  	v3 =	vadd.s32 v14, v8;
	[tilespmem:s28+$0xFFFFFFE0] =	vst v4  }
0x4a5: {  	[tilespmem:s30+$0xFFFFFFF0] =	vst v3  }
0x4a6: {  	v3 =	vadd.s32 v15, v10;
	[tilespmem:s28+$0xFFFFFFF0] =	vst v6  }
0x4a7: {  	[tilespmem:s31+$0x0] =	vst v3  }
0x4a8: {  	v3 =	vadd.s32 v16, v11;
	[tilespmem:s28+$0x0] =	vst v1  }
.Ltmp19:
0x4a9: {  	[tilespmem:s31+$0x10] =	vst v3;
	(pc) =	sbr.rel @p0 .LBB2_39-.Ltmp19, $4  }
0x4aa: {  	v1 =	vadd.s32 v17, v13;
	[tilespmem:s28+$0x10] =	vst v2  }
0x4ab: {  	[tilespmem:s31+$0x20] =	vst v1  }
0x4ac: {  	[tilespmem:s28+$0x20] =	vst v5  }
0x4ad: {  	[spmem:s3] =	stream.indirect.scatter.add.f32 [tilespmem:s18], [sflag:$0x5], $0x1, s19, s17, $0xb8;
	[tilespmem:$0x1EB00] =	vst v63  }
0x4ae: {  	_ =	swait.ge [sflag:s20], $0x1900  }
0x4af: {  	[sflag:s20] =	ssyncset.done $0x0  }
0x4b0: {  	[sflag:s20] =	ssyncadd.s32 $0xFFFFE700  }
0x4b1: {  	_ =	swait.ge [sflag:s22], $0x1900  }
0x4b2: {  	[sflag:s22] =	ssyncset.done $0x0  }
0x4b3: {  	[sflag:s22] =	ssyncadd.s32 $0xFFFFE700  }
0x4b4: {  	_ =	swait.ge [sflag:s26], $0x1900  }
0x4b5: {  	[sflag:s26] =	ssyncset.done $0x0  }
0x4b6: {  	[sflag:s26] =	ssyncadd.s32 $0xFFFFE700  }
0x4b7: {  	[tilespmem:s23], [sflag:$0x7] =	stream.indirect.gather [spmem:s2], $0x1, s13, s17, $0xb8;
	[tilespmem:$0x1EB00] =	vst v63  }
0x4b8: {  	_ =	swait.ge [sflag:s5], $0x1900  }
0x4b9: {  	[sflag:s5] =	ssyncset.done $0x0  }
0x4ba: {  	s28 =	simm.s32 $0x1C240;
	[sflag:s5] =	ssyncadd.s32 $0xFFFFE700  }
0x4bb: {  	v1 =	vld [tilespmem:s28+$0x30]  }
0x4bc: {  	v2 =	vld [tilespmem:s28+$0xFFFFFFD0]  }
0x4bd: {  	s29 =	simm.s32 $0x15E40;
	v4 =	vld [tilespmem:s28+$0xFFFFFFE0]  }
0x4be: {  	v5 =	vld [tilespmem:s29+$0x30]  }
0x4bf: {  	v10 =	vld [tilespmem:s28+$0x0]  }
0x4c0: {  	v11 =	vld [tilespmem:s28+$0x10]  }
0x4c1: {  	v13 =	vld [tilespmem:s28+$0x20]  }
0x4c2: {  	v16 =	vld [tilespmem:s28+$0xFFFFFFC0]  }
0x4c3: {  	v6 =	vld [tilespmem:s28+$0xFFFFFFF0]  }
0x4c4: {  	v7 =	vand.u32 $0xF, v1;
	v8 =	vand.u32 $0xF, v2  }
0x4c5: {  	v3 =	vand.u32 $0xFFFFFFF0, v2;
	v19 =	vand.u32 $0xFFFFFFF0, v1;
	v1 =	vand.u32 $0xFFFFFFF0, v10  }
0x4c6: {  	v9 =	vld [tilespmem:s29+$0xFFFFFFC0];
	v15 =	vand.u32 $0xF, v11;
	v21 =	vand.u32 $0xF, v13;
	v2 =	vmul.u32 $0x19000, v7  }
0x4c7: {  	v20 =	vld [tilespmem:s29+$0xFFFFFFD0];
	v22 =	vand.u32 $0xF, v16;
	v18 =	vand.u32 $0xFFFFFFF0, v16;
	v7 =	vand.u32 $0xF, v4  }
0x4c8: {  	v12 =	vld [tilespmem:s29+$0xFFFFFFE0];
	v17 =	vmul.u32 $0x19000, v8;
	v5 =	vadd.s32 v5, v2;
	v2 =	vand.u32 $0xF, v6  }
0x4c9: {  	s30 =	simm.s32 $0x19040;
	v14 =	vld [tilespmem:s29+$0xFFFFFFF0];
	v4 =	vand.u32 $0xFFFFFFF0, v4;
	v8 =	vmul.u32 $0x19000, v2;
	v2 =	vand.u32 $0xF, v10  }
0x4ca: {  	[tilespmem:s30+$0x30] =	vst v5;
	v10 =	vmul.u32 $0x19000, v2;
	v2 =	vand.u32 $0xFFFFFFF0, v11;
	v11 =	vmul.u32 $0x19000, v15;
	v15 =	vld [tilespmem:s29+$0x0]  }
0x4cb: {  	v16 =	vld [tilespmem:s29+$0x10];
	v7 =	vmul.u32 $0x19000, v7;
	v6 =	vand.u32 $0xFFFFFFF0, v6;
	[tilespmem:s28+$0x30] =	vst v19;
	v19 =	vmul.u32 $0x19000, v22  }
0x4cc: {  	s0 =	simm.s32 $0x0;
	s1 =	simm.s32 $0x1C2C0;
	s31 =	simm.s32 $0x19040;
	v20 =	vadd.s32 v20, v17;
	v17 =	vld [tilespmem:s29+$0x20];
	v5 =	vand.u32 $0xFFFFFFF0, v13;
	v13 =	vmul.u32 $0x19000, v21  }
.LBB2_37:
0x4cd: {  	v21 =	vld [tilespmem:s1+$0x30];
	v9 =	vadd.s32 v9, v19;
	[tilespmem:s30+$0xFFFFFFD0] =	vst v20;
	v7 =	vadd.s32 v12, v7  }
0x4ce: {  	s0 =	sadd.s32 $0x80, s0;
	v8 =	vadd.s32 v14, v8;
	v12 =	vld [tilespmem:s1+$0xFFFFFFD0];
	[tilespmem:s30+$0xFFFFFFC0] =	vst v9  }
0x4cf: {  	v10 =	vadd.s32 v15, v10;
	s29 =	sadd.s32 $0x80, s29;
	p1 =	slt.u32 s0, $0x1880;
	v9 =	vld [tilespmem:s1+$0xFFFFFFE0];
	[tilespmem:s28+$0xFFFFFFC0] =	vst v18  }
0x4d0: {  	v15 =	vadd.s32 v16, v11;
	v14 =	vld [tilespmem:s29+$0x30];
	[tilespmem:s28+$0xFFFFFFD0] =	vst v3  }
0x4d1: {  	v17 =	vadd.s32 v17, v13;
	v11 =	vld [tilespmem:s1+$0xFFFFFFF0];
	[tilespmem:s30+$0xFFFFFFE0] =	vst v7  }
0x4d2: {  	v13 =	vld [tilespmem:s1+$0x0];
	v7 =	vand.u32 $0xF, v21;
	[tilespmem:s28+$0xFFFFFFE0] =	vst v4  }
0x4d3: {  	v4 =	vand.u32 $0xF, v12;
	v3 =	vand.u32 $0xFFFFFFF0, v12;
	v16 =	vld [tilespmem:s1+$0x10];
	v12 =	vmul.u32 $0x19000, v7;
	[tilespmem:s30+$0xFFFFFFF0] =	vst v8  }
0x4d4: {  	v20 =	vmul.u32 $0x19000, v4;
	v7 =	vand.u32 $0xF, v9;
	v4 =	vand.u32 $0xFFFFFFF0, v9;
	v18 =	vld [tilespmem:s1+$0x20];
	[tilespmem:s28+$0xFFFFFFF0] =	vst v6  }
0x4d5: {  	s30 =	sadd.s32 $0x80, s30;
	v19 =	vld [tilespmem:s1+$0xFFFFFFC0];
	v7 =	vmul.u32 $0x19000, v7;
	v8 =	vadd.s32 v14, v12;
	[tilespmem:s31+$0x0] =	vst v10  }
0x4d6: {  	v9 =	vld [tilespmem:s29+$0xFFFFFFC0];
	v10 =	vand.u32 $0xF, v11;
	v6 =	vand.u32 $0xFFFFFFF0, v11;
	[tilespmem:s30+$0x30] =	vst v8;
	v11 =	vand.u32 $0xFFFFFFF0, v21  }
0x4d7: {  	v21 =	vld [tilespmem:s29+$0xFFFFFFD0];
	v8 =	vmul.u32 $0x19000, v10;
	v10 =	vand.u32 $0xF, v13;
	v13 =	vand.u32 $0xFFFFFFF0, v13;
	[tilespmem:s1+$0x30] =	vst v11  }
.Ltmp20:
0x4d8: {  	v12 =	vld [tilespmem:s29+$0xFFFFFFE0];
	v10 =	vmul.u32 $0x19000, v10;
	v11 =	vand.u32 $0xF, v16;
	v16 =	vand.u32 $0xFFFFFFF0, v16;
	[tilespmem:s28+$0x0] =	vst v1;
	v1 =	vmovc v13;
	(pc) =	sbr.rel @p1 .LBB2_37-.Ltmp20, $4  }
0x4d9: {  	v14 =	vld [tilespmem:s29+$0xFFFFFFF0];
	v11 =	vmul.u32 $0x19000, v11;
	v13 =	vand.u32 $0xF, v18;
	v22 =	vand.u32 $0xFFFFFFF0, v18;
	[tilespmem:s31+$0x10] =	vst v15  }
0x4da: {  	v23 =	vand.u32 $0xF, v19;
	v18 =	vand.u32 $0xFFFFFFF0, v19;
	v15 =	vld [tilespmem:s29+$0x0];
	v13 =	vmul.u32 $0x19000, v13;
	[tilespmem:s28+$0x10] =	vst v2;
	v2 =	vmovc v16  }
0x4db: {  	v19 =	vmul.u32 $0x19000, v23;
	v16 =	vld [tilespmem:s29+$0x10];
	[tilespmem:s31+$0x20] =	vst v17;
	s31 =	smov.u32 s30  }
0x4dc: {  	v20 =	vadd.s32 v21, v20;
	v17 =	vld [tilespmem:s29+$0x20];
	[tilespmem:s28+$0x20] =	vst v5;
	v5 =	vmov v22;
	s28 =	smov.u32 s1;
	s1 =	sadd.s32 $0x80, s1  }
.Ltmp21:
0x4dd: {  	_ = 	snop;
	(pc) =	sbr.rel .LBB2_38-.Ltmp21, $1  }
0x4de: {  	_ =	sdelay $0x3  }
.LBB2_40:
0x4df: {  	_ =	sfence.sel $0x180000  }
0x4e0: {  	[bflag:$0x0] =	sbarrier.arrive $0xFFFF  }
0x4e1: {  	_ =	strace $0x9000004A  }
0x4e2: {  	s0 =	stileid.u32;
	[bflag:$0x2] =	sbarrier.arrive $0xFFFF  }
0x4e3: {  	p0 =	sne.s32 s0, $0x0;
	s0 =	rddreg [dreg:$0x4]  }
0x4e4: {  	s0 =	sadd.s32 @!p0 $0x100000, s0  }
0x4e5: {  	[sflag:s0] =	ssyncadd.tile.s32 @!p0 $0x1;
	_ =	shalt  }
.Lfunc_end2:
_tile_overlayer_lowered:
.L_overlay_start_2:
0x4e6: {  	(tag) =	ssettag $0x2  }
0x4e7: {  	s0 =	rddreg [dreg:$0x0];
	s2 =	stileid.u32  }
0x4e8: {  	s1 =	rddreg [dreg:$0x1];
	p0 =	sne.s32 s2, $0x0  }
0x4e9: {  	s3 =	rddreg [dreg:$0x2];
	[bflag:$0x3] =	sbarrier.arrive $0xFFFF;
	s2 =	simm.s32 @!p0 $0x1C07  }
0x4ea: {  	[timem:s3], [sflag:s2] =	dma.local @!p0 [hbm:s0], s1  }
0x4eb: {  	s0 =	simm.s32 @!p0 $0x7  }
0x4ec: {  	_ =	swait.ge @!p0 [sflag:s0], s1  }
0x4ed: {  	s1 =	ssub.s32 @!p0 $0x0, s1;
	[sflag:s0] =	ssyncset.done @!p0 $0x0  }
0x4ee: {  	[sflag:s0] =	ssyncadd.s32 @!p0 s1  }
0x4ef: {  	[bflag:$0x3] =	sbarrier.arrive $0xFFFF  }
0x4f0: {  	_ =	shalt  }

</sc_bundles>
